<compile_context>
chip_gen: v7x
topology: tpu7x:2x2x1
jax: 0.10.2.dev20260603
libtpu: 0.0.44.dev20260713+nightly
codegen_flags: <defaults>
</compile_context>

<pallas_src>
import jax
import jax.numpy as jnp
from jax import lax
from jax.experimental import pallas as pl
from jax.experimental.pallas import tpu as pltpu
from jax.experimental.pallas import tpu_sc as plsc

SH_DEGREE = 4
GFC = 11 + 3 * SH_DEGREE ** 2
C0 = 0.28209479177387814
VOXEL_SIZE = 128
M = 262144
B = 131072

NC = 2
NS = 16
LANES = 16

BT = B // NS
NJ = BT // 128
MT = M // NS
ROWS_PER_CORE = 30


def _sc_scatter_gather_body(ht_hbm, val_hbm, idx_hbm, idx2_hbm,
                            cx_hbm, cy_hbm, cz_hbm,
                            gath_hbm, cg_hbm, stats_hbm,
                            row_a, row_b, idx_vm, idx_fl, val_a, val_b,
                            out_vm, cg_vm, red_vm, stat_vm, sem, semR,
                            semV):
    c = lax.axis_index("c")
    s = lax.axis_index("s")

    pltpu.sync_copy(idx_hbm.at[s], idx_vm)
    pltpu.sync_copy(idx2_hbm.at[s], idx_fl)

    zeros = jnp.zeros((LANES,), jnp.float32)
    stat_vm[0, :] = zeros
    stat_vm[1, :] = zeros

    ms = pl.ds(s * MT, MT)

    def row_clamped(tt):
        return jnp.minimum(c * ROWS_PER_CORE + tt, GFC - 1)

    pltpu.async_copy(ht_hbm.at[row_clamped(0), ms], row_a.at[ms], semR)
    pltpu.async_copy(val_hbm.at[row_clamped(0), pl.ds(s * NJ, NJ)], val_a, semV)

    idx_half = idx_fl.at[pl.ds(c * (BT // 2), BT // 2)]
    for c3, csrc in enumerate((cx_hbm, cy_hbm, cz_hbm)):
        pltpu.sync_copy(csrc.at[idx_half], cg_vm)
        pltpu.sync_copy(cg_vm, cg_hbm.at[c3, s, c])

    def do_phase1(rowbuf, valbuf, orow, oval, t):
        pltpu.async_copy(ht_hbm.at[row_clamped(t + 1), ms], orow.at[ms],
                         semR)
        pltpu.async_copy(val_hbm.at[row_clamped(t + 1), pl.ds(s * NJ, NJ)],
                         oval, semV)

    def do_scatter(rowbuf, valbuf):
        window = []
        for j in range(NJ):
            window.append(pltpu.async_copy(
                valbuf.at[j], rowbuf.at[idx_vm.at[j]], sem, add=True))
            if len(window) >= 16:
                window.pop(0).wait()
        for d in window:
            d.wait()

    def do_gather(rowbuf, r):
        pltpu.sync_copy(rowbuf.at[idx_fl], out_vm)
        pltpu.sync_copy(out_vm, gath_hbm.at[r, s])

    def do_stats(rowbuf):
        pltpu.sync_copy(rowbuf.at[ms], red_vm)

        def rbody(i, carry):
            sv, qv = carry
            v = red_vm[pl.ds(i * LANES, LANES)]
            return sv + v, qv + v * v
        sv, qv = lax.fori_loop(0, MT // LANES, rbody, (zeros, zeros))
        stat_vm[0, :] = stat_vm[0, :] + sv
        stat_vm[1, :] = stat_vm[1, :] + qv

    def row_step(t, _):
        r = c * ROWS_PER_CORE + t
        valid = r < GFC
        p0 = lax.rem(t, 2) == 0

        pltpu.make_async_copy(ht_hbm.at[0, ms], row_a.at[ms], semR).wait()
        pltpu.make_async_copy(val_hbm.at[0, pl.ds(0, NJ)], val_a, semV).wait()

        plsc.subcore_barrier()

        @pl.when(p0)
        def _f0():
            do_phase1(row_a, val_a, row_b, val_b, t)

        @pl.when(jnp.logical_not(p0))
        def _f1():
            do_phase1(row_b, val_b, row_a, val_a, t)

        @pl.when(jnp.logical_and(p0, valid))
        def _s0():
            do_scatter(row_a, val_a)

        @pl.when(jnp.logical_and(jnp.logical_not(p0), valid))
        def _s1():
            do_scatter(row_b, val_b)

        plsc.subcore_barrier()

        @pl.when(jnp.logical_and(p0, valid))
        def _g0():
            do_gather(row_a, r)

        @pl.when(jnp.logical_and(jnp.logical_not(p0), valid))
        def _g1():
            do_gather(row_b, r)

        @pl.when(jnp.logical_and(p0, r < 3))
        def _t0():
            do_stats(row_a)

        @pl.when(jnp.logical_and(jnp.logical_not(p0), r < 3))
        def _t1():
            do_stats(row_b)

        plsc.subcore_barrier()
        return _

    lax.fori_loop(0, ROWS_PER_CORE, row_step, None)

    pltpu.make_async_copy(ht_hbm.at[0, ms], row_a.at[ms], semR).wait()
    pltpu.make_async_copy(val_hbm.at[0, pl.ds(0, NJ)], val_a, semV).wait()

    @pl.when(c == 0)
    def _emit_stats():
        pltpu.sync_copy(stat_vm.at[0], stats_hbm.at[0, s])
        pltpu.sync_copy(stat_vm.at[1], stats_hbm.at[1, s])


def _sc_scatter_gather(hash_table, val4, idx3, idx2, cx, cy, cz):
    mesh = plsc.VectorSubcoreMesh(core_axis_name="c", subcore_axis_name="s")
    f = pl.kernel(
        _sc_scatter_gather_body,
        out_type=(
            jax.ShapeDtypeStruct((GFC, NS, BT), jnp.float32),
            jax.ShapeDtypeStruct((3, NS, NC, BT // 2), jnp.float32),
            jax.ShapeDtypeStruct((2, NS, LANES), jnp.float32),
        ),
        mesh=mesh,
        scratch_types=[
            pltpu.VMEM_SHARED((M,), jnp.float32),
            pltpu.VMEM_SHARED((M,), jnp.float32),
            pltpu.VMEM((NJ, 128), jnp.int32),
            pltpu.VMEM((BT,), jnp.int32),
            pltpu.VMEM((NJ, 128), jnp.float32),
            pltpu.VMEM((NJ, 128), jnp.float32),
            pltpu.VMEM((BT,), jnp.float32),
            pltpu.VMEM((BT // 2,), jnp.float32),
            pltpu.VMEM((MT,), jnp.float32),
            pltpu.VMEM((2, LANES), jnp.float32),
            pltpu.SemaphoreType.DMA,
            pltpu.SemaphoreType.DMA,
            pltpu.SemaphoreType.DMA,
        ],
    )
    return f(hash_table, val4, idx3, idx2, cx, cy, cz)


def _tc_dense_body(gath_ref, cg_ref, part_ref, cvec_ref,
                   means_ref, cov_ref, harm_ref, opac_ref):
    p = part_ref[...]
    s1 = jnp.sum(p[0])
    s2 = jnp.sum(p[1])
    n = jnp.float32(3 * M)
    mean = s1 / n
    var = (s2 - s1 * s1 / n) / (n - 1.0)
    rstd = lax.rsqrt(var)

    cvec = cvec_ref[...]
    c_scale = cvec[0:1]
    c_norm = cvec[1:2]
    b_vc = cvec[2:5]

    g = gath_ref[...]
    cg = cg_ref[...]

    means_ref[...] = (g[0:3] - mean) * (rstd * c_norm) + cg * c_scale + b_vc

    q = g[3:7]
    qn = q * lax.rsqrt(jnp.sum(q * q, axis=0, keepdims=True))
    r_, x, y, z = qn[0:1], qn[1:2], qn[2:3], qn[3:4]
    sc = jax.nn.sigmoid(g[7:10]) * c_scale
    s0, sA, sB = sc[0:1], sc[1:2], sc[2:3]

    r00 = 1.0 - 2.0 * (y * y + z * z)
    r01 = 2.0 * (x * y - r_ * z)
    r02 = 2.0 * (x * z + r_ * y)
    r10 = 2.0 * (x * y + r_ * z)
    r11 = 1.0 - 2.0 * (x * x + z * z)
    r12 = 2.0 * (y * z - r_ * x)
    r20 = 2.0 * (x * z - r_ * y)
    r21 = 2.0 * (y * z + r_ * x)
    r22 = 1.0 - 2.0 * (x * x + y * y)

    l00, l01, l02 = r00 * s0, r01 * sA, r02 * sB
    l10, l11, l12 = r10 * s0, r11 * sA, r12 * sB
    l20, l21, l22 = r20 * s0, r21 * sA, r22 * sB

    c00 = l00 * l00 + l01 * l01 + l02 * l02
    c01 = l00 * l10 + l01 * l11 + l02 * l12
    c02 = l00 * l20 + l01 * l21 + l02 * l22
    c11 = l10 * l10 + l11 * l11 + l12 * l12
    c12 = l10 * l20 + l11 * l21 + l12 * l22
    c22 = l20 * l20 + l21 * l21 + l22 * l22
    cov_ref[...] = jnp.concatenate(
        [c00, c01, c02, c01, c11, c12, c02, c12, c22], axis=0)

    opac_ref[...] = jax.nn.sigmoid(g[10:11] - 4.0)

    h_low = (jax.nn.sigmoid(g[11:14]) - 0.5) / C0
    harm_ref[...] = jnp.concatenate([h_low, g[14:GFC]], axis=0)


def _tc_dense(gath, cg, partials, cvec):
    NB = 4096
    grid = (B // NB,)
    return pl.pallas_call(
        _tc_dense_body,
        grid=grid,
        in_specs=[
            pl.BlockSpec((GFC, NB), lambda i: (0, i)),
            pl.BlockSpec((3, NB), lambda i: (0, i)),
            pl.BlockSpec((2, NS, LANES), lambda i: (0, 0, 0)),
            pl.BlockSpec((8, 1), lambda i: (0, 0)),
        ],
        out_specs=[
            pl.BlockSpec((3, NB), lambda i: (0, i)),
            pl.BlockSpec((9, NB), lambda i: (0, i)),
            pl.BlockSpec((48, NB), lambda i: (0, i)),
            pl.BlockSpec((1, NB), lambda i: (0, i)),
        ],
        out_shape=[
            jax.ShapeDtypeStruct((3, B), jnp.float32),
            jax.ShapeDtypeStruct((9, B), jnp.float32),
            jax.ShapeDtypeStruct((48, B), jnp.float32),
            jax.ShapeDtypeStruct((1, B), jnp.float32),
        ],
    )(gath, cg, partials, cvec)


@jax.jit
def kernel(hash_table, val, camera_center, far, idx, coordinates):
    far_s = far[0]

    val4 = val.reshape(GFC, NS * NJ, 128)
    idx3 = idx.reshape(NS, NJ, 128)
    idx2 = idx.reshape(NS, BT)
    coordsf = coordinates.astype(jnp.float32)
    cx = coordsf[:, 0]
    cy = coordsf[:, 1]
    cz = coordsf[:, 2]

    gath4, cg5, partials = _sc_scatter_gather(hash_table, val4, idx3, idx2,
                                              cx, cy, cz)
    gath = gath4.reshape(GFC, B)
    cg = cg5.reshape(3, B)

    c_scale = 2.0 * far_s / VOXEL_SIZE
    c_norm = c_scale / 6.0
    offset = lax.stop_gradient(
        ((camera_center - far_s) * VOXEL_SIZE / 2.0 / far_s)
        .astype(jnp.int32)).astype(jnp.float32)
    b_vc = offset * c_scale + far_s / VOXEL_SIZE
    cvec = jnp.concatenate(
        [jnp.stack([c_scale, c_norm]), b_vc, jnp.zeros((3,), jnp.float32)]
    ).reshape(8, 1)

    meansf, covf, harmf, opacf = _tc_dense(gath, cg, partials, cvec)

    means = meansf.T.reshape(1, B, 3)
    cov = covf.T.reshape(1, B, 3, 3)
    harmonics = harmf.T.reshape(1, B, 3, SH_DEGREE ** 2)
    opac = opacf.reshape(1, B)
    return means, cov, harmonics, opac

# --- scband reference (transcript-rebuilt; emitter-appended) ---
"""Pipeline reference for scband-voxelized-gaussian-adapter-module-60696477827806 (READ-ONLY COPY).

The authoritative reference and input builder live on the scoring server;
editing this copy changes nothing except your own understanding.
"""

import jax, jax.numpy as jnp
import numpy as np

SH_DEGREE = 4
GFC = 11 + 3 * SH_DEGREE ** 2
C0 = 0.28209479177387814
VOXEL_SIZE = 128
M = 262144
B = 131072


def normalization(x):
    return (x - jnp.mean(x)) / jnp.std(x, ddof=1)


def activate_hash_table(ht, far, voxel_size):
    return jnp.concatenate([
        normalization(ht[0:3]) * 2.0 * far / voxel_size / 6.0,
        ht[3:7],
        jax.nn.sigmoid(ht[7:10]) * 2.0 * far / voxel_size,
        jax.nn.sigmoid(ht[10:11] - 4.0),
        (jax.nn.sigmoid(ht[11:14]) - 0.5) / C0,
        ht[14:GFC],
    ], axis=0)


def build_covariance(scale, quat):
    s = scale.T
    q = quat.T
    qn = q / jnp.linalg.norm(q, axis=1, keepdims=True)
    r, x, y, z = qn[:, 0], qn[:, 1], qn[:, 2], qn[:, 3]
    R = jnp.stack([
        jnp.stack([1 - 2 * (y * y + z * z), 2 * (x * y - r * z), 2 * (x * z + r * y)], axis=-1),
        jnp.stack([2 * (x * y + r * z), 1 - 2 * (x * x + z * z), 2 * (y * z - r * x)], axis=-1),
        jnp.stack([2 * (x * z - r * y), 2 * (y * z + r * x), 1 - 2 * (x * x + y * y)], axis=-1),
    ], axis=1)
    L = R * s[:, None, :]
    cov = jnp.einsum('nij,nkj->nik', L, L)
    return cov.reshape(-1, 9).T


def setup_inputs(seed: int = 0):
    key = jax.random.key(seed)
    k1, k2, k3, k4, k5 = jax.random.split(key, 5)
    return {
        'hash_table': jax.random.normal(k1, (GFC, M), dtype=jnp.float32),
        'val': jax.random.normal(k2, (GFC, B), dtype=jnp.float32),
        'camera_center': jax.random.normal(k3, (3,), dtype=jnp.float32),
        'far': jnp.ones((1,), dtype=jnp.float32),
        'idx': jax.random.randint(k4, (B,), 0, M, dtype=jnp.int32),
        'coordinates': jax.random.randint(k5, (M, 3), 0, VOXEL_SIZE, dtype=jnp.int32),
    }


def reference(hash_table, val, camera_center, far, idx, coordinates):
    far_s = far[0]
    # scatter new gaussian feature updates into the voxel hash table
    ht = hash_table.at[:, idx].add(val)
    # activate the whole hash table (slice-wise activations)
    act = activate_hash_table(ht, far_s, VOXEL_SIZE)
    # gather features + coordinates for the active voxels
    feats = act[:, idx]
    coords = coordinates[idx]
    # create_gaussians_from_features
    offset = jax.lax.stop_gradient(((camera_center.reshape(1, 3) - far_s) * VOXEL_SIZE / 2.0 / far_s).astype(jnp.int32))
    vc = ((coords + offset).astype(jnp.float32) / VOXEL_SIZE * 2.0 * far_s + far_s / VOXEL_SIZE).T
    means = feats[0:3] + vc
    cov = build_covariance(feats[7:10], feats[3:7])
    harmonics = feats[11:GFC]
    opac = feats[10:11]
    n = idx.shape[0]
    return (means.T.reshape(1, n, 3),
            cov.T.reshape(1, n, 3, 3),
            harmonics.T.reshape(1, n, 3, SH_DEGREE ** 2),
            opac.T.reshape(1, n))

if __name__ == "__main__":
    import jax
    _d = setup_inputs()
    print(jax.jit(kernel)(*tuple(_d.values())))

</pallas_src>

<mosaic_0001>
#map = affine_map<(d0, d1) -> (0, 0)>
#map1 = affine_map<(d0, d1) -> (0, 0, 0)>
#map2 = affine_map<(d0, d1) -> (0)>
#map3 = affine_map<(d0, d1) -> (0, 0, 0, 0)>
module attributes {stable_mosaic.version = 14 : i64} {
  func.func @_sc_scatter_gather_body(%arg0: i32, %arg1: i32, %arg2: memref<59x262144xf32, #tpu.memory_space<hbm>>, %arg3: memref<59x1024x128xf32, #tpu.memory_space<hbm>>, %arg4: memref<16x64x128xi32, #tpu.memory_space<hbm>>, %arg5: memref<16x8192xi32, #tpu.memory_space<hbm>>, %arg6: memref<262144xf32, #tpu.memory_space<hbm>>, %arg7: memref<262144xf32, #tpu.memory_space<hbm>>, %arg8: memref<262144xf32, #tpu.memory_space<hbm>>, %arg9: memref<59x16x8192xf32, #tpu.memory_space<hbm>>, %arg10: memref<3x16x2x4096xf32, #tpu.memory_space<hbm>>, %arg11: memref<2x16x16xf32, #tpu.memory_space<hbm>>, %arg12: memref<262144xf32, #tpu.memory_space<vmem_shared>>, %arg13: memref<262144xf32, #tpu.memory_space<vmem_shared>>, %arg14: memref<64x128xi32, #tpu.memory_space<vmem>>, %arg15: memref<8192xi32, #tpu.memory_space<vmem>>, %arg16: memref<64x128xf32, #tpu.memory_space<vmem>>, %arg17: memref<64x128xf32, #tpu.memory_space<vmem>>, %arg18: memref<8192xf32, #tpu.memory_space<vmem>>, %arg19: memref<4096xf32, #tpu.memory_space<vmem>>, %arg20: memref<16384xf32, #tpu.memory_space<vmem>>, %arg21: memref<2x16xf32, #tpu.memory_space<vmem>>, %arg22: memref<!tpu.dma_semaphore, #tpu.memory_space<semaphore_mem>>, %arg23: memref<!tpu.dma_semaphore, #tpu.memory_space<semaphore_mem>>, %arg24: memref<!tpu.dma_semaphore, #tpu.memory_space<semaphore_mem>>) attributes {dimension_semantics = [#tpu.dimension_semantics<core_parallel>, #tpu.dimension_semantics<subcore_parallel>], iteration_bounds = array<i64: 2, 16>, scalar_prefetch = 0 : i64, scratch_operands = 13 : i64, tpu.core_type = #tpu.core_type<sc_vector_subcore>, window_params = [{transform_indices = #map}, {transform_indices = #map1}, {transform_indices = #map1}, {transform_indices = #map}, {transform_indices = #map2}, {transform_indices = #map2}, {transform_indices = #map2}, {transform_indices = #map1}, {transform_indices = #map3}, {transform_indices = #map1}]} {
    "tpu.region"() ({
      %run_scoped3A_55 = tpu.sem_alloc : memref<!tpu.dma_semaphore, #tpu.memory_space<semaphore_mem>>
      %dma_start3A_56 = arith.constant 0 : i32
      %dma_start3A_57 = arith.constant 0 : i32
      %dma_start3A_58 = tpu.memref_slice %arg4[%arg1, %dma_start3A_56, %dma_start3A_57] : memref<16x64x128xi32, #tpu.memory_space<hbm>> -> memref<1x64x128xi32, #tpu.memory_space<hbm>>
      %dma_start3A_59 = tpu.memref_squeeze %dma_start3A_58 : memref<1x64x128xi32, #tpu.memory_space<hbm>> -> memref<64x128xi32, #tpu.memory_space<hbm>>
      %dma_start3A_60 = arith.constant 0 : i32
      %dma_start3A_61 = arith.constant 0 : i32
      %dma_start3A_62 = tpu.memref_slice %arg4[%arg1, %dma_start3A_60, %dma_start3A_61] : memref<16x64x128xi32, #tpu.memory_space<hbm>> -> memref<1x64x128xi32, #tpu.memory_space<hbm>>
      %dma_start3A_63 = tpu.memref_squeeze %dma_start3A_62 : memref<1x64x128xi32, #tpu.memory_space<hbm>> -> memref<64x128xi32, #tpu.memory_space<hbm>>
      tpu.enqueue_dma source(%dma_start3A_63 : memref<64x128xi32, #tpu.memory_space<hbm>>) target(%arg14 : memref<64x128xi32, #tpu.memory_space<vmem>>) target_semaphore(%run_scoped3A_55 : memref<!tpu.dma_semaphore, #tpu.memory_space<semaphore_mem>>)
      %dma_wait3A_64 = arith.constant 0 : i32
      %dma_wait3A_65 = arith.constant 0 : i32
      %dma_wait3A_66 = tpu.memref_slice %arg4[%arg1, %dma_wait3A_64, %dma_wait3A_65] : memref<16x64x128xi32, #tpu.memory_space<hbm>> -> memref<1x64x128xi32, #tpu.memory_space<hbm>>
      %dma_wait3A_67 = tpu.memref_squeeze %dma_wait3A_66 : memref<1x64x128xi32, #tpu.memory_space<hbm>> -> memref<64x128xi32, #tpu.memory_space<hbm>>
      %dma_wait3A_68 = arith.constant 0 : i32
      %dma_wait3A_69 = arith.constant 0 : i32
      %dma_wait3A_70 = tpu.memref_slice %arg4[%arg1, %dma_wait3A_68, %dma_wait3A_69] : memref<16x64x128xi32, #tpu.memory_space<hbm>> -> memref<1x64x128xi32, #tpu.memory_space<hbm>>
      %dma_wait3A_71 = tpu.memref_squeeze %dma_wait3A_70 : memref<1x64x128xi32, #tpu.memory_space<hbm>> -> memref<64x128xi32, #tpu.memory_space<hbm>>
      tpu.wait_dma2 semaphore(%run_scoped3A_55 : memref<!tpu.dma_semaphore, #tpu.memory_space<semaphore_mem>>) src(%dma_wait3A_71 : memref<64x128xi32, #tpu.memory_space<hbm>>) dst(%arg14 : memref<64x128xi32, #tpu.memory_space<vmem>>)
      tpu.yield
    }) : () -> ()
    "tpu.region"() ({
      %run_scoped3A_55 = tpu.sem_alloc : memref<!tpu.dma_semaphore, #tpu.memory_space<semaphore_mem>>
      %dma_start3A_56 = arith.constant 0 : i32
      %dma_start3A_57 = tpu.memref_slice %arg5[%arg1, %dma_start3A_56] : memref<16x8192xi32, #tpu.memory_space<hbm>> -> memref<1x8192xi32, #tpu.memory_space<hbm>>
      %dma_start3A_58 = tpu.memref_squeeze %dma_start3A_57 : memref<1x8192xi32, #tpu.memory_space<hbm>> -> memref<8192xi32, #tpu.memory_space<hbm>>
      %dma_start3A_59 = arith.constant 0 : i32
      %dma_start3A_60 = tpu.memref_slice %arg5[%arg1, %dma_start3A_59] : memref<16x8192xi32, #tpu.memory_space<hbm>> -> memref<1x8192xi32, #tpu.memory_space<hbm>>
      %dma_start3A_61 = tpu.memref_squeeze %dma_start3A_60 : memref<1x8192xi32, #tpu.memory_space<hbm>> -> memref<8192xi32, #tpu.memory_space<hbm>>
      tpu.enqueue_dma source(%dma_start3A_61 : memref<8192xi32, #tpu.memory_space<hbm>>) target(%arg15 : memref<8192xi32, #tpu.memory_space<vmem>>) target_semaphore(%run_scoped3A_55 : memref<!tpu.dma_semaphore, #tpu.memory_space<semaphore_mem>>)
      %dma_wait3A_62 = arith.constant 0 : i32
      %dma_wait3A_63 = tpu.memref_slice %arg5[%arg1, %dma_wait3A_62] : memref<16x8192xi32, #tpu.memory_space<hbm>> -> memref<1x8192xi32, #tpu.memory_space<hbm>>
      %dma_wait3A_64 = tpu.memref_squeeze %dma_wait3A_63 : memref<1x8192xi32, #tpu.memory_space<hbm>> -> memref<8192xi32, #tpu.memory_space<hbm>>
      %dma_wait3A_65 = arith.constant 0 : i32
      %dma_wait3A_66 = tpu.memref_slice %arg5[%arg1, %dma_wait3A_65] : memref<16x8192xi32, #tpu.memory_space<hbm>> -> memref<1x8192xi32, #tpu.memory_space<hbm>>
      %dma_wait3A_67 = tpu.memref_squeeze %dma_wait3A_66 : memref<1x8192xi32, #tpu.memory_space<hbm>> -> memref<8192xi32, #tpu.memory_space<hbm>>
      tpu.wait_dma2 semaphore(%run_scoped3A_55 : memref<!tpu.dma_semaphore, #tpu.memory_space<semaphore_mem>>) src(%dma_wait3A_67 : memref<8192xi32, #tpu.memory_space<hbm>>) dst(%arg15 : memref<8192xi32, #tpu.memory_space<vmem>>)
      tpu.yield
    }) : () -> ()
    %broadcast_in_dim3A = arith.constant 0.000000e+00 : f32
    %broadcast_in_dim3A_0 = vector.broadcast %broadcast_in_dim3A : f32 to vector<16xf32>
    %swap3A = arith.constant 0 : i32
    %swap3A_1 = arith.index_cast %swap3A : i32 to index
    %swap3A_2 = arith.constant 0 : index
    %swap3A_3 = tpu.vector_load %arg21[%swap3A_1, %swap3A_2] {strides = array<i32>} : memref<2x16xf32, #tpu.memory_space<vmem>>, vector<1x16xf32>,
    %swap3A_4 = vector.shape_cast %swap3A_3 : vector<1x16xf32> to vector<16xf32>
    %swap3A_5 = vector.shape_cast %broadcast_in_dim3A_0 : vector<16xf32> to vector<1x16xf32>
    tpu.vector_store %arg21[%swap3A_1, %swap3A_2], %swap3A_5 {strides = array<i32>} : memref<2x16xf32, #tpu.memory_space<vmem>>, vector<1x16xf32>,
    %swap3A_6 = arith.constant 1 : i32
    %swap3A_7 = arith.index_cast %swap3A_6 : i32 to index
    %swap3A_8 = arith.constant 0 : index
    %swap3A_9 = tpu.vector_load %arg21[%swap3A_7, %swap3A_8] {strides = array<i32>} : memref<2x16xf32, #tpu.memory_space<vmem>>, vector<1x16xf32>,
    %swap3A_10 = vector.shape_cast %swap3A_9 : vector<1x16xf32> to vector<16xf32>
    %swap3A_11 = vector.shape_cast %broadcast_in_dim3A_0 : vector<16xf32> to vector<1x16xf32>
    tpu.vector_store %arg21[%swap3A_7, %swap3A_8], %swap3A_11 {strides = array<i32>} : memref<2x16xf32, #tpu.memory_space<vmem>>, vector<1x16xf32>,
    %mul3A = arith.constant 16384 : i32
    %mul3A_12 = arith.muli %arg1, %mul3A : i32
    %mul3A_13 = arith.constant 30 : i32
    %mul3A_14 = arith.muli %arg0, %mul3A_13 : i32
    %add3A = arith.constant 0 : i32
    %add3A_15 = arith.addi %mul3A_14, %add3A : i32
    %min3A = arith.constant 58 : i32
    %min3A_16 = arith.minsi %add3A_15, %min3A : i32
    %dma_start3A = tpu.memref_slice %arg12[%mul3A_12] : memref<262144xf32, #tpu.memory_space<vmem_shared>> -> memref<16384xf32, #tpu.memory_space<vmem_shared>>
    %dma_start3A_17 = tpu.memref_slice %arg2[%min3A_16, %mul3A_12] : memref<59x262144xf32, #tpu.memory_space<hbm>> -> memref<1x16384xf32, #tpu.memory_space<hbm>>
    %dma_start3A_18 = tpu.memref_squeeze %dma_start3A_17 : memref<1x16384xf32, #tpu.memory_space<hbm>> -> memref<16384xf32, #tpu.memory_space<hbm>>
    tpu.enqueue_dma source(%dma_start3A_18 : memref<16384xf32, #tpu.memory_space<hbm>>) target(%dma_start3A : memref<16384xf32, #tpu.memory_space<vmem_shared>>) target_semaphore(%arg23 : memref<!tpu.dma_semaphore, #tpu.memory_space<semaphore_mem>>)
    %mul3A_19 = arith.constant 30 : i32
    %mul3A_20 = arith.muli %arg0, %mul3A_19 : i32
    %add3A_21 = arith.constant 0 : i32
    %add3A_22 = arith.addi %mul3A_20, %add3A_21 : i32
    %min3A_23 = arith.constant 58 : i32
    %min3A_24 = arith.minsi %add3A_22, %min3A_23 : i32
    %mul3A_25 = arith.constant 64 : i32
    %mul3A_26 = arith.muli %arg1, %mul3A_25 : i32
    %dma_start3A_27 = arith.constant 0 : i32
    %dma_start3A_28 = tpu.memref_slice %arg3[%min3A_24, %mul3A_26, %dma_start3A_27] : memref<59x1024x128xf32, #tpu.memory_space<hbm>> -> memref<1x64x128xf32, #tpu.memory_space<hbm>>
    %dma_start3A_29 = tpu.memref_squeeze %dma_start3A_28 : memref<1x64x128xf32, #tpu.memory_space<hbm>> -> memref<64x128xf32, #tpu.memory_space<hbm>>
    %dma_start3A_30 = arith.constant 0 : i32
    %dma_start3A_31 = tpu.memref_slice %arg3[%min3A_24, %mul3A_26, %dma_start3A_30] : memref<59x1024x128xf32, #tpu.memory_space<hbm>> -> memref<1x64x128xf32, #tpu.memory_space<hbm>>
    %dma_start3A_32 = tpu.memref_squeeze %dma_start3A_31 : memref<1x64x128xf32, #tpu.memory_space<hbm>> -> memref<64x128xf32, #tpu.memory_space<hbm>>
    tpu.enqueue_dma source(%dma_start3A_32 : memref<64x128xf32, #tpu.memory_space<hbm>>) target(%arg16 : memref<64x128xf32, #tpu.memory_space<vmem>>) target_semaphore(%arg24 : memref<!tpu.dma_semaphore, #tpu.memory_space<semaphore_mem>>)
    %mul3A_33 = arith.constant 4096 : i32
    %mul3A_34 = arith.muli %arg0, %mul3A_33 : i32
    "tpu.region"() ({
      %run_scoped3A_55 = tpu.sem_alloc : memref<!tpu.dma_semaphore, #tpu.memory_space<semaphore_mem>>
      %dma_start3A_56 = tpu.memref_slice %arg15[%mul3A_34] : memref<8192xi32, #tpu.memory_space<vmem>> -> memref<4096xi32, #tpu.memory_space<vmem>>
      %dma_start3A_57 = arith.constant 0 : i32
      %dma_start3A_58 = tpu.memref_slice %arg6[%dma_start3A_57] : memref<262144xf32, #tpu.memory_space<hbm>> -> memref<262144xf32, #tpu.memory_space<hbm>>
      tpu.enqueue_indirect_dma source(%dma_start3A_58 : memref<262144xf32, #tpu.memory_space<hbm>>) target(%arg19 : memref<4096xf32, #tpu.memory_space<vmem>>) offsets(%dma_start3A_56 : memref<4096xi32, #tpu.memory_space<vmem>>) semaphore(%run_scoped3A_55 : memref<!tpu.dma_semaphore, #tpu.memory_space<semaphore_mem>>)
      %dma_wait3A_59 = tpu.memref_slice %arg15[%mul3A_34] : memref<8192xi32, #tpu.memory_space<vmem>> -> memref<4096xi32, #tpu.memory_space<vmem>>
      %dma_wait3A_60 = arith.constant 0 : i32
      %dma_wait3A_61 = tpu.memref_slice %arg6[%dma_wait3A_60] : memref<262144xf32, #tpu.memory_space<hbm>> -> memref<262144xf32, #tpu.memory_space<hbm>>
      tpu.wait_indirect_dma semaphore(%run_scoped3A_55 : memref<!tpu.dma_semaphore, #tpu.memory_space<semaphore_mem>>) src(%dma_wait3A_61 : memref<262144xf32, #tpu.memory_space<hbm>>) dst(%arg19 : memref<4096xf32, #tpu.memory_space<vmem>>)
      tpu.yield
    }) : () -> ()
    %run_scoped3A = arith.constant 0 : i32
    "tpu.region"() ({
      %run_scoped3A_55 = tpu.sem_alloc : memref<!tpu.dma_semaphore, #tpu.memory_space<semaphore_mem>>
      %dma_start3A_56 = arith.constant 0 : i32
      %dma_start3A_57 = tpu.memref_slice %arg10[%run_scoped3A, %arg1, %arg0, %dma_start3A_56] : memref<3x16x2x4096xf32, #tpu.memory_space<hbm>> -> memref<1x1x1x4096xf32, #tpu.memory_space<hbm>>
      %dma_start3A_58 = tpu.memref_squeeze %dma_start3A_57 : memref<1x1x1x4096xf32, #tpu.memory_space<hbm>> -> memref<4096xf32, #tpu.memory_space<hbm>>
      %dma_start3A_59 = arith.constant 0 : i32
      %dma_start3A_60 = tpu.memref_slice %arg10[%run_scoped3A, %arg1, %arg0, %dma_start3A_59] : memref<3x16x2x4096xf32, #tpu.memory_space<hbm>> -> memref<1x1x1x4096xf32, #tpu.memory_space<hbm>>
      %dma_start3A_61 = tpu.memref_squeeze %dma_start3A_60 : memref<1x1x1x4096xf32, #tpu.memory_space<hbm>> -> memref<4096xf32, #tpu.memory_space<hbm>>
      tpu.enqueue_dma source(%arg19 : memref<4096xf32, #tpu.memory_space<vmem>>) target(%dma_start3A_61 : memref<4096xf32, #tpu.memory_space<hbm>>) target_semaphore(%run_scoped3A_55 : memref<!tpu.dma_semaphore, #tpu.memory_space<semaphore_mem>>)
      %dma_wait3A_62 = arith.constant 0 : i32
      %dma_wait3A_63 = tpu.memref_slice %arg10[%run_scoped3A, %arg1, %arg0, %dma_wait3A_62] : memref<3x16x2x4096xf32, #tpu.memory_space<hbm>> -> memref<1x1x1x4096xf32, #tpu.memory_space<hbm>>
      %dma_wait3A_64 = tpu.memref_squeeze %dma_wait3A_63 : memref<1x1x1x4096xf32, #tpu.memory_space<hbm>> -> memref<4096xf32, #tpu.memory_space<hbm>>
      %dma_wait3A_65 = arith.constant 0 : i32
      %dma_wait3A_66 = tpu.memref_slice %arg10[%run_scoped3A, %arg1, %arg0, %dma_wait3A_65] : memref<3x16x2x4096xf32, #tpu.memory_space<hbm>> -> memref<1x1x1x4096xf32, #tpu.memory_space<hbm>>
      %dma_wait3A_67 = tpu.memref_squeeze %dma_wait3A_66 : memref<1x1x1x4096xf32, #tpu.memory_space<hbm>> -> memref<4096xf32, #tpu.memory_space<hbm>>
      tpu.wait_dma2 semaphore(%run_scoped3A_55 : memref<!tpu.dma_semaphore, #tpu.memory_space<semaphore_mem>>) src(%arg19 : memref<4096xf32, #tpu.memory_space<vmem>>) dst(%dma_wait3A_67 : memref<4096xf32, #tpu.memory_space<hbm>>)
      tpu.yield
    }) : () -> ()
    "tpu.region"() ({
      %run_scoped3A_55 = tpu.sem_alloc : memref<!tpu.dma_semaphore, #tpu.memory_space<semaphore_mem>>
      %dma_start3A_56 = tpu.memref_slice %arg15[%mul3A_34] : memref<8192xi32, #tpu.memory_space<vmem>> -> memref<4096xi32, #tpu.memory_space<vmem>>
      %dma_start3A_57 = arith.constant 0 : i32
      %dma_start3A_58 = tpu.memref_slice %arg7[%dma_start3A_57] : memref<262144xf32, #tpu.memory_space<hbm>> -> memref<262144xf32, #tpu.memory_space<hbm>>
      tpu.enqueue_indirect_dma source(%dma_start3A_58 : memref<262144xf32, #tpu.memory_space<hbm>>) target(%arg19 : memref<4096xf32, #tpu.memory_space<vmem>>) offsets(%dma_start3A_56 : memref<4096xi32, #tpu.memory_space<vmem>>) semaphore(%run_scoped3A_55 : memref<!tpu.dma_semaphore, #tpu.memory_space<semaphore_mem>>)
      %dma_wait3A_59 = tpu.memref_slice %arg15[%mul3A_34] : memref<8192xi32, #tpu.memory_space<vmem>> -> memref<4096xi32, #tpu.memory_space<vmem>>
      %dma_wait3A_60 = arith.constant 0 : i32
      %dma_wait3A_61 = tpu.memref_slice %arg7[%dma_wait3A_60] : memref<262144xf32, #tpu.memory_space<hbm>> -> memref<262144xf32, #tpu.memory_space<hbm>>
      tpu.wait_indirect_dma semaphore(%run_scoped3A_55 : memref<!tpu.dma_semaphore, #tpu.memory_space<semaphore_mem>>) src(%dma_wait3A_61 : memref<262144xf32, #tpu.memory_space<hbm>>) dst(%arg19 : memref<4096xf32, #tpu.memory_space<vmem>>)
      tpu.yield
    }) : () -> ()
    %run_scoped3A_35 = arith.constant 1 : i32
    "tpu.region"() ({
      %run_scoped3A_55 = tpu.sem_alloc : memref<!tpu.dma_semaphore, #tpu.memory_space<semaphore_mem>>
      %dma_start3A_56 = arith.constant 0 : i32
      %dma_start3A_57 = tpu.memref_slice %arg10[%run_scoped3A_35, %arg1, %arg0, %dma_start3A_56] : memref<3x16x2x4096xf32, #tpu.memory_space<hbm>> -> memref<1x1x1x4096xf32, #tpu.memory_space<hbm>>
      %dma_start3A_58 = tpu.memref_squeeze %dma_start3A_57 : memref<1x1x1x4096xf32, #tpu.memory_space<hbm>> -> memref<4096xf32, #tpu.memory_space<hbm>>
      %dma_start3A_59 = arith.constant 0 : i32
      %dma_start3A_60 = tpu.memref_slice %arg10[%run_scoped3A_35, %arg1, %arg0, %dma_start3A_59] : memref<3x16x2x4096xf32, #tpu.memory_space<hbm>> -> memref<1x1x1x4096xf32, #tpu.memory_space<hbm>>
      %dma_start3A_61 = tpu.memref_squeeze %dma_start3A_60 : memref<1x1x1x4096xf32, #tpu.memory_space<hbm>> -> memref<4096xf32, #tpu.memory_space<hbm>>
      tpu.enqueue_dma source(%arg19 : memref<4096xf32, #tpu.memory_space<vmem>>) target(%dma_start3A_61 : memref<4096xf32, #tpu.memory_space<hbm>>) target_semaphore(%run_scoped3A_55 : memref<!tpu.dma_semaphore, #tpu.memory_space<semaphore_mem>>)
      %dma_wait3A_62 = arith.constant 0 : i32
      %dma_wait3A_63 = tpu.memref_slice %arg10[%run_scoped3A_35, %arg1, %arg0, %dma_wait3A_62] : memref<3x16x2x4096xf32, #tpu.memory_space<hbm>> -> memref<1x1x1x4096xf32, #tpu.memory_space<hbm>>
      %dma_wait3A_64 = tpu.memref_squeeze %dma_wait3A_63 : memref<1x1x1x4096xf32, #tpu.memory_space<hbm>> -> memref<4096xf32, #tpu.memory_space<hbm>>
      %dma_wait3A_65 = arith.constant 0 : i32
      %dma_wait3A_66 = tpu.memref_slice %arg10[%run_scoped3A_35, %arg1, %arg0, %dma_wait3A_65] : memref<3x16x2x4096xf32, #tpu.memory_space<hbm>> -> memref<1x1x1x4096xf32, #tpu.memory_space<hbm>>
      %dma_wait3A_67 = tpu.memref_squeeze %dma_wait3A_66 : memref<1x1x1x4096xf32, #tpu.memory_space<hbm>> -> memref<4096xf32, #tpu.memory_space<hbm>>
      tpu.wait_dma2 semaphore(%run_scoped3A_55 : memref<!tpu.dma_semaphore, #tpu.memory_space<semaphore_mem>>) src(%arg19 : memref<4096xf32, #tpu.memory_space<vmem>>) dst(%dma_wait3A_67 : memref<4096xf32, #tpu.memory_space<hbm>>)
      tpu.yield
    }) : () -> ()
    "tpu.region"() ({
      %run_scoped3A_55 = tpu.sem_alloc : memref<!tpu.dma_semaphore, #tpu.memory_space<semaphore_mem>>
      %dma_start3A_56 = tpu.memref_slice %arg15[%mul3A_34] : memref<8192xi32, #tpu.memory_space<vmem>> -> memref<4096xi32, #tpu.memory_space<vmem>>
      %dma_start3A_57 = arith.constant 0 : i32
      %dma_start3A_58 = tpu.memref_slice %arg8[%dma_start3A_57] : memref<262144xf32, #tpu.memory_space<hbm>> -> memref<262144xf32, #tpu.memory_space<hbm>>
      tpu.enqueue_indirect_dma source(%dma_start3A_58 : memref<262144xf32, #tpu.memory_space<hbm>>) target(%arg19 : memref<4096xf32, #tpu.memory_space<vmem>>) offsets(%dma_start3A_56 : memref<4096xi32, #tpu.memory_space<vmem>>) semaphore(%run_scoped3A_55 : memref<!tpu.dma_semaphore, #tpu.memory_space<semaphore_mem>>)
      %dma_wait3A_59 = tpu.memref_slice %arg15[%mul3A_34] : memref<8192xi32, #tpu.memory_space<vmem>> -> memref<4096xi32, #tpu.memory_space<vmem>>
      %dma_wait3A_60 = arith.constant 0 : i32
      %dma_wait3A_61 = tpu.memref_slice %arg8[%dma_wait3A_60] : memref<262144xf32, #tpu.memory_space<hbm>> -> memref<262144xf32, #tpu.memory_space<hbm>>
      tpu.wait_indirect_dma semaphore(%run_scoped3A_55 : memref<!tpu.dma_semaphore, #tpu.memory_space<semaphore_mem>>) src(%dma_wait3A_61 : memref<262144xf32, #tpu.memory_space<hbm>>) dst(%arg19 : memref<4096xf32, #tpu.memory_space<vmem>>)
      tpu.yield
    }) : () -> ()
    %run_scoped3A_36 = arith.constant 2 : i32
    "tpu.region"() ({
      %run_scoped3A_55 = tpu.sem_alloc : memref<!tpu.dma_semaphore, #tpu.memory_space<semaphore_mem>>
      %dma_start3A_56 = arith.constant 0 : i32
      %dma_start3A_57 = tpu.memref_slice %arg10[%run_scoped3A_36, %arg1, %arg0, %dma_start3A_56] : memref<3x16x2x4096xf32, #tpu.memory_space<hbm>> -> memref<1x1x1x4096xf32, #tpu.memory_space<hbm>>
      %dma_start3A_58 = tpu.memref_squeeze %dma_start3A_57 : memref<1x1x1x4096xf32, #tpu.memory_space<hbm>> -> memref<4096xf32, #tpu.memory_space<hbm>>
      %dma_start3A_59 = arith.constant 0 : i32
      %dma_start3A_60 = tpu.memref_slice %arg10[%run_scoped3A_36, %arg1, %arg0, %dma_start3A_59] : memref<3x16x2x4096xf32, #tpu.memory_space<hbm>> -> memref<1x1x1x4096xf32, #tpu.memory_space<hbm>>
      %dma_start3A_61 = tpu.memref_squeeze %dma_start3A_60 : memref<1x1x1x4096xf32, #tpu.memory_space<hbm>> -> memref<4096xf32, #tpu.memory_space<hbm>>
      tpu.enqueue_dma source(%arg19 : memref<4096xf32, #tpu.memory_space<vmem>>) target(%dma_start3A_61 : memref<4096xf32, #tpu.memory_space<hbm>>) target_semaphore(%run_scoped3A_55 : memref<!tpu.dma_semaphore, #tpu.memory_space<semaphore_mem>>)
      %dma_wait3A_62 = arith.constant 0 : i32
      %dma_wait3A_63 = tpu.memref_slice %arg10[%run_scoped3A_36, %arg1, %arg0, %dma_wait3A_62] : memref<3x16x2x4096xf32, #tpu.memory_space<hbm>> -> memref<1x1x1x4096xf32, #tpu.memory_space<hbm>>
      %dma_wait3A_64 = tpu.memref_squeeze %dma_wait3A_63 : memref<1x1x1x4096xf32, #tpu.memory_space<hbm>> -> memref<4096xf32, #tpu.memory_space<hbm>>
      %dma_wait3A_65 = arith.constant 0 : i32
      %dma_wait3A_66 = tpu.memref_slice %arg10[%run_scoped3A_36, %arg1, %arg0, %dma_wait3A_65] : memref<3x16x2x4096xf32, #tpu.memory_space<hbm>> -> memref<1x1x1x4096xf32, #tpu.memory_space<hbm>>
      %dma_wait3A_67 = tpu.memref_squeeze %dma_wait3A_66 : memref<1x1x1x4096xf32, #tpu.memory_space<hbm>> -> memref<4096xf32, #tpu.memory_space<hbm>>
      tpu.wait_dma2 semaphore(%run_scoped3A_55 : memref<!tpu.dma_semaphore, #tpu.memory_space<semaphore_mem>>) src(%arg19 : memref<4096xf32, #tpu.memory_space<vmem>>) dst(%dma_wait3A_67 : memref<4096xf32, #tpu.memory_space<hbm>>)
      tpu.yield
    }) : () -> ()
    %scan3A = arith.constant 0 : i32
    %scan3A_37 = arith.constant 30 : i32
    %scan3A_38 = arith.addi %scan3A, %scan3A_37 : i32
    %scan3A_39 = arith.constant 1 : i32
    scf.for %scan3A_55 = %scan3A to %scan3A_38 step %scan3A_39  : i32 {
      %mul3A_56 = arith.constant 30 : i32
      %mul3A_57 = arith.muli %arg0, %mul3A_56 : i32
      %add3A_58 = arith.addi %mul3A_57, %scan3A_55 : i32
      %lt3A = arith.constant 59 : i32
      %lt3A_59 = arith.cmpi slt, %add3A_58, %lt3A : i32
      %rem3A = arith.constant 2 : i32
      %rem3A_60 = arith.remsi %scan3A_55, %rem3A : i32
      %eq3A_61 = arith.constant 0 : i32
      %eq3A_62 = arith.cmpi eq, %rem3A_60, %eq3A_61 : i32
      %dma_wait3A_63 = arith.constant 0 : i32
      %dma_wait3A_64 = tpu.memref_slice %arg12[%mul3A_12] : memref<262144xf32, #tpu.memory_space<vmem_shared>> -> memref<16384xf32, #tpu.memory_space<vmem_shared>>
      %dma_wait3A_65 = tpu.memref_slice %arg2[%dma_wait3A_63, %mul3A_12] : memref<59x262144xf32, #tpu.memory_space<hbm>> -> memref<1x16384xf32, #tpu.memory_space<hbm>>
      %dma_wait3A_66 = tpu.memref_squeeze %dma_wait3A_65 : memref<1x16384xf32, #tpu.memory_space<hbm>> -> memref<16384xf32, #tpu.memory_space<hbm>>
      tpu.wait_dma2 semaphore(%arg23 : memref<!tpu.dma_semaphore, #tpu.memory_space<semaphore_mem>>) src(%dma_wait3A_66 : memref<16384xf32, #tpu.memory_space<hbm>>) dst(%dma_wait3A_64 : memref<16384xf32, #tpu.memory_space<vmem_shared>>)
      %dma_wait3A_67 = arith.constant 0 : i32
      %dma_wait3A_68 = arith.constant 0 : i32
      %dma_wait3A_69 = arith.constant 0 : i32
      %dma_wait3A_70 = tpu.memref_slice %arg3[%dma_wait3A_67, %dma_wait3A_68, %dma_wait3A_69] : memref<59x1024x128xf32, #tpu.memory_space<hbm>> -> memref<1x64x128xf32, #tpu.memory_space<hbm>>
      %dma_wait3A_71 = tpu.memref_squeeze %dma_wait3A_70 : memref<1x64x128xf32, #tpu.memory_space<hbm>> -> memref<64x128xf32, #tpu.memory_space<hbm>>
      %dma_wait3A_72 = arith.constant 0 : i32
      %dma_wait3A_73 = arith.constant 0 : i32
      %dma_wait3A_74 = tpu.memref_slice %arg3[%dma_wait3A_67, %dma_wait3A_72, %dma_wait3A_73] : memref<59x1024x128xf32, #tpu.memory_space<hbm>> -> memref<1x64x128xf32, #tpu.memory_space<hbm>>
      %dma_wait3A_75 = tpu.memref_squeeze %dma_wait3A_74 : memref<1x64x128xf32, #tpu.memory_space<hbm>> -> memref<64x128xf32, #tpu.memory_space<hbm>>
      tpu.wait_dma2 semaphore(%arg24 : memref<!tpu.dma_semaphore, #tpu.memory_space<semaphore_mem>>) src(%dma_wait3A_75 : memref<64x128xf32, #tpu.memory_space<hbm>>) dst(%arg16 : memref<64x128xf32, #tpu.memory_space<vmem>>)
      %barrier3A = arith.constant 0 : index
      tpu.barrier barrier_id(%barrier3A)
      %convert_element_type3A_76 = arith.extui %eq3A_62 : i1 to i32
      %cond3A_77 = arith.constant 0 : i32
      %cond3A_78 = arith.cmpi ne, %convert_element_type3A_76, %cond3A_77 : i32
      scf.if %cond3A_78 {
        %add3A_118 = arith.constant 1 : i32
        %add3A_119 = arith.addi %scan3A_55, %add3A_118 : i32
        %mul3A_120 = arith.constant 30 : i32
        %mul3A_121 = arith.muli %arg0, %mul3A_120 : i32
        %add3A_122 = arith.addi %mul3A_121, %add3A_119 : i32
        %min3A_123 = arith.constant 58 : i32
        %min3A_124 = arith.minsi %add3A_122, %min3A_123 : i32
        %dma_start3A_125 = tpu.memref_slice %arg13[%mul3A_12] : memref<262144xf32, #tpu.memory_space<vmem_shared>> -> memref<16384xf32, #tpu.memory_space<vmem_shared>>
        %dma_start3A_126 = tpu.memref_slice %arg2[%min3A_124, %mul3A_12] : memref<59x262144xf32, #tpu.memory_space<hbm>> -> memref<1x16384xf32, #tpu.memory_space<hbm>>
        %dma_start3A_127 = tpu.memref_squeeze %dma_start3A_126 : memref<1x16384xf32, #tpu.memory_space<hbm>> -> memref<16384xf32, #tpu.memory_space<hbm>>
        tpu.enqueue_dma source(%dma_start3A_127 : memref<16384xf32, #tpu.memory_space<hbm>>) target(%dma_start3A_125 : memref<16384xf32, #tpu.memory_space<vmem_shared>>) target_semaphore(%arg23 : memref<!tpu.dma_semaphore, #tpu.memory_space<semaphore_mem>>)
        %add3A_128 = arith.constant 1 : i32
        %add3A_129 = arith.addi %scan3A_55, %add3A_128 : i32
        %mul3A_130 = arith.constant 30 : i32
        %mul3A_131 = arith.muli %arg0, %mul3A_130 : i32
        %add3A_132 = arith.addi %mul3A_131, %add3A_129 : i32
        %min3A_133 = arith.constant 58 : i32
        %min3A_134 = arith.minsi %add3A_132, %min3A_133 : i32
        %mul3A_135 = arith.constant 64 : i32
        %mul3A_136 = arith.muli %arg1, %mul3A_135 : i32
        %dma_start3A_137 = arith.constant 0 : i32
        %dma_start3A_138 = tpu.memref_slice %arg3[%min3A_134, %mul3A_136, %dma_start3A_137] : memref<59x1024x128xf32, #tpu.memory_space<hbm>> -> memref<1x64x128xf32, #tpu.memory_space<hbm>>
        %dma_start3A_139 = tpu.memref_squeeze %dma_start3A_138 : memref<1x64x128xf32, #tpu.memory_space<hbm>> -> memref<64x128xf32, #tpu.memory_space<hbm>>
        %dma_start3A_140 = arith.constant 0 : i32
        %dma_start3A_141 = tpu.memref_slice %arg3[%min3A_134, %mul3A_136, %dma_start3A_140] : memref<59x1024x128xf32, #tpu.memory_space<hbm>> -> memref<1x64x128xf32, #tpu.memory_space<hbm>>
        %dma_start3A_142 = tpu.memref_squeeze %dma_start3A_141 : memref<1x64x128xf32, #tpu.memory_space<hbm>> -> memref<64x128xf32, #tpu.memory_space<hbm>>
        tpu.enqueue_dma source(%dma_start3A_142 : memref<64x128xf32, #tpu.memory_space<hbm>>) target(%arg17 : memref<64x128xf32, #tpu.memory_space<vmem>>) target_semaphore(%arg24 : memref<!tpu.dma_semaphore, #tpu.memory_space<semaphore_mem>>)
      } else {
      }
      %not3A = arith.constant true
      %not3A_79 = arith.xori %eq3A_62, %not3A : i1
      %convert_element_type3A_80 = arith.extui %not3A_79 : i1 to i32
      %cond3A_81 = arith.constant 0 : i32
      %cond3A_82 = arith.cmpi ne, %convert_element_type3A_80, %cond3A_81 : i32
      scf.if %cond3A_82 {
        %add3A_118 = arith.constant 1 : i32
        %add3A_119 = arith.addi %scan3A_55, %add3A_118 : i32
        %mul3A_120 = arith.constant 30 : i32
        %mul3A_121 = arith.muli %arg0, %mul3A_120 : i32
        %add3A_122 = arith.addi %mul3A_121, %add3A_119 : i32
        %min3A_123 = arith.constant 58 : i32
        %min3A_124 = arith.minsi %add3A_122, %min3A_123 : i32
        %dma_start3A_125 = tpu.memref_slice %arg12[%mul3A_12] : memref<262144xf32, #tpu.memory_space<vmem_shared>> -> memref<16384xf32, #tpu.memory_space<vmem_shared>>
        %dma_start3A_126 = tpu.memref_slice %arg2[%min3A_124, %mul3A_12] : memref<59x262144xf32, #tpu.memory_space<hbm>> -> memref<1x16384xf32, #tpu.memory_space<hbm>>
        %dma_start3A_127 = tpu.memref_squeeze %dma_start3A_126 : memref<1x16384xf32, #tpu.memory_space<hbm>> -> memref<16384xf32, #tpu.memory_space<hbm>>
        tpu.enqueue_dma source(%dma_start3A_127 : memref<16384xf32, #tpu.memory_space<hbm>>) target(%dma_start3A_125 : memref<16384xf32, #tpu.memory_space<vmem_shared>>) target_semaphore(%arg23 : memref<!tpu.dma_semaphore, #tpu.memory_space<semaphore_mem>>)
        %add3A_128 = arith.constant 1 : i32
        %add3A_129 = arith.addi %scan3A_55, %add3A_128 : i32
        %mul3A_130 = arith.constant 30 : i32
        %mul3A_131 = arith.muli %arg0, %mul3A_130 : i32
        %add3A_132 = arith.addi %mul3A_131, %add3A_129 : i32
        %min3A_133 = arith.constant 58 : i32
        %min3A_134 = arith.minsi %add3A_132, %min3A_133 : i32
        %mul3A_135 = arith.constant 64 : i32
        %mul3A_136 = arith.muli %arg1, %mul3A_135 : i32
        %dma_start3A_137 = arith.constant 0 : i32
        %dma_start3A_138 = tpu.memref_slice %arg3[%min3A_134, %mul3A_136, %dma_start3A_137] : memref<59x1024x128xf32, #tpu.memory_space<hbm>> -> memref<1x64x128xf32, #tpu.memory_space<hbm>>
        %dma_start3A_139 = tpu.memref_squeeze %dma_start3A_138 : memref<1x64x128xf32, #tpu.memory_space<hbm>> -> memref<64x128xf32, #tpu.memory_space<hbm>>
        %dma_start3A_140 = arith.constant 0 : i32
        %dma_start3A_141 = tpu.memref_slice %arg3[%min3A_134, %mul3A_136, %dma_start3A_140] : memref<59x1024x128xf32, #tpu.memory_space<hbm>> -> memref<1x64x128xf32, #tpu.memory_space<hbm>>
        %dma_start3A_142 = tpu.memref_squeeze %dma_start3A_141 : memref<1x64x128xf32, #tpu.memory_space<hbm>> -> memref<64x128xf32, #tpu.memory_space<hbm>>
        tpu.enqueue_dma source(%dma_start3A_142 : memref<64x128xf32, #tpu.memory_space<hbm>>) target(%arg16 : memref<64x128xf32, #tpu.memory_space<vmem>>) target_semaphore(%arg24 : memref<!tpu.dma_semaphore, #tpu.memory_space<semaphore_mem>>)
      } else {
      }
      %and3A = arith.andi %eq3A_62, %lt3A_59 : i1
      %convert_element_type3A_83 = arith.extui %and3A : i1 to i32
      %cond3A_84 = arith.constant 0 : i32
      %cond3A_85 = arith.cmpi ne, %convert_element_type3A_83, %cond3A_84 : i32
      scf.if %cond3A_85 {
        %dma_start3A_118 = arith.constant 0 : i32
        %dma_start3A_119 = arith.constant 0 : i32
        %dma_start3A_120 = arith.constant 0 : i32
        %dma_start3A_121 = tpu.memref_slice %arg16[%dma_start3A_118, %dma_start3A_120] : memref<64x128xf32, #tpu.memory_space<vmem>> -> memref<1x128xf32, #tpu.memory_space<vmem>>
        %dma_start3A_122 = tpu.memref_squeeze %dma_start3A_121 : memref<1x128xf32, #tpu.memory_space<vmem>> -> memref<128xf32, #tpu.memory_space<vmem>>
        %dma_start3A_123 = arith.constant 0 : i32
        %dma_start3A_124 = tpu.memref_slice %arg14[%dma_start3A_119, %dma_start3A_123] : memref<64x128xi32, #tpu.memory_space<vmem>> -> memref<1x128xi32, #tpu.memory_space<vmem>>
        %dma_start3A_125 = tpu.memref_squeeze %dma_start3A_124 : memref<1x128xi32, #tpu.memory_space<vmem>> -> memref<128xi32, #tpu.memory_space<vmem>>
        %dma_start3A_126 = arith.constant 0 : i32
        %dma_start3A_127 = tpu.memref_slice %arg12[%dma_start3A_126] : memref<262144xf32, #tpu.memory_space<vmem_shared>> -> memref<262144xf32, #tpu.memory_space<vmem_shared>>
        tpu.enqueue_indirect_dma source(%dma_start3A_122 : memref<128xf32, #tpu.memory_space<vmem>>) target(%dma_start3A_127 : memref<262144xf32, #tpu.memory_space<vmem_shared>>) offsets(%dma_start3A_125 : memref<128xi32, #tpu.memory_space<vmem>>) semaphore(%arg22 : memref<!tpu.dma_semaphore, #tpu.memory_space<semaphore_mem>>) {add = true}
        %dma_start3A_128 = arith.constant 1 : i32
        %dma_start3A_129 = arith.constant 1 : i32
        %dma_start3A_130 = arith.constant 0 : i32
        %dma_start3A_131 = tpu.memref_slice %arg16[%dma_start3A_128, %dma_start3A_130] : memref<64x128xf32, #tpu.memory_space<vmem>> -> memref<1x128xf32, #tpu.memory_space<vmem>>
        %dma_start3A_132 = tpu.memref_squeeze %dma_start3A_131 : memref<1x128xf32, #tpu.memory_space<vmem>> -> memref<128xf32, #tpu.memory_space<vmem>>
        %dma_start3A_133 = arith.constant 0 : i32
        %dma_start3A_134 = tpu.memref_slice %arg14[%dma_start3A_129, %dma_start3A_133] : memref<64x128xi32, #tpu.memory_space<vmem>> -> memref<1x128xi32, #tpu.memory_space<vmem>>
        %dma_start3A_135 = tpu.memref_squeeze %dma_start3A_134 : memref<1x128xi32, #tpu.memory_space<vmem>> -> memref<128xi32, #tpu.memory_space<vmem>>
        %dma_start3A_136 = arith.constant 0 : i32
        %dma_start3A_137 = tpu.memref_slice %arg12[%dma_start3A_136] : memref<262144xf32, #tpu.memory_space<vmem_shared>> -> memref<262144xf32, #tpu.memory_space<vmem_shared>>
        tpu.enqueue_indirect_dma source(%dma_start3A_132 : memref<128xf32, #tpu.memory_space<vmem>>) target(%dma_start3A_137 : memref<262144xf32, #tpu.memory_space<vmem_shared>>) offsets(%dma_start3A_135 : memref<128xi32, #tpu.memory_space<vmem>>) semaphore(%arg22 : memref<!tpu.dma_semaphore, #tpu.memory_space<semaphore_mem>>) {add = true}
        %dma_start3A_138 = arith.constant 2 : i32
        %dma_start3A_139 = arith.constant 2 : i32
        %dma_start3A_140 = arith.constant 0 : i32
        %dma_start3A_141 = tpu.memref_slice %arg16[%dma_start3A_138, %dma_start3A_140] : memref<64x128xf32, #tpu.memory_space<vmem>> -> memref<1x128xf32, #tpu.memory_space<vmem>>
        %dma_start3A_142 = tpu.memref_squeeze %dma_start3A_141 : memref<1x128xf32, #tpu.memory_space<vmem>> -> memref<128xf32, #tpu.memory_space<vmem>>
        %dma_start3A_143 = arith.constant 0 : i32
        %dma_start3A_144 = tpu.memref_slice %arg14[%dma_start3A_139, %dma_start3A_143] : memref<64x128xi32, #tpu.memory_space<vmem>> -> memref<1x128xi32, #tpu.memory_space<vmem>>
        %dma_start3A_145 = tpu.memref_squeeze %dma_start3A_144 : memref<1x128xi32, #tpu.memory_space<vmem>> -> memref<128xi32, #tpu.memory_space<vmem>>
        %dma_start3A_146 = arith.constant 0 : i32
        %dma_start3A_147 = tpu.memref_slice %arg12[%dma_start3A_146] : memref<262144xf32, #tpu.memory_space<vmem_shared>> -> memref<262144xf32, #tpu.memory_space<vmem_shared>>
        tpu.enqueue_indirect_dma source(%dma_start3A_142 : memref<128xf32, #tpu.memory_space<vmem>>) target(%dma_start3A_147 : memref<262144xf32, #tpu.memory_space<vmem_shared>>) offsets(%dma_start3A_145 : memref<128xi32, #tpu.memory_space<vmem>>) semaphore(%arg22 : memref<!tpu.dma_semaphore, #tpu.memory_space<semaphore_mem>>) {add = true}
        %dma_start3A_148 = arith.constant 3 : i32
        %dma_start3A_149 = arith.constant 3 : i32
        %dma_start3A_150 = arith.constant 0 : i32
        %dma_start3A_151 = tpu.memref_slice %arg16[%dma_start3A_148, %dma_start3A_150] : memref<64x128xf32, #tpu.memory_space<vmem>> -> memref<1x128xf32, #tpu.memory_space<vmem>>
        %dma_start3A_152 = tpu.memref_squeeze %dma_start3A_151 : memref<1x128xf32, #tpu.memory_space<vmem>> -> memref<128xf32, #tpu.memory_space<vmem>>
        %dma_start3A_153 = arith.constant 0 : i32
        %dma_start3A_154 = tpu.memref_slice %arg14[%dma_start3A_149, %dma_start3A_153] : memref<64x128xi32, #tpu.memory_space<vmem>> -> memref<1x128xi32, #tpu.memory_space<vmem>>
        %dma_start3A_155 = tpu.memref_squeeze %dma_start3A_154 : memref<1x128xi32, #tpu.memory_space<vmem>> -> memref<128xi32, #tpu.memory_space<vmem>>
        %dma_start3A_156 = arith.constant 0 : i32
        %dma_start3A_157 = tpu.memref_slice %arg12[%dma_start3A_156] : memref<262144xf32, #tpu.memory_space<vmem_shared>> -> memref<262144xf32, #tpu.memory_space<vmem_shared>>
        tpu.enqueue_indirect_dma source(%dma_start3A_152 : memref<128xf32, #tpu.memory_space<vmem>>) target(%dma_start3A_157 : memref<262144xf32, #tpu.memory_space<vmem_shared>>) offsets(%dma_start3A_155 : memref<128xi32, #tpu.memory_space<vmem>>) semaphore(%arg22 : memref<!tpu.dma_semaphore, #tpu.memory_space<semaphore_mem>>) {add = true}
        %dma_start3A_158 = arith.constant 4 : i32
        %dma_start3A_159 = arith.constant 4 : i32
        %dma_start3A_160 = arith.constant 0 : i32
        %dma_start3A_161 = tpu.memref_slice %arg16[%dma_start3A_158, %dma_start3A_160] : memref<64x128xf32, #tpu.memory_space<vmem>> -> memref<1x128xf32, #tpu.memory_space<vmem>>
        %dma_start3A_162 = tpu.memref_squeeze %dma_start3A_161 : memref<1x128xf32, #tpu.memory_space<vmem>> -> memref<128xf32, #tpu.memory_space<vmem>>
        %dma_start3A_163 = arith.constant 0 : i32
        %dma_start3A_164 = tpu.memref_slice %arg14[%dma_start3A_159, %dma_start3A_163] : memref<64x128xi32, #tpu.memory_space<vmem>> -> memref<1x128xi32, #tpu.memory_space<vmem>>
        %dma_start3A_165 = tpu.memref_squeeze %dma_start3A_164 : memref<1x128xi32, #tpu.memory_space<vmem>> -> memref<128xi32, #tpu.memory_space<vmem>>
        %dma_start3A_166 = arith.constant 0 : i32
        %dma_start3A_167 = tpu.memref_slice %arg12[%dma_start3A_166] : memref<262144xf32, #tpu.memory_space<vmem_shared>> -> memref<262144xf32, #tpu.memory_space<vmem_shared>>
        tpu.enqueue_indirect_dma source(%dma_start3A_162 : memref<128xf32, #tpu.memory_space<vmem>>) target(%dma_start3A_167 : memref<262144xf32, #tpu.memory_space<vmem_shared>>) offsets(%dma_start3A_165 : memref<128xi32, #tpu.memory_space<vmem>>) semaphore(%arg22 : memref<!tpu.dma_semaphore, #tpu.memory_space<semaphore_mem>>) {add = true}
        %dma_start3A_168 = arith.constant 5 : i32
        %dma_start3A_169 = arith.constant 5 : i32
        %dma_start3A_170 = arith.constant 0 : i32
        %dma_start3A_171 = tpu.memref_slice %arg16[%dma_start3A_168, %dma_start3A_170] : memref<64x128xf32, #tpu.memory_space<vmem>> -> memref<1x128xf32, #tpu.memory_space<vmem>>
        %dma_start3A_172 = tpu.memref_squeeze %dma_start3A_171 : memref<1x128xf32, #tpu.memory_space<vmem>> -> memref<128xf32, #tpu.memory_space<vmem>>
        %dma_start3A_173 = arith.constant 0 : i32
        %dma_start3A_174 = tpu.memref_slice %arg14[%dma_start3A_169, %dma_start3A_173] : memref<64x128xi32, #tpu.memory_space<vmem>> -> memref<1x128xi32, #tpu.memory_space<vmem>>
        %dma_start3A_175 = tpu.memref_squeeze %dma_start3A_174 : memref<1x128xi32, #tpu.memory_space<vmem>> -> memref<128xi32, #tpu.memory_space<vmem>>
        %dma_start3A_176 = arith.constant 0 : i32
        %dma_start3A_177 = tpu.memref_slice %arg12[%dma_start3A_176] : memref<262144xf32, #tpu.memory_space<vmem_shared>> -> memref<262144xf32, #tpu.memory_space<vmem_shared>>
        tpu.enqueue_indirect_dma source(%dma_start3A_172 : memref<128xf32, #tpu.memory_space<vmem>>) target(%dma_start3A_177 : memref<262144xf32, #tpu.memory_space<vmem_shared>>) offsets(%dma_start3A_175 : memref<128xi32, #tpu.memory_space<vmem>>) semaphore(%arg22 : memref<!tpu.dma_semaphore, #tpu.memory_space<semaphore_mem>>) {add = true}
        %dma_start3A_178 = arith.constant 6 : i32
        %dma_start3A_179 = arith.constant 6 : i32
        %dma_start3A_180 = arith.constant 0 : i32
        %dma_start3A_181 = tpu.memref_slice %arg16[%dma_start3A_178, %dma_start3A_180] : memref<64x128xf32, #tpu.memory_space<vmem>> -> memref<1x128xf32, #tpu.memory_space<vmem>>
        %dma_start3A_182 = tpu.memref_squeeze %dma_start3A_181 : memref<1x128xf32, #tpu.memory_space<vmem>> -> memref<128xf32, #tpu.memory_space<vmem>>
        %dma_start3A_183 = arith.constant 0 : i32
        %dma_start3A_184 = tpu.memref_slice %arg14[%dma_start3A_179, %dma_start3A_183] : memref<64x128xi32, #tpu.memory_space<vmem>> -> memref<1x128xi32, #tpu.memory_space<vmem>>
        %dma_start3A_185 = tpu.memref_squeeze %dma_start3A_184 : memref<1x128xi32, #tpu.memory_space<vmem>> -> memref<128xi32, #tpu.memory_space<vmem>>
        %dma_start3A_186 = arith.constant 0 : i32
        %dma_start3A_187 = tpu.memref_slice %arg12[%dma_start3A_186] : memref<262144xf32, #tpu.memory_space<vmem_shared>> -> memref<262144xf32, #tpu.memory_space<vmem_shared>>
        tpu.enqueue_indirect_dma source(%dma_start3A_182 : memref<128xf32, #tpu.memory_space<vmem>>) target(%dma_start3A_187 : memref<262144xf32, #tpu.memory_space<vmem_shared>>) offsets(%dma_start3A_185 : memref<128xi32, #tpu.memory_space<vmem>>) semaphore(%arg22 : memref<!tpu.dma_semaphore, #tpu.memory_space<semaphore_mem>>) {add = true}
        %dma_start3A_188 = arith.constant 7 : i32
        %dma_start3A_189 = arith.constant 7 : i32
        %dma_start3A_190 = arith.constant 0 : i32
        %dma_start3A_191 = tpu.memref_slice %arg16[%dma_start3A_188, %dma_start3A_190] : memref<64x128xf32, #tpu.memory_space<vmem>> -> memref<1x128xf32, #tpu.memory_space<vmem>>
        %dma_start3A_192 = tpu.memref_squeeze %dma_start3A_191 : memref<1x128xf32, #tpu.memory_space<vmem>> -> memref<128xf32, #tpu.memory_space<vmem>>
        %dma_start3A_193 = arith.constant 0 : i32
        %dma_start3A_194 = tpu.memref_slice %arg14[%dma_start3A_189, %dma_start3A_193] : memref<64x128xi32, #tpu.memory_space<vmem>> -> memref<1x128xi32, #tpu.memory_space<vmem>>
        %dma_start3A_195 = tpu.memref_squeeze %dma_start3A_194 : memref<1x128xi32, #tpu.memory_space<vmem>> -> memref<128xi32, #tpu.memory_space<vmem>>
        %dma_start3A_196 = arith.constant 0 : i32
        %dma_start3A_197 = tpu.memref_slice %arg12[%dma_start3A_196] : memref<262144xf32, #tpu.memory_space<vmem_shared>> -> memref<262144xf32, #tpu.memory_space<vmem_shared>>
        tpu.enqueue_indirect_dma source(%dma_start3A_192 : memref<128xf32, #tpu.memory_space<vmem>>) target(%dma_start3A_197 : memref<262144xf32, #tpu.memory_space<vmem_shared>>) offsets(%dma_start3A_195 : memref<128xi32, #tpu.memory_space<vmem>>) semaphore(%arg22 : memref<!tpu.dma_semaphore, #tpu.memory_space<semaphore_mem>>) {add = true}
        %dma_start3A_198 = arith.constant 8 : i32
        %dma_start3A_199 = arith.constant 8 : i32
        %dma_start3A_200 = arith.constant 0 : i32
        %dma_start3A_201 = tpu.memref_slice %arg16[%dma_start3A_198, %dma_start3A_200] : memref<64x128xf32, #tpu.memory_space<vmem>> -> memref<1x128xf32, #tpu.memory_space<vmem>>
        %dma_start3A_202 = tpu.memref_squeeze %dma_start3A_201 : memref<1x128xf32, #tpu.memory_space<vmem>> -> memref<128xf32, #tpu.memory_space<vmem>>
        %dma_start3A_203 = arith.constant 0 : i32
        %dma_start3A_204 = tpu.memref_slice %arg14[%dma_start3A_199, %dma_start3A_203] : memref<64x128xi32, #tpu.memory_space<vmem>> -> memref<1x128xi32, #tpu.memory_space<vmem>>
        %dma_start3A_205 = tpu.memref_squeeze %dma_start3A_204 : memref<1x128xi32, #tpu.memory_space<vmem>> -> memref<128xi32, #tpu.memory_space<vmem>>
        %dma_start3A_206 = arith.constant 0 : i32
        %dma_start3A_207 = tpu.memref_slice %arg12[%dma_start3A_206] : memref<262144xf32, #tpu.memory_space<vmem_shared>> -> memref<262144xf32, #tpu.memory_space<vmem_shared>>
        tpu.enqueue_indirect_dma source(%dma_start3A_202 : memref<128xf32, #tpu.memory_space<vmem>>) target(%dma_start3A_207 : memref<262144xf32, #tpu.memory_space<vmem_shared>>) offsets(%dma_start3A_205 : memref<128xi32, #tpu.memory_space<vmem>>) semaphore(%arg22 : memref<!tpu.dma_semaphore, #tpu.memory_space<semaphore_mem>>) {add = true}
        %dma_start3A_208 = arith.constant 9 : i32
        %dma_start3A_209 = arith.constant 9 : i32
        %dma_start3A_210 = arith.constant 0 : i32
        %dma_start3A_211 = tpu.memref_slice %arg16[%dma_start3A_208, %dma_start3A_210] : memref<64x128xf32, #tpu.memory_space<vmem>> -> memref<1x128xf32, #tpu.memory_space<vmem>>
        %dma_start3A_212 = tpu.memref_squeeze %dma_start3A_211 : memref<1x128xf32, #tpu.memory_space<vmem>> -> memref<128xf32, #tpu.memory_space<vmem>>
        %dma_start3A_213 = arith.constant 0 : i32
        %dma_start3A_214 = tpu.memref_slice %arg14[%dma_start3A_209, %dma_start3A_213] : memref<64x128xi32, #tpu.memory_space<vmem>> -> memref<1x128xi32, #tpu.memory_space<vmem>>
        %dma_start3A_215 = tpu.memref_squeeze %dma_start3A_214 : memref<1x128xi32, #tpu.memory_space<vmem>> -> memref<128xi32, #tpu.memory_space<vmem>>
        %dma_start3A_216 = arith.constant 0 : i32
        %dma_start3A_217 = tpu.memref_slice %arg12[%dma_start3A_216] : memref<262144xf32, #tpu.memory_space<vmem_shared>> -> memref<262144xf32, #tpu.memory_space<vmem_shared>>
        tpu.enqueue_indirect_dma source(%dma_start3A_212 : memref<128xf32, #tpu.memory_space<vmem>>) target(%dma_start3A_217 : memref<262144xf32, #tpu.memory_space<vmem_shared>>) offsets(%dma_start3A_215 : memref<128xi32, #tpu.memory_space<vmem>>) semaphore(%arg22 : memref<!tpu.dma_semaphore, #tpu.memory_space<semaphore_mem>>) {add = true}
        %dma_start3A_218 = arith.constant 10 : i32
        %dma_start3A_219 = arith.constant 10 : i32
        %dma_start3A_220 = arith.constant 0 : i32
        %dma_start3A_221 = tpu.memref_slice %arg16[%dma_start3A_218, %dma_start3A_220] : memref<64x128xf32, #tpu.memory_space<vmem>> -> memref<1x128xf32, #tpu.memory_space<vmem>>
        %dma_start3A_222 = tpu.memref_squeeze %dma_start3A_221 : memref<1x128xf32, #tpu.memory_space<vmem>> -> memref<128xf32, #tpu.memory_space<vmem>>
        %dma_start3A_223 = arith.constant 0 : i32
        %dma_start3A_224 = tpu.memref_slice %arg14[%dma_start3A_219, %dma_start3A_223] : memref<64x128xi32, #tpu.memory_space<vmem>> -> memref<1x128xi32, #tpu.memory_space<vmem>>
        %dma_start3A_225 = tpu.memref_squeeze %dma_start3A_224 : memref<1x128xi32, #tpu.memory_space<vmem>> -> memref<128xi32, #tpu.memory_space<vmem>>
        %dma_start3A_226 = arith.constant 0 : i32
        %dma_start3A_227 = tpu.memref_slice %arg12[%dma_start3A_226] : memref<262144xf32, #tpu.memory_space<vmem_shared>> -> memref<262144xf32, #tpu.memory_space<vmem_shared>>
        tpu.enqueue_indirect_dma source(%dma_start3A_222 : memref<128xf32, #tpu.memory_space<vmem>>) target(%dma_start3A_227 : memref<262144xf32, #tpu.memory_space<vmem_shared>>) offsets(%dma_start3A_225 : memref<128xi32, #tpu.memory_space<vmem>>) semaphore(%arg22 : memref<!tpu.dma_semaphore, #tpu.memory_space<semaphore_mem>>) {add = true}
        %dma_start3A_228 = arith.constant 11 : i32
        %dma_start3A_229 = arith.constant 11 : i32
        %dma_start3A_230 = arith.constant 0 : i32
        %dma_start3A_231 = tpu.memref_slice %arg16[%dma_start3A_228, %dma_start3A_230] : memref<64x128xf32, #tpu.memory_space<vmem>> -> memref<1x128xf32, #tpu.memory_space<vmem>>
        %dma_start3A_232 = tpu.memref_squeeze %dma_start3A_231 : memref<1x128xf32, #tpu.memory_space<vmem>> -> memref<128xf32, #tpu.memory_space<vmem>>
        %dma_start3A_233 = arith.constant 0 : i32
        %dma_start3A_234 = tpu.memref_slice %arg14[%dma_start3A_229, %dma_start3A_233] : memref<64x128xi32, #tpu.memory_space<vmem>> -> memref<1x128xi32, #tpu.memory_space<vmem>>
        %dma_start3A_235 = tpu.memref_squeeze %dma_start3A_234 : memref<1x128xi32, #tpu.memory_space<vmem>> -> memref<128xi32, #tpu.memory_space<vmem>>
        %dma_start3A_236 = arith.constant 0 : i32
        %dma_start3A_237 = tpu.memref_slice %arg12[%dma_start3A_236] : memref<262144xf32, #tpu.memory_space<vmem_shared>> -> memref<262144xf32, #tpu.memory_space<vmem_shared>>
        tpu.enqueue_indirect_dma source(%dma_start3A_232 : memref<128xf32, #tpu.memory_space<vmem>>) target(%dma_start3A_237 : memref<262144xf32, #tpu.memory_space<vmem_shared>>) offsets(%dma_start3A_235 : memref<128xi32, #tpu.memory_space<vmem>>) semaphore(%arg22 : memref<!tpu.dma_semaphore, #tpu.memory_space<semaphore_mem>>) {add = true}
        %dma_start3A_238 = arith.constant 12 : i32
        %dma_start3A_239 = arith.constant 12 : i32
        %dma_start3A_240 = arith.constant 0 : i32
        %dma_start3A_241 = tpu.memref_slice %arg16[%dma_start3A_238, %dma_start3A_240] : memref<64x128xf32, #tpu.memory_space<vmem>> -> memref<1x128xf32, #tpu.memory_space<vmem>>
        %dma_start3A_242 = tpu.memref_squeeze %dma_start3A_241 : memref<1x128xf32, #tpu.memory_space<vmem>> -> memref<128xf32, #tpu.memory_space<vmem>>
        %dma_start3A_243 = arith.constant 0 : i32
        %dma_start3A_244 = tpu.memref_slice %arg14[%dma_start3A_239, %dma_start3A_243] : memref<64x128xi32, #tpu.memory_space<vmem>> -> memref<1x128xi32, #tpu.memory_space<vmem>>
        %dma_start3A_245 = tpu.memref_squeeze %dma_start3A_244 : memref<1x128xi32, #tpu.memory_space<vmem>> -> memref<128xi32, #tpu.memory_space<vmem>>
        %dma_start3A_246 = arith.constant 0 : i32
        %dma_start3A_247 = tpu.memref_slice %arg12[%dma_start3A_246] : memref<262144xf32, #tpu.memory_space<vmem_shared>> -> memref<262144xf32, #tpu.memory_space<vmem_shared>>
        tpu.enqueue_indirect_dma source(%dma_start3A_242 : memref<128xf32, #tpu.memory_space<vmem>>) target(%dma_start3A_247 : memref<262144xf32, #tpu.memory_space<vmem_shared>>) offsets(%dma_start3A_245 : memref<128xi32, #tpu.memory_space<vmem>>) semaphore(%arg22 : memref<!tpu.dma_semaphore, #tpu.memory_space<semaphore_mem>>) {add = true}
        %dma_start3A_248 = arith.constant 13 : i32
        %dma_start3A_249 = arith.constant 13 : i32
        %dma_start3A_250 = arith.constant 0 : i32
        %dma_start3A_251 = tpu.memref_slice %arg16[%dma_start3A_248, %dma_start3A_250] : memref<64x128xf32, #tpu.memory_space<vmem>> -> memref<1x128xf32, #tpu.memory_space<vmem>>
        %dma_start3A_252 = tpu.memref_squeeze %dma_start3A_251 : memref<1x128xf32, #tpu.memory_space<vmem>> -> memref<128xf32, #tpu.memory_space<vmem>>
        %dma_start3A_253 = arith.constant 0 : i32
        %dma_start3A_254 = tpu.memref_slice %arg14[%dma_start3A_249, %dma_start3A_253] : memref<64x128xi32, #tpu.memory_space<vmem>> -> memref<1x128xi32, #tpu.memory_space<vmem>>
        %dma_start3A_255 = tpu.memref_squeeze %dma_start3A_254 : memref<1x128xi32, #tpu.memory_space<vmem>> -> memref<128xi32, #tpu.memory_space<vmem>>
        %dma_start3A_256 = arith.constant 0 : i32
        %dma_start3A_257 = tpu.memref_slice %arg12[%dma_start3A_256] : memref<262144xf32, #tpu.memory_space<vmem_shared>> -> memref<262144xf32, #tpu.memory_space<vmem_shared>>
        tpu.enqueue_indirect_dma source(%dma_start3A_252 : memref<128xf32, #tpu.memory_space<vmem>>) target(%dma_start3A_257 : memref<262144xf32, #tpu.memory_space<vmem_shared>>) offsets(%dma_start3A_255 : memref<128xi32, #tpu.memory_space<vmem>>) semaphore(%arg22 : memref<!tpu.dma_semaphore, #tpu.memory_space<semaphore_mem>>) {add = true}
        %dma_start3A_258 = arith.constant 14 : i32
        %dma_start3A_259 = arith.constant 14 : i32
        %dma_start3A_260 = arith.constant 0 : i32
        %dma_start3A_261 = tpu.memref_slice %arg16[%dma_start3A_258, %dma_start3A_260] : memref<64x128xf32, #tpu.memory_space<vmem>> -> memref<1x128xf32, #tpu.memory_space<vmem>>
        %dma_start3A_262 = tpu.memref_squeeze %dma_start3A_261 : memref<1x128xf32, #tpu.memory_space<vmem>> -> memref<128xf32, #tpu.memory_space<vmem>>
        %dma_start3A_263 = arith.constant 0 : i32
        %dma_start3A_264 = tpu.memref_slice %arg14[%dma_start3A_259, %dma_start3A_263] : memref<64x128xi32, #tpu.memory_space<vmem>> -> memref<1x128xi32, #tpu.memory_space<vmem>>
        %dma_start3A_265 = tpu.memref_squeeze %dma_start3A_264 : memref<1x128xi32, #tpu.memory_space<vmem>> -> memref<128xi32, #tpu.memory_space<vmem>>
        %dma_start3A_266 = arith.constant 0 : i32
        %dma_start3A_267 = tpu.memref_slice %arg12[%dma_start3A_266] : memref<262144xf32, #tpu.memory_space<vmem_shared>> -> memref<262144xf32, #tpu.memory_space<vmem_shared>>
        tpu.enqueue_indirect_dma source(%dma_start3A_262 : memref<128xf32, #tpu.memory_space<vmem>>) target(%dma_start3A_267 : memref<262144xf32, #tpu.memory_space<vmem_shared>>) offsets(%dma_start3A_265 : memref<128xi32, #tpu.memory_space<vmem>>) semaphore(%arg22 : memref<!tpu.dma_semaphore, #tpu.memory_space<semaphore_mem>>) {add = true}
        %dma_start3A_268 = arith.constant 15 : i32
        %dma_start3A_269 = arith.constant 15 : i32
        %dma_start3A_270 = arith.constant 0 : i32
        %dma_start3A_271 = tpu.memref_slice %arg16[%dma_start3A_268, %dma_start3A_270] : memref<64x128xf32, #tpu.memory_space<vmem>> -> memref<1x128xf32, #tpu.memory_space<vmem>>
        %dma_start3A_272 = tpu.memref_squeeze %dma_start3A_271 : memref<1x128xf32, #tpu.memory_space<vmem>> -> memref<128xf32, #tpu.memory_space<vmem>>
        %dma_start3A_273 = arith.constant 0 : i32
        %dma_start3A_274 = tpu.memref_slice %arg14[%dma_start3A_269, %dma_start3A_273] : memref<64x128xi32, #tpu.memory_space<vmem>> -> memref<1x128xi32, #tpu.memory_space<vmem>>
        %dma_start3A_275 = tpu.memref_squeeze %dma_start3A_274 : memref<1x128xi32, #tpu.memory_space<vmem>> -> memref<128xi32, #tpu.memory_space<vmem>>
        %dma_start3A_276 = arith.constant 0 : i32
        %dma_start3A_277 = tpu.memref_slice %arg12[%dma_start3A_276] : memref<262144xf32, #tpu.memory_space<vmem_shared>> -> memref<262144xf32, #tpu.memory_space<vmem_shared>>
        tpu.enqueue_indirect_dma source(%dma_start3A_272 : memref<128xf32, #tpu.memory_space<vmem>>) target(%dma_start3A_277 : memref<262144xf32, #tpu.memory_space<vmem_shared>>) offsets(%dma_start3A_275 : memref<128xi32, #tpu.memory_space<vmem>>) semaphore(%arg22 : memref<!tpu.dma_semaphore, #tpu.memory_space<semaphore_mem>>) {add = true}
        %dma_wait3A_278 = arith.constant 0 : i32
        %dma_wait3A_279 = arith.constant 0 : i32
        %dma_wait3A_280 = arith.constant 0 : i32
        %dma_wait3A_281 = tpu.memref_slice %arg16[%dma_wait3A_278, %dma_wait3A_280] : memref<64x128xf32, #tpu.memory_space<vmem>> -> memref<1x128xf32, #tpu.memory_space<vmem>>
        %dma_wait3A_282 = tpu.memref_squeeze %dma_wait3A_281 : memref<1x128xf32, #tpu.memory_space<vmem>> -> memref<128xf32, #tpu.memory_space<vmem>>
        %dma_wait3A_283 = arith.constant 0 : i32
        %dma_wait3A_284 = tpu.memref_slice %arg14[%dma_wait3A_279, %dma_wait3A_283] : memref<64x128xi32, #tpu.memory_space<vmem>> -> memref<1x128xi32, #tpu.memory_space<vmem>>
        %dma_wait3A_285 = tpu.memref_squeeze %dma_wait3A_284 : memref<1x128xi32, #tpu.memory_space<vmem>> -> memref<128xi32, #tpu.memory_space<vmem>>
        %dma_wait3A_286 = arith.constant 0 : i32
        %dma_wait3A_287 = tpu.memref_slice %arg12[%dma_wait3A_286] : memref<262144xf32, #tpu.memory_space<vmem_shared>> -> memref<262144xf32, #tpu.memory_space<vmem_shared>>
        tpu.wait_indirect_dma semaphore(%arg22 : memref<!tpu.dma_semaphore, #tpu.memory_space<semaphore_mem>>) src(%dma_wait3A_282 : memref<128xf32, #tpu.memory_space<vmem>>) dst(%dma_wait3A_287 : memref<262144xf32, #tpu.memory_space<vmem_shared>>)
        %dma_start3A_288 = arith.constant 16 : i32
        %dma_start3A_289 = arith.constant 16 : i32
        %dma_start3A_290 = arith.constant 0 : i32
        %dma_start3A_291 = tpu.memref_slice %arg16[%dma_start3A_288, %dma_start3A_290] : memref<64x128xf32, #tpu.memory_space<vmem>> -> memref<1x128xf32, #tpu.memory_space<vmem>>
        %dma_start3A_292 = tpu.memref_squeeze %dma_start3A_291 : memref<1x128xf32, #tpu.memory_space<vmem>> -> memref<128xf32, #tpu.memory_space<vmem>>
        %dma_start3A_293 = arith.constant 0 : i32
        %dma_start3A_294 = tpu.memref_slice %arg14[%dma_start3A_289, %dma_start3A_293] : memref<64x128xi32, #tpu.memory_space<vmem>> -> memref<1x128xi32, #tpu.memory_space<vmem>>
        %dma_start3A_295 = tpu.memref_squeeze %dma_start3A_294 : memref<1x128xi32, #tpu.memory_space<vmem>> -> memref<128xi32, #tpu.memory_space<vmem>>
        %dma_start3A_296 = arith.constant 0 : i32
        %dma_start3A_297 = tpu.memref_slice %arg12[%dma_start3A_296] : memref<262144xf32, #tpu.memory_space<vmem_shared>> -> memref<262144xf32, #tpu.memory_space<vmem_shared>>
        tpu.enqueue_indirect_dma source(%dma_start3A_292 : memref<128xf32, #tpu.memory_space<vmem>>) target(%dma_start3A_297 : memref<262144xf32, #tpu.memory_space<vmem_shared>>) offsets(%dma_start3A_295 : memref<128xi32, #tpu.memory_space<vmem>>) semaphore(%arg22 : memref<!tpu.dma_semaphore, #tpu.memory_space<semaphore_mem>>) {add = true}
        %dma_wait3A_298 = arith.constant 1 : i32
        %dma_wait3A_299 = arith.constant 1 : i32
        %dma_wait3A_300 = arith.constant 0 : i32
        %dma_wait3A_301 = tpu.memref_slice %arg16[%dma_wait3A_298, %dma_wait3A_300] : memref<64x128xf32, #tpu.memory_space<vmem>> -> memref<1x128xf32, #tpu.memory_space<vmem>>
        %dma_wait3A_302 = tpu.memref_squeeze %dma_wait3A_301 : memref<1x128xf32, #tpu.memory_space<vmem>> -> memref<128xf32, #tpu.memory_space<vmem>>
        %dma_wait3A_303 = arith.constant 0 : i32
        %dma_wait3A_304 = tpu.memref_slice %arg14[%dma_wait3A_299, %dma_wait3A_303] : memref<64x128xi32, #tpu.memory_space<vmem>> -> memref<1x128xi32, #tpu.memory_space<vmem>>
        %dma_wait3A_305 = tpu.memref_squeeze %dma_wait3A_304 : memref<1x128xi32, #tpu.memory_space<vmem>> -> memref<128xi32, #tpu.memory_space<vmem>>
        %dma_wait3A_306 = arith.constant 0 : i32
        %dma_wait3A_307 = tpu.memref_slice %arg12[%dma_wait3A_306] : memref<262144xf32, #tpu.memory_space<vmem_shared>> -> memref<262144xf32, #tpu.memory_space<vmem_shared>>
        tpu.wait_indirect_dma semaphore(%arg22 : memref<!tpu.dma_semaphore, #tpu.memory_space<semaphore_mem>>) src(%dma_wait3A_302 : memref<128xf32, #tpu.memory_space<vmem>>) dst(%dma_wait3A_307 : memref<262144xf32, #tpu.memory_space<vmem_shared>>)
        %dma_start3A_308 = arith.constant 17 : i32
        %dma_start3A_309 = arith.constant 17 : i32
        %dma_start3A_310 = arith.constant 0 : i32
        %dma_start3A_311 = tpu.memref_slice %arg16[%dma_start3A_308, %dma_start3A_310] : memref<64x128xf32, #tpu.memory_space<vmem>> -> memref<1x128xf32, #tpu.memory_space<vmem>>
        %dma_start3A_312 = tpu.memref_squeeze %dma_start3A_311 : memref<1x128xf32, #tpu.memory_space<vmem>> -> memref<128xf32, #tpu.memory_space<vmem>>
        %dma_start3A_313 = arith.constant 0 : i32
        %dma_start3A_314 = tpu.memref_slice %arg14[%dma_start3A_309, %dma_start3A_313] : memref<64x128xi32, #tpu.memory_space<vmem>> -> memref<1x128xi32, #tpu.memory_space<vmem>>
        %dma_start3A_315 = tpu.memref_squeeze %dma_start3A_314 : memref<1x128xi32, #tpu.memory_space<vmem>> -> memref<128xi32, #tpu.memory_space<vmem>>
        %dma_start3A_316 = arith.constant 0 : i32
        %dma_start3A_317 = tpu.memref_slice %arg12[%dma_start3A_316] : memref<262144xf32, #tpu.memory_space<vmem_shared>> -> memref<262144xf32, #tpu.memory_space<vmem_shared>>
        tpu.enqueue_indirect_dma source(%dma_start3A_312 : memref<128xf32, #tpu.memory_space<vmem>>) target(%dma_start3A_317 : memref<262144xf32, #tpu.memory_space<vmem_shared>>) offsets(%dma_start3A_315 : memref<128xi32, #tpu.memory_space<vmem>>) semaphore(%arg22 : memref<!tpu.dma_semaphore, #tpu.memory_space<semaphore_mem>>) {add = true}
        %dma_wait3A_318 = arith.constant 2 : i32
        %dma_wait3A_319 = arith.constant 2 : i32
        %dma_wait3A_320 = arith.constant 0 : i32
        %dma_wait3A_321 = tpu.memref_slice %arg16[%dma_wait3A_318, %dma_wait3A_320] : memref<64x128xf32, #tpu.memory_space<vmem>> -> memref<1x128xf32, #tpu.memory_space<vmem>>
        %dma_wait3A_322 = tpu.memref_squeeze %dma_wait3A_321 : memref<1x128xf32, #tpu.memory_space<vmem>> -> memref<128xf32, #tpu.memory_space<vmem>>
        %dma_wait3A_323 = arith.constant 0 : i32
        %dma_wait3A_324 = tpu.memref_slice %arg14[%dma_wait3A_319, %dma_wait3A_323] : memref<64x128xi32, #tpu.memory_space<vmem>> -> memref<1x128xi32, #tpu.memory_space<vmem>>
        %dma_wait3A_325 = tpu.memref_squeeze %dma_wait3A_324 : memref<1x128xi32, #tpu.memory_space<vmem>> -> memref<128xi32, #tpu.memory_space<vmem>>
        %dma_wait3A_326 = arith.constant 0 : i32
        %dma_wait3A_327 = tpu.memref_slice %arg12[%dma_wait3A_326] : memref<262144xf32, #tpu.memory_space<vmem_shared>> -> memref<262144xf32, #tpu.memory_space<vmem_shared>>
        tpu.wait_indirect_dma semaphore(%arg22 : memref<!tpu.dma_semaphore, #tpu.memory_space<semaphore_mem>>) src(%dma_wait3A_322 : memref<128xf32, #tpu.memory_space<vmem>>) dst(%dma_wait3A_327 : memref<262144xf32, #tpu.memory_space<vmem_shared>>)
        %dma_start3A_328 = arith.constant 18 : i32
        %dma_start3A_329 = arith.constant 18 : i32
        %dma_start3A_330 = arith.constant 0 : i32
        %dma_start3A_331 = tpu.memref_slice %arg16[%dma_start3A_328, %dma_start3A_330] : memref<64x128xf32, #tpu.memory_space<vmem>> -> memref<1x128xf32, #tpu.memory_space<vmem>>
        %dma_start3A_332 = tpu.memref_squeeze %dma_start3A_331 : memref<1x128xf32, #tpu.memory_space<vmem>> -> memref<128xf32, #tpu.memory_space<vmem>>
        %dma_start3A_333 = arith.constant 0 : i32
        %dma_start3A_334 = tpu.memref_slice %arg14[%dma_start3A_329, %dma_start3A_333] : memref<64x128xi32, #tpu.memory_space<vmem>> -> memref<1x128xi32, #tpu.memory_space<vmem>>
        %dma_start3A_335 = tpu.memref_squeeze %dma_start3A_334 : memref<1x128xi32, #tpu.memory_space<vmem>> -> memref<128xi32, #tpu.memory_space<vmem>>
        %dma_start3A_336 = arith.constant 0 : i32
        %dma_start3A_337 = tpu.memref_slice %arg12[%dma_start3A_336] : memref<262144xf32, #tpu.memory_space<vmem_shared>> -> memref<262144xf32, #tpu.memory_space<vmem_shared>>
        tpu.enqueue_indirect_dma source(%dma_start3A_332 : memref<128xf32, #tpu.memory_space<vmem>>) target(%dma_start3A_337 : memref<262144xf32, #tpu.memory_space<vmem_shared>>) offsets(%dma_start3A_335 : memref<128xi32, #tpu.memory_space<vmem>>) semaphore(%arg22 : memref<!tpu.dma_semaphore, #tpu.memory_space<semaphore_mem>>) {add = true}
        %dma_wait3A_338 = arith.constant 3 : i32
        %dma_wait3A_339 = arith.constant 3 : i32
        %dma_wait3A_340 = arith.constant 0 : i32
        %dma_wait3A_341 = tpu.memref_slice %arg16[%dma_wait3A_338, %dma_wait3A_340] : memref<64x128xf32, #tpu.memory_space<vmem>> -> memref<1x128xf32, #tpu.memory_space<vmem>>
        %dma_wait3A_342 = tpu.memref_squeeze %dma_wait3A_341 : memref<1x128xf32, #tpu.memory_space<vmem>> -> memref<128xf32, #tpu.memory_space<vmem>>
        %dma_wait3A_343 = arith.constant 0 : i32
        %dma_wait3A_344 = tpu.memref_slice %arg14[%dma_wait3A_339, %dma_wait3A_343] : memref<64x128xi32, #tpu.memory_space<vmem>> -> memref<1x128xi32, #tpu.memory_space<vmem>>
        %dma_wait3A_345 = tpu.memref_squeeze %dma_wait3A_344 : memref<1x128xi32, #tpu.memory_space<vmem>> -> memref<128xi32, #tpu.memory_space<vmem>>
        %dma_wait3A_346 = arith.constant 0 : i32
        %dma_wait3A_347 = tpu.memref_slice %arg12[%dma_wait3A_346] : memref<262144xf32, #tpu.memory_space<vmem_shared>> -> memref<262144xf32, #tpu.memory_space<vmem_shared>>
        tpu.wait_indirect_dma semaphore(%arg22 : memref<!tpu.dma_semaphore, #tpu.memory_space<semaphore_mem>>) src(%dma_wait3A_342 : memref<128xf32, #tpu.memory_space<vmem>>) dst(%dma_wait3A_347 : memref<262144xf32, #tpu.memory_space<vmem_shared>>)
        %dma_start3A_348 = arith.constant 19 : i32
        %dma_start3A_349 = arith.constant 19 : i32
        %dma_start3A_350 = arith.constant 0 : i32
        %dma_start3A_351 = tpu.memref_slice %arg16[%dma_start3A_348, %dma_start3A_350] : memref<64x128xf32, #tpu.memory_space<vmem>> -> memref<1x128xf32, #tpu.memory_space<vmem>>
        %dma_start3A_352 = tpu.memref_squeeze %dma_start3A_351 : memref<1x128xf32, #tpu.memory_space<vmem>> -> memref<128xf32, #tpu.memory_space<vmem>>
        %dma_start3A_353 = arith.constant 0 : i32
        %dma_start3A_354 = tpu.memref_slice %arg14[%dma_start3A_349, %dma_start3A_353] : memref<64x128xi32, #tpu.memory_space<vmem>> -> memref<1x128xi32, #tpu.memory_space<vmem>>
        %dma_start3A_355 = tpu.memref_squeeze %dma_start3A_354 : memref<1x128xi32, #tpu.memory_space<vmem>> -> memref<128xi32, #tpu.memory_space<vmem>>
        %dma_start3A_356 = arith.constant 0 : i32
        %dma_start3A_357 = tpu.memref_slice %arg12[%dma_start3A_356] : memref<262144xf32, #tpu.memory_space<vmem_shared>> -> memref<262144xf32, #tpu.memory_space<vmem_shared>>
        tpu.enqueue_indirect_dma source(%dma_start3A_352 : memref<128xf32, #tpu.memory_space<vmem>>) target(%dma_start3A_357 : memref<262144xf32, #tpu.memory_space<vmem_shared>>) offsets(%dma_start3A_355 : memref<128xi32, #tpu.memory_space<vmem>>) semaphore(%arg22 : memref<!tpu.dma_semaphore, #tpu.memory_space<semaphore_mem>>) {add = true}
        %dma_wait3A_358 = arith.constant 4 : i32
        %dma_wait3A_359 = arith.constant 4 : i32
        %dma_wait3A_360 = arith.constant 0 : i32
        %dma_wait3A_361 = tpu.memref_slice %arg16[%dma_wait3A_358, %dma_wait3A_360] : memref<64x128xf32, #tpu.memory_space<vmem>> -> memref<1x128xf32, #tpu.memory_space<vmem>>
        %dma_wait3A_362 = tpu.memref_squeeze %dma_wait3A_361 : memref<1x128xf32, #tpu.memory_space<vmem>> -> memref<128xf32, #tpu.memory_space<vmem>>
        %dma_wait3A_363 = arith.constant 0 : i32
        %dma_wait3A_364 = tpu.memref_slice %arg14[%dma_wait3A_359, %dma_wait3A_363] : memref<64x128xi32, #tpu.memory_space<vmem>> -> memref<1x128xi32, #tpu.memory_space<vmem>>
        %dma_wait3A_365 = tpu.memref_squeeze %dma_wait3A_364 : memref<1x128xi32, #tpu.memory_space<vmem>> -> memref<128xi32, #tpu.memory_space<vmem>>
        %dma_wait3A_366 = arith.constant 0 : i32
        %dma_wait3A_367 = tpu.memref_slice %arg12[%dma_wait3A_366] : memref<262144xf32, #tpu.memory_space<vmem_shared>> -> memref<262144xf32, #tpu.memory_space<vmem_shared>>
        tpu.wait_indirect_dma semaphore(%arg22 : memref<!tpu.dma_semaphore, #tpu.memory_space<semaphore_mem>>) src(%dma_wait3A_362 : memref<128xf32, #tpu.memory_space<vmem>>) dst(%dma_wait3A_367 : memref<262144xf32, #tpu.memory_space<vmem_shared>>)
        %dma_start3A_368 = arith.constant 20 : i32
        %dma_start3A_369 = arith.constant 20 : i32
        %dma_start3A_370 = arith.constant 0 : i32
        %dma_start3A_371 = tpu.memref_slice %arg16[%dma_start3A_368, %dma_start3A_370] : memref<64x128xf32, #tpu.memory_space<vmem>> -> memref<1x128xf32, #tpu.memory_space<vmem>>
        %dma_start3A_372 = tpu.memref_squeeze %dma_start3A_371 : memref<1x128xf32, #tpu.memory_space<vmem>> -> memref<128xf32, #tpu.memory_space<vmem>>
        %dma_start3A_373 = arith.constant 0 : i32
        %dma_start3A_374 = tpu.memref_slice %arg14[%dma_start3A_369, %dma_start3A_373] : memref<64x128xi32, #tpu.memory_space<vmem>> -> memref<1x128xi32, #tpu.memory_space<vmem>>
        %dma_start3A_375 = tpu.memref_squeeze %dma_start3A_374 : memref<1x128xi32, #tpu.memory_space<vmem>> -> memref<128xi32, #tpu.memory_space<vmem>>
        %dma_start3A_376 = arith.constant 0 : i32
        %dma_start3A_377 = tpu.memref_slice %arg12[%dma_start3A_376] : memref<262144xf32, #tpu.memory_space<vmem_shared>> -> memref<262144xf32, #tpu.memory_space<vmem_shared>>
        tpu.enqueue_indirect_dma source(%dma_start3A_372 : memref<128xf32, #tpu.memory_space<vmem>>) target(%dma_start3A_377 : memref<262144xf32, #tpu.memory_space<vmem_shared>>) offsets(%dma_start3A_375 : memref<128xi32, #tpu.memory_space<vmem>>) semaphore(%arg22 : memref<!tpu.dma_semaphore, #tpu.memory_space<semaphore_mem>>) {add = true}
        %dma_wait3A_378 = arith.constant 5 : i32
        %dma_wait3A_379 = arith.constant 5 : i32
        %dma_wait3A_380 = arith.constant 0 : i32
        %dma_wait3A_381 = tpu.memref_slice %arg16[%dma_wait3A_378, %dma_wait3A_380] : memref<64x128xf32, #tpu.memory_space<vmem>> -> memref<1x128xf32, #tpu.memory_space<vmem>>
        %dma_wait3A_382 = tpu.memref_squeeze %dma_wait3A_381 : memref<1x128xf32, #tpu.memory_space<vmem>> -> memref<128xf32, #tpu.memory_space<vmem>>
        %dma_wait3A_383 = arith.constant 0 : i32
        %dma_wait3A_384 = tpu.memref_slice %arg14[%dma_wait3A_379, %dma_wait3A_383] : memref<64x128xi32, #tpu.memory_space<vmem>> -> memref<1x128xi32, #tpu.memory_space<vmem>>
        %dma_wait3A_385 = tpu.memref_squeeze %dma_wait3A_384 : memref<1x128xi32, #tpu.memory_space<vmem>> -> memref<128xi32, #tpu.memory_space<vmem>>
        %dma_wait3A_386 = arith.constant 0 : i32
        %dma_wait3A_387 = tpu.memref_slice %arg12[%dma_wait3A_386] : memref<262144xf32, #tpu.memory_space<vmem_shared>> -> memref<262144xf32, #tpu.memory_space<vmem_shared>>
        tpu.wait_indirect_dma semaphore(%arg22 : memref<!tpu.dma_semaphore, #tpu.memory_space<semaphore_mem>>) src(%dma_wait3A_382 : memref<128xf32, #tpu.memory_space<vmem>>) dst(%dma_wait3A_387 : memref<262144xf32, #tpu.memory_space<vmem_shared>>)
        %dma_start3A_388 = arith.constant 21 : i32
        %dma_start3A_389 = arith.constant 21 : i32
        %dma_start3A_390 = arith.constant 0 : i32
        %dma_start3A_391 = tpu.memref_slice %arg16[%dma_start3A_388, %dma_start3A_390] : memref<64x128xf32, #tpu.memory_space<vmem>> -> memref<1x128xf32, #tpu.memory_space<vmem>>
        %dma_start3A_392 = tpu.memref_squeeze %dma_start3A_391 : memref<1x128xf32, #tpu.memory_space<vmem>> -> memref<128xf32, #tpu.memory_space<vmem>>
        %dma_start3A_393 = arith.constant 0 : i32
        %dma_start3A_394 = tpu.memref_slice %arg14[%dma_start3A_389, %dma_start3A_393] : memref<64x128xi32, #tpu.memory_space<vmem>> -> memref<1x128xi32, #tpu.memory_space<vmem>>
        %dma_start3A_395 = tpu.memref_squeeze %dma_start3A_394 : memref<1x128xi32, #tpu.memory_space<vmem>> -> memref<128xi32, #tpu.memory_space<vmem>>
        %dma_start3A_396 = arith.constant 0 : i32
        %dma_start3A_397 = tpu.memref_slice %arg12[%dma_start3A_396] : memref<262144xf32, #tpu.memory_space<vmem_shared>> -> memref<262144xf32, #tpu.memory_space<vmem_shared>>
        tpu.enqueue_indirect_dma source(%dma_start3A_392 : memref<128xf32, #tpu.memory_space<vmem>>) target(%dma_start3A_397 : memref<262144xf32, #tpu.memory_space<vmem_shared>>) offsets(%dma_start3A_395 : memref<128xi32, #tpu.memory_space<vmem>>) semaphore(%arg22 : memref<!tpu.dma_semaphore, #tpu.memory_space<semaphore_mem>>) {add = true}
        %dma_wait3A_398 = arith.constant 6 : i32
        %dma_wait3A_399 = arith.constant 6 : i32
        %dma_wait3A_400 = arith.constant 0 : i32
        %dma_wait3A_401 = tpu.memref_slice %arg16[%dma_wait3A_398, %dma_wait3A_400] : memref<64x128xf32, #tpu.memory_space<vmem>> -> memref<1x128xf32, #tpu.memory_space<vmem>>
        %dma_wait3A_402 = tpu.memref_squeeze %dma_wait3A_401 : memref<1x128xf32, #tpu.memory_space<vmem>> -> memref<128xf32, #tpu.memory_space<vmem>>
        %dma_wait3A_403 = arith.constant 0 : i32
        %dma_wait3A_404 = tpu.memref_slice %arg14[%dma_wait3A_399, %dma_wait3A_403] : memref<64x128xi32, #tpu.memory_space<vmem>> -> memref<1x128xi32, #tpu.memory_space<vmem>>
        %dma_wait3A_405 = tpu.memref_squeeze %dma_wait3A_404 : memref<1x128xi32, #tpu.memory_space<vmem>> -> memref<128xi32, #tpu.memory_space<vmem>>
        %dma_wait3A_406 = arith.constant 0 : i32
        %dma_wait3A_407 = tpu.memref_slice %arg12[%dma_wait3A_406] : memref<262144xf32, #tpu.memory_space<vmem_shared>> -> memref<262144xf32, #tpu.memory_space<vmem_shared>>
        tpu.wait_indirect_dma semaphore(%arg22 : memref<!tpu.dma_semaphore, #tpu.memory_space<semaphore_mem>>) src(%dma_wait3A_402 : memref<128xf32, #tpu.memory_space<vmem>>) dst(%dma_wait3A_407 : memref<262144xf32, #tpu.memory_space<vmem_shared>>)
        %dma_start3A_408 = arith.constant 22 : i32
        %dma_start3A_409 = arith.constant 22 : i32
        %dma_start3A_410 = arith.constant 0 : i32
        %dma_start3A_411 = tpu.memref_slice %arg16[%dma_start3A_408, %dma_start3A_410] : memref<64x128xf32, #tpu.memory_space<vmem>> -> memref<1x128xf32, #tpu.memory_space<vmem>>
        %dma_start3A_412 = tpu.memref_squeeze %dma_start3A_411 : memref<1x128xf32, #tpu.memory_space<vmem>> -> memref<128xf32, #tpu.memory_space<vmem>>
        %dma_start3A_413 = arith.constant 0 : i32
        %dma_start3A_414 = tpu.memref_slice %arg14[%dma_start3A_409, %dma_start3A_413] : memref<64x128xi32, #tpu.memory_space<vmem>> -> memref<1x128xi32, #tpu.memory_space<vmem>>
        %dma_start3A_415 = tpu.memref_squeeze %dma_start3A_414 : memref<1x128xi32, #tpu.memory_space<vmem>> -> memref<128xi32, #tpu.memory_space<vmem>>
        %dma_start3A_416 = arith.constant 0 : i32
        %dma_start3A_417 = tpu.memref_slice %arg12[%dma_start3A_416] : memref<262144xf32, #tpu.memory_space<vmem_shared>> -> memref<262144xf32, #tpu.memory_space<vmem_shared>>
        tpu.enqueue_indirect_dma source(%dma_start3A_412 : memref<128xf32, #tpu.memory_space<vmem>>) target(%dma_start3A_417 : memref<262144xf32, #tpu.memory_space<vmem_shared>>) offsets(%dma_start3A_415 : memref<128xi32, #tpu.memory_space<vmem>>) semaphore(%arg22 : memref<!tpu.dma_semaphore, #tpu.memory_space<semaphore_mem>>) {add = true}
        %dma_wait3A_418 = arith.constant 7 : i32
        %dma_wait3A_419 = arith.constant 7 : i32
        %dma_wait3A_420 = arith.constant 0 : i32
        %dma_wait3A_421 = tpu.memref_slice %arg16[%dma_wait3A_418, %dma_wait3A_420] : memref<64x128xf32, #tpu.memory_space<vmem>> -> memref<1x128xf32, #tpu.memory_space<vmem>>
        %dma_wait3A_422 = tpu.memref_squeeze %dma_wait3A_421 : memref<1x128xf32, #tpu.memory_space<vmem>> -> memref<128xf32, #tpu.memory_space<vmem>>
        %dma_wait3A_423 = arith.constant 0 : i32
        %dma_wait3A_424 = tpu.memref_slice %arg14[%dma_wait3A_419, %dma_wait3A_423] : memref<64x128xi32, #tpu.memory_space<vmem>> -> memref<1x128xi32, #tpu.memory_space<vmem>>
        %dma_wait3A_425 = tpu.memref_squeeze %dma_wait3A_424 : memref<1x128xi32, #tpu.memory_space<vmem>> -> memref<128xi32, #tpu.memory_space<vmem>>
        %dma_wait3A_426 = arith.constant 0 : i32
        %dma_wait3A_427 = tpu.memref_slice %arg12[%dma_wait3A_426] : memref<262144xf32, #tpu.memory_space<vmem_shared>> -> memref<262144xf32, #tpu.memory_space<vmem_shared>>
        tpu.wait_indirect_dma semaphore(%arg22 : memref<!tpu.dma_semaphore, #tpu.memory_space<semaphore_mem>>) src(%dma_wait3A_422 : memref<128xf32, #tpu.memory_space<vmem>>) dst(%dma_wait3A_427 : memref<262144xf32, #tpu.memory_space<vmem_shared>>)
        %dma_start3A_428 = arith.constant 23 : i32
        %dma_start3A_429 = arith.constant 23 : i32
        %dma_start3A_430 = arith.constant 0 : i32
        %dma_start3A_431 = tpu.memref_slice %arg16[%dma_start3A_428, %dma_start3A_430] : memref<64x128xf32, #tpu.memory_space<vmem>> -> memref<1x128xf32, #tpu.memory_space<vmem>>
        %dma_start3A_432 = tpu.memref_squeeze %dma_start3A_431 : memref<1x128xf32, #tpu.memory_space<vmem>> -> memref<128xf32, #tpu.memory_space<vmem>>
        %dma_start3A_433 = arith.constant 0 : i32
        %dma_start3A_434 = tpu.memref_slice %arg14[%dma_start3A_429, %dma_start3A_433] : memref<64x128xi32, #tpu.memory_space<vmem>> -> memref<1x128xi32, #tpu.memory_space<vmem>>
        %dma_start3A_435 = tpu.memref_squeeze %dma_start3A_434 : memref<1x128xi32, #tpu.memory_space<vmem>> -> memref<128xi32, #tpu.memory_space<vmem>>
        %dma_start3A_436 = arith.constant 0 : i32
        %dma_start3A_437 = tpu.memref_slice %arg12[%dma_start3A_436] : memref<262144xf32, #tpu.memory_space<vmem_shared>> -> memref<262144xf32, #tpu.memory_space<vmem_shared>>
        tpu.enqueue_indirect_dma source(%dma_start3A_432 : memref<128xf32, #tpu.memory_space<vmem>>) target(%dma_start3A_437 : memref<262144xf32, #tpu.memory_space<vmem_shared>>) offsets(%dma_start3A_435 : memref<128xi32, #tpu.memory_space<vmem>>) semaphore(%arg22 : memref<!tpu.dma_semaphore, #tpu.memory_space<semaphore_mem>>) {add = true}
        %dma_wait3A_438 = arith.constant 8 : i32
        %dma_wait3A_439 = arith.constant 8 : i32
        %dma_wait3A_440 = arith.constant 0 : i32
        %dma_wait3A_441 = tpu.memref_slice %arg16[%dma_wait3A_438, %dma_wait3A_440] : memref<64x128xf32, #tpu.memory_space<vmem>> -> memref<1x128xf32, #tpu.memory_space<vmem>>
        %dma_wait3A_442 = tpu.memref_squeeze %dma_wait3A_441 : memref<1x128xf32, #tpu.memory_space<vmem>> -> memref<128xf32, #tpu.memory_space<vmem>>
        %dma_wait3A_443 = arith.constant 0 : i32
        %dma_wait3A_444 = tpu.memref_slice %arg14[%dma_wait3A_439, %dma_wait3A_443] : memref<64x128xi32, #tpu.memory_space<vmem>> -> memref<1x128xi32, #tpu.memory_space<vmem>>
        %dma_wait3A_445 = tpu.memref_squeeze %dma_wait3A_444 : memref<1x128xi32, #tpu.memory_space<vmem>> -> memref<128xi32, #tpu.memory_space<vmem>>
        %dma_wait3A_446 = arith.constant 0 : i32
        %dma_wait3A_447 = tpu.memref_slice %arg12[%dma_wait3A_446] : memref<262144xf32, #tpu.memory_space<vmem_shared>> -> memref<262144xf32, #tpu.memory_space<vmem_shared>>
        tpu.wait_indirect_dma semaphore(%arg22 : memref<!tpu.dma_semaphore, #tpu.memory_space<semaphore_mem>>) src(%dma_wait3A_442 : memref<128xf32, #tpu.memory_space<vmem>>) dst(%dma_wait3A_447 : memref<262144xf32, #tpu.memory_space<vmem_shared>>)
        %dma_start3A_448 = arith.constant 24 : i32
        %dma_start3A_449 = arith.constant 24 : i32
        %dma_start3A_450 = arith.constant 0 : i32
        %dma_start3A_451 = tpu.memref_slice %arg16[%dma_start3A_448, %dma_start3A_450] : memref<64x128xf32, #tpu.memory_space<vmem>> -> memref<1x128xf32, #tpu.memory_space<vmem>>
        %dma_start3A_452 = tpu.memref_squeeze %dma_start3A_451 : memref<1x128xf32, #tpu.memory_space<vmem>> -> memref<128xf32, #tpu.memory_space<vmem>>
        %dma_start3A_453 = arith.constant 0 : i32
        %dma_start3A_454 = tpu.memref_slice %arg14[%dma_start3A_449, %dma_start3A_453] : memref<64x128xi32, #tpu.memory_space<vmem>> -> memref<1x128xi32, #tpu.memory_space<vmem>>
        %dma_start3A_455 = tpu.memref_squeeze %dma_start3A_454 : memref<1x128xi32, #tpu.memory_space<vmem>> -> memref<128xi32, #tpu.memory_space<vmem>>
        %dma_start3A_456 = arith.constant 0 : i32
        %dma_start3A_457 = tpu.memref_slice %arg12[%dma_start3A_456] : memref<262144xf32, #tpu.memory_space<vmem_shared>> -> memref<262144xf32, #tpu.memory_space<vmem_shared>>
        tpu.enqueue_indirect_dma source(%dma_start3A_452 : memref<128xf32, #tpu.memory_space<vmem>>) target(%dma_start3A_457 : memref<262144xf32, #tpu.memory_space<vmem_shared>>) offsets(%dma_start3A_455 : memref<128xi32, #tpu.memory_space<vmem>>) semaphore(%arg22 : memref<!tpu.dma_semaphore, #tpu.memory_space<semaphore_mem>>) {add = true}
        %dma_wait3A_458 = arith.constant 9 : i32
        %dma_wait3A_459 = arith.constant 9 : i32
        %dma_wait3A_460 = arith.constant 0 : i32
        %dma_wait3A_461 = tpu.memref_slice %arg16[%dma_wait3A_458, %dma_wait3A_460] : memref<64x128xf32, #tpu.memory_space<vmem>> -> memref<1x128xf32, #tpu.memory_space<vmem>>
        %dma_wait3A_462 = tpu.memref_squeeze %dma_wait3A_461 : memref<1x128xf32, #tpu.memory_space<vmem>> -> memref<128xf32, #tpu.memory_space<vmem>>
        %dma_wait3A_463 = arith.constant 0 : i32
        %dma_wait3A_464 = tpu.memref_slice %arg14[%dma_wait3A_459, %dma_wait3A_463] : memref<64x128xi32, #tpu.memory_space<vmem>> -> memref<1x128xi32, #tpu.memory_space<vmem>>
        %dma_wait3A_465 = tpu.memref_squeeze %dma_wait3A_464 : memref<1x128xi32, #tpu.memory_space<vmem>> -> memref<128xi32, #tpu.memory_space<vmem>>
        %dma_wait3A_466 = arith.constant 0 : i32
        %dma_wait3A_467 = tpu.memref_slice %arg12[%dma_wait3A_466] : memref<262144xf32, #tpu.memory_space<vmem_shared>> -> memref<262144xf32, #tpu.memory_space<vmem_shared>>
        tpu.wait_indirect_dma semaphore(%arg22 : memref<!tpu.dma_semaphore, #tpu.memory_space<semaphore_mem>>) src(%dma_wait3A_462 : memref<128xf32, #tpu.memory_space<vmem>>) dst(%dma_wait3A_467 : memref<262144xf32, #tpu.memory_space<vmem_shared>>)
        %dma_start3A_468 = arith.constant 25 : i32
        %dma_start3A_469 = arith.constant 25 : i32
        %dma_start3A_470 = arith.constant 0 : i32
        %dma_start3A_471 = tpu.memref_slice %arg16[%dma_start3A_468, %dma_start3A_470] : memref<64x128xf32, #tpu.memory_space<vmem>> -> memref<1x128xf32, #tpu.memory_space<vmem>>
        %dma_start3A_472 = tpu.memref_squeeze %dma_start3A_471 : memref<1x128xf32, #tpu.memory_space<vmem>> -> memref<128xf32, #tpu.memory_space<vmem>>
        %dma_start3A_473 = arith.constant 0 : i32
        %dma_start3A_474 = tpu.memref_slice %arg14[%dma_start3A_469, %dma_start3A_473] : memref<64x128xi32, #tpu.memory_space<vmem>> -> memref<1x128xi32, #tpu.memory_space<vmem>>
        %dma_start3A_475 = tpu.memref_squeeze %dma_start3A_474 : memref<1x128xi32, #tpu.memory_space<vmem>> -> memref<128xi32, #tpu.memory_space<vmem>>
        %dma_start3A_476 = arith.constant 0 : i32
        %dma_start3A_477 = tpu.memref_slice %arg12[%dma_start3A_476] : memref<262144xf32, #tpu.memory_space<vmem_shared>> -> memref<262144xf32, #tpu.memory_space<vmem_shared>>
        tpu.enqueue_indirect_dma source(%dma_start3A_472 : memref<128xf32, #tpu.memory_space<vmem>>) target(%dma_start3A_477 : memref<262144xf32, #tpu.memory_space<vmem_shared>>) offsets(%dma_start3A_475 : memref<128xi32, #tpu.memory_space<vmem>>) semaphore(%arg22 : memref<!tpu.dma_semaphore, #tpu.memory_space<semaphore_mem>>) {add = true}
        %dma_wait3A_478 = arith.constant 10 : i32
        %dma_wait3A_479 = arith.constant 10 : i32
        %dma_wait3A_480 = arith.constant 0 : i32
        %dma_wait3A_481 = tpu.memref_slice %arg16[%dma_wait3A_478, %dma_wait3A_480] : memref<64x128xf32, #tpu.memory_space<vmem>> -> memref<1x128xf32, #tpu.memory_space<vmem>>
        %dma_wait3A_482 = tpu.memref_squeeze %dma_wait3A_481 : memref<1x128xf32, #tpu.memory_space<vmem>> -> memref<128xf32, #tpu.memory_space<vmem>>
        %dma_wait3A_483 = arith.constant 0 : i32
        %dma_wait3A_484 = tpu.memref_slice %arg14[%dma_wait3A_479, %dma_wait3A_483] : memref<64x128xi32, #tpu.memory_space<vmem>> -> memref<1x128xi32, #tpu.memory_space<vmem>>
        %dma_wait3A_485 = tpu.memref_squeeze %dma_wait3A_484 : memref<1x128xi32, #tpu.memory_space<vmem>> -> memref<128xi32, #tpu.memory_space<vmem>>
        %dma_wait3A_486 = arith.constant 0 : i32
        %dma_wait3A_487 = tpu.memref_slice %arg12[%dma_wait3A_486] : memref<262144xf32, #tpu.memory_space<vmem_shared>> -> memref<262144xf32, #tpu.memory_space<vmem_shared>>
        tpu.wait_indirect_dma semaphore(%arg22 : memref<!tpu.dma_semaphore, #tpu.memory_space<semaphore_mem>>) src(%dma_wait3A_482 : memref<128xf32, #tpu.memory_space<vmem>>) dst(%dma_wait3A_487 : memref<262144xf32, #tpu.memory_space<vmem_shared>>)
        %dma_start3A_488 = arith.constant 26 : i32
        %dma_start3A_489 = arith.constant 26 : i32
        %dma_start3A_490 = arith.constant 0 : i32
        %dma_start3A_491 = tpu.memref_slice %arg16[%dma_start3A_488, %dma_start3A_490] : memref<64x128xf32, #tpu.memory_space<vmem>> -> memref<1x128xf32, #tpu.memory_space<vmem>>
        %dma_start3A_492 = tpu.memref_squeeze %dma_start3A_491 : memref<1x128xf32, #tpu.memory_space<vmem>> -> memref<128xf32, #tpu.memory_space<vmem>>
        %dma_start3A_493 = arith.constant 0 : i32
        %dma_start3A_494 = tpu.memref_slice %arg14[%dma_start3A_489, %dma_start3A_493] : memref<64x128xi32, #tpu.memory_space<vmem>> -> memref<1x128xi32, #tpu.memory_space<vmem>>
        %dma_start3A_495 = tpu.memref_squeeze %dma_start3A_494 : memref<1x128xi32, #tpu.memory_space<vmem>> -> memref<128xi32, #tpu.memory_space<vmem>>
        %dma_start3A_496 = arith.constant 0 : i32
        %dma_start3A_497 = tpu.memref_slice %arg12[%dma_start3A_496] : memref<262144xf32, #tpu.memory_space<vmem_shared>> -> memref<262144xf32, #tpu.memory_space<vmem_shared>>
        tpu.enqueue_indirect_dma source(%dma_start3A_492 : memref<128xf32, #tpu.memory_space<vmem>>) target(%dma_start3A_497 : memref<262144xf32, #tpu.memory_space<vmem_shared>>) offsets(%dma_start3A_495 : memref<128xi32, #tpu.memory_space<vmem>>) semaphore(%arg22 : memref<!tpu.dma_semaphore, #tpu.memory_space<semaphore_mem>>) {add = true}
        %dma_wait3A_498 = arith.constant 11 : i32
        %dma_wait3A_499 = arith.constant 11 : i32
        %dma_wait3A_500 = arith.constant 0 : i32
        %dma_wait3A_501 = tpu.memref_slice %arg16[%dma_wait3A_498, %dma_wait3A_500] : memref<64x128xf32, #tpu.memory_space<vmem>> -> memref<1x128xf32, #tpu.memory_space<vmem>>
        %dma_wait3A_502 = tpu.memref_squeeze %dma_wait3A_501 : memref<1x128xf32, #tpu.memory_space<vmem>> -> memref<128xf32, #tpu.memory_space<vmem>>
        %dma_wait3A_503 = arith.constant 0 : i32
        %dma_wait3A_504 = tpu.memref_slice %arg14[%dma_wait3A_499, %dma_wait3A_503] : memref<64x128xi32, #tpu.memory_space<vmem>> -> memref<1x128xi32, #tpu.memory_space<vmem>>
        %dma_wait3A_505 = tpu.memref_squeeze %dma_wait3A_504 : memref<1x128xi32, #tpu.memory_space<vmem>> -> memref<128xi32, #tpu.memory_space<vmem>>
        %dma_wait3A_506 = arith.constant 0 : i32
        %dma_wait3A_507 = tpu.memref_slice %arg12[%dma_wait3A_506] : memref<262144xf32, #tpu.memory_space<vmem_shared>> -> memref<262144xf32, #tpu.memory_space<vmem_shared>>
        tpu.wait_indirect_dma semaphore(%arg22 : memref<!tpu.dma_semaphore, #tpu.memory_space<semaphore_mem>>) src(%dma_wait3A_502 : memref<128xf32, #tpu.memory_space<vmem>>) dst(%dma_wait3A_507 : memref<262144xf32, #tpu.memory_space<vmem_shared>>)
        %dma_start3A_508 = arith.constant 27 : i32
        %dma_start3A_509 = arith.constant 27 : i32
        %dma_start3A_510 = arith.constant 0 : i32
        %dma_start3A_511 = tpu.memref_slice %arg16[%dma_start3A_508, %dma_start3A_510] : memref<64x128xf32, #tpu.memory_space<vmem>> -> memref<1x128xf32, #tpu.memory_space<vmem>>
        %dma_start3A_512 = tpu.memref_squeeze %dma_start3A_511 : memref<1x128xf32, #tpu.memory_space<vmem>> -> memref<128xf32, #tpu.memory_space<vmem>>
        %dma_start3A_513 = arith.constant 0 : i32
        %dma_start3A_514 = tpu.memref_slice %arg14[%dma_start3A_509, %dma_start3A_513] : memref<64x128xi32, #tpu.memory_space<vmem>> -> memref<1x128xi32, #tpu.memory_space<vmem>>
        %dma_start3A_515 = tpu.memref_squeeze %dma_start3A_514 : memref<1x128xi32, #tpu.memory_space<vmem>> -> memref<128xi32, #tpu.memory_space<vmem>>
        %dma_start3A_516 = arith.constant 0 : i32
        %dma_start3A_517 = tpu.memref_slice %arg12[%dma_start3A_516] : memref<262144xf32, #tpu.memory_space<vmem_shared>> -> memref<262144xf32, #tpu.memory_space<vmem_shared>>
        tpu.enqueue_indirect_dma source(%dma_start3A_512 : memref<128xf32, #tpu.memory_space<vmem>>) target(%dma_start3A_517 : memref<262144xf32, #tpu.memory_space<vmem_shared>>) offsets(%dma_start3A_515 : memref<128xi32, #tpu.memory_space<vmem>>) semaphore(%arg22 : memref<!tpu.dma_semaphore, #tpu.memory_space<semaphore_mem>>) {add = true}
        %dma_wait3A_518 = arith.constant 12 : i32
        %dma_wait3A_519 = arith.constant 12 : i32
        %dma_wait3A_520 = arith.constant 0 : i32
        %dma_wait3A_521 = tpu.memref_slice %arg16[%dma_wait3A_518, %dma_wait3A_520] : memref<64x128xf32, #tpu.memory_space<vmem>> -> memref<1x128xf32, #tpu.memory_space<vmem>>
        %dma_wait3A_522 = tpu.memref_squeeze %dma_wait3A_521 : memref<1x128xf32, #tpu.memory_space<vmem>> -> memref<128xf32, #tpu.memory_space<vmem>>
        %dma_wait3A_523 = arith.constant 0 : i32
        %dma_wait3A_524 = tpu.memref_slice %arg14[%dma_wait3A_519, %dma_wait3A_523] : memref<64x128xi32, #tpu.memory_space<vmem>> -> memref<1x128xi32, #tpu.memory_space<vmem>>
        %dma_wait3A_525 = tpu.memref_squeeze %dma_wait3A_524 : memref<1x128xi32, #tpu.memory_space<vmem>> -> memref<128xi32, #tpu.memory_space<vmem>>
        %dma_wait3A_526 = arith.constant 0 : i32
        %dma_wait3A_527 = tpu.memref_slice %arg12[%dma_wait3A_526] : memref<262144xf32, #tpu.memory_space<vmem_shared>> -> memref<262144xf32, #tpu.memory_space<vmem_shared>>
        tpu.wait_indirect_dma semaphore(%arg22 : memref<!tpu.dma_semaphore, #tpu.memory_space<semaphore_mem>>) src(%dma_wait3A_522 : memref<128xf32, #tpu.memory_space<vmem>>) dst(%dma_wait3A_527 : memref<262144xf32, #tpu.memory_space<vmem_shared>>)
        %dma_start3A_528 = arith.constant 28 : i32
        %dma_start3A_529 = arith.constant 28 : i32
        %dma_start3A_530 = arith.constant 0 : i32
        %dma_start3A_531 = tpu.memref_slice %arg16[%dma_start3A_528, %dma_start3A_530] : memref<64x128xf32, #tpu.memory_space<vmem>> -> memref<1x128xf32, #tpu.memory_space<vmem>>
        %dma_start3A_532 = tpu.memref_squeeze %dma_start3A_531 : memref<1x128xf32, #tpu.memory_space<vmem>> -> memref<128xf32, #tpu.memory_space<vmem>>
        %dma_start3A_533 = arith.constant 0 : i32
        %dma_start3A_534 = tpu.memref_slice %arg14[%dma_start3A_529, %dma_start3A_533] : memref<64x128xi32, #tpu.memory_space<vmem>> -> memref<1x128xi32, #tpu.memory_space<vmem>>
        %dma_start3A_535 = tpu.memref_squeeze %dma_start3A_534 : memref<1x128xi32, #tpu.memory_space<vmem>> -> memref<128xi32, #tpu.memory_space<vmem>>
        %dma_start3A_536 = arith.constant 0 : i32
        %dma_start3A_537 = tpu.memref_slice %arg12[%dma_start3A_536] : memref<262144xf32, #tpu.memory_space<vmem_shared>> -> memref<262144xf32, #tpu.memory_space<vmem_shared>>
        tpu.enqueue_indirect_dma source(%dma_start3A_532 : memref<128xf32, #tpu.memory_space<vmem>>) target(%dma_start3A_537 : memref<262144xf32, #tpu.memory_space<vmem_shared>>) offsets(%dma_start3A_535 : memref<128xi32, #tpu.memory_space<vmem>>) semaphore(%arg22 : memref<!tpu.dma_semaphore, #tpu.memory_space<semaphore_mem>>) {add = true}
        %dma_wait3A_538 = arith.constant 13 : i32
        %dma_wait3A_539 = arith.constant 13 : i32
        %dma_wait3A_540 = arith.constant 0 : i32
        %dma_wait3A_541 = tpu.memref_slice %arg16[%dma_wait3A_538, %dma_wait3A_540] : memref<64x128xf32, #tpu.memory_space<vmem>> -> memref<1x128xf32, #tpu.memory_space<vmem>>
        %dma_wait3A_542 = tpu.memref_squeeze %dma_wait3A_541 : memref<1x128xf32, #tpu.memory_space<vmem>> -> memref<128xf32, #tpu.memory_space<vmem>>
        %dma_wait3A_543 = arith.constant 0 : i32
        %dma_wait3A_544 = tpu.memref_slice %arg14[%dma_wait3A_539, %dma_wait3A_543] : memref<64x128xi32, #tpu.memory_space<vmem>> -> memref<1x128xi32, #tpu.memory_space<vmem>>
        %dma_wait3A_545 = tpu.memref_squeeze %dma_wait3A_544 : memref<1x128xi32, #tpu.memory_space<vmem>> -> memref<128xi32, #tpu.memory_space<vmem>>
        %dma_wait3A_546 = arith.constant 0 : i32
        %dma_wait3A_547 = tpu.memref_slice %arg12[%dma_wait3A_546] : memref<262144xf32, #tpu.memory_space<vmem_shared>> -> memref<262144xf32, #tpu.memory_space<vmem_shared>>
        tpu.wait_indirect_dma semaphore(%arg22 : memref<!tpu.dma_semaphore, #tpu.memory_space<semaphore_mem>>) src(%dma_wait3A_542 : memref<128xf32, #tpu.memory_space<vmem>>) dst(%dma_wait3A_547 : memref<262144xf32, #tpu.memory_space<vmem_shared>>)
        %dma_start3A_548 = arith.constant 29 : i32
        %dma_start3A_549 = arith.constant 29 : i32
        %dma_start3A_550 = arith.constant 0 : i32
        %dma_start3A_551 = tpu.memref_slice %arg16[%dma_start3A_548, %dma_start3A_550] : memref<64x128xf32, #tpu.memory_space<vmem>> -> memref<1x128xf32, #tpu.memory_space<vmem>>
        %dma_start3A_552 = tpu.memref_squeeze %dma_start3A_551 : memref<1x128xf32, #tpu.memory_space<vmem>> -> memref<128xf32, #tpu.memory_space<vmem>>
        %dma_start3A_553 = arith.constant 0 : i32
        %dma_start3A_554 = tpu.memref_slice %arg14[%dma_start3A_549, %dma_start3A_553] : memref<64x128xi32, #tpu.memory_space<vmem>> -> memref<1x128xi32, #tpu.memory_space<vmem>>
        %dma_start3A_555 = tpu.memref_squeeze %dma_start3A_554 : memref<1x128xi32, #tpu.memory_space<vmem>> -> memref<128xi32, #tpu.memory_space<vmem>>
        %dma_start3A_556 = arith.constant 0 : i32
        %dma_start3A_557 = tpu.memref_slice %arg12[%dma_start3A_556] : memref<262144xf32, #tpu.memory_space<vmem_shared>> -> memref<262144xf32, #tpu.memory_space<vmem_shared>>
        tpu.enqueue_indirect_dma source(%dma_start3A_552 : memref<128xf32, #tpu.memory_space<vmem>>) target(%dma_start3A_557 : memref<262144xf32, #tpu.memory_space<vmem_shared>>) offsets(%dma_start3A_555 : memref<128xi32, #tpu.memory_space<vmem>>) semaphore(%arg22 : memref<!tpu.dma_semaphore, #tpu.memory_space<semaphore_mem>>) {add = true}
        %dma_wait3A_558 = arith.constant 14 : i32
        %dma_wait3A_559 = arith.constant 14 : i32
        %dma_wait3A_560 = arith.constant 0 : i32
        %dma_wait3A_561 = tpu.memref_slice %arg16[%dma_wait3A_558, %dma_wait3A_560] : memref<64x128xf32, #tpu.memory_space<vmem>> -> memref<1x128xf32, #tpu.memory_space<vmem>>
        %dma_wait3A_562 = tpu.memref_squeeze %dma_wait3A_561 : memref<1x128xf32, #tpu.memory_space<vmem>> -> memref<128xf32, #tpu.memory_space<vmem>>
        %dma_wait3A_563 = arith.constant 0 : i32
        %dma_wait3A_564 = tpu.memref_slice %arg14[%dma_wait3A_559, %dma_wait3A_563] : memref<64x128xi32, #tpu.memory_space<vmem>> -> memref<1x128xi32, #tpu.memory_space<vmem>>
        %dma_wait3A_565 = tpu.memref_squeeze %dma_wait3A_564 : memref<1x128xi32, #tpu.memory_space<vmem>> -> memref<128xi32, #tpu.memory_space<vmem>>
        %dma_wait3A_566 = arith.constant 0 : i32
        %dma_wait3A_567 = tpu.memref_slice %arg12[%dma_wait3A_566] : memref<262144xf32, #tpu.memory_space<vmem_shared>> -> memref<262144xf32, #tpu.memory_space<vmem_shared>>
        tpu.wait_indirect_dma semaphore(%arg22 : memref<!tpu.dma_semaphore, #tpu.memory_space<semaphore_mem>>) src(%dma_wait3A_562 : memref<128xf32, #tpu.memory_space<vmem>>) dst(%dma_wait3A_567 : memref<262144xf32, #tpu.memory_space<vmem_shared>>)
        %dma_start3A_568 = arith.constant 30 : i32
        %dma_start3A_569 = arith.constant 30 : i32
        %dma_start3A_570 = arith.constant 0 : i32
        %dma_start3A_571 = tpu.memref_slice %arg16[%dma_start3A_568, %dma_start3A_570] : memref<64x128xf32, #tpu.memory_space<vmem>> -> memref<1x128xf32, #tpu.memory_space<vmem>>
        %dma_start3A_572 = tpu.memref_squeeze %dma_start3A_571 : memref<1x128xf32, #tpu.memory_space<vmem>> -> memref<128xf32, #tpu.memory_space<vmem>>
        %dma_start3A_573 = arith.constant 0 : i32
        %dma_start3A_574 = tpu.memref_slice %arg14[%dma_start3A_569, %dma_start3A_573] : memref<64x128xi32, #tpu.memory_space<vmem>> -> memref<1x128xi32, #tpu.memory_space<vmem>>
        %dma_start3A_575 = tpu.memref_squeeze %dma_start3A_574 : memref<1x128xi32, #tpu.memory_space<vmem>> -> memref<128xi32, #tpu.memory_space<vmem>>
        %dma_start3A_576 = arith.constant 0 : i32
        %dma_start3A_577 = tpu.memref_slice %arg12[%dma_start3A_576] : memref<262144xf32, #tpu.memory_space<vmem_shared>> -> memref<262144xf32, #tpu.memory_space<vmem_shared>>
        tpu.enqueue_indirect_dma source(%dma_start3A_572 : memref<128xf32, #tpu.memory_space<vmem>>) target(%dma_start3A_577 : memref<262144xf32, #tpu.memory_space<vmem_shared>>) offsets(%dma_start3A_575 : memref<128xi32, #tpu.memory_space<vmem>>) semaphore(%arg22 : memref<!tpu.dma_semaphore, #tpu.memory_space<semaphore_mem>>) {add = true}
        %dma_wait3A_578 = arith.constant 15 : i32
        %dma_wait3A_579 = arith.constant 15 : i32
        %dma_wait3A_580 = arith.constant 0 : i32
        %dma_wait3A_581 = tpu.memref_slice %arg16[%dma_wait3A_578, %dma_wait3A_580] : memref<64x128xf32, #tpu.memory_space<vmem>> -> memref<1x128xf32, #tpu.memory_space<vmem>>
        %dma_wait3A_582 = tpu.memref_squeeze %dma_wait3A_581 : memref<1x128xf32, #tpu.memory_space<vmem>> -> memref<128xf32, #tpu.memory_space<vmem>>
        %dma_wait3A_583 = arith.constant 0 : i32
        %dma_wait3A_584 = tpu.memref_slice %arg14[%dma_wait3A_579, %dma_wait3A_583] : memref<64x128xi32, #tpu.memory_space<vmem>> -> memref<1x128xi32, #tpu.memory_space<vmem>>
        %dma_wait3A_585 = tpu.memref_squeeze %dma_wait3A_584 : memref<1x128xi32, #tpu.memory_space<vmem>> -> memref<128xi32, #tpu.memory_space<vmem>>
        %dma_wait3A_586 = arith.constant 0 : i32
        %dma_wait3A_587 = tpu.memref_slice %arg12[%dma_wait3A_586] : memref<262144xf32, #tpu.memory_space<vmem_shared>> -> memref<262144xf32, #tpu.memory_space<vmem_shared>>
        tpu.wait_indirect_dma semaphore(%arg22 : memref<!tpu.dma_semaphore, #tpu.memory_space<semaphore_mem>>) src(%dma_wait3A_582 : memref<128xf32, #tpu.memory_space<vmem>>) dst(%dma_wait3A_587 : memref<262144xf32, #tpu.memory_space<vmem_shared>>)
        %dma_start3A_588 = arith.constant 31 : i32
        %dma_start3A_589 = arith.constant 31 : i32
        %dma_start3A_590 = arith.constant 0 : i32
        %dma_start3A_591 = tpu.memref_slice %arg16[%dma_start3A_588, %dma_start3A_590] : memref<64x128xf32, #tpu.memory_space<vmem>> -> memref<1x128xf32, #tpu.memory_space<vmem>>
        %dma_start3A_592 = tpu.memref_squeeze %dma_start3A_591 : memref<1x128xf32, #tpu.memory_space<vmem>> -> memref<128xf32, #tpu.memory_space<vmem>>
        %dma_start3A_593 = arith.constant 0 : i32
        %dma_start3A_594 = tpu.memref_slice %arg14[%dma_start3A_589, %dma_start3A_593] : memref<64x128xi32, #tpu.memory_space<vmem>> -> memref<1x128xi32, #tpu.memory_space<vmem>>
        %dma_start3A_595 = tpu.memref_squeeze %dma_start3A_594 : memref<1x128xi32, #tpu.memory_space<vmem>> -> memref<128xi32, #tpu.memory_space<vmem>>
        %dma_start3A_596 = arith.constant 0 : i32
        %dma_start3A_597 = tpu.memref_slice %arg12[%dma_start3A_596] : memref<262144xf32, #tpu.memory_space<vmem_shared>> -> memref<262144xf32, #tpu.memory_space<vmem_shared>>
        tpu.enqueue_indirect_dma source(%dma_start3A_592 : memref<128xf32, #tpu.memory_space<vmem>>) target(%dma_start3A_597 : memref<262144xf32, #tpu.memory_space<vmem_shared>>) offsets(%dma_start3A_595 : memref<128xi32, #tpu.memory_space<vmem>>) semaphore(%arg22 : memref<!tpu.dma_semaphore, #tpu.memory_space<semaphore_mem>>) {add = true}
        %dma_wait3A_598 = arith.constant 16 : i32
        %dma_wait3A_599 = arith.constant 16 : i32
        %dma_wait3A_600 = arith.constant 0 : i32
        %dma_wait3A_601 = tpu.memref_slice %arg16[%dma_wait3A_598, %dma_wait3A_600] : memref<64x128xf32, #tpu.memory_space<vmem>> -> memref<1x128xf32, #tpu.memory_space<vmem>>
        %dma_wait3A_602 = tpu.memref_squeeze %dma_wait3A_601 : memref<1x128xf32, #tpu.memory_space<vmem>> -> memref<128xf32, #tpu.memory_space<vmem>>
        %dma_wait3A_603 = arith.constant 0 : i32
        %dma_wait3A_604 = tpu.memref_slice %arg14[%dma_wait3A_599, %dma_wait3A_603] : memref<64x128xi32, #tpu.memory_space<vmem>> -> memref<1x128xi32, #tpu.memory_space<vmem>>
        %dma_wait3A_605 = tpu.memref_squeeze %dma_wait3A_604 : memref<1x128xi32, #tpu.memory_space<vmem>> -> memref<128xi32, #tpu.memory_space<vmem>>
        %dma_wait3A_606 = arith.constant 0 : i32
        %dma_wait3A_607 = tpu.memref_slice %arg12[%dma_wait3A_606] : memref<262144xf32, #tpu.memory_space<vmem_shared>> -> memref<262144xf32, #tpu.memory_space<vmem_shared>>
        tpu.wait_indirect_dma semaphore(%arg22 : memref<!tpu.dma_semaphore, #tpu.memory_space<semaphore_mem>>) src(%dma_wait3A_602 : memref<128xf32, #tpu.memory_space<vmem>>) dst(%dma_wait3A_607 : memref<262144xf32, #tpu.memory_space<vmem_shared>>)
        %dma_start3A_608 = arith.constant 32 : i32
        %dma_start3A_609 = arith.constant 32 : i32
        %dma_start3A_610 = arith.constant 0 : i32
        %dma_start3A_611 = tpu.memref_slice %arg16[%dma_start3A_608, %dma_start3A_610] : memref<64x128xf32, #tpu.memory_space<vmem>> -> memref<1x128xf32, #tpu.memory_space<vmem>>
        %dma_start3A_612 = tpu.memref_squeeze %dma_start3A_611 : memref<1x128xf32, #tpu.memory_space<vmem>> -> memref<128xf32, #tpu.memory_space<vmem>>
        %dma_start3A_613 = arith.constant 0 : i32
        %dma_start3A_614 = tpu.memref_slice %arg14[%dma_start3A_609, %dma_start3A_613] : memref<64x128xi32, #tpu.memory_space<vmem>> -> memref<1x128xi32, #tpu.memory_space<vmem>>
        %dma_start3A_615 = tpu.memref_squeeze %dma_start3A_614 : memref<1x128xi32, #tpu.memory_space<vmem>> -> memref<128xi32, #tpu.memory_space<vmem>>
        %dma_start3A_616 = arith.constant 0 : i32
        %dma_start3A_617 = tpu.memref_slice %arg12[%dma_start3A_616] : memref<262144xf32, #tpu.memory_space<vmem_shared>> -> memref<262144xf32, #tpu.memory_space<vmem_shared>>
        tpu.enqueue_indirect_dma source(%dma_start3A_612 : memref<128xf32, #tpu.memory_space<vmem>>) target(%dma_start3A_617 : memref<262144xf32, #tpu.memory_space<vmem_shared>>) offsets(%dma_start3A_615 : memref<128xi32, #tpu.memory_space<vmem>>) semaphore(%arg22 : memref<!tpu.dma_semaphore, #tpu.memory_space<semaphore_mem>>) {add = true}
        %dma_wait3A_618 = arith.constant 17 : i32
        %dma_wait3A_619 = arith.constant 17 : i32
        %dma_wait3A_620 = arith.constant 0 : i32
        %dma_wait3A_621 = tpu.memref_slice %arg16[%dma_wait3A_618, %dma_wait3A_620] : memref<64x128xf32, #tpu.memory_space<vmem>> -> memref<1x128xf32, #tpu.memory_space<vmem>>
        %dma_wait3A_622 = tpu.memref_squeeze %dma_wait3A_621 : memref<1x128xf32, #tpu.memory_space<vmem>> -> memref<128xf32, #tpu.memory_space<vmem>>
        %dma_wait3A_623 = arith.constant 0 : i32
        %dma_wait3A_624 = tpu.memref_slice %arg14[%dma_wait3A_619, %dma_wait3A_623] : memref<64x128xi32, #tpu.memory_space<vmem>> -> memref<1x128xi32, #tpu.memory_space<vmem>>
        %dma_wait3A_625 = tpu.memref_squeeze %dma_wait3A_624 : memref<1x128xi32, #tpu.memory_space<vmem>> -> memref<128xi32, #tpu.memory_space<vmem>>
        %dma_wait3A_626 = arith.constant 0 : i32
        %dma_wait3A_627 = tpu.memref_slice %arg12[%dma_wait3A_626] : memref<262144xf32, #tpu.memory_space<vmem_shared>> -> memref<262144xf32, #tpu.memory_space<vmem_shared>>
        tpu.wait_indirect_dma semaphore(%arg22 : memref<!tpu.dma_semaphore, #tpu.memory_space<semaphore_mem>>) src(%dma_wait3A_622 : memref<128xf32, #tpu.memory_space<vmem>>) dst(%dma_wait3A_627 : memref<262144xf32, #tpu.memory_space<vmem_shared>>)
        %dma_start3A_628 = arith.constant 33 : i32
        %dma_start3A_629 = arith.constant 33 : i32
        %dma_start3A_630 = arith.constant 0 : i32
        %dma_start3A_631 = tpu.memref_slice %arg16[%dma_start3A_628, %dma_start3A_630] : memref<64x128xf32, #tpu.memory_space<vmem>> -> memref<1x128xf32, #tpu.memory_space<vmem>>
        %dma_start3A_632 = tpu.memref_squeeze %dma_start3A_631 : memref<1x128xf32, #tpu.memory_space<vmem>> -> memref<128xf32, #tpu.memory_space<vmem>>
        %dma_start3A_633 = arith.constant 0 : i32
        %dma_start3A_634 = tpu.memref_slice %arg14[%dma_start3A_629, %dma_start3A_633] : memref<64x128xi32, #tpu.memory_space<vmem>> -> memref<1x128xi32, #tpu.memory_space<vmem>>
        %dma_start3A_635 = tpu.memref_squeeze %dma_start3A_634 : memref<1x128xi32, #tpu.memory_space<vmem>> -> memref<128xi32, #tpu.memory_space<vmem>>
        %dma_start3A_636 = arith.constant 0 : i32
        %dma_start3A_637 = tpu.memref_slice %arg12[%dma_start3A_636] : memref<262144xf32, #tpu.memory_space<vmem_shared>> -> memref<262144xf32, #tpu.memory_space<vmem_shared>>
        tpu.enqueue_indirect_dma source(%dma_start3A_632 : memref<128xf32, #tpu.memory_space<vmem>>) target(%dma_start3A_637 : memref<262144xf32, #tpu.memory_space<vmem_shared>>) offsets(%dma_start3A_635 : memref<128xi32, #tpu.memory_space<vmem>>) semaphore(%arg22 : memref<!tpu.dma_semaphore, #tpu.memory_space<semaphore_mem>>) {add = true}
        %dma_wait3A_638 = arith.constant 18 : i32
        %dma_wait3A_639 = arith.constant 18 : i32
        %dma_wait3A_640 = arith.constant 0 : i32
        %dma_wait3A_641 = tpu.memref_slice %arg16[%dma_wait3A_638, %dma_wait3A_640] : memref<64x128xf32, #tpu.memory_space<vmem>> -> memref<1x128xf32, #tpu.memory_space<vmem>>
        %dma_wait3A_642 = tpu.memref_squeeze %dma_wait3A_641 : memref<1x128xf32, #tpu.memory_space<vmem>> -> memref<128xf32, #tpu.memory_space<vmem>>
        %dma_wait3A_643 = arith.constant 0 : i32
        %dma_wait3A_644 = tpu.memref_slice %arg14[%dma_wait3A_639, %dma_wait3A_643] : memref<64x128xi32, #tpu.memory_space<vmem>> -> memref<1x128xi32, #tpu.memory_space<vmem>>
        %dma_wait3A_645 = tpu.memref_squeeze %dma_wait3A_644 : memref<1x128xi32, #tpu.memory_space<vmem>> -> memref<128xi32, #tpu.memory_space<vmem>>
        %dma_wait3A_646 = arith.constant 0 : i32
        %dma_wait3A_647 = tpu.memref_slice %arg12[%dma_wait3A_646] : memref<262144xf32, #tpu.memory_space<vmem_shared>> -> memref<262144xf32, #tpu.memory_space<vmem_shared>>
        tpu.wait_indirect_dma semaphore(%arg22 : memref<!tpu.dma_semaphore, #tpu.memory_space<semaphore_mem>>) src(%dma_wait3A_642 : memref<128xf32, #tpu.memory_space<vmem>>) dst(%dma_wait3A_647 : memref<262144xf32, #tpu.memory_space<vmem_shared>>)
        %dma_start3A_648 = arith.constant 34 : i32
        %dma_start3A_649 = arith.constant 34 : i32
        %dma_start3A_650 = arith.constant 0 : i32
        %dma_start3A_651 = tpu.memref_slice %arg16[%dma_start3A_648, %dma_start3A_650] : memref<64x128xf32, #tpu.memory_space<vmem>> -> memref<1x128xf32, #tpu.memory_space<vmem>>
        %dma_start3A_652 = tpu.memref_squeeze %dma_start3A_651 : memref<1x128xf32, #tpu.memory_space<vmem>> -> memref<128xf32, #tpu.memory_space<vmem>>
        %dma_start3A_653 = arith.constant 0 : i32
        %dma_start3A_654 = tpu.memref_slice %arg14[%dma_start3A_649, %dma_start3A_653] : memref<64x128xi32, #tpu.memory_space<vmem>> -> memref<1x128xi32, #tpu.memory_space<vmem>>
        %dma_start3A_655 = tpu.memref_squeeze %dma_start3A_654 : memref<1x128xi32, #tpu.memory_space<vmem>> -> memref<128xi32, #tpu.memory_space<vmem>>
        %dma_start3A_656 = arith.constant 0 : i32
        %dma_start3A_657 = tpu.memref_slice %arg12[%dma_start3A_656] : memref<262144xf32, #tpu.memory_space<vmem_shared>> -> memref<262144xf32, #tpu.memory_space<vmem_shared>>
        tpu.enqueue_indirect_dma source(%dma_start3A_652 : memref<128xf32, #tpu.memory_space<vmem>>) target(%dma_start3A_657 : memref<262144xf32, #tpu.memory_space<vmem_shared>>) offsets(%dma_start3A_655 : memref<128xi32, #tpu.memory_space<vmem>>) semaphore(%arg22 : memref<!tpu.dma_semaphore, #tpu.memory_space<semaphore_mem>>) {add = true}
        %dma_wait3A_658 = arith.constant 19 : i32
        %dma_wait3A_659 = arith.constant 19 : i32
        %dma_wait3A_660 = arith.constant 0 : i32
        %dma_wait3A_661 = tpu.memref_slice %arg16[%dma_wait3A_658, %dma_wait3A_660] : memref<64x128xf32, #tpu.memory_space<vmem>> -> memref<1x128xf32, #tpu.memory_space<vmem>>
        %dma_wait3A_662 = tpu.memref_squeeze %dma_wait3A_661 : memref<1x128xf32, #tpu.memory_space<vmem>> -> memref<128xf32, #tpu.memory_space<vmem>>
        %dma_wait3A_663 = arith.constant 0 : i32
        %dma_wait3A_664 = tpu.memref_slice %arg14[%dma_wait3A_659, %dma_wait3A_663] : memref<64x128xi32, #tpu.memory_space<vmem>> -> memref<1x128xi32, #tpu.memory_space<vmem>>
        %dma_wait3A_665 = tpu.memref_squeeze %dma_wait3A_664 : memref<1x128xi32, #tpu.memory_space<vmem>> -> memref<128xi32, #tpu.memory_space<vmem>>
        %dma_wait3A_666 = arith.constant 0 : i32
        %dma_wait3A_667 = tpu.memref_slice %arg12[%dma_wait3A_666] : memref<262144xf32, #tpu.memory_space<vmem_shared>> -> memref<262144xf32, #tpu.memory_space<vmem_shared>>
        tpu.wait_indirect_dma semaphore(%arg22 : memref<!tpu.dma_semaphore, #tpu.memory_space<semaphore_mem>>) src(%dma_wait3A_662 : memref<128xf32, #tpu.memory_space<vmem>>) dst(%dma_wait3A_667 : memref<262144xf32, #tpu.memory_space<vmem_shared>>)
        %dma_start3A_668 = arith.constant 35 : i32
        %dma_start3A_669 = arith.constant 35 : i32
        %dma_start3A_670 = arith.constant 0 : i32
        %dma_start3A_671 = tpu.memref_slice %arg16[%dma_start3A_668, %dma_start3A_670] : memref<64x128xf32, #tpu.memory_space<vmem>> -> memref<1x128xf32, #tpu.memory_space<vmem>>
        %dma_start3A_672 = tpu.memref_squeeze %dma_start3A_671 : memref<1x128xf32, #tpu.memory_space<vmem>> -> memref<128xf32, #tpu.memory_space<vmem>>
        %dma_start3A_673 = arith.constant 0 : i32
        %dma_start3A_674 = tpu.memref_slice %arg14[%dma_start3A_669, %dma_start3A_673] : memref<64x128xi32, #tpu.memory_space<vmem>> -> memref<1x128xi32, #tpu.memory_space<vmem>>
        %dma_start3A_675 = tpu.memref_squeeze %dma_start3A_674 : memref<1x128xi32, #tpu.memory_space<vmem>> -> memref<128xi32, #tpu.memory_space<vmem>>
        %dma_start3A_676 = arith.constant 0 : i32
        %dma_start3A_677 = tpu.memref_slice %arg12[%dma_start3A_676] : memref<262144xf32, #tpu.memory_space<vmem_shared>> -> memref<262144xf32, #tpu.memory_space<vmem_shared>>
        tpu.enqueue_indirect_dma source(%dma_start3A_672 : memref<128xf32, #tpu.memory_space<vmem>>) target(%dma_start3A_677 : memref<262144xf32, #tpu.memory_space<vmem_shared>>) offsets(%dma_start3A_675 : memref<128xi32, #tpu.memory_space<vmem>>) semaphore(%arg22 : memref<!tpu.dma_semaphore, #tpu.memory_space<semaphore_mem>>) {add = true}
        %dma_wait3A_678 = arith.constant 20 : i32
        %dma_wait3A_679 = arith.constant 20 : i32
        %dma_wait3A_680 = arith.constant 0 : i32
        %dma_wait3A_681 = tpu.memref_slice %arg16[%dma_wait3A_678, %dma_wait3A_680] : memref<64x128xf32, #tpu.memory_space<vmem>> -> memref<1x128xf32, #tpu.memory_space<vmem>>
        %dma_wait3A_682 = tpu.memref_squeeze %dma_wait3A_681 : memref<1x128xf32, #tpu.memory_space<vmem>> -> memref<128xf32, #tpu.memory_space<vmem>>
        %dma_wait3A_683 = arith.constant 0 : i32
        %dma_wait3A_684 = tpu.memref_slice %arg14[%dma_wait3A_679, %dma_wait3A_683] : memref<64x128xi32, #tpu.memory_space<vmem>> -> memref<1x128xi32, #tpu.memory_space<vmem>>
        %dma_wait3A_685 = tpu.memref_squeeze %dma_wait3A_684 : memref<1x128xi32, #tpu.memory_space<vmem>> -> memref<128xi32, #tpu.memory_space<vmem>>
        %dma_wait3A_686 = arith.constant 0 : i32
        %dma_wait3A_687 = tpu.memref_slice %arg12[%dma_wait3A_686] : memref<262144xf32, #tpu.memory_space<vmem_shared>> -> memref<262144xf32, #tpu.memory_space<vmem_shared>>
        tpu.wait_indirect_dma semaphore(%arg22 : memref<!tpu.dma_semaphore, #tpu.memory_space<semaphore_mem>>) src(%dma_wait3A_682 : memref<128xf32, #tpu.memory_space<vmem>>) dst(%dma_wait3A_687 : memref<262144xf32, #tpu.memory_space<vmem_shared>>)
        %dma_start3A_688 = arith.constant 36 : i32
        %dma_start3A_689 = arith.constant 36 : i32
        %dma_start3A_690 = arith.constant 0 : i32
        %dma_start3A_691 = tpu.memref_slice %arg16[%dma_start3A_688, %dma_start3A_690] : memref<64x128xf32, #tpu.memory_space<vmem>> -> memref<1x128xf32, #tpu.memory_space<vmem>>
        %dma_start3A_692 = tpu.memref_squeeze %dma_start3A_691 : memref<1x128xf32, #tpu.memory_space<vmem>> -> memref<128xf32, #tpu.memory_space<vmem>>
        %dma_start3A_693 = arith.constant 0 : i32
        %dma_start3A_694 = tpu.memref_slice %arg14[%dma_start3A_689, %dma_start3A_693] : memref<64x128xi32, #tpu.memory_space<vmem>> -> memref<1x128xi32, #tpu.memory_space<vmem>>
        %dma_start3A_695 = tpu.memref_squeeze %dma_start3A_694 : memref<1x128xi32, #tpu.memory_space<vmem>> -> memref<128xi32, #tpu.memory_space<vmem>>
        %dma_start3A_696 = arith.constant 0 : i32
        %dma_start3A_697 = tpu.memref_slice %arg12[%dma_start3A_696] : memref<262144xf32, #tpu.memory_space<vmem_shared>> -> memref<262144xf32, #tpu.memory_space<vmem_shared>>
        tpu.enqueue_indirect_dma source(%dma_start3A_692 : memref<128xf32, #tpu.memory_space<vmem>>) target(%dma_start3A_697 : memref<262144xf32, #tpu.memory_space<vmem_shared>>) offsets(%dma_start3A_695 : memref<128xi32, #tpu.memory_space<vmem>>) semaphore(%arg22 : memref<!tpu.dma_semaphore, #tpu.memory_space<semaphore_mem>>) {add = true}
        %dma_wait3A_698 = arith.constant 21 : i32
        %dma_wait3A_699 = arith.constant 21 : i32
        %dma_wait3A_700 = arith.constant 0 : i32
        %dma_wait3A_701 = tpu.memref_slice %arg16[%dma_wait3A_698, %dma_wait3A_700] : memref<64x128xf32, #tpu.memory_space<vmem>> -> memref<1x128xf32, #tpu.memory_space<vmem>>
        %dma_wait3A_702 = tpu.memref_squeeze %dma_wait3A_701 : memref<1x128xf32, #tpu.memory_space<vmem>> -> memref<128xf32, #tpu.memory_space<vmem>>
        %dma_wait3A_703 = arith.constant 0 : i32
        %dma_wait3A_704 = tpu.memref_slice %arg14[%dma_wait3A_699, %dma_wait3A_703] : memref<64x128xi32, #tpu.memory_space<vmem>> -> memref<1x128xi32, #tpu.memory_space<vmem>>
        %dma_wait3A_705 = tpu.memref_squeeze %dma_wait3A_704 : memref<1x128xi32, #tpu.memory_space<vmem>> -> memref<128xi32, #tpu.memory_space<vmem>>
        %dma_wait3A_706 = arith.constant 0 : i32
        %dma_wait3A_707 = tpu.memref_slice %arg12[%dma_wait3A_706] : memref<262144xf32, #tpu.memory_space<vmem_shared>> -> memref<262144xf32, #tpu.memory_space<vmem_shared>>
        tpu.wait_indirect_dma semaphore(%arg22 : memref<!tpu.dma_semaphore, #tpu.memory_space<semaphore_mem>>) src(%dma_wait3A_702 : memref<128xf32, #tpu.memory_space<vmem>>) dst(%dma_wait3A_707 : memref<262144xf32, #tpu.memory_space<vmem_shared>>)
        %dma_start3A_708 = arith.constant 37 : i32
        %dma_start3A_709 = arith.constant 37 : i32
        %dma_start3A_710 = arith.constant 0 : i32
        %dma_start3A_711 = tpu.memref_slice %arg16[%dma_start3A_708, %dma_start3A_710] : memref<64x128xf32, #tpu.memory_space<vmem>> -> memref<1x128xf32, #tpu.memory_space<vmem>>
        %dma_start3A_712 = tpu.memref_squeeze %dma_start3A_711 : memref<1x128xf32, #tpu.memory_space<vmem>> -> memref<128xf32, #tpu.memory_space<vmem>>
        %dma_start3A_713 = arith.constant 0 : i32
        %dma_start3A_714 = tpu.memref_slice %arg14[%dma_start3A_709, %dma_start3A_713] : memref<64x128xi32, #tpu.memory_space<vmem>> -> memref<1x128xi32, #tpu.memory_space<vmem>>
        %dma_start3A_715 = tpu.memref_squeeze %dma_start3A_714 : memref<1x128xi32, #tpu.memory_space<vmem>> -> memref<128xi32, #tpu.memory_space<vmem>>
        %dma_start3A_716 = arith.constant 0 : i32
        %dma_start3A_717 = tpu.memref_slice %arg12[%dma_start3A_716] : memref<262144xf32, #tpu.memory_space<vmem_shared>> -> memref<262144xf32, #tpu.memory_space<vmem_shared>>
        tpu.enqueue_indirect_dma source(%dma_start3A_712 : memref<128xf32, #tpu.memory_space<vmem>>) target(%dma_start3A_717 : memref<262144xf32, #tpu.memory_space<vmem_shared>>) offsets(%dma_start3A_715 : memref<128xi32, #tpu.memory_space<vmem>>) semaphore(%arg22 : memref<!tpu.dma_semaphore, #tpu.memory_space<semaphore_mem>>) {add = true}
        %dma_wait3A_718 = arith.constant 22 : i32
        %dma_wait3A_719 = arith.constant 22 : i32
        %dma_wait3A_720 = arith.constant 0 : i32
        %dma_wait3A_721 = tpu.memref_slice %arg16[%dma_wait3A_718, %dma_wait3A_720] : memref<64x128xf32, #tpu.memory_space<vmem>> -> memref<1x128xf32, #tpu.memory_space<vmem>>
        %dma_wait3A_722 = tpu.memref_squeeze %dma_wait3A_721 : memref<1x128xf32, #tpu.memory_space<vmem>> -> memref<128xf32, #tpu.memory_space<vmem>>
        %dma_wait3A_723 = arith.constant 0 : i32
        %dma_wait3A_724 = tpu.memref_slice %arg14[%dma_wait3A_719, %dma_wait3A_723] : memref<64x128xi32, #tpu.memory_space<vmem>> -> memref<1x128xi32, #tpu.memory_space<vmem>>
        %dma_wait3A_725 = tpu.memref_squeeze %dma_wait3A_724 : memref<1x128xi32, #tpu.memory_space<vmem>> -> memref<128xi32, #tpu.memory_space<vmem>>
        %dma_wait3A_726 = arith.constant 0 : i32
        %dma_wait3A_727 = tpu.memref_slice %arg12[%dma_wait3A_726] : memref<262144xf32, #tpu.memory_space<vmem_shared>> -> memref<262144xf32, #tpu.memory_space<vmem_shared>>
        tpu.wait_indirect_dma semaphore(%arg22 : memref<!tpu.dma_semaphore, #tpu.memory_space<semaphore_mem>>) src(%dma_wait3A_722 : memref<128xf32, #tpu.memory_space<vmem>>) dst(%dma_wait3A_727 : memref<262144xf32, #tpu.memory_space<vmem_shared>>)
        %dma_start3A_728 = arith.constant 38 : i32
        %dma_start3A_729 = arith.constant 38 : i32
        %dma_start3A_730 = arith.constant 0 : i32
        %dma_start3A_731 = tpu.memref_slice %arg16[%dma_start3A_728, %dma_start3A_730] : memref<64x128xf32, #tpu.memory_space<vmem>> -> memref<1x128xf32, #tpu.memory_space<vmem>>
        %dma_start3A_732 = tpu.memref_squeeze %dma_start3A_731 : memref<1x128xf32, #tpu.memory_space<vmem>> -> memref<128xf32, #tpu.memory_space<vmem>>
        %dma_start3A_733 = arith.constant 0 : i32
        %dma_start3A_734 = tpu.memref_slice %arg14[%dma_start3A_729, %dma_start3A_733] : memref<64x128xi32, #tpu.memory_space<vmem>> -> memref<1x128xi32, #tpu.memory_space<vmem>>
        %dma_start3A_735 = tpu.memref_squeeze %dma_start3A_734 : memref<1x128xi32, #tpu.memory_space<vmem>> -> memref<128xi32, #tpu.memory_space<vmem>>
        %dma_start3A_736 = arith.constant 0 : i32
        %dma_start3A_737 = tpu.memref_slice %arg12[%dma_start3A_736] : memref<262144xf32, #tpu.memory_space<vmem_shared>> -> memref<262144xf32, #tpu.memory_space<vmem_shared>>
        tpu.enqueue_indirect_dma source(%dma_start3A_732 : memref<128xf32, #tpu.memory_space<vmem>>) target(%dma_start3A_737 : memref<262144xf32, #tpu.memory_space<vmem_shared>>) offsets(%dma_start3A_735 : memref<128xi32, #tpu.memory_space<vmem>>) semaphore(%arg22 : memref<!tpu.dma_semaphore, #tpu.memory_space<semaphore_mem>>) {add = true}
        %dma_wait3A_738 = arith.constant 23 : i32
        %dma_wait3A_739 = arith.constant 23 : i32
        %dma_wait3A_740 = arith.constant 0 : i32
        %dma_wait3A_741 = tpu.memref_slice %arg16[%dma_wait3A_738, %dma_wait3A_740] : memref<64x128xf32, #tpu.memory_space<vmem>> -> memref<1x128xf32, #tpu.memory_space<vmem>>
        %dma_wait3A_742 = tpu.memref_squeeze %dma_wait3A_741 : memref<1x128xf32, #tpu.memory_space<vmem>> -> memref<128xf32, #tpu.memory_space<vmem>>
        %dma_wait3A_743 = arith.constant 0 : i32
        %dma_wait3A_744 = tpu.memref_slice %arg14[%dma_wait3A_739, %dma_wait3A_743] : memref<64x128xi32, #tpu.memory_space<vmem>> -> memref<1x128xi32, #tpu.memory_space<vmem>>
        %dma_wait3A_745 = tpu.memref_squeeze %dma_wait3A_744 : memref<1x128xi32, #tpu.memory_space<vmem>> -> memref<128xi32, #tpu.memory_space<vmem>>
        %dma_wait3A_746 = arith.constant 0 : i32
        %dma_wait3A_747 = tpu.memref_slice %arg12[%dma_wait3A_746] : memref<262144xf32, #tpu.memory_space<vmem_shared>> -> memref<262144xf32, #tpu.memory_space<vmem_shared>>
        tpu.wait_indirect_dma semaphore(%arg22 : memref<!tpu.dma_semaphore, #tpu.memory_space<semaphore_mem>>) src(%dma_wait3A_742 : memref<128xf32, #tpu.memory_space<vmem>>) dst(%dma_wait3A_747 : memref<262144xf32, #tpu.memory_space<vmem_shared>>)
        %dma_start3A_748 = arith.constant 39 : i32
        %dma_start3A_749 = arith.constant 39 : i32
        %dma_start3A_750 = arith.constant 0 : i32
        %dma_start3A_751 = tpu.memref_slice %arg16[%dma_start3A_748, %dma_start3A_750] : memref<64x128xf32, #tpu.memory_space<vmem>> -> memref<1x128xf32, #tpu.memory_space<vmem>>
        %dma_start3A_752 = tpu.memref_squeeze %dma_start3A_751 : memref<1x128xf32, #tpu.memory_space<vmem>> -> memref<128xf32, #tpu.memory_space<vmem>>
        %dma_start3A_753 = arith.constant 0 : i32
        %dma_start3A_754 = tpu.memref_slice %arg14[%dma_start3A_749, %dma_start3A_753] : memref<64x128xi32, #tpu.memory_space<vmem>> -> memref<1x128xi32, #tpu.memory_space<vmem>>
        %dma_start3A_755 = tpu.memref_squeeze %dma_start3A_754 : memref<1x128xi32, #tpu.memory_space<vmem>> -> memref<128xi32, #tpu.memory_space<vmem>>
        %dma_start3A_756 = arith.constant 0 : i32
        %dma_start3A_757 = tpu.memref_slice %arg12[%dma_start3A_756] : memref<262144xf32, #tpu.memory_space<vmem_shared>> -> memref<262144xf32, #tpu.memory_space<vmem_shared>>
        tpu.enqueue_indirect_dma source(%dma_start3A_752 : memref<128xf32, #tpu.memory_space<vmem>>) target(%dma_start3A_757 : memref<262144xf32, #tpu.memory_space<vmem_shared>>) offsets(%dma_start3A_755 : memref<128xi32, #tpu.memory_space<vmem>>) semaphore(%arg22 : memref<!tpu.dma_semaphore, #tpu.memory_space<semaphore_mem>>) {add = true}
        %dma_wait3A_758 = arith.constant 24 : i32
        %dma_wait3A_759 = arith.constant 24 : i32
        %dma_wait3A_760 = arith.constant 0 : i32
        %dma_wait3A_761 = tpu.memref_slice %arg16[%dma_wait3A_758, %dma_wait3A_760] : memref<64x128xf32, #tpu.memory_space<vmem>> -> memref<1x128xf32, #tpu.memory_space<vmem>>
        %dma_wait3A_762 = tpu.memref_squeeze %dma_wait3A_761 : memref<1x128xf32, #tpu.memory_space<vmem>> -> memref<128xf32, #tpu.memory_space<vmem>>
        %dma_wait3A_763 = arith.constant 0 : i32
        %dma_wait3A_764 = tpu.memref_slice %arg14[%dma_wait3A_759, %dma_wait3A_763] : memref<64x128xi32, #tpu.memory_space<vmem>> -> memref<1x128xi32, #tpu.memory_space<vmem>>
        %dma_wait3A_765 = tpu.memref_squeeze %dma_wait3A_764 : memref<1x128xi32, #tpu.memory_space<vmem>> -> memref<128xi32, #tpu.memory_space<vmem>>
        %dma_wait3A_766 = arith.constant 0 : i32
        %dma_wait3A_767 = tpu.memref_slice %arg12[%dma_wait3A_766] : memref<262144xf32, #tpu.memory_space<vmem_shared>> -> memref<262144xf32, #tpu.memory_space<vmem_shared>>
        tpu.wait_indirect_dma semaphore(%arg22 : memref<!tpu.dma_semaphore, #tpu.memory_space<semaphore_mem>>) src(%dma_wait3A_762 : memref<128xf32, #tpu.memory_space<vmem>>) dst(%dma_wait3A_767 : memref<262144xf32, #tpu.memory_space<vmem_shared>>)
        %dma_start3A_768 = arith.constant 40 : i32
        %dma_start3A_769 = arith.constant 40 : i32
        %dma_start3A_770 = arith.constant 0 : i32
        %dma_start3A_771 = tpu.memref_slice %arg16[%dma_start3A_768, %dma_start3A_770] : memref<64x128xf32, #tpu.memory_space<vmem>> -> memref<1x128xf32, #tpu.memory_space<vmem>>
        %dma_start3A_772 = tpu.memref_squeeze %dma_start3A_771 : memref<1x128xf32, #tpu.memory_space<vmem>> -> memref<128xf32, #tpu.memory_space<vmem>>
        %dma_start3A_773 = arith.constant 0 : i32
        %dma_start3A_774 = tpu.memref_slice %arg14[%dma_start3A_769, %dma_start3A_773] : memref<64x128xi32, #tpu.memory_space<vmem>> -> memref<1x128xi32, #tpu.memory_space<vmem>>
        %dma_start3A_775 = tpu.memref_squeeze %dma_start3A_774 : memref<1x128xi32, #tpu.memory_space<vmem>> -> memref<128xi32, #tpu.memory_space<vmem>>
        %dma_start3A_776 = arith.constant 0 : i32
        %dma_start3A_777 = tpu.memref_slice %arg12[%dma_start3A_776] : memref<262144xf32, #tpu.memory_space<vmem_shared>> -> memref<262144xf32, #tpu.memory_space<vmem_shared>>
        tpu.enqueue_indirect_dma source(%dma_start3A_772 : memref<128xf32, #tpu.memory_space<vmem>>) target(%dma_start3A_777 : memref<262144xf32, #tpu.memory_space<vmem_shared>>) offsets(%dma_start3A_775 : memref<128xi32, #tpu.memory_space<vmem>>) semaphore(%arg22 : memref<!tpu.dma_semaphore, #tpu.memory_space<semaphore_mem>>) {add = true}
        %dma_wait3A_778 = arith.constant 25 : i32
        %dma_wait3A_779 = arith.constant 25 : i32
        %dma_wait3A_780 = arith.constant 0 : i32
        %dma_wait3A_781 = tpu.memref_slice %arg16[%dma_wait3A_778, %dma_wait3A_780] : memref<64x128xf32, #tpu.memory_space<vmem>> -> memref<1x128xf32, #tpu.memory_space<vmem>>
        %dma_wait3A_782 = tpu.memref_squeeze %dma_wait3A_781 : memref<1x128xf32, #tpu.memory_space<vmem>> -> memref<128xf32, #tpu.memory_space<vmem>>
        %dma_wait3A_783 = arith.constant 0 : i32
        %dma_wait3A_784 = tpu.memref_slice %arg14[%dma_wait3A_779, %dma_wait3A_783] : memref<64x128xi32, #tpu.memory_space<vmem>> -> memref<1x128xi32, #tpu.memory_space<vmem>>
        %dma_wait3A_785 = tpu.memref_squeeze %dma_wait3A_784 : memref<1x128xi32, #tpu.memory_space<vmem>> -> memref<128xi32, #tpu.memory_space<vmem>>
        %dma_wait3A_786 = arith.constant 0 : i32
        %dma_wait3A_787 = tpu.memref_slice %arg12[%dma_wait3A_786] : memref<262144xf32, #tpu.memory_space<vmem_shared>> -> memref<262144xf32, #tpu.memory_space<vmem_shared>>
        tpu.wait_indirect_dma semaphore(%arg22 : memref<!tpu.dma_semaphore, #tpu.memory_space<semaphore_mem>>) src(%dma_wait3A_782 : memref<128xf32, #tpu.memory_space<vmem>>) dst(%dma_wait3A_787 : memref<262144xf32, #tpu.memory_space<vmem_shared>>)
        %dma_start3A_788 = arith.constant 41 : i32
        %dma_start3A_789 = arith.constant 41 : i32
        %dma_start3A_790 = arith.constant 0 : i32
        %dma_start3A_791 = tpu.memref_slice %arg16[%dma_start3A_788, %dma_start3A_790] : memref<64x128xf32, #tpu.memory_space<vmem>> -> memref<1x128xf32, #tpu.memory_space<vmem>>
        %dma_start3A_792 = tpu.memref_squeeze %dma_start3A_791 : memref<1x128xf32, #tpu.memory_space<vmem>> -> memref<128xf32, #tpu.memory_space<vmem>>
        %dma_start3A_793 = arith.constant 0 : i32
        %dma_start3A_794 = tpu.memref_slice %arg14[%dma_start3A_789, %dma_start3A_793] : memref<64x128xi32, #tpu.memory_space<vmem>> -> memref<1x128xi32, #tpu.memory_space<vmem>>
        %dma_start3A_795 = tpu.memref_squeeze %dma_start3A_794 : memref<1x128xi32, #tpu.memory_space<vmem>> -> memref<128xi32, #tpu.memory_space<vmem>>
        %dma_start3A_796 = arith.constant 0 : i32
        %dma_start3A_797 = tpu.memref_slice %arg12[%dma_start3A_796] : memref<262144xf32, #tpu.memory_space<vmem_shared>> -> memref<262144xf32, #tpu.memory_space<vmem_shared>>
        tpu.enqueue_indirect_dma source(%dma_start3A_792 : memref<128xf32, #tpu.memory_space<vmem>>) target(%dma_start3A_797 : memref<262144xf32, #tpu.memory_space<vmem_shared>>) offsets(%dma_start3A_795 : memref<128xi32, #tpu.memory_space<vmem>>) semaphore(%arg22 : memref<!tpu.dma_semaphore, #tpu.memory_space<semaphore_mem>>) {add = true}
        %dma_wait3A_798 = arith.constant 26 : i32
        %dma_wait3A_799 = arith.constant 26 : i32
        %dma_wait3A_800 = arith.constant 0 : i32
        %dma_wait3A_801 = tpu.memref_slice %arg16[%dma_wait3A_798, %dma_wait3A_800] : memref<64x128xf32, #tpu.memory_space<vmem>> -> memref<1x128xf32, #tpu.memory_space<vmem>>
        %dma_wait3A_802 = tpu.memref_squeeze %dma_wait3A_801 : memref<1x128xf32, #tpu.memory_space<vmem>> -> memref<128xf32, #tpu.memory_space<vmem>>
        %dma_wait3A_803 = arith.constant 0 : i32
        %dma_wait3A_804 = tpu.memref_slice %arg14[%dma_wait3A_799, %dma_wait3A_803] : memref<64x128xi32, #tpu.memory_space<vmem>> -> memref<1x128xi32, #tpu.memory_space<vmem>>
        %dma_wait3A_805 = tpu.memref_squeeze %dma_wait3A_804 : memref<1x128xi32, #tpu.memory_space<vmem>> -> memref<128xi32, #tpu.memory_space<vmem>>
        %dma_wait3A_806 = arith.constant 0 : i32
        %dma_wait3A_807 = tpu.memref_slice %arg12[%dma_wait3A_806] : memref<262144xf32, #tpu.memory_space<vmem_shared>> -> memref<262144xf32, #tpu.memory_space<vmem_shared>>
        tpu.wait_indirect_dma semaphore(%arg22 : memref<!tpu.dma_semaphore, #tpu.memory_space<semaphore_mem>>) src(%dma_wait3A_802 : memref<128xf32, #tpu.memory_space<vmem>>) dst(%dma_wait3A_807 : memref<262144xf32, #tpu.memory_space<vmem_shared>>)
        %dma_start3A_808 = arith.constant 42 : i32
        %dma_start3A_809 = arith.constant 42 : i32
        %dma_start3A_810 = arith.constant 0 : i32
        %dma_start3A_811 = tpu.memref_slice %arg16[%dma_start3A_808, %dma_start3A_810] : memref<64x128xf32, #tpu.memory_space<vmem>> -> memref<1x128xf32, #tpu.memory_space<vmem>>
        %dma_start3A_812 = tpu.memref_squeeze %dma_start3A_811 : memref<1x128xf32, #tpu.memory_space<vmem>> -> memref<128xf32, #tpu.memory_space<vmem>>
        %dma_start3A_813 = arith.constant 0 : i32
        %dma_start3A_814 = tpu.memref_slice %arg14[%dma_start3A_809, %dma_start3A_813] : memref<64x128xi32, #tpu.memory_space<vmem>> -> memref<1x128xi32, #tpu.memory_space<vmem>>
        %dma_start3A_815 = tpu.memref_squeeze %dma_start3A_814 : memref<1x128xi32, #tpu.memory_space<vmem>> -> memref<128xi32, #tpu.memory_space<vmem>>
        %dma_start3A_816 = arith.constant 0 : i32
        %dma_start3A_817 = tpu.memref_slice %arg12[%dma_start3A_816] : memref<262144xf32, #tpu.memory_space<vmem_shared>> -> memref<262144xf32, #tpu.memory_space<vmem_shared>>
        tpu.enqueue_indirect_dma source(%dma_start3A_812 : memref<128xf32, #tpu.memory_space<vmem>>) target(%dma_start3A_817 : memref<262144xf32, #tpu.memory_space<vmem_shared>>) offsets(%dma_start3A_815 : memref<128xi32, #tpu.memory_space<vmem>>) semaphore(%arg22 : memref<!tpu.dma_semaphore, #tpu.memory_space<semaphore_mem>>) {add = true}
        %dma_wait3A_818 = arith.constant 27 : i32
        %dma_wait3A_819 = arith.constant 27 : i32
        %dma_wait3A_820 = arith.constant 0 : i32
        %dma_wait3A_821 = tpu.memref_slice %arg16[%dma_wait3A_818, %dma_wait3A_820] : memref<64x128xf32, #tpu.memory_space<vmem>> -> memref<1x128xf32, #tpu.memory_space<vmem>>
        %dma_wait3A_822 = tpu.memref_squeeze %dma_wait3A_821 : memref<1x128xf32, #tpu.memory_space<vmem>> -> memref<128xf32, #tpu.memory_space<vmem>>
        %dma_wait3A_823 = arith.constant 0 : i32
        %dma_wait3A_824 = tpu.memref_slice %arg14[%dma_wait3A_819, %dma_wait3A_823] : memref<64x128xi32, #tpu.memory_space<vmem>> -> memref<1x128xi32, #tpu.memory_space<vmem>>
        %dma_wait3A_825 = tpu.memref_squeeze %dma_wait3A_824 : memref<1x128xi32, #tpu.memory_space<vmem>> -> memref<128xi32, #tpu.memory_space<vmem>>
        %dma_wait3A_826 = arith.constant 0 : i32
        %dma_wait3A_827 = tpu.memref_slice %arg12[%dma_wait3A_826] : memref<262144xf32, #tpu.memory_space<vmem_shared>> -> memref<262144xf32, #tpu.memory_space<vmem_shared>>
        tpu.wait_indirect_dma semaphore(%arg22 : memref<!tpu.dma_semaphore, #tpu.memory_space<semaphore_mem>>) src(%dma_wait3A_822 : memref<128xf32, #tpu.memory_space<vmem>>) dst(%dma_wait3A_827 : memref<262144xf32, #tpu.memory_space<vmem_shared>>)
        %dma_start3A_828 = arith.constant 43 : i32
        %dma_start3A_829 = arith.constant 43 : i32
        %dma_start3A_830 = arith.constant 0 : i32
        %dma_start3A_831 = tpu.memref_slice %arg16[%dma_start3A_828, %dma_start3A_830] : memref<64x128xf32, #tpu.memory_space<vmem>> -> memref<1x128xf32, #tpu.memory_space<vmem>>
        %dma_start3A_832 = tpu.memref_squeeze %dma_start3A_831 : memref<1x128xf32, #tpu.memory_space<vmem>> -> memref<128xf32, #tpu.memory_space<vmem>>
        %dma_start3A_833 = arith.constant 0 : i32
        %dma_start3A_834 = tpu.memref_slice %arg14[%dma_start3A_829, %dma_start3A_833] : memref<64x128xi32, #tpu.memory_space<vmem>> -> memref<1x128xi32, #tpu.memory_space<vmem>>
        %dma_start3A_835 = tpu.memref_squeeze %dma_start3A_834 : memref<1x128xi32, #tpu.memory_space<vmem>> -> memref<128xi32, #tpu.memory_space<vmem>>
        %dma_start3A_836 = arith.constant 0 : i32
        %dma_start3A_837 = tpu.memref_slice %arg12[%dma_start3A_836] : memref<262144xf32, #tpu.memory_space<vmem_shared>> -> memref<262144xf32, #tpu.memory_space<vmem_shared>>
        tpu.enqueue_indirect_dma source(%dma_start3A_832 : memref<128xf32, #tpu.memory_space<vmem>>) target(%dma_start3A_837 : memref<262144xf32, #tpu.memory_space<vmem_shared>>) offsets(%dma_start3A_835 : memref<128xi32, #tpu.memory_space<vmem>>) semaphore(%arg22 : memref<!tpu.dma_semaphore, #tpu.memory_space<semaphore_mem>>) {add = true}
        %dma_wait3A_838 = arith.constant 28 : i32
        %dma_wait3A_839 = arith.constant 28 : i32
        %dma_wait3A_840 = arith.constant 0 : i32
        %dma_wait3A_841 = tpu.memref_slice %arg16[%dma_wait3A_838, %dma_wait3A_840] : memref<64x128xf32, #tpu.memory_space<vmem>> -> memref<1x128xf32, #tpu.memory_space<vmem>>
        %dma_wait3A_842 = tpu.memref_squeeze %dma_wait3A_841 : memref<1x128xf32, #tpu.memory_space<vmem>> -> memref<128xf32, #tpu.memory_space<vmem>>
        %dma_wait3A_843 = arith.constant 0 : i32
        %dma_wait3A_844 = tpu.memref_slice %arg14[%dma_wait3A_839, %dma_wait3A_843] : memref<64x128xi32, #tpu.memory_space<vmem>> -> memref<1x128xi32, #tpu.memory_space<vmem>>
        %dma_wait3A_845 = tpu.memref_squeeze %dma_wait3A_844 : memref<1x128xi32, #tpu.memory_space<vmem>> -> memref<128xi32, #tpu.memory_space<vmem>>
        %dma_wait3A_846 = arith.constant 0 : i32
        %dma_wait3A_847 = tpu.memref_slice %arg12[%dma_wait3A_846] : memref<262144xf32, #tpu.memory_space<vmem_shared>> -> memref<262144xf32, #tpu.memory_space<vmem_shared>>
        tpu.wait_indirect_dma semaphore(%arg22 : memref<!tpu.dma_semaphore, #tpu.memory_space<semaphore_mem>>) src(%dma_wait3A_842 : memref<128xf32, #tpu.memory_space<vmem>>) dst(%dma_wait3A_847 : memref<262144xf32, #tpu.memory_space<vmem_shared>>)
        %dma_start3A_848 = arith.constant 44 : i32
        %dma_start3A_849 = arith.constant 44 : i32
        %dma_start3A_850 = arith.constant 0 : i32
        %dma_start3A_851 = tpu.memref_slice %arg16[%dma_start3A_848, %dma_start3A_850] : memref<64x128xf32, #tpu.memory_space<vmem>> -> memref<1x128xf32, #tpu.memory_space<vmem>>
        %dma_start3A_852 = tpu.memref_squeeze %dma_start3A_851 : memref<1x128xf32, #tpu.memory_space<vmem>> -> memref<128xf32, #tpu.memory_space<vmem>>
        %dma_start3A_853 = arith.constant 0 : i32
        %dma_start3A_854 = tpu.memref_slice %arg14[%dma_start3A_849, %dma_start3A_853] : memref<64x128xi32, #tpu.memory_space<vmem>> -> memref<1x128xi32, #tpu.memory_space<vmem>>
        %dma_start3A_855 = tpu.memref_squeeze %dma_start3A_854 : memref<1x128xi32, #tpu.memory_space<vmem>> -> memref<128xi32, #tpu.memory_space<vmem>>
        %dma_start3A_856 = arith.constant 0 : i32
        %dma_start3A_857 = tpu.memref_slice %arg12[%dma_start3A_856] : memref<262144xf32, #tpu.memory_space<vmem_shared>> -> memref<262144xf32, #tpu.memory_space<vmem_shared>>
        tpu.enqueue_indirect_dma source(%dma_start3A_852 : memref<128xf32, #tpu.memory_space<vmem>>) target(%dma_start3A_857 : memref<262144xf32, #tpu.memory_space<vmem_shared>>) offsets(%dma_start3A_855 : memref<128xi32, #tpu.memory_space<vmem>>) semaphore(%arg22 : memref<!tpu.dma_semaphore, #tpu.memory_space<semaphore_mem>>) {add = true}
        %dma_wait3A_858 = arith.constant 29 : i32
        %dma_wait3A_859 = arith.constant 29 : i32
        %dma_wait3A_860 = arith.constant 0 : i32
        %dma_wait3A_861 = tpu.memref_slice %arg16[%dma_wait3A_858, %dma_wait3A_860] : memref<64x128xf32, #tpu.memory_space<vmem>> -> memref<1x128xf32, #tpu.memory_space<vmem>>
        %dma_wait3A_862 = tpu.memref_squeeze %dma_wait3A_861 : memref<1x128xf32, #tpu.memory_space<vmem>> -> memref<128xf32, #tpu.memory_space<vmem>>
        %dma_wait3A_863 = arith.constant 0 : i32
        %dma_wait3A_864 = tpu.memref_slice %arg14[%dma_wait3A_859, %dma_wait3A_863] : memref<64x128xi32, #tpu.memory_space<vmem>> -> memref<1x128xi32, #tpu.memory_space<vmem>>
        %dma_wait3A_865 = tpu.memref_squeeze %dma_wait3A_864 : memref<1x128xi32, #tpu.memory_space<vmem>> -> memref<128xi32, #tpu.memory_space<vmem>>
        %dma_wait3A_866 = arith.constant 0 : i32
        %dma_wait3A_867 = tpu.memref_slice %arg12[%dma_wait3A_866] : memref<262144xf32, #tpu.memory_space<vmem_shared>> -> memref<262144xf32, #tpu.memory_space<vmem_shared>>
        tpu.wait_indirect_dma semaphore(%arg22 : memref<!tpu.dma_semaphore, #tpu.memory_space<semaphore_mem>>) src(%dma_wait3A_862 : memref<128xf32, #tpu.memory_space<vmem>>) dst(%dma_wait3A_867 : memref<262144xf32, #tpu.memory_space<vmem_shared>>)
        %dma_start3A_868 = arith.constant 45 : i32
        %dma_start3A_869 = arith.constant 45 : i32
        %dma_start3A_870 = arith.constant 0 : i32
        %dma_start3A_871 = tpu.memref_slice %arg16[%dma_start3A_868, %dma_start3A_870] : memref<64x128xf32, #tpu.memory_space<vmem>> -> memref<1x128xf32, #tpu.memory_space<vmem>>
        %dma_start3A_872 = tpu.memref_squeeze %dma_start3A_871 : memref<1x128xf32, #tpu.memory_space<vmem>> -> memref<128xf32, #tpu.memory_space<vmem>>
        %dma_start3A_873 = arith.constant 0 : i32
        %dma_start3A_874 = tpu.memref_slice %arg14[%dma_start3A_869, %dma_start3A_873] : memref<64x128xi32, #tpu.memory_space<vmem>> -> memref<1x128xi32, #tpu.memory_space<vmem>>
        %dma_start3A_875 = tpu.memref_squeeze %dma_start3A_874 : memref<1x128xi32, #tpu.memory_space<vmem>> -> memref<128xi32, #tpu.memory_space<vmem>>
        %dma_start3A_876 = arith.constant 0 : i32
        %dma_start3A_877 = tpu.memref_slice %arg12[%dma_start3A_876] : memref<262144xf32, #tpu.memory_space<vmem_shared>> -> memref<262144xf32, #tpu.memory_space<vmem_shared>>
        tpu.enqueue_indirect_dma source(%dma_start3A_872 : memref<128xf32, #tpu.memory_space<vmem>>) target(%dma_start3A_877 : memref<262144xf32, #tpu.memory_space<vmem_shared>>) offsets(%dma_start3A_875 : memref<128xi32, #tpu.memory_space<vmem>>) semaphore(%arg22 : memref<!tpu.dma_semaphore, #tpu.memory_space<semaphore_mem>>) {add = true}
        %dma_wait3A_878 = arith.constant 30 : i32
        %dma_wait3A_879 = arith.constant 30 : i32
        %dma_wait3A_880 = arith.constant 0 : i32
        %dma_wait3A_881 = tpu.memref_slice %arg16[%dma_wait3A_878, %dma_wait3A_880] : memref<64x128xf32, #tpu.memory_space<vmem>> -> memref<1x128xf32, #tpu.memory_space<vmem>>
        %dma_wait3A_882 = tpu.memref_squeeze %dma_wait3A_881 : memref<1x128xf32, #tpu.memory_space<vmem>> -> memref<128xf32, #tpu.memory_space<vmem>>
        %dma_wait3A_883 = arith.constant 0 : i32
        %dma_wait3A_884 = tpu.memref_slice %arg14[%dma_wait3A_879, %dma_wait3A_883] : memref<64x128xi32, #tpu.memory_space<vmem>> -> memref<1x128xi32, #tpu.memory_space<vmem>>
        %dma_wait3A_885 = tpu.memref_squeeze %dma_wait3A_884 : memref<1x128xi32, #tpu.memory_space<vmem>> -> memref<128xi32, #tpu.memory_space<vmem>>
        %dma_wait3A_886 = arith.constant 0 : i32
        %dma_wait3A_887 = tpu.memref_slice %arg12[%dma_wait3A_886] : memref<262144xf32, #tpu.memory_space<vmem_shared>> -> memref<262144xf32, #tpu.memory_space<vmem_shared>>
        tpu.wait_indirect_dma semaphore(%arg22 : memref<!tpu.dma_semaphore, #tpu.memory_space<semaphore_mem>>) src(%dma_wait3A_882 : memref<128xf32, #tpu.memory_space<vmem>>) dst(%dma_wait3A_887 : memref<262144xf32, #tpu.memory_space<vmem_shared>>)
        %dma_start3A_888 = arith.constant 46 : i32
        %dma_start3A_889 = arith.constant 46 : i32
        %dma_start3A_890 = arith.constant 0 : i32
        %dma_start3A_891 = tpu.memref_slice %arg16[%dma_start3A_888, %dma_start3A_890] : memref<64x128xf32, #tpu.memory_space<vmem>> -> memref<1x128xf32, #tpu.memory_space<vmem>>
        %dma_start3A_892 = tpu.memref_squeeze %dma_start3A_891 : memref<1x128xf32, #tpu.memory_space<vmem>> -> memref<128xf32, #tpu.memory_space<vmem>>
        %dma_start3A_893 = arith.constant 0 : i32
        %dma_start3A_894 = tpu.memref_slice %arg14[%dma_start3A_889, %dma_start3A_893] : memref<64x128xi32, #tpu.memory_space<vmem>> -> memref<1x128xi32, #tpu.memory_space<vmem>>
        %dma_start3A_895 = tpu.memref_squeeze %dma_start3A_894 : memref<1x128xi32, #tpu.memory_space<vmem>> -> memref<128xi32, #tpu.memory_space<vmem>>
        %dma_start3A_896 = arith.constant 0 : i32
        %dma_start3A_897 = tpu.memref_slice %arg12[%dma_start3A_896] : memref<262144xf32, #tpu.memory_space<vmem_shared>> -> memref<262144xf32, #tpu.memory_space<vmem_shared>>
        tpu.enqueue_indirect_dma source(%dma_start3A_892 : memref<128xf32, #tpu.memory_space<vmem>>) target(%dma_start3A_897 : memref<262144xf32, #tpu.memory_space<vmem_shared>>) offsets(%dma_start3A_895 : memref<128xi32, #tpu.memory_space<vmem>>) semaphore(%arg22 : memref<!tpu.dma_semaphore, #tpu.memory_space<semaphore_mem>>) {add = true}
        %dma_wait3A_898 = arith.constant 31 : i32
        %dma_wait3A_899 = arith.constant 31 : i32
        %dma_wait3A_900 = arith.constant 0 : i32
        %dma_wait3A_901 = tpu.memref_slice %arg16[%dma_wait3A_898, %dma_wait3A_900] : memref<64x128xf32, #tpu.memory_space<vmem>> -> memref<1x128xf32, #tpu.memory_space<vmem>>
        %dma_wait3A_902 = tpu.memref_squeeze %dma_wait3A_901 : memref<1x128xf32, #tpu.memory_space<vmem>> -> memref<128xf32, #tpu.memory_space<vmem>>
        %dma_wait3A_903 = arith.constant 0 : i32
        %dma_wait3A_904 = tpu.memref_slice %arg14[%dma_wait3A_899, %dma_wait3A_903] : memref<64x128xi32, #tpu.memory_space<vmem>> -> memref<1x128xi32, #tpu.memory_space<vmem>>
        %dma_wait3A_905 = tpu.memref_squeeze %dma_wait3A_904 : memref<1x128xi32, #tpu.memory_space<vmem>> -> memref<128xi32, #tpu.memory_space<vmem>>
        %dma_wait3A_906 = arith.constant 0 : i32
        %dma_wait3A_907 = tpu.memref_slice %arg12[%dma_wait3A_906] : memref<262144xf32, #tpu.memory_space<vmem_shared>> -> memref<262144xf32, #tpu.memory_space<vmem_shared>>
        tpu.wait_indirect_dma semaphore(%arg22 : memref<!tpu.dma_semaphore, #tpu.memory_space<semaphore_mem>>) src(%dma_wait3A_902 : memref<128xf32, #tpu.memory_space<vmem>>) dst(%dma_wait3A_907 : memref<262144xf32, #tpu.memory_space<vmem_shared>>)
        %dma_start3A_908 = arith.constant 47 : i32
        %dma_start3A_909 = arith.constant 47 : i32
        %dma_start3A_910 = arith.constant 0 : i32
        %dma_start3A_911 = tpu.memref_slice %arg16[%dma_start3A_908, %dma_start3A_910] : memref<64x128xf32, #tpu.memory_space<vmem>> -> memref<1x128xf32, #tpu.memory_space<vmem>>
        %dma_start3A_912 = tpu.memref_squeeze %dma_start3A_911 : memref<1x128xf32, #tpu.memory_space<vmem>> -> memref<128xf32, #tpu.memory_space<vmem>>
        %dma_start3A_913 = arith.constant 0 : i32
        %dma_start3A_914 = tpu.memref_slice %arg14[%dma_start3A_909, %dma_start3A_913] : memref<64x128xi32, #tpu.memory_space<vmem>> -> memref<1x128xi32, #tpu.memory_space<vmem>>
        %dma_start3A_915 = tpu.memref_squeeze %dma_start3A_914 : memref<1x128xi32, #tpu.memory_space<vmem>> -> memref<128xi32, #tpu.memory_space<vmem>>
        %dma_start3A_916 = arith.constant 0 : i32
        %dma_start3A_917 = tpu.memref_slice %arg12[%dma_start3A_916] : memref<262144xf32, #tpu.memory_space<vmem_shared>> -> memref<262144xf32, #tpu.memory_space<vmem_shared>>
        tpu.enqueue_indirect_dma source(%dma_start3A_912 : memref<128xf32, #tpu.memory_space<vmem>>) target(%dma_start3A_917 : memref<262144xf32, #tpu.memory_space<vmem_shared>>) offsets(%dma_start3A_915 : memref<128xi32, #tpu.memory_space<vmem>>) semaphore(%arg22 : memref<!tpu.dma_semaphore, #tpu.memory_space<semaphore_mem>>) {add = true}
        %dma_wait3A_918 = arith.constant 32 : i32
        %dma_wait3A_919 = arith.constant 32 : i32
        %dma_wait3A_920 = arith.constant 0 : i32
        %dma_wait3A_921 = tpu.memref_slice %arg16[%dma_wait3A_918, %dma_wait3A_920] : memref<64x128xf32, #tpu.memory_space<vmem>> -> memref<1x128xf32, #tpu.memory_space<vmem>>
        %dma_wait3A_922 = tpu.memref_squeeze %dma_wait3A_921 : memref<1x128xf32, #tpu.memory_space<vmem>> -> memref<128xf32, #tpu.memory_space<vmem>>
        %dma_wait3A_923 = arith.constant 0 : i32
        %dma_wait3A_924 = tpu.memref_slice %arg14[%dma_wait3A_919, %dma_wait3A_923] : memref<64x128xi32, #tpu.memory_space<vmem>> -> memref<1x128xi32, #tpu.memory_space<vmem>>
        %dma_wait3A_925 = tpu.memref_squeeze %dma_wait3A_924 : memref<1x128xi32, #tpu.memory_space<vmem>> -> memref<128xi32, #tpu.memory_space<vmem>>
        %dma_wait3A_926 = arith.constant 0 : i32
        %dma_wait3A_927 = tpu.memref_slice %arg12[%dma_wait3A_926] : memref<262144xf32, #tpu.memory_space<vmem_shared>> -> memref<262144xf32, #tpu.memory_space<vmem_shared>>
        tpu.wait_indirect_dma semaphore(%arg22 : memref<!tpu.dma_semaphore, #tpu.memory_space<semaphore_mem>>) src(%dma_wait3A_922 : memref<128xf32, #tpu.memory_space<vmem>>) dst(%dma_wait3A_927 : memref<262144xf32, #tpu.memory_space<vmem_shared>>)
        %dma_start3A_928 = arith.constant 48 : i32
        %dma_start3A_929 = arith.constant 48 : i32
        %dma_start3A_930 = arith.constant 0 : i32
        %dma_start3A_931 = tpu.memref_slice %arg16[%dma_start3A_928, %dma_start3A_930] : memref<64x128xf32, #tpu.memory_space<vmem>> -> memref<1x128xf32, #tpu.memory_space<vmem>>
        %dma_start3A_932 = tpu.memref_squeeze %dma_start3A_931 : memref<1x128xf32, #tpu.memory_space<vmem>> -> memref<128xf32, #tpu.memory_space<vmem>>
        %dma_start3A_933 = arith.constant 0 : i32
        %dma_start3A_934 = tpu.memref_slice %arg14[%dma_start3A_929, %dma_start3A_933] : memref<64x128xi32, #tpu.memory_space<vmem>> -> memref<1x128xi32, #tpu.memory_space<vmem>>
        %dma_start3A_935 = tpu.memref_squeeze %dma_start3A_934 : memref<1x128xi32, #tpu.memory_space<vmem>> -> memref<128xi32, #tpu.memory_space<vmem>>
        %dma_start3A_936 = arith.constant 0 : i32
        %dma_start3A_937 = tpu.memref_slice %arg12[%dma_start3A_936] : memref<262144xf32, #tpu.memory_space<vmem_shared>> -> memref<262144xf32, #tpu.memory_space<vmem_shared>>
        tpu.enqueue_indirect_dma source(%dma_start3A_932 : memref<128xf32, #tpu.memory_space<vmem>>) target(%dma_start3A_937 : memref<262144xf32, #tpu.memory_space<vmem_shared>>) offsets(%dma_start3A_935 : memref<128xi32, #tpu.memory_space<vmem>>) semaphore(%arg22 : memref<!tpu.dma_semaphore, #tpu.memory_space<semaphore_mem>>) {add = true}
        %dma_wait3A_938 = arith.constant 33 : i32
        %dma_wait3A_939 = arith.constant 33 : i32
        %dma_wait3A_940 = arith.constant 0 : i32
        %dma_wait3A_941 = tpu.memref_slice %arg16[%dma_wait3A_938, %dma_wait3A_940] : memref<64x128xf32, #tpu.memory_space<vmem>> -> memref<1x128xf32, #tpu.memory_space<vmem>>
        %dma_wait3A_942 = tpu.memref_squeeze %dma_wait3A_941 : memref<1x128xf32, #tpu.memory_space<vmem>> -> memref<128xf32, #tpu.memory_space<vmem>>
        %dma_wait3A_943 = arith.constant 0 : i32
        %dma_wait3A_944 = tpu.memref_slice %arg14[%dma_wait3A_939, %dma_wait3A_943] : memref<64x128xi32, #tpu.memory_space<vmem>> -> memref<1x128xi32, #tpu.memory_space<vmem>>
        %dma_wait3A_945 = tpu.memref_squeeze %dma_wait3A_944 : memref<1x128xi32, #tpu.memory_space<vmem>> -> memref<128xi32, #tpu.memory_space<vmem>>
        %dma_wait3A_946 = arith.constant 0 : i32
        %dma_wait3A_947 = tpu.memref_slice %arg12[%dma_wait3A_946] : memref<262144xf32, #tpu.memory_space<vmem_shared>> -> memref<262144xf32, #tpu.memory_space<vmem_shared>>
        tpu.wait_indirect_dma semaphore(%arg22 : memref<!tpu.dma_semaphore, #tpu.memory_space<semaphore_mem>>) src(%dma_wait3A_942 : memref<128xf32, #tpu.memory_space<vmem>>) dst(%dma_wait3A_947 : memref<262144xf32, #tpu.memory_space<vmem_shared>>)
        %dma_start3A_948 = arith.constant 49 : i32
        %dma_start3A_949 = arith.constant 49 : i32
        %dma_start3A_950 = arith.constant 0 : i32
        %dma_start3A_951 = tpu.memref_slice %arg16[%dma_start3A_948, %dma_start3A_950] : memref<64x128xf32, #tpu.memory_space<vmem>> -> memref<1x128xf32, #tpu.memory_space<vmem>>
        %dma_start3A_952 = tpu.memref_squeeze %dma_start3A_951 : memref<1x128xf32, #tpu.memory_space<vmem>> -> memref<128xf32, #tpu.memory_space<vmem>>
        %dma_start3A_953 = arith.constant 0 : i32
        %dma_start3A_954 = tpu.memref_slice %arg14[%dma_start3A_949, %dma_start3A_953] : memref<64x128xi32, #tpu.memory_space<vmem>> -> memref<1x128xi32, #tpu.memory_space<vmem>>
        %dma_start3A_955 = tpu.memref_squeeze %dma_start3A_954 : memref<1x128xi32, #tpu.memory_space<vmem>> -> memref<128xi32, #tpu.memory_space<vmem>>
        %dma_start3A_956 = arith.constant 0 : i32
        %dma_start3A_957 = tpu.memref_slice %arg12[%dma_start3A_956] : memref<262144xf32, #tpu.memory_space<vmem_shared>> -> memref<262144xf32, #tpu.memory_space<vmem_shared>>
        tpu.enqueue_indirect_dma source(%dma_start3A_952 : memref<128xf32, #tpu.memory_space<vmem>>) target(%dma_start3A_957 : memref<262144xf32, #tpu.memory_space<vmem_shared>>) offsets(%dma_start3A_955 : memref<128xi32, #tpu.memory_space<vmem>>) semaphore(%arg22 : memref<!tpu.dma_semaphore, #tpu.memory_space<semaphore_mem>>) {add = true}
        %dma_wait3A_958 = arith.constant 34 : i32
        %dma_wait3A_959 = arith.constant 34 : i32
        %dma_wait3A_960 = arith.constant 0 : i32
        %dma_wait3A_961 = tpu.memref_slice %arg16[%dma_wait3A_958, %dma_wait3A_960] : memref<64x128xf32, #tpu.memory_space<vmem>> -> memref<1x128xf32, #tpu.memory_space<vmem>>
        %dma_wait3A_962 = tpu.memref_squeeze %dma_wait3A_961 : memref<1x128xf32, #tpu.memory_space<vmem>> -> memref<128xf32, #tpu.memory_space<vmem>>
        %dma_wait3A_963 = arith.constant 0 : i32
        %dma_wait3A_964 = tpu.memref_slice %arg14[%dma_wait3A_959, %dma_wait3A_963] : memref<64x128xi32, #tpu.memory_space<vmem>> -> memref<1x128xi32, #tpu.memory_space<vmem>>
        %dma_wait3A_965 = tpu.memref_squeeze %dma_wait3A_964 : memref<1x128xi32, #tpu.memory_space<vmem>> -> memref<128xi32, #tpu.memory_space<vmem>>
        %dma_wait3A_966 = arith.constant 0 : i32
        %dma_wait3A_967 = tpu.memref_slice %arg12[%dma_wait3A_966] : memref<262144xf32, #tpu.memory_space<vmem_shared>> -> memref<262144xf32, #tpu.memory_space<vmem_shared>>
        tpu.wait_indirect_dma semaphore(%arg22 : memref<!tpu.dma_semaphore, #tpu.memory_space<semaphore_mem>>) src(%dma_wait3A_962 : memref<128xf32, #tpu.memory_space<vmem>>) dst(%dma_wait3A_967 : memref<262144xf32, #tpu.memory_space<vmem_shared>>)
        %dma_start3A_968 = arith.constant 50 : i32
        %dma_start3A_969 = arith.constant 50 : i32
        %dma_start3A_970 = arith.constant 0 : i32
        %dma_start3A_971 = tpu.memref_slice %arg16[%dma_start3A_968, %dma_start3A_970] : memref<64x128xf32, #tpu.memory_space<vmem>> -> memref<1x128xf32, #tpu.memory_space<vmem>>
        %dma_start3A_972 = tpu.memref_squeeze %dma_start3A_971 : memref<1x128xf32, #tpu.memory_space<vmem>> -> memref<128xf32, #tpu.memory_space<vmem>>
        %dma_start3A_973 = arith.constant 0 : i32
        %dma_start3A_974 = tpu.memref_slice %arg14[%dma_start3A_969, %dma_start3A_973] : memref<64x128xi32, #tpu.memory_space<vmem>> -> memref<1x128xi32, #tpu.memory_space<vmem>>
        %dma_start3A_975 = tpu.memref_squeeze %dma_start3A_974 : memref<1x128xi32, #tpu.memory_space<vmem>> -> memref<128xi32, #tpu.memory_space<vmem>>
        %dma_start3A_976 = arith.constant 0 : i32
        %dma_start3A_977 = tpu.memref_slice %arg12[%dma_start3A_976] : memref<262144xf32, #tpu.memory_space<vmem_shared>> -> memref<262144xf32, #tpu.memory_space<vmem_shared>>
        tpu.enqueue_indirect_dma source(%dma_start3A_972 : memref<128xf32, #tpu.memory_space<vmem>>) target(%dma_start3A_977 : memref<262144xf32, #tpu.memory_space<vmem_shared>>) offsets(%dma_start3A_975 : memref<128xi32, #tpu.memory_space<vmem>>) semaphore(%arg22 : memref<!tpu.dma_semaphore, #tpu.memory_space<semaphore_mem>>) {add = true}
        %dma_wait3A_978 = arith.constant 35 : i32
        %dma_wait3A_979 = arith.constant 35 : i32
        %dma_wait3A_980 = arith.constant 0 : i32
        %dma_wait3A_981 = tpu.memref_slice %arg16[%dma_wait3A_978, %dma_wait3A_980] : memref<64x128xf32, #tpu.memory_space<vmem>> -> memref<1x128xf32, #tpu.memory_space<vmem>>
        %dma_wait3A_982 = tpu.memref_squeeze %dma_wait3A_981 : memref<1x128xf32, #tpu.memory_space<vmem>> -> memref<128xf32, #tpu.memory_space<vmem>>
        %dma_wait3A_983 = arith.constant 0 : i32
        %dma_wait3A_984 = tpu.memref_slice %arg14[%dma_wait3A_979, %dma_wait3A_983] : memref<64x128xi32, #tpu.memory_space<vmem>> -> memref<1x128xi32, #tpu.memory_space<vmem>>
        %dma_wait3A_985 = tpu.memref_squeeze %dma_wait3A_984 : memref<1x128xi32, #tpu.memory_space<vmem>> -> memref<128xi32, #tpu.memory_space<vmem>>
        %dma_wait3A_986 = arith.constant 0 : i32
        %dma_wait3A_987 = tpu.memref_slice %arg12[%dma_wait3A_986] : memref<262144xf32, #tpu.memory_space<vmem_shared>> -> memref<262144xf32, #tpu.memory_space<vmem_shared>>
        tpu.wait_indirect_dma semaphore(%arg22 : memref<!tpu.dma_semaphore, #tpu.memory_space<semaphore_mem>>) src(%dma_wait3A_982 : memref<128xf32, #tpu.memory_space<vmem>>) dst(%dma_wait3A_987 : memref<262144xf32, #tpu.memory_space<vmem_shared>>)
        %dma_start3A_988 = arith.constant 51 : i32
        %dma_start3A_989 = arith.constant 51 : i32
        %dma_start3A_990 = arith.constant 0 : i32
        %dma_start3A_991 = tpu.memref_slice %arg16[%dma_start3A_988, %dma_start3A_990] : memref<64x128xf32, #tpu.memory_space<vmem>> -> memref<1x128xf32, #tpu.memory_space<vmem>>
        %dma_start3A_992 = tpu.memref_squeeze %dma_start3A_991 : memref<1x128xf32, #tpu.memory_space<vmem>> -> memref<128xf32, #tpu.memory_space<vmem>>
        %dma_start3A_993 = arith.constant 0 : i32
        %dma_start3A_994 = tpu.memref_slice %arg14[%dma_start3A_989, %dma_start3A_993] : memref<64x128xi32, #tpu.memory_space<vmem>> -> memref<1x128xi32, #tpu.memory_space<vmem>>
        %dma_start3A_995 = tpu.memref_squeeze %dma_start3A_994 : memref<1x128xi32, #tpu.memory_space<vmem>> -> memref<128xi32, #tpu.memory_space<vmem>>
        %dma_start3A_996 = arith.constant 0 : i32
        %dma_start3A_997 = tpu.memref_slice %arg12[%dma_start3A_996] : memref<262144xf32, #tpu.memory_space<vmem_shared>> -> memref<262144xf32, #tpu.memory_space<vmem_shared>>
        tpu.enqueue_indirect_dma source(%dma_start3A_992 : memref<128xf32, #tpu.memory_space<vmem>>) target(%dma_start3A_997 : memref<262144xf32, #tpu.memory_space<vmem_shared>>) offsets(%dma_start3A_995 : memref<128xi32, #tpu.memory_space<vmem>>) semaphore(%arg22 : memref<!tpu.dma_semaphore, #tpu.memory_space<semaphore_mem>>) {add = true}
        %dma_wait3A_998 = arith.constant 36 : i32
        %dma_wait3A_999 = arith.constant 36 : i32
        %dma_wait3A_1000 = arith.constant 0 : i32
        %dma_wait3A_1001 = tpu.memref_slice %arg16[%dma_wait3A_998, %dma_wait3A_1000] : memref<64x128xf32, #tpu.memory_space<vmem>> -> memref<1x128xf32, #tpu.memory_space<vmem>>
        %dma_wait3A_1002 = tpu.memref_squeeze %dma_wait3A_1001 : memref<1x128xf32, #tpu.memory_space<vmem>> -> memref<128xf32, #tpu.memory_space<vmem>>
        %dma_wait3A_1003 = arith.constant 0 : i32
        %dma_wait3A_1004 = tpu.memref_slice %arg14[%dma_wait3A_999, %dma_wait3A_1003] : memref<64x128xi32, #tpu.memory_space<vmem>> -> memref<1x128xi32, #tpu.memory_space<vmem>>
        %dma_wait3A_1005 = tpu.memref_squeeze %dma_wait3A_1004 : memref<1x128xi32, #tpu.memory_space<vmem>> -> memref<128xi32, #tpu.memory_space<vmem>>
        %dma_wait3A_1006 = arith.constant 0 : i32
        %dma_wait3A_1007 = tpu.memref_slice %arg12[%dma_wait3A_1006] : memref<262144xf32, #tpu.memory_space<vmem_shared>> -> memref<262144xf32, #tpu.memory_space<vmem_shared>>
        tpu.wait_indirect_dma semaphore(%arg22 : memref<!tpu.dma_semaphore, #tpu.memory_space<semaphore_mem>>) src(%dma_wait3A_1002 : memref<128xf32, #tpu.memory_space<vmem>>) dst(%dma_wait3A_1007 : memref<262144xf32, #tpu.memory_space<vmem_shared>>)
        %dma_start3A_1008 = arith.constant 52 : i32
        %dma_start3A_1009 = arith.constant 52 : i32
        %dma_start3A_1010 = arith.constant 0 : i32
        %dma_start3A_1011 = tpu.memref_slice %arg16[%dma_start3A_1008, %dma_start3A_1010] : memref<64x128xf32, #tpu.memory_space<vmem>> -> memref<1x128xf32, #tpu.memory_space<vmem>>
        %dma_start3A_1012 = tpu.memref_squeeze %dma_start3A_1011 : memref<1x128xf32, #tpu.memory_space<vmem>> -> memref<128xf32, #tpu.memory_space<vmem>>
        %dma_start3A_1013 = arith.constant 0 : i32
        %dma_start3A_1014 = tpu.memref_slice %arg14[%dma_start3A_1009, %dma_start3A_1013] : memref<64x128xi32, #tpu.memory_space<vmem>> -> memref<1x128xi32, #tpu.memory_space<vmem>>
        %dma_start3A_1015 = tpu.memref_squeeze %dma_start3A_1014 : memref<1x128xi32, #tpu.memory_space<vmem>> -> memref<128xi32, #tpu.memory_space<vmem>>
        %dma_start3A_1016 = arith.constant 0 : i32
        %dma_start3A_1017 = tpu.memref_slice %arg12[%dma_start3A_1016] : memref<262144xf32, #tpu.memory_space<vmem_shared>> -> memref<262144xf32, #tpu.memory_space<vmem_shared>>
        tpu.enqueue_indirect_dma source(%dma_start3A_1012 : memref<128xf32, #tpu.memory_space<vmem>>) target(%dma_start3A_1017 : memref<262144xf32, #tpu.memory_space<vmem_shared>>) offsets(%dma_start3A_1015 : memref<128xi32, #tpu.memory_space<vmem>>) semaphore(%arg22 : memref<!tpu.dma_semaphore, #tpu.memory_space<semaphore_mem>>) {add = true}
        %dma_wait3A_1018 = arith.constant 37 : i32
        %dma_wait3A_1019 = arith.constant 37 : i32
        %dma_wait3A_1020 = arith.constant 0 : i32
        %dma_wait3A_1021 = tpu.memref_slice %arg16[%dma_wait3A_1018, %dma_wait3A_1020] : memref<64x128xf32, #tpu.memory_space<vmem>> -> memref<1x128xf32, #tpu.memory_space<vmem>>
        %dma_wait3A_1022 = tpu.memref_squeeze %dma_wait3A_1021 : memref<1x128xf32, #tpu.memory_space<vmem>> -> memref<128xf32, #tpu.memory_space<vmem>>
        %dma_wait3A_1023 = arith.constant 0 : i32
        %dma_wait3A_1024 = tpu.memref_slice %arg14[%dma_wait3A_1019, %dma_wait3A_1023] : memref<64x128xi32, #tpu.memory_space<vmem>> -> memref<1x128xi32, #tpu.memory_space<vmem>>
        %dma_wait3A_1025 = tpu.memref_squeeze %dma_wait3A_1024 : memref<1x128xi32, #tpu.memory_space<vmem>> -> memref<128xi32, #tpu.memory_space<vmem>>
        %dma_wait3A_1026 = arith.constant 0 : i32
        %dma_wait3A_1027 = tpu.memref_slice %arg12[%dma_wait3A_1026] : memref<262144xf32, #tpu.memory_space<vmem_shared>> -> memref<262144xf32, #tpu.memory_space<vmem_shared>>
        tpu.wait_indirect_dma semaphore(%arg22 : memref<!tpu.dma_semaphore, #tpu.memory_space<semaphore_mem>>) src(%dma_wait3A_1022 : memref<128xf32, #tpu.memory_space<vmem>>) dst(%dma_wait3A_1027 : memref<262144xf32, #tpu.memory_space<vmem_shared>>)
        %dma_start3A_1028 = arith.constant 53 : i32
        %dma_start3A_1029 = arith.constant 53 : i32
        %dma_start3A_1030 = arith.constant 0 : i32
        %dma_start3A_1031 = tpu.memref_slice %arg16[%dma_start3A_1028, %dma_start3A_1030] : memref<64x128xf32, #tpu.memory_space<vmem>> -> memref<1x128xf32, #tpu.memory_space<vmem>>
        %dma_start3A_1032 = tpu.memref_squeeze %dma_start3A_1031 : memref<1x128xf32, #tpu.memory_space<vmem>> -> memref<128xf32, #tpu.memory_space<vmem>>
        %dma_start3A_1033 = arith.constant 0 : i32
        %dma_start3A_1034 = tpu.memref_slice %arg14[%dma_start3A_1029, %dma_start3A_1033] : memref<64x128xi32, #tpu.memory_space<vmem>> -> memref<1x128xi32, #tpu.memory_space<vmem>>
        %dma_start3A_1035 = tpu.memref_squeeze %dma_start3A_1034 : memref<1x128xi32, #tpu.memory_space<vmem>> -> memref<128xi32, #tpu.memory_space<vmem>>
        %dma_start3A_1036 = arith.constant 0 : i32
        %dma_start3A_1037 = tpu.memref_slice %arg12[%dma_start3A_1036] : memref<262144xf32, #tpu.memory_space<vmem_shared>> -> memref<262144xf32, #tpu.memory_space<vmem_shared>>
        tpu.enqueue_indirect_dma source(%dma_start3A_1032 : memref<128xf32, #tpu.memory_space<vmem>>) target(%dma_start3A_1037 : memref<262144xf32, #tpu.memory_space<vmem_shared>>) offsets(%dma_start3A_1035 : memref<128xi32, #tpu.memory_space<vmem>>) semaphore(%arg22 : memref<!tpu.dma_semaphore, #tpu.memory_space<semaphore_mem>>) {add = true}
        %dma_wait3A_1038 = arith.constant 38 : i32
        %dma_wait3A_1039 = arith.constant 38 : i32
        %dma_wait3A_1040 = arith.constant 0 : i32
        %dma_wait3A_1041 = tpu.memref_slice %arg16[%dma_wait3A_1038, %dma_wait3A_1040] : memref<64x128xf32, #tpu.memory_space<vmem>> -> memref<1x128xf32, #tpu.memory_space<vmem>>
        %dma_wait3A_1042 = tpu.memref_squeeze %dma_wait3A_1041 : memref<1x128xf32, #tpu.memory_space<vmem>> -> memref<128xf32, #tpu.memory_space<vmem>>
        %dma_wait3A_1043 = arith.constant 0 : i32
        %dma_wait3A_1044 = tpu.memref_slice %arg14[%dma_wait3A_1039, %dma_wait3A_1043] : memref<64x128xi32, #tpu.memory_space<vmem>> -> memref<1x128xi32, #tpu.memory_space<vmem>>
        %dma_wait3A_1045 = tpu.memref_squeeze %dma_wait3A_1044 : memref<1x128xi32, #tpu.memory_space<vmem>> -> memref<128xi32, #tpu.memory_space<vmem>>
        %dma_wait3A_1046 = arith.constant 0 : i32
        %dma_wait3A_1047 = tpu.memref_slice %arg12[%dma_wait3A_1046] : memref<262144xf32, #tpu.memory_space<vmem_shared>> -> memref<262144xf32, #tpu.memory_space<vmem_shared>>
        tpu.wait_indirect_dma semaphore(%arg22 : memref<!tpu.dma_semaphore, #tpu.memory_space<semaphore_mem>>) src(%dma_wait3A_1042 : memref<128xf32, #tpu.memory_space<vmem>>) dst(%dma_wait3A_1047 : memref<262144xf32, #tpu.memory_space<vmem_shared>>)
        %dma_start3A_1048 = arith.constant 54 : i32
        %dma_start3A_1049 = arith.constant 54 : i32
        %dma_start3A_1050 = arith.constant 0 : i32
        %dma_start3A_1051 = tpu.memref_slice %arg16[%dma_start3A_1048, %dma_start3A_1050] : memref<64x128xf32, #tpu.memory_space<vmem>> -> memref<1x128xf32, #tpu.memory_space<vmem>>
        %dma_start3A_1052 = tpu.memref_squeeze %dma_start3A_1051 : memref<1x128xf32, #tpu.memory_space<vmem>> -> memref<128xf32, #tpu.memory_space<vmem>>
        %dma_start3A_1053 = arith.constant 0 : i32
        %dma_start3A_1054 = tpu.memref_slice %arg14[%dma_start3A_1049, %dma_start3A_1053] : memref<64x128xi32, #tpu.memory_space<vmem>> -> memref<1x128xi32, #tpu.memory_space<vmem>>
        %dma_start3A_1055 = tpu.memref_squeeze %dma_start3A_1054 : memref<1x128xi32, #tpu.memory_space<vmem>> -> memref<128xi32, #tpu.memory_space<vmem>>
        %dma_start3A_1056 = arith.constant 0 : i32
        %dma_start3A_1057 = tpu.memref_slice %arg12[%dma_start3A_1056] : memref<262144xf32, #tpu.memory_space<vmem_shared>> -> memref<262144xf32, #tpu.memory_space<vmem_shared>>
        tpu.enqueue_indirect_dma source(%dma_start3A_1052 : memref<128xf32, #tpu.memory_space<vmem>>) target(%dma_start3A_1057 : memref<262144xf32, #tpu.memory_space<vmem_shared>>) offsets(%dma_start3A_1055 : memref<128xi32, #tpu.memory_space<vmem>>) semaphore(%arg22 : memref<!tpu.dma_semaphore, #tpu.memory_space<semaphore_mem>>) {add = true}
        %dma_wait3A_1058 = arith.constant 39 : i32
        %dma_wait3A_1059 = arith.constant 39 : i32
        %dma_wait3A_1060 = arith.constant 0 : i32
        %dma_wait3A_1061 = tpu.memref_slice %arg16[%dma_wait3A_1058, %dma_wait3A_1060] : memref<64x128xf32, #tpu.memory_space<vmem>> -> memref<1x128xf32, #tpu.memory_space<vmem>>
        %dma_wait3A_1062 = tpu.memref_squeeze %dma_wait3A_1061 : memref<1x128xf32, #tpu.memory_space<vmem>> -> memref<128xf32, #tpu.memory_space<vmem>>
        %dma_wait3A_1063 = arith.constant 0 : i32
        %dma_wait3A_1064 = tpu.memref_slice %arg14[%dma_wait3A_1059, %dma_wait3A_1063] : memref<64x128xi32, #tpu.memory_space<vmem>> -> memref<1x128xi32, #tpu.memory_space<vmem>>
        %dma_wait3A_1065 = tpu.memref_squeeze %dma_wait3A_1064 : memref<1x128xi32, #tpu.memory_space<vmem>> -> memref<128xi32, #tpu.memory_space<vmem>>
        %dma_wait3A_1066 = arith.constant 0 : i32
        %dma_wait3A_1067 = tpu.memref_slice %arg12[%dma_wait3A_1066] : memref<262144xf32, #tpu.memory_space<vmem_shared>> -> memref<262144xf32, #tpu.memory_space<vmem_shared>>
        tpu.wait_indirect_dma semaphore(%arg22 : memref<!tpu.dma_semaphore, #tpu.memory_space<semaphore_mem>>) src(%dma_wait3A_1062 : memref<128xf32, #tpu.memory_space<vmem>>) dst(%dma_wait3A_1067 : memref<262144xf32, #tpu.memory_space<vmem_shared>>)
        %dma_start3A_1068 = arith.constant 55 : i32
        %dma_start3A_1069 = arith.constant 55 : i32
        %dma_start3A_1070 = arith.constant 0 : i32
        %dma_start3A_1071 = tpu.memref_slice %arg16[%dma_start3A_1068, %dma_start3A_1070] : memref<64x128xf32, #tpu.memory_space<vmem>> -> memref<1x128xf32, #tpu.memory_space<vmem>>
        %dma_start3A_1072 = tpu.memref_squeeze %dma_start3A_1071 : memref<1x128xf32, #tpu.memory_space<vmem>> -> memref<128xf32, #tpu.memory_space<vmem>>
        %dma_start3A_1073 = arith.constant 0 : i32
        %dma_start3A_1074 = tpu.memref_slice %arg14[%dma_start3A_1069, %dma_start3A_1073] : memref<64x128xi32, #tpu.memory_space<vmem>> -> memref<1x128xi32, #tpu.memory_space<vmem>>
        %dma_start3A_1075 = tpu.memref_squeeze %dma_start3A_1074 : memref<1x128xi32, #tpu.memory_space<vmem>> -> memref<128xi32, #tpu.memory_space<vmem>>
        %dma_start3A_1076 = arith.constant 0 : i32
        %dma_start3A_1077 = tpu.memref_slice %arg12[%dma_start3A_1076] : memref<262144xf32, #tpu.memory_space<vmem_shared>> -> memref<262144xf32, #tpu.memory_space<vmem_shared>>
        tpu.enqueue_indirect_dma source(%dma_start3A_1072 : memref<128xf32, #tpu.memory_space<vmem>>) target(%dma_start3A_1077 : memref<262144xf32, #tpu.memory_space<vmem_shared>>) offsets(%dma_start3A_1075 : memref<128xi32, #tpu.memory_space<vmem>>) semaphore(%arg22 : memref<!tpu.dma_semaphore, #tpu.memory_space<semaphore_mem>>) {add = true}
        %dma_wait3A_1078 = arith.constant 40 : i32
        %dma_wait3A_1079 = arith.constant 40 : i32
        %dma_wait3A_1080 = arith.constant 0 : i32
        %dma_wait3A_1081 = tpu.memref_slice %arg16[%dma_wait3A_1078, %dma_wait3A_1080] : memref<64x128xf32, #tpu.memory_space<vmem>> -> memref<1x128xf32, #tpu.memory_space<vmem>>
        %dma_wait3A_1082 = tpu.memref_squeeze %dma_wait3A_1081 : memref<1x128xf32, #tpu.memory_space<vmem>> -> memref<128xf32, #tpu.memory_space<vmem>>
        %dma_wait3A_1083 = arith.constant 0 : i32
        %dma_wait3A_1084 = tpu.memref_slice %arg14[%dma_wait3A_1079, %dma_wait3A_1083] : memref<64x128xi32, #tpu.memory_space<vmem>> -> memref<1x128xi32, #tpu.memory_space<vmem>>
        %dma_wait3A_1085 = tpu.memref_squeeze %dma_wait3A_1084 : memref<1x128xi32, #tpu.memory_space<vmem>> -> memref<128xi32, #tpu.memory_space<vmem>>
        %dma_wait3A_1086 = arith.constant 0 : i32
        %dma_wait3A_1087 = tpu.memref_slice %arg12[%dma_wait3A_1086] : memref<262144xf32, #tpu.memory_space<vmem_shared>> -> memref<262144xf32, #tpu.memory_space<vmem_shared>>
        tpu.wait_indirect_dma semaphore(%arg22 : memref<!tpu.dma_semaphore, #tpu.memory_space<semaphore_mem>>) src(%dma_wait3A_1082 : memref<128xf32, #tpu.memory_space<vmem>>) dst(%dma_wait3A_1087 : memref<262144xf32, #tpu.memory_space<vmem_shared>>)
        %dma_start3A_1088 = arith.constant 56 : i32
        %dma_start3A_1089 = arith.constant 56 : i32
        %dma_start3A_1090 = arith.constant 0 : i32
        %dma_start3A_1091 = tpu.memref_slice %arg16[%dma_start3A_1088, %dma_start3A_1090] : memref<64x128xf32, #tpu.memory_space<vmem>> -> memref<1x128xf32, #tpu.memory_space<vmem>>
        %dma_start3A_1092 = tpu.memref_squeeze %dma_start3A_1091 : memref<1x128xf32, #tpu.memory_space<vmem>> -> memref<128xf32, #tpu.memory_space<vmem>>
        %dma_start3A_1093 = arith.constant 0 : i32
        %dma_start3A_1094 = tpu.memref_slice %arg14[%dma_start3A_1089, %dma_start3A_1093] : memref<64x128xi32, #tpu.memory_space<vmem>> -> memref<1x128xi32, #tpu.memory_space<vmem>>
        %dma_start3A_1095 = tpu.memref_squeeze %dma_start3A_1094 : memref<1x128xi32, #tpu.memory_space<vmem>> -> memref<128xi32, #tpu.memory_space<vmem>>
        %dma_start3A_1096 = arith.constant 0 : i32
        %dma_start3A_1097 = tpu.memref_slice %arg12[%dma_start3A_1096] : memref<262144xf32, #tpu.memory_space<vmem_shared>> -> memref<262144xf32, #tpu.memory_space<vmem_shared>>
        tpu.enqueue_indirect_dma source(%dma_start3A_1092 : memref<128xf32, #tpu.memory_space<vmem>>) target(%dma_start3A_1097 : memref<262144xf32, #tpu.memory_space<vmem_shared>>) offsets(%dma_start3A_1095 : memref<128xi32, #tpu.memory_space<vmem>>) semaphore(%arg22 : memref<!tpu.dma_semaphore, #tpu.memory_space<semaphore_mem>>) {add = true}
        %dma_wait3A_1098 = arith.constant 41 : i32
        %dma_wait3A_1099 = arith.constant 41 : i32
        %dma_wait3A_1100 = arith.constant 0 : i32
        %dma_wait3A_1101 = tpu.memref_slice %arg16[%dma_wait3A_1098, %dma_wait3A_1100] : memref<64x128xf32, #tpu.memory_space<vmem>> -> memref<1x128xf32, #tpu.memory_space<vmem>>
        %dma_wait3A_1102 = tpu.memref_squeeze %dma_wait3A_1101 : memref<1x128xf32, #tpu.memory_space<vmem>> -> memref<128xf32, #tpu.memory_space<vmem>>
        %dma_wait3A_1103 = arith.constant 0 : i32
        %dma_wait3A_1104 = tpu.memref_slice %arg14[%dma_wait3A_1099, %dma_wait3A_1103] : memref<64x128xi32, #tpu.memory_space<vmem>> -> memref<1x128xi32, #tpu.memory_space<vmem>>
        %dma_wait3A_1105 = tpu.memref_squeeze %dma_wait3A_1104 : memref<1x128xi32, #tpu.memory_space<vmem>> -> memref<128xi32, #tpu.memory_space<vmem>>
        %dma_wait3A_1106 = arith.constant 0 : i32
        %dma_wait3A_1107 = tpu.memref_slice %arg12[%dma_wait3A_1106] : memref<262144xf32, #tpu.memory_space<vmem_shared>> -> memref<262144xf32, #tpu.memory_space<vmem_shared>>
        tpu.wait_indirect_dma semaphore(%arg22 : memref<!tpu.dma_semaphore, #tpu.memory_space<semaphore_mem>>) src(%dma_wait3A_1102 : memref<128xf32, #tpu.memory_space<vmem>>) dst(%dma_wait3A_1107 : memref<262144xf32, #tpu.memory_space<vmem_shared>>)
        %dma_start3A_1108 = arith.constant 57 : i32
        %dma_start3A_1109 = arith.constant 57 : i32
        %dma_start3A_1110 = arith.constant 0 : i32
        %dma_start3A_1111 = tpu.memref_slice %arg16[%dma_start3A_1108, %dma_start3A_1110] : memref<64x128xf32, #tpu.memory_space<vmem>> -> memref<1x128xf32, #tpu.memory_space<vmem>>
        %dma_start3A_1112 = tpu.memref_squeeze %dma_start3A_1111 : memref<1x128xf32, #tpu.memory_space<vmem>> -> memref<128xf32, #tpu.memory_space<vmem>>
        %dma_start3A_1113 = arith.constant 0 : i32
        %dma_start3A_1114 = tpu.memref_slice %arg14[%dma_start3A_1109, %dma_start3A_1113] : memref<64x128xi32, #tpu.memory_space<vmem>> -> memref<1x128xi32, #tpu.memory_space<vmem>>
        %dma_start3A_1115 = tpu.memref_squeeze %dma_start3A_1114 : memref<1x128xi32, #tpu.memory_space<vmem>> -> memref<128xi32, #tpu.memory_space<vmem>>
        %dma_start3A_1116 = arith.constant 0 : i32
        %dma_start3A_1117 = tpu.memref_slice %arg12[%dma_start3A_1116] : memref<262144xf32, #tpu.memory_space<vmem_shared>> -> memref<262144xf32, #tpu.memory_space<vmem_shared>>
        tpu.enqueue_indirect_dma source(%dma_start3A_1112 : memref<128xf32, #tpu.memory_space<vmem>>) target(%dma_start3A_1117 : memref<262144xf32, #tpu.memory_space<vmem_shared>>) offsets(%dma_start3A_1115 : memref<128xi32, #tpu.memory_space<vmem>>) semaphore(%arg22 : memref<!tpu.dma_semaphore, #tpu.memory_space<semaphore_mem>>) {add = true}
        %dma_wait3A_1118 = arith.constant 42 : i32
        %dma_wait3A_1119 = arith.constant 42 : i32
        %dma_wait3A_1120 = arith.constant 0 : i32
        %dma_wait3A_1121 = tpu.memref_slice %arg16[%dma_wait3A_1118, %dma_wait3A_1120] : memref<64x128xf32, #tpu.memory_space<vmem>> -> memref<1x128xf32, #tpu.memory_space<vmem>>
        %dma_wait3A_1122 = tpu.memref_squeeze %dma_wait3A_1121 : memref<1x128xf32, #tpu.memory_space<vmem>> -> memref<128xf32, #tpu.memory_space<vmem>>
        %dma_wait3A_1123 = arith.constant 0 : i32
        %dma_wait3A_1124 = tpu.memref_slice %arg14[%dma_wait3A_1119, %dma_wait3A_1123] : memref<64x128xi32, #tpu.memory_space<vmem>> -> memref<1x128xi32, #tpu.memory_space<vmem>>
        %dma_wait3A_1125 = tpu.memref_squeeze %dma_wait3A_1124 : memref<1x128xi32, #tpu.memory_space<vmem>> -> memref<128xi32, #tpu.memory_space<vmem>>
        %dma_wait3A_1126 = arith.constant 0 : i32
        %dma_wait3A_1127 = tpu.memref_slice %arg12[%dma_wait3A_1126] : memref<262144xf32, #tpu.memory_space<vmem_shared>> -> memref<262144xf32, #tpu.memory_space<vmem_shared>>
        tpu.wait_indirect_dma semaphore(%arg22 : memref<!tpu.dma_semaphore, #tpu.memory_space<semaphore_mem>>) src(%dma_wait3A_1122 : memref<128xf32, #tpu.memory_space<vmem>>) dst(%dma_wait3A_1127 : memref<262144xf32, #tpu.memory_space<vmem_shared>>)
        %dma_start3A_1128 = arith.constant 58 : i32
        %dma_start3A_1129 = arith.constant 58 : i32
        %dma_start3A_1130 = arith.constant 0 : i32
        %dma_start3A_1131 = tpu.memref_slice %arg16[%dma_start3A_1128, %dma_start3A_1130] : memref<64x128xf32, #tpu.memory_space<vmem>> -> memref<1x128xf32, #tpu.memory_space<vmem>>
        %dma_start3A_1132 = tpu.memref_squeeze %dma_start3A_1131 : memref<1x128xf32, #tpu.memory_space<vmem>> -> memref<128xf32, #tpu.memory_space<vmem>>
        %dma_start3A_1133 = arith.constant 0 : i32
        %dma_start3A_1134 = tpu.memref_slice %arg14[%dma_start3A_1129, %dma_start3A_1133] : memref<64x128xi32, #tpu.memory_space<vmem>> -> memref<1x128xi32, #tpu.memory_space<vmem>>
        %dma_start3A_1135 = tpu.memref_squeeze %dma_start3A_1134 : memref<1x128xi32, #tpu.memory_space<vmem>> -> memref<128xi32, #tpu.memory_space<vmem>>
        %dma_start3A_1136 = arith.constant 0 : i32
        %dma_start3A_1137 = tpu.memref_slice %arg12[%dma_start3A_1136] : memref<262144xf32, #tpu.memory_space<vmem_shared>> -> memref<262144xf32, #tpu.memory_space<vmem_shared>>
        tpu.enqueue_indirect_dma source(%dma_start3A_1132 : memref<128xf32, #tpu.memory_space<vmem>>) target(%dma_start3A_1137 : memref<262144xf32, #tpu.memory_space<vmem_shared>>) offsets(%dma_start3A_1135 : memref<128xi32, #tpu.memory_space<vmem>>) semaphore(%arg22 : memref<!tpu.dma_semaphore, #tpu.memory_space<semaphore_mem>>) {add = true}
        %dma_wait3A_1138 = arith.constant 43 : i32
        %dma_wait3A_1139 = arith.constant 43 : i32
        %dma_wait3A_1140 = arith.constant 0 : i32
        %dma_wait3A_1141 = tpu.memref_slice %arg16[%dma_wait3A_1138, %dma_wait3A_1140] : memref<64x128xf32, #tpu.memory_space<vmem>> -> memref<1x128xf32, #tpu.memory_space<vmem>>
        %dma_wait3A_1142 = tpu.memref_squeeze %dma_wait3A_1141 : memref<1x128xf32, #tpu.memory_space<vmem>> -> memref<128xf32, #tpu.memory_space<vmem>>
        %dma_wait3A_1143 = arith.constant 0 : i32
        %dma_wait3A_1144 = tpu.memref_slice %arg14[%dma_wait3A_1139, %dma_wait3A_1143] : memref<64x128xi32, #tpu.memory_space<vmem>> -> memref<1x128xi32, #tpu.memory_space<vmem>>
        %dma_wait3A_1145 = tpu.memref_squeeze %dma_wait3A_1144 : memref<1x128xi32, #tpu.memory_space<vmem>> -> memref<128xi32, #tpu.memory_space<vmem>>
        %dma_wait3A_1146 = arith.constant 0 : i32
        %dma_wait3A_1147 = tpu.memref_slice %arg12[%dma_wait3A_1146] : memref<262144xf32, #tpu.memory_space<vmem_shared>> -> memref<262144xf32, #tpu.memory_space<vmem_shared>>
        tpu.wait_indirect_dma semaphore(%arg22 : memref<!tpu.dma_semaphore, #tpu.memory_space<semaphore_mem>>) src(%dma_wait3A_1142 : memref<128xf32, #tpu.memory_space<vmem>>) dst(%dma_wait3A_1147 : memref<262144xf32, #tpu.memory_space<vmem_shared>>)
        %dma_start3A_1148 = arith.constant 59 : i32
        %dma_start3A_1149 = arith.constant 59 : i32
        %dma_start3A_1150 = arith.constant 0 : i32
        %dma_start3A_1151 = tpu.memref_slice %arg16[%dma_start3A_1148, %dma_start3A_1150] : memref<64x128xf32, #tpu.memory_space<vmem>> -> memref<1x128xf32, #tpu.memory_space<vmem>>
        %dma_start3A_1152 = tpu.memref_squeeze %dma_start3A_1151 : memref<1x128xf32, #tpu.memory_space<vmem>> -> memref<128xf32, #tpu.memory_space<vmem>>
        %dma_start3A_1153 = arith.constant 0 : i32
        %dma_start3A_1154 = tpu.memref_slice %arg14[%dma_start3A_1149, %dma_start3A_1153] : memref<64x128xi32, #tpu.memory_space<vmem>> -> memref<1x128xi32, #tpu.memory_space<vmem>>
        %dma_start3A_1155 = tpu.memref_squeeze %dma_start3A_1154 : memref<1x128xi32, #tpu.memory_space<vmem>> -> memref<128xi32, #tpu.memory_space<vmem>>
        %dma_start3A_1156 = arith.constant 0 : i32
        %dma_start3A_1157 = tpu.memref_slice %arg12[%dma_start3A_1156] : memref<262144xf32, #tpu.memory_space<vmem_shared>> -> memref<262144xf32, #tpu.memory_space<vmem_shared>>
        tpu.enqueue_indirect_dma source(%dma_start3A_1152 : memref<128xf32, #tpu.memory_space<vmem>>) target(%dma_start3A_1157 : memref<262144xf32, #tpu.memory_space<vmem_shared>>) offsets(%dma_start3A_1155 : memref<128xi32, #tpu.memory_space<vmem>>) semaphore(%arg22 : memref<!tpu.dma_semaphore, #tpu.memory_space<semaphore_mem>>) {add = true}
        %dma_wait3A_1158 = arith.constant 44 : i32
        %dma_wait3A_1159 = arith.constant 44 : i32
        %dma_wait3A_1160 = arith.constant 0 : i32
        %dma_wait3A_1161 = tpu.memref_slice %arg16[%dma_wait3A_1158, %dma_wait3A_1160] : memref<64x128xf32, #tpu.memory_space<vmem>> -> memref<1x128xf32, #tpu.memory_space<vmem>>
        %dma_wait3A_1162 = tpu.memref_squeeze %dma_wait3A_1161 : memref<1x128xf32, #tpu.memory_space<vmem>> -> memref<128xf32, #tpu.memory_space<vmem>>
        %dma_wait3A_1163 = arith.constant 0 : i32
        %dma_wait3A_1164 = tpu.memref_slice %arg14[%dma_wait3A_1159, %dma_wait3A_1163] : memref<64x128xi32, #tpu.memory_space<vmem>> -> memref<1x128xi32, #tpu.memory_space<vmem>>
        %dma_wait3A_1165 = tpu.memref_squeeze %dma_wait3A_1164 : memref<1x128xi32, #tpu.memory_space<vmem>> -> memref<128xi32, #tpu.memory_space<vmem>>
        %dma_wait3A_1166 = arith.constant 0 : i32
        %dma_wait3A_1167 = tpu.memref_slice %arg12[%dma_wait3A_1166] : memref<262144xf32, #tpu.memory_space<vmem_shared>> -> memref<262144xf32, #tpu.memory_space<vmem_shared>>
        tpu.wait_indirect_dma semaphore(%arg22 : memref<!tpu.dma_semaphore, #tpu.memory_space<semaphore_mem>>) src(%dma_wait3A_1162 : memref<128xf32, #tpu.memory_space<vmem>>) dst(%dma_wait3A_1167 : memref<262144xf32, #tpu.memory_space<vmem_shared>>)
        %dma_start3A_1168 = arith.constant 60 : i32
        %dma_start3A_1169 = arith.constant 60 : i32
        %dma_start3A_1170 = arith.constant 0 : i32
        %dma_start3A_1171 = tpu.memref_slice %arg16[%dma_start3A_1168, %dma_start3A_1170] : memref<64x128xf32, #tpu.memory_space<vmem>> -> memref<1x128xf32, #tpu.memory_space<vmem>>
        %dma_start3A_1172 = tpu.memref_squeeze %dma_start3A_1171 : memref<1x128xf32, #tpu.memory_space<vmem>> -> memref<128xf32, #tpu.memory_space<vmem>>
        %dma_start3A_1173 = arith.constant 0 : i32
        %dma_start3A_1174 = tpu.memref_slice %arg14[%dma_start3A_1169, %dma_start3A_1173] : memref<64x128xi32, #tpu.memory_space<vmem>> -> memref<1x128xi32, #tpu.memory_space<vmem>>
        %dma_start3A_1175 = tpu.memref_squeeze %dma_start3A_1174 : memref<1x128xi32, #tpu.memory_space<vmem>> -> memref<128xi32, #tpu.memory_space<vmem>>
        %dma_start3A_1176 = arith.constant 0 : i32
        %dma_start3A_1177 = tpu.memref_slice %arg12[%dma_start3A_1176] : memref<262144xf32, #tpu.memory_space<vmem_shared>> -> memref<262144xf32, #tpu.memory_space<vmem_shared>>
        tpu.enqueue_indirect_dma source(%dma_start3A_1172 : memref<128xf32, #tpu.memory_space<vmem>>) target(%dma_start3A_1177 : memref<262144xf32, #tpu.memory_space<vmem_shared>>) offsets(%dma_start3A_1175 : memref<128xi32, #tpu.memory_space<vmem>>) semaphore(%arg22 : memref<!tpu.dma_semaphore, #tpu.memory_space<semaphore_mem>>) {add = true}
        %dma_wait3A_1178 = arith.constant 45 : i32
        %dma_wait3A_1179 = arith.constant 45 : i32
        %dma_wait3A_1180 = arith.constant 0 : i32
        %dma_wait3A_1181 = tpu.memref_slice %arg16[%dma_wait3A_1178, %dma_wait3A_1180] : memref<64x128xf32, #tpu.memory_space<vmem>> -> memref<1x128xf32, #tpu.memory_space<vmem>>
        %dma_wait3A_1182 = tpu.memref_squeeze %dma_wait3A_1181 : memref<1x128xf32, #tpu.memory_space<vmem>> -> memref<128xf32, #tpu.memory_space<vmem>>
        %dma_wait3A_1183 = arith.constant 0 : i32
        %dma_wait3A_1184 = tpu.memref_slice %arg14[%dma_wait3A_1179, %dma_wait3A_1183] : memref<64x128xi32, #tpu.memory_space<vmem>> -> memref<1x128xi32, #tpu.memory_space<vmem>>
        %dma_wait3A_1185 = tpu.memref_squeeze %dma_wait3A_1184 : memref<1x128xi32, #tpu.memory_space<vmem>> -> memref<128xi32, #tpu.memory_space<vmem>>
        %dma_wait3A_1186 = arith.constant 0 : i32
        %dma_wait3A_1187 = tpu.memref_slice %arg12[%dma_wait3A_1186] : memref<262144xf32, #tpu.memory_space<vmem_shared>> -> memref<262144xf32, #tpu.memory_space<vmem_shared>>
        tpu.wait_indirect_dma semaphore(%arg22 : memref<!tpu.dma_semaphore, #tpu.memory_space<semaphore_mem>>) src(%dma_wait3A_1182 : memref<128xf32, #tpu.memory_space<vmem>>) dst(%dma_wait3A_1187 : memref<262144xf32, #tpu.memory_space<vmem_shared>>)
        %dma_start3A_1188 = arith.constant 61 : i32
        %dma_start3A_1189 = arith.constant 61 : i32
        %dma_start3A_1190 = arith.constant 0 : i32
        %dma_start3A_1191 = tpu.memref_slice %arg16[%dma_start3A_1188, %dma_start3A_1190] : memref<64x128xf32, #tpu.memory_space<vmem>> -> memref<1x128xf32, #tpu.memory_space<vmem>>
        %dma_start3A_1192 = tpu.memref_squeeze %dma_start3A_1191 : memref<1x128xf32, #tpu.memory_space<vmem>> -> memref<128xf32, #tpu.memory_space<vmem>>
        %dma_start3A_1193 = arith.constant 0 : i32
        %dma_start3A_1194 = tpu.memref_slice %arg14[%dma_start3A_1189, %dma_start3A_1193] : memref<64x128xi32, #tpu.memory_space<vmem>> -> memref<1x128xi32, #tpu.memory_space<vmem>>
        %dma_start3A_1195 = tpu.memref_squeeze %dma_start3A_1194 : memref<1x128xi32, #tpu.memory_space<vmem>> -> memref<128xi32, #tpu.memory_space<vmem>>
        %dma_start3A_1196 = arith.constant 0 : i32
        %dma_start3A_1197 = tpu.memref_slice %arg12[%dma_start3A_1196] : memref<262144xf32, #tpu.memory_space<vmem_shared>> -> memref<262144xf32, #tpu.memory_space<vmem_shared>>
        tpu.enqueue_indirect_dma source(%dma_start3A_1192 : memref<128xf32, #tpu.memory_space<vmem>>) target(%dma_start3A_1197 : memref<262144xf32, #tpu.memory_space<vmem_shared>>) offsets(%dma_start3A_1195 : memref<128xi32, #tpu.memory_space<vmem>>) semaphore(%arg22 : memref<!tpu.dma_semaphore, #tpu.memory_space<semaphore_mem>>) {add = true}
        %dma_wait3A_1198 = arith.constant 46 : i32
        %dma_wait3A_1199 = arith.constant 46 : i32
        %dma_wait3A_1200 = arith.constant 0 : i32
        %dma_wait3A_1201 = tpu.memref_slice %arg16[%dma_wait3A_1198, %dma_wait3A_1200] : memref<64x128xf32, #tpu.memory_space<vmem>> -> memref<1x128xf32, #tpu.memory_space<vmem>>
        %dma_wait3A_1202 = tpu.memref_squeeze %dma_wait3A_1201 : memref<1x128xf32, #tpu.memory_space<vmem>> -> memref<128xf32, #tpu.memory_space<vmem>>
        %dma_wait3A_1203 = arith.constant 0 : i32
        %dma_wait3A_1204 = tpu.memref_slice %arg14[%dma_wait3A_1199, %dma_wait3A_1203] : memref<64x128xi32, #tpu.memory_space<vmem>> -> memref<1x128xi32, #tpu.memory_space<vmem>>
        %dma_wait3A_1205 = tpu.memref_squeeze %dma_wait3A_1204 : memref<1x128xi32, #tpu.memory_space<vmem>> -> memref<128xi32, #tpu.memory_space<vmem>>
        %dma_wait3A_1206 = arith.constant 0 : i32
        %dma_wait3A_1207 = tpu.memref_slice %arg12[%dma_wait3A_1206] : memref<262144xf32, #tpu.memory_space<vmem_shared>> -> memref<262144xf32, #tpu.memory_space<vmem_shared>>
        tpu.wait_indirect_dma semaphore(%arg22 : memref<!tpu.dma_semaphore, #tpu.memory_space<semaphore_mem>>) src(%dma_wait3A_1202 : memref<128xf32, #tpu.memory_space<vmem>>) dst(%dma_wait3A_1207 : memref<262144xf32, #tpu.memory_space<vmem_shared>>)
        %dma_start3A_1208 = arith.constant 62 : i32
        %dma_start3A_1209 = arith.constant 62 : i32
        %dma_start3A_1210 = arith.constant 0 : i32
        %dma_start3A_1211 = tpu.memref_slice %arg16[%dma_start3A_1208, %dma_start3A_1210] : memref<64x128xf32, #tpu.memory_space<vmem>> -> memref<1x128xf32, #tpu.memory_space<vmem>>
        %dma_start3A_1212 = tpu.memref_squeeze %dma_start3A_1211 : memref<1x128xf32, #tpu.memory_space<vmem>> -> memref<128xf32, #tpu.memory_space<vmem>>
        %dma_start3A_1213 = arith.constant 0 : i32
        %dma_start3A_1214 = tpu.memref_slice %arg14[%dma_start3A_1209, %dma_start3A_1213] : memref<64x128xi32, #tpu.memory_space<vmem>> -> memref<1x128xi32, #tpu.memory_space<vmem>>
        %dma_start3A_1215 = tpu.memref_squeeze %dma_start3A_1214 : memref<1x128xi32, #tpu.memory_space<vmem>> -> memref<128xi32, #tpu.memory_space<vmem>>
        %dma_start3A_1216 = arith.constant 0 : i32
        %dma_start3A_1217 = tpu.memref_slice %arg12[%dma_start3A_1216] : memref<262144xf32, #tpu.memory_space<vmem_shared>> -> memref<262144xf32, #tpu.memory_space<vmem_shared>>
        tpu.enqueue_indirect_dma source(%dma_start3A_1212 : memref<128xf32, #tpu.memory_space<vmem>>) target(%dma_start3A_1217 : memref<262144xf32, #tpu.memory_space<vmem_shared>>) offsets(%dma_start3A_1215 : memref<128xi32, #tpu.memory_space<vmem>>) semaphore(%arg22 : memref<!tpu.dma_semaphore, #tpu.memory_space<semaphore_mem>>) {add = true}
        %dma_wait3A_1218 = arith.constant 47 : i32
        %dma_wait3A_1219 = arith.constant 47 : i32
        %dma_wait3A_1220 = arith.constant 0 : i32
        %dma_wait3A_1221 = tpu.memref_slice %arg16[%dma_wait3A_1218, %dma_wait3A_1220] : memref<64x128xf32, #tpu.memory_space<vmem>> -> memref<1x128xf32, #tpu.memory_space<vmem>>
        %dma_wait3A_1222 = tpu.memref_squeeze %dma_wait3A_1221 : memref<1x128xf32, #tpu.memory_space<vmem>> -> memref<128xf32, #tpu.memory_space<vmem>>
        %dma_wait3A_1223 = arith.constant 0 : i32
        %dma_wait3A_1224 = tpu.memref_slice %arg14[%dma_wait3A_1219, %dma_wait3A_1223] : memref<64x128xi32, #tpu.memory_space<vmem>> -> memref<1x128xi32, #tpu.memory_space<vmem>>
        %dma_wait3A_1225 = tpu.memref_squeeze %dma_wait3A_1224 : memref<1x128xi32, #tpu.memory_space<vmem>> -> memref<128xi32, #tpu.memory_space<vmem>>
        %dma_wait3A_1226 = arith.constant 0 : i32
        %dma_wait3A_1227 = tpu.memref_slice %arg12[%dma_wait3A_1226] : memref<262144xf32, #tpu.memory_space<vmem_shared>> -> memref<262144xf32, #tpu.memory_space<vmem_shared>>
        tpu.wait_indirect_dma semaphore(%arg22 : memref<!tpu.dma_semaphore, #tpu.memory_space<semaphore_mem>>) src(%dma_wait3A_1222 : memref<128xf32, #tpu.memory_space<vmem>>) dst(%dma_wait3A_1227 : memref<262144xf32, #tpu.memory_space<vmem_shared>>)
        %dma_start3A_1228 = arith.constant 63 : i32
        %dma_start3A_1229 = arith.constant 63 : i32
        %dma_start3A_1230 = arith.constant 0 : i32
        %dma_start3A_1231 = tpu.memref_slice %arg16[%dma_start3A_1228, %dma_start3A_1230] : memref<64x128xf32, #tpu.memory_space<vmem>> -> memref<1x128xf32, #tpu.memory_space<vmem>>
        %dma_start3A_1232 = tpu.memref_squeeze %dma_start3A_1231 : memref<1x128xf32, #tpu.memory_space<vmem>> -> memref<128xf32, #tpu.memory_space<vmem>>
        %dma_start3A_1233 = arith.constant 0 : i32
        %dma_start3A_1234 = tpu.memref_slice %arg14[%dma_start3A_1229, %dma_start3A_1233] : memref<64x128xi32, #tpu.memory_space<vmem>> -> memref<1x128xi32, #tpu.memory_space<vmem>>
        %dma_start3A_1235 = tpu.memref_squeeze %dma_start3A_1234 : memref<1x128xi32, #tpu.memory_space<vmem>> -> memref<128xi32, #tpu.memory_space<vmem>>
        %dma_start3A_1236 = arith.constant 0 : i32
        %dma_start3A_1237 = tpu.memref_slice %arg12[%dma_start3A_1236] : memref<262144xf32, #tpu.memory_space<vmem_shared>> -> memref<262144xf32, #tpu.memory_space<vmem_shared>>
        tpu.enqueue_indirect_dma source(%dma_start3A_1232 : memref<128xf32, #tpu.memory_space<vmem>>) target(%dma_start3A_1237 : memref<262144xf32, #tpu.memory_space<vmem_shared>>) offsets(%dma_start3A_1235 : memref<128xi32, #tpu.memory_space<vmem>>) semaphore(%arg22 : memref<!tpu.dma_semaphore, #tpu.memory_space<semaphore_mem>>) {add = true}
        %dma_wait3A_1238 = arith.constant 48 : i32
        %dma_wait3A_1239 = arith.constant 48 : i32
        %dma_wait3A_1240 = arith.constant 0 : i32
        %dma_wait3A_1241 = tpu.memref_slice %arg16[%dma_wait3A_1238, %dma_wait3A_1240] : memref<64x128xf32, #tpu.memory_space<vmem>> -> memref<1x128xf32, #tpu.memory_space<vmem>>
        %dma_wait3A_1242 = tpu.memref_squeeze %dma_wait3A_1241 : memref<1x128xf32, #tpu.memory_space<vmem>> -> memref<128xf32, #tpu.memory_space<vmem>>
        %dma_wait3A_1243 = arith.constant 0 : i32
        %dma_wait3A_1244 = tpu.memref_slice %arg14[%dma_wait3A_1239, %dma_wait3A_1243] : memref<64x128xi32, #tpu.memory_space<vmem>> -> memref<1x128xi32, #tpu.memory_space<vmem>>
        %dma_wait3A_1245 = tpu.memref_squeeze %dma_wait3A_1244 : memref<1x128xi32, #tpu.memory_space<vmem>> -> memref<128xi32, #tpu.memory_space<vmem>>
        %dma_wait3A_1246 = arith.constant 0 : i32
        %dma_wait3A_1247 = tpu.memref_slice %arg12[%dma_wait3A_1246] : memref<262144xf32, #tpu.memory_space<vmem_shared>> -> memref<262144xf32, #tpu.memory_space<vmem_shared>>
        tpu.wait_indirect_dma semaphore(%arg22 : memref<!tpu.dma_semaphore, #tpu.memory_space<semaphore_mem>>) src(%dma_wait3A_1242 : memref<128xf32, #tpu.memory_space<vmem>>) dst(%dma_wait3A_1247 : memref<262144xf32, #tpu.memory_space<vmem_shared>>)
        %dma_wait3A_1248 = arith.constant 49 : i32
        %dma_wait3A_1249 = arith.constant 49 : i32
        %dma_wait3A_1250 = arith.constant 0 : i32
        %dma_wait3A_1251 = tpu.memref_slice %arg16[%dma_wait3A_1248, %dma_wait3A_1250] : memref<64x128xf32, #tpu.memory_space<vmem>> -> memref<1x128xf32, #tpu.memory_space<vmem>>
        %dma_wait3A_1252 = tpu.memref_squeeze %dma_wait3A_1251 : memref<1x128xf32, #tpu.memory_space<vmem>> -> memref<128xf32, #tpu.memory_space<vmem>>
        %dma_wait3A_1253 = arith.constant 0 : i32
        %dma_wait3A_1254 = tpu.memref_slice %arg14[%dma_wait3A_1249, %dma_wait3A_1253] : memref<64x128xi32, #tpu.memory_space<vmem>> -> memref<1x128xi32, #tpu.memory_space<vmem>>
        %dma_wait3A_1255 = tpu.memref_squeeze %dma_wait3A_1254 : memref<1x128xi32, #tpu.memory_space<vmem>> -> memref<128xi32, #tpu.memory_space<vmem>>
        %dma_wait3A_1256 = arith.constant 0 : i32
        %dma_wait3A_1257 = tpu.memref_slice %arg12[%dma_wait3A_1256] : memref<262144xf32, #tpu.memory_space<vmem_shared>> -> memref<262144xf32, #tpu.memory_space<vmem_shared>>
        tpu.wait_indirect_dma semaphore(%arg22 : memref<!tpu.dma_semaphore, #tpu.memory_space<semaphore_mem>>) src(%dma_wait3A_1252 : memref<128xf32, #tpu.memory_space<vmem>>) dst(%dma_wait3A_1257 : memref<262144xf32, #tpu.memory_space<vmem_shared>>)
        %dma_wait3A_1258 = arith.constant 50 : i32
        %dma_wait3A_1259 = arith.constant 50 : i32
        %dma_wait3A_1260 = arith.constant 0 : i32
        %dma_wait3A_1261 = tpu.memref_slice %arg16[%dma_wait3A_1258, %dma_wait3A_1260] : memref<64x128xf32, #tpu.memory_space<vmem>> -> memref<1x128xf32, #tpu.memory_space<vmem>>
        %dma_wait3A_1262 = tpu.memref_squeeze %dma_wait3A_1261 : memref<1x128xf32, #tpu.memory_space<vmem>> -> memref<128xf32, #tpu.memory_space<vmem>>
        %dma_wait3A_1263 = arith.constant 0 : i32
        %dma_wait3A_1264 = tpu.memref_slice %arg14[%dma_wait3A_1259, %dma_wait3A_1263] : memref<64x128xi32, #tpu.memory_space<vmem>> -> memref<1x128xi32, #tpu.memory_space<vmem>>
        %dma_wait3A_1265 = tpu.memref_squeeze %dma_wait3A_1264 : memref<1x128xi32, #tpu.memory_space<vmem>> -> memref<128xi32, #tpu.memory_space<vmem>>
        %dma_wait3A_1266 = arith.constant 0 : i32
        %dma_wait3A_1267 = tpu.memref_slice %arg12[%dma_wait3A_1266] : memref<262144xf32, #tpu.memory_space<vmem_shared>> -> memref<262144xf32, #tpu.memory_space<vmem_shared>>
        tpu.wait_indirect_dma semaphore(%arg22 : memref<!tpu.dma_semaphore, #tpu.memory_space<semaphore_mem>>) src(%dma_wait3A_1262 : memref<128xf32, #tpu.memory_space<vmem>>) dst(%dma_wait3A_1267 : memref<262144xf32, #tpu.memory_space<vmem_shared>>)
        %dma_wait3A_1268 = arith.constant 51 : i32
        %dma_wait3A_1269 = arith.constant 51 : i32
        %dma_wait3A_1270 = arith.constant 0 : i32
        %dma_wait3A_1271 = tpu.memref_slice %arg16[%dma_wait3A_1268, %dma_wait3A_1270] : memref<64x128xf32, #tpu.memory_space<vmem>> -> memref<1x128xf32, #tpu.memory_space<vmem>>
        %dma_wait3A_1272 = tpu.memref_squeeze %dma_wait3A_1271 : memref<1x128xf32, #tpu.memory_space<vmem>> -> memref<128xf32, #tpu.memory_space<vmem>>
        %dma_wait3A_1273 = arith.constant 0 : i32
        %dma_wait3A_1274 = tpu.memref_slice %arg14[%dma_wait3A_1269, %dma_wait3A_1273] : memref<64x128xi32, #tpu.memory_space<vmem>> -> memref<1x128xi32, #tpu.memory_space<vmem>>
        %dma_wait3A_1275 = tpu.memref_squeeze %dma_wait3A_1274 : memref<1x128xi32, #tpu.memory_space<vmem>> -> memref<128xi32, #tpu.memory_space<vmem>>
        %dma_wait3A_1276 = arith.constant 0 : i32
        %dma_wait3A_1277 = tpu.memref_slice %arg12[%dma_wait3A_1276] : memref<262144xf32, #tpu.memory_space<vmem_shared>> -> memref<262144xf32, #tpu.memory_space<vmem_shared>>
        tpu.wait_indirect_dma semaphore(%arg22 : memref<!tpu.dma_semaphore, #tpu.memory_space<semaphore_mem>>) src(%dma_wait3A_1272 : memref<128xf32, #tpu.memory_space<vmem>>) dst(%dma_wait3A_1277 : memref<262144xf32, #tpu.memory_space<vmem_shared>>)
        %dma_wait3A_1278 = arith.constant 52 : i32
        %dma_wait3A_1279 = arith.constant 52 : i32
        %dma_wait3A_1280 = arith.constant 0 : i32
        %dma_wait3A_1281 = tpu.memref_slice %arg16[%dma_wait3A_1278, %dma_wait3A_1280] : memref<64x128xf32, #tpu.memory_space<vmem>> -> memref<1x128xf32, #tpu.memory_space<vmem>>
        %dma_wait3A_1282 = tpu.memref_squeeze %dma_wait3A_1281 : memref<1x128xf32, #tpu.memory_space<vmem>> -> memref<128xf32, #tpu.memory_space<vmem>>
        %dma_wait3A_1283 = arith.constant 0 : i32
        %dma_wait3A_1284 = tpu.memref_slice %arg14[%dma_wait3A_1279, %dma_wait3A_1283] : memref<64x128xi32, #tpu.memory_space<vmem>> -> memref<1x128xi32, #tpu.memory_space<vmem>>
        %dma_wait3A_1285 = tpu.memref_squeeze %dma_wait3A_1284 : memref<1x128xi32, #tpu.memory_space<vmem>> -> memref<128xi32, #tpu.memory_space<vmem>>
        %dma_wait3A_1286 = arith.constant 0 : i32
        %dma_wait3A_1287 = tpu.memref_slice %arg12[%dma_wait3A_1286] : memref<262144xf32, #tpu.memory_space<vmem_shared>> -> memref<262144xf32, #tpu.memory_space<vmem_shared>>
        tpu.wait_indirect_dma semaphore(%arg22 : memref<!tpu.dma_semaphore, #tpu.memory_space<semaphore_mem>>) src(%dma_wait3A_1282 : memref<128xf32, #tpu.memory_space<vmem>>) dst(%dma_wait3A_1287 : memref<262144xf32, #tpu.memory_space<vmem_shared>>)
        %dma_wait3A_1288 = arith.constant 53 : i32
        %dma_wait3A_1289 = arith.constant 53 : i32
        %dma_wait3A_1290 = arith.constant 0 : i32
        %dma_wait3A_1291 = tpu.memref_slice %arg16[%dma_wait3A_1288, %dma_wait3A_1290] : memref<64x128xf32, #tpu.memory_space<vmem>> -> memref<1x128xf32, #tpu.memory_space<vmem>>
        %dma_wait3A_1292 = tpu.memref_squeeze %dma_wait3A_1291 : memref<1x128xf32, #tpu.memory_space<vmem>> -> memref<128xf32, #tpu.memory_space<vmem>>
        %dma_wait3A_1293 = arith.constant 0 : i32
        %dma_wait3A_1294 = tpu.memref_slice %arg14[%dma_wait3A_1289, %dma_wait3A_1293] : memref<64x128xi32, #tpu.memory_space<vmem>> -> memref<1x128xi32, #tpu.memory_space<vmem>>
        %dma_wait3A_1295 = tpu.memref_squeeze %dma_wait3A_1294 : memref<1x128xi32, #tpu.memory_space<vmem>> -> memref<128xi32, #tpu.memory_space<vmem>>
        %dma_wait3A_1296 = arith.constant 0 : i32
        %dma_wait3A_1297 = tpu.memref_slice %arg12[%dma_wait3A_1296] : memref<262144xf32, #tpu.memory_space<vmem_shared>> -> memref<262144xf32, #tpu.memory_space<vmem_shared>>
        tpu.wait_indirect_dma semaphore(%arg22 : memref<!tpu.dma_semaphore, #tpu.memory_space<semaphore_mem>>) src(%dma_wait3A_1292 : memref<128xf32, #tpu.memory_space<vmem>>) dst(%dma_wait3A_1297 : memref<262144xf32, #tpu.memory_space<vmem_shared>>)
        %dma_wait3A_1298 = arith.constant 54 : i32
        %dma_wait3A_1299 = arith.constant 54 : i32
        %dma_wait3A_1300 = arith.constant 0 : i32
        %dma_wait3A_1301 = tpu.memref_slice %arg16[%dma_wait3A_1298, %dma_wait3A_1300] : memref<64x128xf32, #tpu.memory_space<vmem>> -> memref<1x128xf32, #tpu.memory_space<vmem>>
        %dma_wait3A_1302 = tpu.memref_squeeze %dma_wait3A_1301 : memref<1x128xf32, #tpu.memory_space<vmem>> -> memref<128xf32, #tpu.memory_space<vmem>>
        %dma_wait3A_1303 = arith.constant 0 : i32
        %dma_wait3A_1304 = tpu.memref_slice %arg14[%dma_wait3A_1299, %dma_wait3A_1303] : memref<64x128xi32, #tpu.memory_space<vmem>> -> memref<1x128xi32, #tpu.memory_space<vmem>>
        %dma_wait3A_1305 = tpu.memref_squeeze %dma_wait3A_1304 : memref<1x128xi32, #tpu.memory_space<vmem>> -> memref<128xi32, #tpu.memory_space<vmem>>
        %dma_wait3A_1306 = arith.constant 0 : i32
        %dma_wait3A_1307 = tpu.memref_slice %arg12[%dma_wait3A_1306] : memref<262144xf32, #tpu.memory_space<vmem_shared>> -> memref<262144xf32, #tpu.memory_space<vmem_shared>>
        tpu.wait_indirect_dma semaphore(%arg22 : memref<!tpu.dma_semaphore, #tpu.memory_space<semaphore_mem>>) src(%dma_wait3A_1302 : memref<128xf32, #tpu.memory_space<vmem>>) dst(%dma_wait3A_1307 : memref<262144xf32, #tpu.memory_space<vmem_shared>>)
        %dma_wait3A_1308 = arith.constant 55 : i32
        %dma_wait3A_1309 = arith.constant 55 : i32
        %dma_wait3A_1310 = arith.constant 0 : i32
        %dma_wait3A_1311 = tpu.memref_slice %arg16[%dma_wait3A_1308, %dma_wait3A_1310] : memref<64x128xf32, #tpu.memory_space<vmem>> -> memref<1x128xf32, #tpu.memory_space<vmem>>
        %dma_wait3A_1312 = tpu.memref_squeeze %dma_wait3A_1311 : memref<1x128xf32, #tpu.memory_space<vmem>> -> memref<128xf32, #tpu.memory_space<vmem>>
        %dma_wait3A_1313 = arith.constant 0 : i32
        %dma_wait3A_1314 = tpu.memref_slice %arg14[%dma_wait3A_1309, %dma_wait3A_1313] : memref<64x128xi32, #tpu.memory_space<vmem>> -> memref<1x128xi32, #tpu.memory_space<vmem>>
        %dma_wait3A_1315 = tpu.memref_squeeze %dma_wait3A_1314 : memref<1x128xi32, #tpu.memory_space<vmem>> -> memref<128xi32, #tpu.memory_space<vmem>>
        %dma_wait3A_1316 = arith.constant 0 : i32
        %dma_wait3A_1317 = tpu.memref_slice %arg12[%dma_wait3A_1316] : memref<262144xf32, #tpu.memory_space<vmem_shared>> -> memref<262144xf32, #tpu.memory_space<vmem_shared>>
        tpu.wait_indirect_dma semaphore(%arg22 : memref<!tpu.dma_semaphore, #tpu.memory_space<semaphore_mem>>) src(%dma_wait3A_1312 : memref<128xf32, #tpu.memory_space<vmem>>) dst(%dma_wait3A_1317 : memref<262144xf32, #tpu.memory_space<vmem_shared>>)
        %dma_wait3A_1318 = arith.constant 56 : i32
        %dma_wait3A_1319 = arith.constant 56 : i32
        %dma_wait3A_1320 = arith.constant 0 : i32
        %dma_wait3A_1321 = tpu.memref_slice %arg16[%dma_wait3A_1318, %dma_wait3A_1320] : memref<64x128xf32, #tpu.memory_space<vmem>> -> memref<1x128xf32, #tpu.memory_space<vmem>>
        %dma_wait3A_1322 = tpu.memref_squeeze %dma_wait3A_1321 : memref<1x128xf32, #tpu.memory_space<vmem>> -> memref<128xf32, #tpu.memory_space<vmem>>
        %dma_wait3A_1323 = arith.constant 0 : i32
        %dma_wait3A_1324 = tpu.memref_slice %arg14[%dma_wait3A_1319, %dma_wait3A_1323] : memref<64x128xi32, #tpu.memory_space<vmem>> -> memref<1x128xi32, #tpu.memory_space<vmem>>
        %dma_wait3A_1325 = tpu.memref_squeeze %dma_wait3A_1324 : memref<1x128xi32, #tpu.memory_space<vmem>> -> memref<128xi32, #tpu.memory_space<vmem>>
        %dma_wait3A_1326 = arith.constant 0 : i32
        %dma_wait3A_1327 = tpu.memref_slice %arg12[%dma_wait3A_1326] : memref<262144xf32, #tpu.memory_space<vmem_shared>> -> memref<262144xf32, #tpu.memory_space<vmem_shared>>
        tpu.wait_indirect_dma semaphore(%arg22 : memref<!tpu.dma_semaphore, #tpu.memory_space<semaphore_mem>>) src(%dma_wait3A_1322 : memref<128xf32, #tpu.memory_space<vmem>>) dst(%dma_wait3A_1327 : memref<262144xf32, #tpu.memory_space<vmem_shared>>)
        %dma_wait3A_1328 = arith.constant 57 : i32
        %dma_wait3A_1329 = arith.constant 57 : i32
        %dma_wait3A_1330 = arith.constant 0 : i32
        %dma_wait3A_1331 = tpu.memref_slice %arg16[%dma_wait3A_1328, %dma_wait3A_1330] : memref<64x128xf32, #tpu.memory_space<vmem>> -> memref<1x128xf32, #tpu.memory_space<vmem>>
        %dma_wait3A_1332 = tpu.memref_squeeze %dma_wait3A_1331 : memref<1x128xf32, #tpu.memory_space<vmem>> -> memref<128xf32, #tpu.memory_space<vmem>>
        %dma_wait3A_1333 = arith.constant 0 : i32
        %dma_wait3A_1334 = tpu.memref_slice %arg14[%dma_wait3A_1329, %dma_wait3A_1333] : memref<64x128xi32, #tpu.memory_space<vmem>> -> memref<1x128xi32, #tpu.memory_space<vmem>>
        %dma_wait3A_1335 = tpu.memref_squeeze %dma_wait3A_1334 : memref<1x128xi32, #tpu.memory_space<vmem>> -> memref<128xi32, #tpu.memory_space<vmem>>
        %dma_wait3A_1336 = arith.constant 0 : i32
        %dma_wait3A_1337 = tpu.memref_slice %arg12[%dma_wait3A_1336] : memref<262144xf32, #tpu.memory_space<vmem_shared>> -> memref<262144xf32, #tpu.memory_space<vmem_shared>>
        tpu.wait_indirect_dma semaphore(%arg22 : memref<!tpu.dma_semaphore, #tpu.memory_space<semaphore_mem>>) src(%dma_wait3A_1332 : memref<128xf32, #tpu.memory_space<vmem>>) dst(%dma_wait3A_1337 : memref<262144xf32, #tpu.memory_space<vmem_shared>>)
        %dma_wait3A_1338 = arith.constant 58 : i32
        %dma_wait3A_1339 = arith.constant 58 : i32
        %dma_wait3A_1340 = arith.constant 0 : i32
        %dma_wait3A_1341 = tpu.memref_slice %arg16[%dma_wait3A_1338, %dma_wait3A_1340] : memref<64x128xf32, #tpu.memory_space<vmem>> -> memref<1x128xf32, #tpu.memory_space<vmem>>
        %dma_wait3A_1342 = tpu.memref_squeeze %dma_wait3A_1341 : memref<1x128xf32, #tpu.memory_space<vmem>> -> memref<128xf32, #tpu.memory_space<vmem>>
        %dma_wait3A_1343 = arith.constant 0 : i32
        %dma_wait3A_1344 = tpu.memref_slice %arg14[%dma_wait3A_1339, %dma_wait3A_1343] : memref<64x128xi32, #tpu.memory_space<vmem>> -> memref<1x128xi32, #tpu.memory_space<vmem>>
        %dma_wait3A_1345 = tpu.memref_squeeze %dma_wait3A_1344 : memref<1x128xi32, #tpu.memory_space<vmem>> -> memref<128xi32, #tpu.memory_space<vmem>>
        %dma_wait3A_1346 = arith.constant 0 : i32
        %dma_wait3A_1347 = tpu.memref_slice %arg12[%dma_wait3A_1346] : memref<262144xf32, #tpu.memory_space<vmem_shared>> -> memref<262144xf32, #tpu.memory_space<vmem_shared>>
        tpu.wait_indirect_dma semaphore(%arg22 : memref<!tpu.dma_semaphore, #tpu.memory_space<semaphore_mem>>) src(%dma_wait3A_1342 : memref<128xf32, #tpu.memory_space<vmem>>) dst(%dma_wait3A_1347 : memref<262144xf32, #tpu.memory_space<vmem_shared>>)
        %dma_wait3A_1348 = arith.constant 59 : i32
        %dma_wait3A_1349 = arith.constant 59 : i32
        %dma_wait3A_1350 = arith.constant 0 : i32
        %dma_wait3A_1351 = tpu.memref_slice %arg16[%dma_wait3A_1348, %dma_wait3A_1350] : memref<64x128xf32, #tpu.memory_space<vmem>> -> memref<1x128xf32, #tpu.memory_space<vmem>>
        %dma_wait3A_1352 = tpu.memref_squeeze %dma_wait3A_1351 : memref<1x128xf32, #tpu.memory_space<vmem>> -> memref<128xf32, #tpu.memory_space<vmem>>
        %dma_wait3A_1353 = arith.constant 0 : i32
        %dma_wait3A_1354 = tpu.memref_slice %arg14[%dma_wait3A_1349, %dma_wait3A_1353] : memref<64x128xi32, #tpu.memory_space<vmem>> -> memref<1x128xi32, #tpu.memory_space<vmem>>
        %dma_wait3A_1355 = tpu.memref_squeeze %dma_wait3A_1354 : memref<1x128xi32, #tpu.memory_space<vmem>> -> memref<128xi32, #tpu.memory_space<vmem>>
        %dma_wait3A_1356 = arith.constant 0 : i32
        %dma_wait3A_1357 = tpu.memref_slice %arg12[%dma_wait3A_1356] : memref<262144xf32, #tpu.memory_space<vmem_shared>> -> memref<262144xf32, #tpu.memory_space<vmem_shared>>
        tpu.wait_indirect_dma semaphore(%arg22 : memref<!tpu.dma_semaphore, #tpu.memory_space<semaphore_mem>>) src(%dma_wait3A_1352 : memref<128xf32, #tpu.memory_space<vmem>>) dst(%dma_wait3A_1357 : memref<262144xf32, #tpu.memory_space<vmem_shared>>)
        %dma_wait3A_1358 = arith.constant 60 : i32
        %dma_wait3A_1359 = arith.constant 60 : i32
        %dma_wait3A_1360 = arith.constant 0 : i32
        %dma_wait3A_1361 = tpu.memref_slice %arg16[%dma_wait3A_1358, %dma_wait3A_1360] : memref<64x128xf32, #tpu.memory_space<vmem>> -> memref<1x128xf32, #tpu.memory_space<vmem>>
        %dma_wait3A_1362 = tpu.memref_squeeze %dma_wait3A_1361 : memref<1x128xf32, #tpu.memory_space<vmem>> -> memref<128xf32, #tpu.memory_space<vmem>>
        %dma_wait3A_1363 = arith.constant 0 : i32
        %dma_wait3A_1364 = tpu.memref_slice %arg14[%dma_wait3A_1359, %dma_wait3A_1363] : memref<64x128xi32, #tpu.memory_space<vmem>> -> memref<1x128xi32, #tpu.memory_space<vmem>>
        %dma_wait3A_1365 = tpu.memref_squeeze %dma_wait3A_1364 : memref<1x128xi32, #tpu.memory_space<vmem>> -> memref<128xi32, #tpu.memory_space<vmem>>
        %dma_wait3A_1366 = arith.constant 0 : i32
        %dma_wait3A_1367 = tpu.memref_slice %arg12[%dma_wait3A_1366] : memref<262144xf32, #tpu.memory_space<vmem_shared>> -> memref<262144xf32, #tpu.memory_space<vmem_shared>>
        tpu.wait_indirect_dma semaphore(%arg22 : memref<!tpu.dma_semaphore, #tpu.memory_space<semaphore_mem>>) src(%dma_wait3A_1362 : memref<128xf32, #tpu.memory_space<vmem>>) dst(%dma_wait3A_1367 : memref<262144xf32, #tpu.memory_space<vmem_shared>>)
        %dma_wait3A_1368 = arith.constant 61 : i32
        %dma_wait3A_1369 = arith.constant 61 : i32
        %dma_wait3A_1370 = arith.constant 0 : i32
        %dma_wait3A_1371 = tpu.memref_slice %arg16[%dma_wait3A_1368, %dma_wait3A_1370] : memref<64x128xf32, #tpu.memory_space<vmem>> -> memref<1x128xf32, #tpu.memory_space<vmem>>
        %dma_wait3A_1372 = tpu.memref_squeeze %dma_wait3A_1371 : memref<1x128xf32, #tpu.memory_space<vmem>> -> memref<128xf32, #tpu.memory_space<vmem>>
        %dma_wait3A_1373 = arith.constant 0 : i32
        %dma_wait3A_1374 = tpu.memref_slice %arg14[%dma_wait3A_1369, %dma_wait3A_1373] : memref<64x128xi32, #tpu.memory_space<vmem>> -> memref<1x128xi32, #tpu.memory_space<vmem>>
        %dma_wait3A_1375 = tpu.memref_squeeze %dma_wait3A_1374 : memref<1x128xi32, #tpu.memory_space<vmem>> -> memref<128xi32, #tpu.memory_space<vmem>>
        %dma_wait3A_1376 = arith.constant 0 : i32
        %dma_wait3A_1377 = tpu.memref_slice %arg12[%dma_wait3A_1376] : memref<262144xf32, #tpu.memory_space<vmem_shared>> -> memref<262144xf32, #tpu.memory_space<vmem_shared>>
        tpu.wait_indirect_dma semaphore(%arg22 : memref<!tpu.dma_semaphore, #tpu.memory_space<semaphore_mem>>) src(%dma_wait3A_1372 : memref<128xf32, #tpu.memory_space<vmem>>) dst(%dma_wait3A_1377 : memref<262144xf32, #tpu.memory_space<vmem_shared>>)
        %dma_wait3A_1378 = arith.constant 62 : i32
        %dma_wait3A_1379 = arith.constant 62 : i32
        %dma_wait3A_1380 = arith.constant 0 : i32
        %dma_wait3A_1381 = tpu.memref_slice %arg16[%dma_wait3A_1378, %dma_wait3A_1380] : memref<64x128xf32, #tpu.memory_space<vmem>> -> memref<1x128xf32, #tpu.memory_space<vmem>>
        %dma_wait3A_1382 = tpu.memref_squeeze %dma_wait3A_1381 : memref<1x128xf32, #tpu.memory_space<vmem>> -> memref<128xf32, #tpu.memory_space<vmem>>
        %dma_wait3A_1383 = arith.constant 0 : i32
        %dma_wait3A_1384 = tpu.memref_slice %arg14[%dma_wait3A_1379, %dma_wait3A_1383] : memref<64x128xi32, #tpu.memory_space<vmem>> -> memref<1x128xi32, #tpu.memory_space<vmem>>
        %dma_wait3A_1385 = tpu.memref_squeeze %dma_wait3A_1384 : memref<1x128xi32, #tpu.memory_space<vmem>> -> memref<128xi32, #tpu.memory_space<vmem>>
        %dma_wait3A_1386 = arith.constant 0 : i32
        %dma_wait3A_1387 = tpu.memref_slice %arg12[%dma_wait3A_1386] : memref<262144xf32, #tpu.memory_space<vmem_shared>> -> memref<262144xf32, #tpu.memory_space<vmem_shared>>
        tpu.wait_indirect_dma semaphore(%arg22 : memref<!tpu.dma_semaphore, #tpu.memory_space<semaphore_mem>>) src(%dma_wait3A_1382 : memref<128xf32, #tpu.memory_space<vmem>>) dst(%dma_wait3A_1387 : memref<262144xf32, #tpu.memory_space<vmem_shared>>)
        %dma_wait3A_1388 = arith.constant 63 : i32
        %dma_wait3A_1389 = arith.constant 63 : i32
        %dma_wait3A_1390 = arith.constant 0 : i32
        %dma_wait3A_1391 = tpu.memref_slice %arg16[%dma_wait3A_1388, %dma_wait3A_1390] : memref<64x128xf32, #tpu.memory_space<vmem>> -> memref<1x128xf32, #tpu.memory_space<vmem>>
        %dma_wait3A_1392 = tpu.memref_squeeze %dma_wait3A_1391 : memref<1x128xf32, #tpu.memory_space<vmem>> -> memref<128xf32, #tpu.memory_space<vmem>>
        %dma_wait3A_1393 = arith.constant 0 : i32
        %dma_wait3A_1394 = tpu.memref_slice %arg14[%dma_wait3A_1389, %dma_wait3A_1393] : memref<64x128xi32, #tpu.memory_space<vmem>> -> memref<1x128xi32, #tpu.memory_space<vmem>>
        %dma_wait3A_1395 = tpu.memref_squeeze %dma_wait3A_1394 : memref<1x128xi32, #tpu.memory_space<vmem>> -> memref<128xi32, #tpu.memory_space<vmem>>
        %dma_wait3A_1396 = arith.constant 0 : i32
        %dma_wait3A_1397 = tpu.memref_slice %arg12[%dma_wait3A_1396] : memref<262144xf32, #tpu.memory_space<vmem_shared>> -> memref<262144xf32, #tpu.memory_space<vmem_shared>>
        tpu.wait_indirect_dma semaphore(%arg22 : memref<!tpu.dma_semaphore, #tpu.memory_space<semaphore_mem>>) src(%dma_wait3A_1392 : memref<128xf32, #tpu.memory_space<vmem>>) dst(%dma_wait3A_1397 : memref<262144xf32, #tpu.memory_space<vmem_shared>>)
      } else {
      }
      %not3A_86 = arith.constant true
      %not3A_87 = arith.xori %eq3A_62, %not3A_86 : i1
      %and3A_88 = arith.andi %not3A_87, %lt3A_59 : i1
      %convert_element_type3A_89 = arith.extui %and3A_88 : i1 to i32
      %cond3A_90 = arith.constant 0 : i32
      %cond3A_91 = arith.cmpi ne, %convert_element_type3A_89, %cond3A_90 : i32
      scf.if %cond3A_91 {
        %dma_start3A_118 = arith.constant 0 : i32
        %dma_start3A_119 = arith.constant 0 : i32
        %dma_start3A_120 = arith.constant 0 : i32
        %dma_start3A_121 = tpu.memref_slice %arg17[%dma_start3A_118, %dma_start3A_120] : memref<64x128xf32, #tpu.memory_space<vmem>> -> memref<1x128xf32, #tpu.memory_space<vmem>>
        %dma_start3A_122 = tpu.memref_squeeze %dma_start3A_121 : memref<1x128xf32, #tpu.memory_space<vmem>> -> memref<128xf32, #tpu.memory_space<vmem>>
        %dma_start3A_123 = arith.constant 0 : i32
        %dma_start3A_124 = tpu.memref_slice %arg14[%dma_start3A_119, %dma_start3A_123] : memref<64x128xi32, #tpu.memory_space<vmem>> -> memref<1x128xi32, #tpu.memory_space<vmem>>
        %dma_start3A_125 = tpu.memref_squeeze %dma_start3A_124 : memref<1x128xi32, #tpu.memory_space<vmem>> -> memref<128xi32, #tpu.memory_space<vmem>>
        %dma_start3A_126 = arith.constant 0 : i32
        %dma_start3A_127 = tpu.memref_slice %arg13[%dma_start3A_126] : memref<262144xf32, #tpu.memory_space<vmem_shared>> -> memref<262144xf32, #tpu.memory_space<vmem_shared>>
        tpu.enqueue_indirect_dma source(%dma_start3A_122 : memref<128xf32, #tpu.memory_space<vmem>>) target(%dma_start3A_127 : memref<262144xf32, #tpu.memory_space<vmem_shared>>) offsets(%dma_start3A_125 : memref<128xi32, #tpu.memory_space<vmem>>) semaphore(%arg22 : memref<!tpu.dma_semaphore, #tpu.memory_space<semaphore_mem>>) {add = true}
        %dma_start3A_128 = arith.constant 1 : i32
        %dma_start3A_129 = arith.constant 1 : i32
        %dma_start3A_130 = arith.constant 0 : i32
        %dma_start3A_131 = tpu.memref_slice %arg17[%dma_start3A_128, %dma_start3A_130] : memref<64x128xf32, #tpu.memory_space<vmem>> -> memref<1x128xf32, #tpu.memory_space<vmem>>
        %dma_start3A_132 = tpu.memref_squeeze %dma_start3A_131 : memref<1x128xf32, #tpu.memory_space<vmem>> -> memref<128xf32, #tpu.memory_space<vmem>>
        %dma_start3A_133 = arith.constant 0 : i32
        %dma_start3A_134 = tpu.memref_slice %arg14[%dma_start3A_129, %dma_start3A_133] : memref<64x128xi32, #tpu.memory_space<vmem>> -> memref<1x128xi32, #tpu.memory_space<vmem>>
        %dma_start3A_135 = tpu.memref_squeeze %dma_start3A_134 : memref<1x128xi32, #tpu.memory_space<vmem>> -> memref<128xi32, #tpu.memory_space<vmem>>
        %dma_start3A_136 = arith.constant 0 : i32
        %dma_start3A_137 = tpu.memref_slice %arg13[%dma_start3A_136] : memref<262144xf32, #tpu.memory_space<vmem_shared>> -> memref<262144xf32, #tpu.memory_space<vmem_shared>>
        tpu.enqueue_indirect_dma source(%dma_start3A_132 : memref<128xf32, #tpu.memory_space<vmem>>) target(%dma_start3A_137 : memref<262144xf32, #tpu.memory_space<vmem_shared>>) offsets(%dma_start3A_135 : memref<128xi32, #tpu.memory_space<vmem>>) semaphore(%arg22 : memref<!tpu.dma_semaphore, #tpu.memory_space<semaphore_mem>>) {add = true}
        %dma_start3A_138 = arith.constant 2 : i32
        %dma_start3A_139 = arith.constant 2 : i32
        %dma_start3A_140 = arith.constant 0 : i32
        %dma_start3A_141 = tpu.memref_slice %arg17[%dma_start3A_138, %dma_start3A_140] : memref<64x128xf32, #tpu.memory_space<vmem>> -> memref<1x128xf32, #tpu.memory_space<vmem>>
        %dma_start3A_142 = tpu.memref_squeeze %dma_start3A_141 : memref<1x128xf32, #tpu.memory_space<vmem>> -> memref<128xf32, #tpu.memory_space<vmem>>
        %dma_start3A_143 = arith.constant 0 : i32
        %dma_start3A_144 = tpu.memref_slice %arg14[%dma_start3A_139, %dma_start3A_143] : memref<64x128xi32, #tpu.memory_space<vmem>> -> memref<1x128xi32, #tpu.memory_space<vmem>>
        %dma_start3A_145 = tpu.memref_squeeze %dma_start3A_144 : memref<1x128xi32, #tpu.memory_space<vmem>> -> memref<128xi32, #tpu.memory_space<vmem>>
        %dma_start3A_146 = arith.constant 0 : i32
        %dma_start3A_147 = tpu.memref_slice %arg13[%dma_start3A_146] : memref<262144xf32, #tpu.memory_space<vmem_shared>> -> memref<262144xf32, #tpu.memory_space<vmem_shared>>
        tpu.enqueue_indirect_dma source(%dma_start3A_142 : memref<128xf32, #tpu.memory_space<vmem>>) target(%dma_start3A_147 : memref<262144xf32, #tpu.memory_space<vmem_shared>>) offsets(%dma_start3A_145 : memref<128xi32, #tpu.memory_space<vmem>>) semaphore(%arg22 : memref<!tpu.dma_semaphore, #tpu.memory_space<semaphore_mem>>) {add = true}
        %dma_start3A_148 = arith.constant 3 : i32
        %dma_start3A_149 = arith.constant 3 : i32
        %dma_start3A_150 = arith.constant 0 : i32
        %dma_start3A_151 = tpu.memref_slice %arg17[%dma_start3A_148, %dma_start3A_150] : memref<64x128xf32, #tpu.memory_space<vmem>> -> memref<1x128xf32, #tpu.memory_space<vmem>>
        %dma_start3A_152 = tpu.memref_squeeze %dma_start3A_151 : memref<1x128xf32, #tpu.memory_space<vmem>> -> memref<128xf32, #tpu.memory_space<vmem>>
        %dma_start3A_153 = arith.constant 0 : i32
        %dma_start3A_154 = tpu.memref_slice %arg14[%dma_start3A_149, %dma_start3A_153] : memref<64x128xi32, #tpu.memory_space<vmem>> -> memref<1x128xi32, #tpu.memory_space<vmem>>
        %dma_start3A_155 = tpu.memref_squeeze %dma_start3A_154 : memref<1x128xi32, #tpu.memory_space<vmem>> -> memref<128xi32, #tpu.memory_space<vmem>>
        %dma_start3A_156 = arith.constant 0 : i32
        %dma_start3A_157 = tpu.memref_slice %arg13[%dma_start3A_156] : memref<262144xf32, #tpu.memory_space<vmem_shared>> -> memref<262144xf32, #tpu.memory_space<vmem_shared>>
        tpu.enqueue_indirect_dma source(%dma_start3A_152 : memref<128xf32, #tpu.memory_space<vmem>>) target(%dma_start3A_157 : memref<262144xf32, #tpu.memory_space<vmem_shared>>) offsets(%dma_start3A_155 : memref<128xi32, #tpu.memory_space<vmem>>) semaphore(%arg22 : memref<!tpu.dma_semaphore, #tpu.memory_space<semaphore_mem>>) {add = true}
        %dma_start3A_158 = arith.constant 4 : i32
        %dma_start3A_159 = arith.constant 4 : i32
        %dma_start3A_160 = arith.constant 0 : i32
        %dma_start3A_161 = tpu.memref_slice %arg17[%dma_start3A_158, %dma_start3A_160] : memref<64x128xf32, #tpu.memory_space<vmem>> -> memref<1x128xf32, #tpu.memory_space<vmem>>
        %dma_start3A_162 = tpu.memref_squeeze %dma_start3A_161 : memref<1x128xf32, #tpu.memory_space<vmem>> -> memref<128xf32, #tpu.memory_space<vmem>>
        %dma_start3A_163 = arith.constant 0 : i32
        %dma_start3A_164 = tpu.memref_slice %arg14[%dma_start3A_159, %dma_start3A_163] : memref<64x128xi32, #tpu.memory_space<vmem>> -> memref<1x128xi32, #tpu.memory_space<vmem>>
        %dma_start3A_165 = tpu.memref_squeeze %dma_start3A_164 : memref<1x128xi32, #tpu.memory_space<vmem>> -> memref<128xi32, #tpu.memory_space<vmem>>
        %dma_start3A_166 = arith.constant 0 : i32
        %dma_start3A_167 = tpu.memref_slice %arg13[%dma_start3A_166] : memref<262144xf32, #tpu.memory_space<vmem_shared>> -> memref<262144xf32, #tpu.memory_space<vmem_shared>>
        tpu.enqueue_indirect_dma source(%dma_start3A_162 : memref<128xf32, #tpu.memory_space<vmem>>) target(%dma_start3A_167 : memref<262144xf32, #tpu.memory_space<vmem_shared>>) offsets(%dma_start3A_165 : memref<128xi32, #tpu.memory_space<vmem>>) semaphore(%arg22 : memref<!tpu.dma_semaphore, #tpu.memory_space<semaphore_mem>>) {add = true}
        %dma_start3A_168 = arith.constant 5 : i32
        %dma_start3A_169 = arith.constant 5 : i32
        %dma_start3A_170 = arith.constant 0 : i32
        %dma_start3A_171 = tpu.memref_slice %arg17[%dma_start3A_168, %dma_start3A_170] : memref<64x128xf32, #tpu.memory_space<vmem>> -> memref<1x128xf32, #tpu.memory_space<vmem>>
        %dma_start3A_172 = tpu.memref_squeeze %dma_start3A_171 : memref<1x128xf32, #tpu.memory_space<vmem>> -> memref<128xf32, #tpu.memory_space<vmem>>
        %dma_start3A_173 = arith.constant 0 : i32
        %dma_start3A_174 = tpu.memref_slice %arg14[%dma_start3A_169, %dma_start3A_173] : memref<64x128xi32, #tpu.memory_space<vmem>> -> memref<1x128xi32, #tpu.memory_space<vmem>>
        %dma_start3A_175 = tpu.memref_squeeze %dma_start3A_174 : memref<1x128xi32, #tpu.memory_space<vmem>> -> memref<128xi32, #tpu.memory_space<vmem>>
        %dma_start3A_176 = arith.constant 0 : i32
        %dma_start3A_177 = tpu.memref_slice %arg13[%dma_start3A_176] : memref<262144xf32, #tpu.memory_space<vmem_shared>> -> memref<262144xf32, #tpu.memory_space<vmem_shared>>
        tpu.enqueue_indirect_dma source(%dma_start3A_172 : memref<128xf32, #tpu.memory_space<vmem>>) target(%dma_start3A_177 : memref<262144xf32, #tpu.memory_space<vmem_shared>>) offsets(%dma_start3A_175 : memref<128xi32, #tpu.memory_space<vmem>>) semaphore(%arg22 : memref<!tpu.dma_semaphore, #tpu.memory_space<semaphore_mem>>) {add = true}
        %dma_start3A_178 = arith.constant 6 : i32
        %dma_start3A_179 = arith.constant 6 : i32
        %dma_start3A_180 = arith.constant 0 : i32
        %dma_start3A_181 = tpu.memref_slice %arg17[%dma_start3A_178, %dma_start3A_180] : memref<64x128xf32, #tpu.memory_space<vmem>> -> memref<1x128xf32, #tpu.memory_space<vmem>>
        %dma_start3A_182 = tpu.memref_squeeze %dma_start3A_181 : memref<1x128xf32, #tpu.memory_space<vmem>> -> memref<128xf32, #tpu.memory_space<vmem>>
        %dma_start3A_183 = arith.constant 0 : i32
        %dma_start3A_184 = tpu.memref_slice %arg14[%dma_start3A_179, %dma_start3A_183] : memref<64x128xi32, #tpu.memory_space<vmem>> -> memref<1x128xi32, #tpu.memory_space<vmem>>
        %dma_start3A_185 = tpu.memref_squeeze %dma_start3A_184 : memref<1x128xi32, #tpu.memory_space<vmem>> -> memref<128xi32, #tpu.memory_space<vmem>>
        %dma_start3A_186 = arith.constant 0 : i32
        %dma_start3A_187 = tpu.memref_slice %arg13[%dma_start3A_186] : memref<262144xf32, #tpu.memory_space<vmem_shared>> -> memref<262144xf32, #tpu.memory_space<vmem_shared>>
        tpu.enqueue_indirect_dma source(%dma_start3A_182 : memref<128xf32, #tpu.memory_space<vmem>>) target(%dma_start3A_187 : memref<262144xf32, #tpu.memory_space<vmem_shared>>) offsets(%dma_start3A_185 : memref<128xi32, #tpu.memory_space<vmem>>) semaphore(%arg22 : memref<!tpu.dma_semaphore, #tpu.memory_space<semaphore_mem>>) {add = true}
        %dma_start3A_188 = arith.constant 7 : i32
        %dma_start3A_189 = arith.constant 7 : i32
        %dma_start3A_190 = arith.constant 0 : i32
        %dma_start3A_191 = tpu.memref_slice %arg17[%dma_start3A_188, %dma_start3A_190] : memref<64x128xf32, #tpu.memory_space<vmem>> -> memref<1x128xf32, #tpu.memory_space<vmem>>
        %dma_start3A_192 = tpu.memref_squeeze %dma_start3A_191 : memref<1x128xf32, #tpu.memory_space<vmem>> -> memref<128xf32, #tpu.memory_space<vmem>>
        %dma_start3A_193 = arith.constant 0 : i32
        %dma_start3A_194 = tpu.memref_slice %arg14[%dma_start3A_189, %dma_start3A_193] : memref<64x128xi32, #tpu.memory_space<vmem>> -> memref<1x128xi32, #tpu.memory_space<vmem>>
        %dma_start3A_195 = tpu.memref_squeeze %dma_start3A_194 : memref<1x128xi32, #tpu.memory_space<vmem>> -> memref<128xi32, #tpu.memory_space<vmem>>
        %dma_start3A_196 = arith.constant 0 : i32
        %dma_start3A_197 = tpu.memref_slice %arg13[%dma_start3A_196] : memref<262144xf32, #tpu.memory_space<vmem_shared>> -> memref<262144xf32, #tpu.memory_space<vmem_shared>>
        tpu.enqueue_indirect_dma source(%dma_start3A_192 : memref<128xf32, #tpu.memory_space<vmem>>) target(%dma_start3A_197 : memref<262144xf32, #tpu.memory_space<vmem_shared>>) offsets(%dma_start3A_195 : memref<128xi32, #tpu.memory_space<vmem>>) semaphore(%arg22 : memref<!tpu.dma_semaphore, #tpu.memory_space<semaphore_mem>>) {add = true}
        %dma_start3A_198 = arith.constant 8 : i32
        %dma_start3A_199 = arith.constant 8 : i32
        %dma_start3A_200 = arith.constant 0 : i32
        %dma_start3A_201 = tpu.memref_slice %arg17[%dma_start3A_198, %dma_start3A_200] : memref<64x128xf32, #tpu.memory_space<vmem>> -> memref<1x128xf32, #tpu.memory_space<vmem>>
        %dma_start3A_202 = tpu.memref_squeeze %dma_start3A_201 : memref<1x128xf32, #tpu.memory_space<vmem>> -> memref<128xf32, #tpu.memory_space<vmem>>
        %dma_start3A_203 = arith.constant 0 : i32
        %dma_start3A_204 = tpu.memref_slice %arg14[%dma_start3A_199, %dma_start3A_203] : memref<64x128xi32, #tpu.memory_space<vmem>> -> memref<1x128xi32, #tpu.memory_space<vmem>>
        %dma_start3A_205 = tpu.memref_squeeze %dma_start3A_204 : memref<1x128xi32, #tpu.memory_space<vmem>> -> memref<128xi32, #tpu.memory_space<vmem>>
        %dma_start3A_206 = arith.constant 0 : i32
        %dma_start3A_207 = tpu.memref_slice %arg13[%dma_start3A_206] : memref<262144xf32, #tpu.memory_space<vmem_shared>> -> memref<262144xf32, #tpu.memory_space<vmem_shared>>
        tpu.enqueue_indirect_dma source(%dma_start3A_202 : memref<128xf32, #tpu.memory_space<vmem>>) target(%dma_start3A_207 : memref<262144xf32, #tpu.memory_space<vmem_shared>>) offsets(%dma_start3A_205 : memref<128xi32, #tpu.memory_space<vmem>>) semaphore(%arg22 : memref<!tpu.dma_semaphore, #tpu.memory_space<semaphore_mem>>) {add = true}
        %dma_start3A_208 = arith.constant 9 : i32
        %dma_start3A_209 = arith.constant 9 : i32
        %dma_start3A_210 = arith.constant 0 : i32
        %dma_start3A_211 = tpu.memref_slice %arg17[%dma_start3A_208, %dma_start3A_210] : memref<64x128xf32, #tpu.memory_space<vmem>> -> memref<1x128xf32, #tpu.memory_space<vmem>>
        %dma_start3A_212 = tpu.memref_squeeze %dma_start3A_211 : memref<1x128xf32, #tpu.memory_space<vmem>> -> memref<128xf32, #tpu.memory_space<vmem>>
        %dma_start3A_213 = arith.constant 0 : i32
        %dma_start3A_214 = tpu.memref_slice %arg14[%dma_start3A_209, %dma_start3A_213] : memref<64x128xi32, #tpu.memory_space<vmem>> -> memref<1x128xi32, #tpu.memory_space<vmem>>
        %dma_start3A_215 = tpu.memref_squeeze %dma_start3A_214 : memref<1x128xi32, #tpu.memory_space<vmem>> -> memref<128xi32, #tpu.memory_space<vmem>>
        %dma_start3A_216 = arith.constant 0 : i32
        %dma_start3A_217 = tpu.memref_slice %arg13[%dma_start3A_216] : memref<262144xf32, #tpu.memory_space<vmem_shared>> -> memref<262144xf32, #tpu.memory_space<vmem_shared>>
        tpu.enqueue_indirect_dma source(%dma_start3A_212 : memref<128xf32, #tpu.memory_space<vmem>>) target(%dma_start3A_217 : memref<262144xf32, #tpu.memory_space<vmem_shared>>) offsets(%dma_start3A_215 : memref<128xi32, #tpu.memory_space<vmem>>) semaphore(%arg22 : memref<!tpu.dma_semaphore, #tpu.memory_space<semaphore_mem>>) {add = true}
        %dma_start3A_218 = arith.constant 10 : i32
        %dma_start3A_219 = arith.constant 10 : i32
        %dma_start3A_220 = arith.constant 0 : i32
        %dma_start3A_221 = tpu.memref_slice %arg17[%dma_start3A_218, %dma_start3A_220] : memref<64x128xf32, #tpu.memory_space<vmem>> -> memref<1x128xf32, #tpu.memory_space<vmem>>
        %dma_start3A_222 = tpu.memref_squeeze %dma_start3A_221 : memref<1x128xf32, #tpu.memory_space<vmem>> -> memref<128xf32, #tpu.memory_space<vmem>>
        %dma_start3A_223 = arith.constant 0 : i32
        %dma_start3A_224 = tpu.memref_slice %arg14[%dma_start3A_219, %dma_start3A_223] : memref<64x128xi32, #tpu.memory_space<vmem>> -> memref<1x128xi32, #tpu.memory_space<vmem>>
        %dma_start3A_225 = tpu.memref_squeeze %dma_start3A_224 : memref<1x128xi32, #tpu.memory_space<vmem>> -> memref<128xi32, #tpu.memory_space<vmem>>
        %dma_start3A_226 = arith.constant 0 : i32
        %dma_start3A_227 = tpu.memref_slice %arg13[%dma_start3A_226] : memref<262144xf32, #tpu.memory_space<vmem_shared>> -> memref<262144xf32, #tpu.memory_space<vmem_shared>>
        tpu.enqueue_indirect_dma source(%dma_start3A_222 : memref<128xf32, #tpu.memory_space<vmem>>) target(%dma_start3A_227 : memref<262144xf32, #tpu.memory_space<vmem_shared>>) offsets(%dma_start3A_225 : memref<128xi32, #tpu.memory_space<vmem>>) semaphore(%arg22 : memref<!tpu.dma_semaphore, #tpu.memory_space<semaphore_mem>>) {add = true}
        %dma_start3A_228 = arith.constant 11 : i32
        %dma_start3A_229 = arith.constant 11 : i32
        %dma_start3A_230 = arith.constant 0 : i32
        %dma_start3A_231 = tpu.memref_slice %arg17[%dma_start3A_228, %dma_start3A_230] : memref<64x128xf32, #tpu.memory_space<vmem>> -> memref<1x128xf32, #tpu.memory_space<vmem>>
        %dma_start3A_232 = tpu.memref_squeeze %dma_start3A_231 : memref<1x128xf32, #tpu.memory_space<vmem>> -> memref<128xf32, #tpu.memory_space<vmem>>
        %dma_start3A_233 = arith.constant 0 : i32
        %dma_start3A_234 = tpu.memref_slice %arg14[%dma_start3A_229, %dma_start3A_233] : memref<64x128xi32, #tpu.memory_space<vmem>> -> memref<1x128xi32, #tpu.memory_space<vmem>>
        %dma_start3A_235 = tpu.memref_squeeze %dma_start3A_234 : memref<1x128xi32, #tpu.memory_space<vmem>> -> memref<128xi32, #tpu.memory_space<vmem>>
        %dma_start3A_236 = arith.constant 0 : i32
        %dma_start3A_237 = tpu.memref_slice %arg13[%dma_start3A_236] : memref<262144xf32, #tpu.memory_space<vmem_shared>> -> memref<262144xf32, #tpu.memory_space<vmem_shared>>
        tpu.enqueue_indirect_dma source(%dma_start3A_232 : memref<128xf32, #tpu.memory_space<vmem>>) target(%dma_start3A_237 : memref<262144xf32, #tpu.memory_space<vmem_shared>>) offsets(%dma_start3A_235 : memref<128xi32, #tpu.memory_space<vmem>>) semaphore(%arg22 : memref<!tpu.dma_semaphore, #tpu.memory_space<semaphore_mem>>) {add = true}
        %dma_start3A_238 = arith.constant 12 : i32
        %dma_start3A_239 = arith.constant 12 : i32
        %dma_start3A_240 = arith.constant 0 : i32
        %dma_start3A_241 = tpu.memref_slice %arg17[%dma_start3A_238, %dma_start3A_240] : memref<64x128xf32, #tpu.memory_space<vmem>> -> memref<1x128xf32, #tpu.memory_space<vmem>>
        %dma_start3A_242 = tpu.memref_squeeze %dma_start3A_241 : memref<1x128xf32, #tpu.memory_space<vmem>> -> memref<128xf32, #tpu.memory_space<vmem>>
        %dma_start3A_243 = arith.constant 0 : i32
        %dma_start3A_244 = tpu.memref_slice %arg14[%dma_start3A_239, %dma_start3A_243] : memref<64x128xi32, #tpu.memory_space<vmem>> -> memref<1x128xi32, #tpu.memory_space<vmem>>
        %dma_start3A_245 = tpu.memref_squeeze %dma_start3A_244 : memref<1x128xi32, #tpu.memory_space<vmem>> -> memref<128xi32, #tpu.memory_space<vmem>>
        %dma_start3A_246 = arith.constant 0 : i32
        %dma_start3A_247 = tpu.memref_slice %arg13[%dma_start3A_246] : memref<262144xf32, #tpu.memory_space<vmem_shared>> -> memref<262144xf32, #tpu.memory_space<vmem_shared>>
        tpu.enqueue_indirect_dma source(%dma_start3A_242 : memref<128xf32, #tpu.memory_space<vmem>>) target(%dma_start3A_247 : memref<262144xf32, #tpu.memory_space<vmem_shared>>) offsets(%dma_start3A_245 : memref<128xi32, #tpu.memory_space<vmem>>) semaphore(%arg22 : memref<!tpu.dma_semaphore, #tpu.memory_space<semaphore_mem>>) {add = true}
        %dma_start3A_248 = arith.constant 13 : i32
        %dma_start3A_249 = arith.constant 13 : i32
        %dma_start3A_250 = arith.constant 0 : i32
        %dma_start3A_251 = tpu.memref_slice %arg17[%dma_start3A_248, %dma_start3A_250] : memref<64x128xf32, #tpu.memory_space<vmem>> -> memref<1x128xf32, #tpu.memory_space<vmem>>
        %dma_start3A_252 = tpu.memref_squeeze %dma_start3A_251 : memref<1x128xf32, #tpu.memory_space<vmem>> -> memref<128xf32, #tpu.memory_space<vmem>>
        %dma_start3A_253 = arith.constant 0 : i32
        %dma_start3A_254 = tpu.memref_slice %arg14[%dma_start3A_249, %dma_start3A_253] : memref<64x128xi32, #tpu.memory_space<vmem>> -> memref<1x128xi32, #tpu.memory_space<vmem>>
        %dma_start3A_255 = tpu.memref_squeeze %dma_start3A_254 : memref<1x128xi32, #tpu.memory_space<vmem>> -> memref<128xi32, #tpu.memory_space<vmem>>
        %dma_start3A_256 = arith.constant 0 : i32
        %dma_start3A_257 = tpu.memref_slice %arg13[%dma_start3A_256] : memref<262144xf32, #tpu.memory_space<vmem_shared>> -> memref<262144xf32, #tpu.memory_space<vmem_shared>>
        tpu.enqueue_indirect_dma source(%dma_start3A_252 : memref<128xf32, #tpu.memory_space<vmem>>) target(%dma_start3A_257 : memref<262144xf32, #tpu.memory_space<vmem_shared>>) offsets(%dma_start3A_255 : memref<128xi32, #tpu.memory_space<vmem>>) semaphore(%arg22 : memref<!tpu.dma_semaphore, #tpu.memory_space<semaphore_mem>>) {add = true}
        %dma_start3A_258 = arith.constant 14 : i32
        %dma_start3A_259 = arith.constant 14 : i32
        %dma_start3A_260 = arith.constant 0 : i32
        %dma_start3A_261 = tpu.memref_slice %arg17[%dma_start3A_258, %dma_start3A_260] : memref<64x128xf32, #tpu.memory_space<vmem>> -> memref<1x128xf32, #tpu.memory_space<vmem>>
        %dma_start3A_262 = tpu.memref_squeeze %dma_start3A_261 : memref<1x128xf32, #tpu.memory_space<vmem>> -> memref<128xf32, #tpu.memory_space<vmem>>
        %dma_start3A_263 = arith.constant 0 : i32
        %dma_start3A_264 = tpu.memref_slice %arg14[%dma_start3A_259, %dma_start3A_263] : memref<64x128xi32, #tpu.memory_space<vmem>> -> memref<1x128xi32, #tpu.memory_space<vmem>>
        %dma_start3A_265 = tpu.memref_squeeze %dma_start3A_264 : memref<1x128xi32, #tpu.memory_space<vmem>> -> memref<128xi32, #tpu.memory_space<vmem>>
        %dma_start3A_266 = arith.constant 0 : i32
        %dma_start3A_267 = tpu.memref_slice %arg13[%dma_start3A_266] : memref<262144xf32, #tpu.memory_space<vmem_shared>> -> memref<262144xf32, #tpu.memory_space<vmem_shared>>
        tpu.enqueue_indirect_dma source(%dma_start3A_262 : memref<128xf32, #tpu.memory_space<vmem>>) target(%dma_start3A_267 : memref<262144xf32, #tpu.memory_space<vmem_shared>>) offsets(%dma_start3A_265 : memref<128xi32, #tpu.memory_space<vmem>>) semaphore(%arg22 : memref<!tpu.dma_semaphore, #tpu.memory_space<semaphore_mem>>) {add = true}
        %dma_start3A_268 = arith.constant 15 : i32
        %dma_start3A_269 = arith.constant 15 : i32
        %dma_start3A_270 = arith.constant 0 : i32
        %dma_start3A_271 = tpu.memref_slice %arg17[%dma_start3A_268, %dma_start3A_270] : memref<64x128xf32, #tpu.memory_space<vmem>> -> memref<1x128xf32, #tpu.memory_space<vmem>>
        %dma_start3A_272 = tpu.memref_squeeze %dma_start3A_271 : memref<1x128xf32, #tpu.memory_space<vmem>> -> memref<128xf32, #tpu.memory_space<vmem>>
        %dma_start3A_273 = arith.constant 0 : i32
        %dma_start3A_274 = tpu.memref_slice %arg14[%dma_start3A_269, %dma_start3A_273] : memref<64x128xi32, #tpu.memory_space<vmem>> -> memref<1x128xi32, #tpu.memory_space<vmem>>
        %dma_start3A_275 = tpu.memref_squeeze %dma_start3A_274 : memref<1x128xi32, #tpu.memory_space<vmem>> -> memref<128xi32, #tpu.memory_space<vmem>>
        %dma_start3A_276 = arith.constant 0 : i32
        %dma_start3A_277 = tpu.memref_slice %arg13[%dma_start3A_276] : memref<262144xf32, #tpu.memory_space<vmem_shared>> -> memref<262144xf32, #tpu.memory_space<vmem_shared>>
        tpu.enqueue_indirect_dma source(%dma_start3A_272 : memref<128xf32, #tpu.memory_space<vmem>>) target(%dma_start3A_277 : memref<262144xf32, #tpu.memory_space<vmem_shared>>) offsets(%dma_start3A_275 : memref<128xi32, #tpu.memory_space<vmem>>) semaphore(%arg22 : memref<!tpu.dma_semaphore, #tpu.memory_space<semaphore_mem>>) {add = true}
        %dma_wait3A_278 = arith.constant 0 : i32
        %dma_wait3A_279 = arith.constant 0 : i32
        %dma_wait3A_280 = arith.constant 0 : i32
        %dma_wait3A_281 = tpu.memref_slice %arg17[%dma_wait3A_278, %dma_wait3A_280] : memref<64x128xf32, #tpu.memory_space<vmem>> -> memref<1x128xf32, #tpu.memory_space<vmem>>
        %dma_wait3A_282 = tpu.memref_squeeze %dma_wait3A_281 : memref<1x128xf32, #tpu.memory_space<vmem>> -> memref<128xf32, #tpu.memory_space<vmem>>
        %dma_wait3A_283 = arith.constant 0 : i32
        %dma_wait3A_284 = tpu.memref_slice %arg14[%dma_wait3A_279, %dma_wait3A_283] : memref<64x128xi32, #tpu.memory_space<vmem>> -> memref<1x128xi32, #tpu.memory_space<vmem>>
        %dma_wait3A_285 = tpu.memref_squeeze %dma_wait3A_284 : memref<1x128xi32, #tpu.memory_space<vmem>> -> memref<128xi32, #tpu.memory_space<vmem>>
        %dma_wait3A_286 = arith.constant 0 : i32
        %dma_wait3A_287 = tpu.memref_slice %arg13[%dma_wait3A_286] : memref<262144xf32, #tpu.memory_space<vmem_shared>> -> memref<262144xf32, #tpu.memory_space<vmem_shared>>
        tpu.wait_indirect_dma semaphore(%arg22 : memref<!tpu.dma_semaphore, #tpu.memory_space<semaphore_mem>>) src(%dma_wait3A_282 : memref<128xf32, #tpu.memory_space<vmem>>) dst(%dma_wait3A_287 : memref<262144xf32, #tpu.memory_space<vmem_shared>>)
        %dma_start3A_288 = arith.constant 16 : i32
        %dma_start3A_289 = arith.constant 16 : i32
        %dma_start3A_290 = arith.constant 0 : i32
        %dma_start3A_291 = tpu.memref_slice %arg17[%dma_start3A_288, %dma_start3A_290] : memref<64x128xf32, #tpu.memory_space<vmem>> -> memref<1x128xf32, #tpu.memory_space<vmem>>
        %dma_start3A_292 = tpu.memref_squeeze %dma_start3A_291 : memref<1x128xf32, #tpu.memory_space<vmem>> -> memref<128xf32, #tpu.memory_space<vmem>>
        %dma_start3A_293 = arith.constant 0 : i32
        %dma_start3A_294 = tpu.memref_slice %arg14[%dma_start3A_289, %dma_start3A_293] : memref<64x128xi32, #tpu.memory_space<vmem>> -> memref<1x128xi32, #tpu.memory_space<vmem>>
        %dma_start3A_295 = tpu.memref_squeeze %dma_start3A_294 : memref<1x128xi32, #tpu.memory_space<vmem>> -> memref<128xi32, #tpu.memory_space<vmem>>
        %dma_start3A_296 = arith.constant 0 : i32
        %dma_start3A_297 = tpu.memref_slice %arg13[%dma_start3A_296] : memref<262144xf32, #tpu.memory_space<vmem_shared>> -> memref<262144xf32, #tpu.memory_space<vmem_shared>>
        tpu.enqueue_indirect_dma source(%dma_start3A_292 : memref<128xf32, #tpu.memory_space<vmem>>) target(%dma_start3A_297 : memref<262144xf32, #tpu.memory_space<vmem_shared>>) offsets(%dma_start3A_295 : memref<128xi32, #tpu.memory_space<vmem>>) semaphore(%arg22 : memref<!tpu.dma_semaphore, #tpu.memory_space<semaphore_mem>>) {add = true}
        %dma_wait3A_298 = arith.constant 1 : i32
        %dma_wait3A_299 = arith.constant 1 : i32
        %dma_wait3A_300 = arith.constant 0 : i32
        %dma_wait3A_301 = tpu.memref_slice %arg17[%dma_wait3A_298, %dma_wait3A_300] : memref<64x128xf32, #tpu.memory_space<vmem>> -> memref<1x128xf32, #tpu.memory_space<vmem>>
        %dma_wait3A_302 = tpu.memref_squeeze %dma_wait3A_301 : memref<1x128xf32, #tpu.memory_space<vmem>> -> memref<128xf32, #tpu.memory_space<vmem>>
        %dma_wait3A_303 = arith.constant 0 : i32
        %dma_wait3A_304 = tpu.memref_slice %arg14[%dma_wait3A_299, %dma_wait3A_303] : memref<64x128xi32, #tpu.memory_space<vmem>> -> memref<1x128xi32, #tpu.memory_space<vmem>>
        %dma_wait3A_305 = tpu.memref_squeeze %dma_wait3A_304 : memref<1x128xi32, #tpu.memory_space<vmem>> -> memref<128xi32, #tpu.memory_space<vmem>>
        %dma_wait3A_306 = arith.constant 0 : i32
        %dma_wait3A_307 = tpu.memref_slice %arg13[%dma_wait3A_306] : memref<262144xf32, #tpu.memory_space<vmem_shared>> -> memref<262144xf32, #tpu.memory_space<vmem_shared>>
        tpu.wait_indirect_dma semaphore(%arg22 : memref<!tpu.dma_semaphore, #tpu.memory_space<semaphore_mem>>) src(%dma_wait3A_302 : memref<128xf32, #tpu.memory_space<vmem>>) dst(%dma_wait3A_307 : memref<262144xf32, #tpu.memory_space<vmem_shared>>)
        %dma_start3A_308 = arith.constant 17 : i32
        %dma_start3A_309 = arith.constant 17 : i32
        %dma_start3A_310 = arith.constant 0 : i32
        %dma_start3A_311 = tpu.memref_slice %arg17[%dma_start3A_308, %dma_start3A_310] : memref<64x128xf32, #tpu.memory_space<vmem>> -> memref<1x128xf32, #tpu.memory_space<vmem>>
        %dma_start3A_312 = tpu.memref_squeeze %dma_start3A_311 : memref<1x128xf32, #tpu.memory_space<vmem>> -> memref<128xf32, #tpu.memory_space<vmem>>
        %dma_start3A_313 = arith.constant 0 : i32
        %dma_start3A_314 = tpu.memref_slice %arg14[%dma_start3A_309, %dma_start3A_313] : memref<64x128xi32, #tpu.memory_space<vmem>> -> memref<1x128xi32, #tpu.memory_space<vmem>>
        %dma_start3A_315 = tpu.memref_squeeze %dma_start3A_314 : memref<1x128xi32, #tpu.memory_space<vmem>> -> memref<128xi32, #tpu.memory_space<vmem>>
        %dma_start3A_316 = arith.constant 0 : i32
        %dma_start3A_317 = tpu.memref_slice %arg13[%dma_start3A_316] : memref<262144xf32, #tpu.memory_space<vmem_shared>> -> memref<262144xf32, #tpu.memory_space<vmem_shared>>
        tpu.enqueue_indirect_dma source(%dma_start3A_312 : memref<128xf32, #tpu.memory_space<vmem>>) target(%dma_start3A_317 : memref<262144xf32, #tpu.memory_space<vmem_shared>>) offsets(%dma_start3A_315 : memref<128xi32, #tpu.memory_space<vmem>>) semaphore(%arg22 : memref<!tpu.dma_semaphore, #tpu.memory_space<semaphore_mem>>) {add = true}
        %dma_wait3A_318 = arith.constant 2 : i32
        %dma_wait3A_319 = arith.constant 2 : i32
        %dma_wait3A_320 = arith.constant 0 : i32
        %dma_wait3A_321 = tpu.memref_slice %arg17[%dma_wait3A_318, %dma_wait3A_320] : memref<64x128xf32, #tpu.memory_space<vmem>> -> memref<1x128xf32, #tpu.memory_space<vmem>>
        %dma_wait3A_322 = tpu.memref_squeeze %dma_wait3A_321 : memref<1x128xf32, #tpu.memory_space<vmem>> -> memref<128xf32, #tpu.memory_space<vmem>>
        %dma_wait3A_323 = arith.constant 0 : i32
        %dma_wait3A_324 = tpu.memref_slice %arg14[%dma_wait3A_319, %dma_wait3A_323] : memref<64x128xi32, #tpu.memory_space<vmem>> -> memref<1x128xi32, #tpu.memory_space<vmem>>
        %dma_wait3A_325 = tpu.memref_squeeze %dma_wait3A_324 : memref<1x128xi32, #tpu.memory_space<vmem>> -> memref<128xi32, #tpu.memory_space<vmem>>
        %dma_wait3A_326 = arith.constant 0 : i32
        %dma_wait3A_327 = tpu.memref_slice %arg13[%dma_wait3A_326] : memref<262144xf32, #tpu.memory_space<vmem_shared>> -> memref<262144xf32, #tpu.memory_space<vmem_shared>>
        tpu.wait_indirect_dma semaphore(%arg22 : memref<!tpu.dma_semaphore, #tpu.memory_space<semaphore_mem>>) src(%dma_wait3A_322 : memref<128xf32, #tpu.memory_space<vmem>>) dst(%dma_wait3A_327 : memref<262144xf32, #tpu.memory_space<vmem_shared>>)
        %dma_start3A_328 = arith.constant 18 : i32
        %dma_start3A_329 = arith.constant 18 : i32
        %dma_start3A_330 = arith.constant 0 : i32
        %dma_start3A_331 = tpu.memref_slice %arg17[%dma_start3A_328, %dma_start3A_330] : memref<64x128xf32, #tpu.memory_space<vmem>> -> memref<1x128xf32, #tpu.memory_space<vmem>>
        %dma_start3A_332 = tpu.memref_squeeze %dma_start3A_331 : memref<1x128xf32, #tpu.memory_space<vmem>> -> memref<128xf32, #tpu.memory_space<vmem>>
        %dma_start3A_333 = arith.constant 0 : i32
        %dma_start3A_334 = tpu.memref_slice %arg14[%dma_start3A_329, %dma_start3A_333] : memref<64x128xi32, #tpu.memory_space<vmem>> -> memref<1x128xi32, #tpu.memory_space<vmem>>
        %dma_start3A_335 = tpu.memref_squeeze %dma_start3A_334 : memref<1x128xi32, #tpu.memory_space<vmem>> -> memref<128xi32, #tpu.memory_space<vmem>>
        %dma_start3A_336 = arith.constant 0 : i32
        %dma_start3A_337 = tpu.memref_slice %arg13[%dma_start3A_336] : memref<262144xf32, #tpu.memory_space<vmem_shared>> -> memref<262144xf32, #tpu.memory_space<vmem_shared>>
        tpu.enqueue_indirect_dma source(%dma_start3A_332 : memref<128xf32, #tpu.memory_space<vmem>>) target(%dma_start3A_337 : memref<262144xf32, #tpu.memory_space<vmem_shared>>) offsets(%dma_start3A_335 : memref<128xi32, #tpu.memory_space<vmem>>) semaphore(%arg22 : memref<!tpu.dma_semaphore, #tpu.memory_space<semaphore_mem>>) {add = true}
        %dma_wait3A_338 = arith.constant 3 : i32
        %dma_wait3A_339 = arith.constant 3 : i32
        %dma_wait3A_340 = arith.constant 0 : i32
        %dma_wait3A_341 = tpu.memref_slice %arg17[%dma_wait3A_338, %dma_wait3A_340] : memref<64x128xf32, #tpu.memory_space<vmem>> -> memref<1x128xf32, #tpu.memory_space<vmem>>
        %dma_wait3A_342 = tpu.memref_squeeze %dma_wait3A_341 : memref<1x128xf32, #tpu.memory_space<vmem>> -> memref<128xf32, #tpu.memory_space<vmem>>
        %dma_wait3A_343 = arith.constant 0 : i32
        %dma_wait3A_344 = tpu.memref_slice %arg14[%dma_wait3A_339, %dma_wait3A_343] : memref<64x128xi32, #tpu.memory_space<vmem>> -> memref<1x128xi32, #tpu.memory_space<vmem>>
        %dma_wait3A_345 = tpu.memref_squeeze %dma_wait3A_344 : memref<1x128xi32, #tpu.memory_space<vmem>> -> memref<128xi32, #tpu.memory_space<vmem>>
        %dma_wait3A_346 = arith.constant 0 : i32
        %dma_wait3A_347 = tpu.memref_slice %arg13[%dma_wait3A_346] : memref<262144xf32, #tpu.memory_space<vmem_shared>> -> memref<262144xf32, #tpu.memory_space<vmem_shared>>
        tpu.wait_indirect_dma semaphore(%arg22 : memref<!tpu.dma_semaphore, #tpu.memory_space<semaphore_mem>>) src(%dma_wait3A_342 : memref<128xf32, #tpu.memory_space<vmem>>) dst(%dma_wait3A_347 : memref<262144xf32, #tpu.memory_space<vmem_shared>>)
        %dma_start3A_348 = arith.constant 19 : i32
        %dma_start3A_349 = arith.constant 19 : i32
        %dma_start3A_350 = arith.constant 0 : i32
        %dma_start3A_351 = tpu.memref_slice %arg17[%dma_start3A_348, %dma_start3A_350] : memref<64x128xf32, #tpu.memory_space<vmem>> -> memref<1x128xf32, #tpu.memory_space<vmem>>
        %dma_start3A_352 = tpu.memref_squeeze %dma_start3A_351 : memref<1x128xf32, #tpu.memory_space<vmem>> -> memref<128xf32, #tpu.memory_space<vmem>>
        %dma_start3A_353 = arith.constant 0 : i32
        %dma_start3A_354 = tpu.memref_slice %arg14[%dma_start3A_349, %dma_start3A_353] : memref<64x128xi32, #tpu.memory_space<vmem>> -> memref<1x128xi32, #tpu.memory_space<vmem>>
        %dma_start3A_355 = tpu.memref_squeeze %dma_start3A_354 : memref<1x128xi32, #tpu.memory_space<vmem>> -> memref<128xi32, #tpu.memory_space<vmem>>
        %dma_start3A_356 = arith.constant 0 : i32
        %dma_start3A_357 = tpu.memref_slice %arg13[%dma_start3A_356] : memref<262144xf32, #tpu.memory_space<vmem_shared>> -> memref<262144xf32, #tpu.memory_space<vmem_shared>>
        tpu.enqueue_indirect_dma source(%dma_start3A_352 : memref<128xf32, #tpu.memory_space<vmem>>) target(%dma_start3A_357 : memref<262144xf32, #tpu.memory_space<vmem_shared>>) offsets(%dma_start3A_355 : memref<128xi32, #tpu.memory_space<vmem>>) semaphore(%arg22 : memref<!tpu.dma_semaphore, #tpu.memory_space<semaphore_mem>>) {add = true}
        %dma_wait3A_358 = arith.constant 4 : i32
        %dma_wait3A_359 = arith.constant 4 : i32
        %dma_wait3A_360 = arith.constant 0 : i32
        %dma_wait3A_361 = tpu.memref_slice %arg17[%dma_wait3A_358, %dma_wait3A_360] : memref<64x128xf32, #tpu.memory_space<vmem>> -> memref<1x128xf32, #tpu.memory_space<vmem>>
        %dma_wait3A_362 = tpu.memref_squeeze %dma_wait3A_361 : memref<1x128xf32, #tpu.memory_space<vmem>> -> memref<128xf32, #tpu.memory_space<vmem>>
        %dma_wait3A_363 = arith.constant 0 : i32
        %dma_wait3A_364 = tpu.memref_slice %arg14[%dma_wait3A_359, %dma_wait3A_363] : memref<64x128xi32, #tpu.memory_space<vmem>> -> memref<1x128xi32, #tpu.memory_space<vmem>>
        %dma_wait3A_365 = tpu.memref_squeeze %dma_wait3A_364 : memref<1x128xi32, #tpu.memory_space<vmem>> -> memref<128xi32, #tpu.memory_space<vmem>>
        %dma_wait3A_366 = arith.constant 0 : i32
        %dma_wait3A_367 = tpu.memref_slice %arg13[%dma_wait3A_366] : memref<262144xf32, #tpu.memory_space<vmem_shared>> -> memref<262144xf32, #tpu.memory_space<vmem_shared>>
        tpu.wait_indirect_dma semaphore(%arg22 : memref<!tpu.dma_semaphore, #tpu.memory_space<semaphore_mem>>) src(%dma_wait3A_362 : memref<128xf32, #tpu.memory_space<vmem>>) dst(%dma_wait3A_367 : memref<262144xf32, #tpu.memory_space<vmem_shared>>)
        %dma_start3A_368 = arith.constant 20 : i32
        %dma_start3A_369 = arith.constant 20 : i32
        %dma_start3A_370 = arith.constant 0 : i32
        %dma_start3A_371 = tpu.memref_slice %arg17[%dma_start3A_368, %dma_start3A_370] : memref<64x128xf32, #tpu.memory_space<vmem>> -> memref<1x128xf32, #tpu.memory_space<vmem>>
        %dma_start3A_372 = tpu.memref_squeeze %dma_start3A_371 : memref<1x128xf32, #tpu.memory_space<vmem>> -> memref<128xf32, #tpu.memory_space<vmem>>
        %dma_start3A_373 = arith.constant 0 : i32
        %dma_start3A_374 = tpu.memref_slice %arg14[%dma_start3A_369, %dma_start3A_373] : memref<64x128xi32, #tpu.memory_space<vmem>> -> memref<1x128xi32, #tpu.memory_space<vmem>>
        %dma_start3A_375 = tpu.memref_squeeze %dma_start3A_374 : memref<1x128xi32, #tpu.memory_space<vmem>> -> memref<128xi32, #tpu.memory_space<vmem>>
        %dma_start3A_376 = arith.constant 0 : i32
        %dma_start3A_377 = tpu.memref_slice %arg13[%dma_start3A_376] : memref<262144xf32, #tpu.memory_space<vmem_shared>> -> memref<262144xf32, #tpu.memory_space<vmem_shared>>
        tpu.enqueue_indirect_dma source(%dma_start3A_372 : memref<128xf32, #tpu.memory_space<vmem>>) target(%dma_start3A_377 : memref<262144xf32, #tpu.memory_space<vmem_shared>>) offsets(%dma_start3A_375 : memref<128xi32, #tpu.memory_space<vmem>>) semaphore(%arg22 : memref<!tpu.dma_semaphore, #tpu.memory_space<semaphore_mem>>) {add = true}
        %dma_wait3A_378 = arith.constant 5 : i32
        %dma_wait3A_379 = arith.constant 5 : i32
        %dma_wait3A_380 = arith.constant 0 : i32
        %dma_wait3A_381 = tpu.memref_slice %arg17[%dma_wait3A_378, %dma_wait3A_380] : memref<64x128xf32, #tpu.memory_space<vmem>> -> memref<1x128xf32, #tpu.memory_space<vmem>>
        %dma_wait3A_382 = tpu.memref_squeeze %dma_wait3A_381 : memref<1x128xf32, #tpu.memory_space<vmem>> -> memref<128xf32, #tpu.memory_space<vmem>>
        %dma_wait3A_383 = arith.constant 0 : i32
        %dma_wait3A_384 = tpu.memref_slice %arg14[%dma_wait3A_379, %dma_wait3A_383] : memref<64x128xi32, #tpu.memory_space<vmem>> -> memref<1x128xi32, #tpu.memory_space<vmem>>
        %dma_wait3A_385 = tpu.memref_squeeze %dma_wait3A_384 : memref<1x128xi32, #tpu.memory_space<vmem>> -> memref<128xi32, #tpu.memory_space<vmem>>
        %dma_wait3A_386 = arith.constant 0 : i32
        %dma_wait3A_387 = tpu.memref_slice %arg13[%dma_wait3A_386] : memref<262144xf32, #tpu.memory_space<vmem_shared>> -> memref<262144xf32, #tpu.memory_space<vmem_shared>>
        tpu.wait_indirect_dma semaphore(%arg22 : memref<!tpu.dma_semaphore, #tpu.memory_space<semaphore_mem>>) src(%dma_wait3A_382 : memref<128xf32, #tpu.memory_space<vmem>>) dst(%dma_wait3A_387 : memref<262144xf32, #tpu.memory_space<vmem_shared>>)
        %dma_start3A_388 = arith.constant 21 : i32
        %dma_start3A_389 = arith.constant 21 : i32
        %dma_start3A_390 = arith.constant 0 : i32
        %dma_start3A_391 = tpu.memref_slice %arg17[%dma_start3A_388, %dma_start3A_390] : memref<64x128xf32, #tpu.memory_space<vmem>> -> memref<1x128xf32, #tpu.memory_space<vmem>>
        %dma_start3A_392 = tpu.memref_squeeze %dma_start3A_391 : memref<1x128xf32, #tpu.memory_space<vmem>> -> memref<128xf32, #tpu.memory_space<vmem>>
        %dma_start3A_393 = arith.constant 0 : i32
        %dma_start3A_394 = tpu.memref_slice %arg14[%dma_start3A_389, %dma_start3A_393] : memref<64x128xi32, #tpu.memory_space<vmem>> -> memref<1x128xi32, #tpu.memory_space<vmem>>
        %dma_start3A_395 = tpu.memref_squeeze %dma_start3A_394 : memref<1x128xi32, #tpu.memory_space<vmem>> -> memref<128xi32, #tpu.memory_space<vmem>>
        %dma_start3A_396 = arith.constant 0 : i32
        %dma_start3A_397 = tpu.memref_slice %arg13[%dma_start3A_396] : memref<262144xf32, #tpu.memory_space<vmem_shared>> -> memref<262144xf32, #tpu.memory_space<vmem_shared>>
        tpu.enqueue_indirect_dma source(%dma_start3A_392 : memref<128xf32, #tpu.memory_space<vmem>>) target(%dma_start3A_397 : memref<262144xf32, #tpu.memory_space<vmem_shared>>) offsets(%dma_start3A_395 : memref<128xi32, #tpu.memory_space<vmem>>) semaphore(%arg22 : memref<!tpu.dma_semaphore, #tpu.memory_space<semaphore_mem>>) {add = true}
        %dma_wait3A_398 = arith.constant 6 : i32
        %dma_wait3A_399 = arith.constant 6 : i32
        %dma_wait3A_400 = arith.constant 0 : i32
        %dma_wait3A_401 = tpu.memref_slice %arg17[%dma_wait3A_398, %dma_wait3A_400] : memref<64x128xf32, #tpu.memory_space<vmem>> -> memref<1x128xf32, #tpu.memory_space<vmem>>
        %dma_wait3A_402 = tpu.memref_squeeze %dma_wait3A_401 : memref<1x128xf32, #tpu.memory_space<vmem>> -> memref<128xf32, #tpu.memory_space<vmem>>
        %dma_wait3A_403 = arith.constant 0 : i32
        %dma_wait3A_404 = tpu.memref_slice %arg14[%dma_wait3A_399, %dma_wait3A_403] : memref<64x128xi32, #tpu.memory_space<vmem>> -> memref<1x128xi32, #tpu.memory_space<vmem>>
        %dma_wait3A_405 = tpu.memref_squeeze %dma_wait3A_404 : memref<1x128xi32, #tpu.memory_space<vmem>> -> memref<128xi32, #tpu.memory_space<vmem>>
        %dma_wait3A_406 = arith.constant 0 : i32
        %dma_wait3A_407 = tpu.memref_slice %arg13[%dma_wait3A_406] : memref<262144xf32, #tpu.memory_space<vmem_shared>> -> memref<262144xf32, #tpu.memory_space<vmem_shared>>
        tpu.wait_indirect_dma semaphore(%arg22 : memref<!tpu.dma_semaphore, #tpu.memory_space<semaphore_mem>>) src(%dma_wait3A_402 : memref<128xf32, #tpu.memory_space<vmem>>) dst(%dma_wait3A_407 : memref<262144xf32, #tpu.memory_space<vmem_shared>>)
        %dma_start3A_408 = arith.constant 22 : i32
        %dma_start3A_409 = arith.constant 22 : i32
        %dma_start3A_410 = arith.constant 0 : i32
        %dma_start3A_411 = tpu.memref_slice %arg17[%dma_start3A_408, %dma_start3A_410] : memref<64x128xf32, #tpu.memory_space<vmem>> -> memref<1x128xf32, #tpu.memory_space<vmem>>
        %dma_start3A_412 = tpu.memref_squeeze %dma_start3A_411 : memref<1x128xf32, #tpu.memory_space<vmem>> -> memref<128xf32, #tpu.memory_space<vmem>>
        %dma_start3A_413 = arith.constant 0 : i32
        %dma_start3A_414 = tpu.memref_slice %arg14[%dma_start3A_409, %dma_start3A_413] : memref<64x128xi32, #tpu.memory_space<vmem>> -> memref<1x128xi32, #tpu.memory_space<vmem>>
        %dma_start3A_415 = tpu.memref_squeeze %dma_start3A_414 : memref<1x128xi32, #tpu.memory_space<vmem>> -> memref<128xi32, #tpu.memory_space<vmem>>
        %dma_start3A_416 = arith.constant 0 : i32
        %dma_start3A_417 = tpu.memref_slice %arg13[%dma_start3A_416] : memref<262144xf32, #tpu.memory_space<vmem_shared>> -> memref<262144xf32, #tpu.memory_space<vmem_shared>>
        tpu.enqueue_indirect_dma source(%dma_start3A_412 : memref<128xf32, #tpu.memory_space<vmem>>) target(%dma_start3A_417 : memref<262144xf32, #tpu.memory_space<vmem_shared>>) offsets(%dma_start3A_415 : memref<128xi32, #tpu.memory_space<vmem>>) semaphore(%arg22 : memref<!tpu.dma_semaphore, #tpu.memory_space<semaphore_mem>>) {add = true}
        %dma_wait3A_418 = arith.constant 7 : i32
        %dma_wait3A_419 = arith.constant 7 : i32
        %dma_wait3A_420 = arith.constant 0 : i32
        %dma_wait3A_421 = tpu.memref_slice %arg17[%dma_wait3A_418, %dma_wait3A_420] : memref<64x128xf32, #tpu.memory_space<vmem>> -> memref<1x128xf32, #tpu.memory_space<vmem>>
        %dma_wait3A_422 = tpu.memref_squeeze %dma_wait3A_421 : memref<1x128xf32, #tpu.memory_space<vmem>> -> memref<128xf32, #tpu.memory_space<vmem>>
        %dma_wait3A_423 = arith.constant 0 : i32
        %dma_wait3A_424 = tpu.memref_slice %arg14[%dma_wait3A_419, %dma_wait3A_423] : memref<64x128xi32, #tpu.memory_space<vmem>> -> memref<1x128xi32, #tpu.memory_space<vmem>>
        %dma_wait3A_425 = tpu.memref_squeeze %dma_wait3A_424 : memref<1x128xi32, #tpu.memory_space<vmem>> -> memref<128xi32, #tpu.memory_space<vmem>>
        %dma_wait3A_426 = arith.constant 0 : i32
        %dma_wait3A_427 = tpu.memref_slice %arg13[%dma_wait3A_426] : memref<262144xf32, #tpu.memory_space<vmem_shared>> -> memref<262144xf32, #tpu.memory_space<vmem_shared>>
        tpu.wait_indirect_dma semaphore(%arg22 : memref<!tpu.dma_semaphore, #tpu.memory_space<semaphore_mem>>) src(%dma_wait3A_422 : memref<128xf32, #tpu.memory_space<vmem>>) dst(%dma_wait3A_427 : memref<262144xf32, #tpu.memory_space<vmem_shared>>)
        %dma_start3A_428 = arith.constant 23 : i32
        %dma_start3A_429 = arith.constant 23 : i32
        %dma_start3A_430 = arith.constant 0 : i32
        %dma_start3A_431 = tpu.memref_slice %arg17[%dma_start3A_428, %dma_start3A_430] : memref<64x128xf32, #tpu.memory_space<vmem>> -> memref<1x128xf32, #tpu.memory_space<vmem>>
        %dma_start3A_432 = tpu.memref_squeeze %dma_start3A_431 : memref<1x128xf32, #tpu.memory_space<vmem>> -> memref<128xf32, #tpu.memory_space<vmem>>
        %dma_start3A_433 = arith.constant 0 : i32
        %dma_start3A_434 = tpu.memref_slice %arg14[%dma_start3A_429, %dma_start3A_433] : memref<64x128xi32, #tpu.memory_space<vmem>> -> memref<1x128xi32, #tpu.memory_space<vmem>>
        %dma_start3A_435 = tpu.memref_squeeze %dma_start3A_434 : memref<1x128xi32, #tpu.memory_space<vmem>> -> memref<128xi32, #tpu.memory_space<vmem>>
        %dma_start3A_436 = arith.constant 0 : i32
        %dma_start3A_437 = tpu.memref_slice %arg13[%dma_start3A_436] : memref<262144xf32, #tpu.memory_space<vmem_shared>> -> memref<262144xf32, #tpu.memory_space<vmem_shared>>
        tpu.enqueue_indirect_dma source(%dma_start3A_432 : memref<128xf32, #tpu.memory_space<vmem>>) target(%dma_start3A_437 : memref<262144xf32, #tpu.memory_space<vmem_shared>>) offsets(%dma_start3A_435 : memref<128xi32, #tpu.memory_space<vmem>>) semaphore(%arg22 : memref<!tpu.dma_semaphore, #tpu.memory_space<semaphore_mem>>) {add = true}
        %dma_wait3A_438 = arith.constant 8 : i32
        %dma_wait3A_439 = arith.constant 8 : i32
        %dma_wait3A_440 = arith.constant 0 : i32
        %dma_wait3A_441 = tpu.memref_slice %arg17[%dma_wait3A_438, %dma_wait3A_440] : memref<64x128xf32, #tpu.memory_space<vmem>> -> memref<1x128xf32, #tpu.memory_space<vmem>>
        %dma_wait3A_442 = tpu.memref_squeeze %dma_wait3A_441 : memref<1x128xf32, #tpu.memory_space<vmem>> -> memref<128xf32, #tpu.memory_space<vmem>>
        %dma_wait3A_443 = arith.constant 0 : i32
        %dma_wait3A_444 = tpu.memref_slice %arg14[%dma_wait3A_439, %dma_wait3A_443] : memref<64x128xi32, #tpu.memory_space<vmem>> -> memref<1x128xi32, #tpu.memory_space<vmem>>
        %dma_wait3A_445 = tpu.memref_squeeze %dma_wait3A_444 : memref<1x128xi32, #tpu.memory_space<vmem>> -> memref<128xi32, #tpu.memory_space<vmem>>
        %dma_wait3A_446 = arith.constant 0 : i32
        %dma_wait3A_447 = tpu.memref_slice %arg13[%dma_wait3A_446] : memref<262144xf32, #tpu.memory_space<vmem_shared>> -> memref<262144xf32, #tpu.memory_space<vmem_shared>>
        tpu.wait_indirect_dma semaphore(%arg22 : memref<!tpu.dma_semaphore, #tpu.memory_space<semaphore_mem>>) src(%dma_wait3A_442 : memref<128xf32, #tpu.memory_space<vmem>>) dst(%dma_wait3A_447 : memref<262144xf32, #tpu.memory_space<vmem_shared>>)
        %dma_start3A_448 = arith.constant 24 : i32
        %dma_start3A_449 = arith.constant 24 : i32
        %dma_start3A_450 = arith.constant 0 : i32
        %dma_start3A_451 = tpu.memref_slice %arg17[%dma_start3A_448, %dma_start3A_450] : memref<64x128xf32, #tpu.memory_space<vmem>> -> memref<1x128xf32, #tpu.memory_space<vmem>>
        %dma_start3A_452 = tpu.memref_squeeze %dma_start3A_451 : memref<1x128xf32, #tpu.memory_space<vmem>> -> memref<128xf32, #tpu.memory_space<vmem>>
        %dma_start3A_453 = arith.constant 0 : i32
        %dma_start3A_454 = tpu.memref_slice %arg14[%dma_start3A_449, %dma_start3A_453] : memref<64x128xi32, #tpu.memory_space<vmem>> -> memref<1x128xi32, #tpu.memory_space<vmem>>
        %dma_start3A_455 = tpu.memref_squeeze %dma_start3A_454 : memref<1x128xi32, #tpu.memory_space<vmem>> -> memref<128xi32, #tpu.memory_space<vmem>>
        %dma_start3A_456 = arith.constant 0 : i32
        %dma_start3A_457 = tpu.memref_slice %arg13[%dma_start3A_456] : memref<262144xf32, #tpu.memory_space<vmem_shared>> -> memref<262144xf32, #tpu.memory_space<vmem_shared>>
        tpu.enqueue_indirect_dma source(%dma_start3A_452 : memref<128xf32, #tpu.memory_space<vmem>>) target(%dma_start3A_457 : memref<262144xf32, #tpu.memory_space<vmem_shared>>) offsets(%dma_start3A_455 : memref<128xi32, #tpu.memory_space<vmem>>) semaphore(%arg22 : memref<!tpu.dma_semaphore, #tpu.memory_space<semaphore_mem>>) {add = true}
        %dma_wait3A_458 = arith.constant 9 : i32
        %dma_wait3A_459 = arith.constant 9 : i32
        %dma_wait3A_460 = arith.constant 0 : i32
        %dma_wait3A_461 = tpu.memref_slice %arg17[%dma_wait3A_458, %dma_wait3A_460] : memref<64x128xf32, #tpu.memory_space<vmem>> -> memref<1x128xf32, #tpu.memory_space<vmem>>
        %dma_wait3A_462 = tpu.memref_squeeze %dma_wait3A_461 : memref<1x128xf32, #tpu.memory_space<vmem>> -> memref<128xf32, #tpu.memory_space<vmem>>
        %dma_wait3A_463 = arith.constant 0 : i32
        %dma_wait3A_464 = tpu.memref_slice %arg14[%dma_wait3A_459, %dma_wait3A_463] : memref<64x128xi32, #tpu.memory_space<vmem>> -> memref<1x128xi32, #tpu.memory_space<vmem>>
        %dma_wait3A_465 = tpu.memref_squeeze %dma_wait3A_464 : memref<1x128xi32, #tpu.memory_space<vmem>> -> memref<128xi32, #tpu.memory_space<vmem>>
        %dma_wait3A_466 = arith.constant 0 : i32
        %dma_wait3A_467 = tpu.memref_slice %arg13[%dma_wait3A_466] : memref<262144xf32, #tpu.memory_space<vmem_shared>> -> memref<262144xf32, #tpu.memory_space<vmem_shared>>
        tpu.wait_indirect_dma semaphore(%arg22 : memref<!tpu.dma_semaphore, #tpu.memory_space<semaphore_mem>>) src(%dma_wait3A_462 : memref<128xf32, #tpu.memory_space<vmem>>) dst(%dma_wait3A_467 : memref<262144xf32, #tpu.memory_space<vmem_shared>>)
        %dma_start3A_468 = arith.constant 25 : i32
        %dma_start3A_469 = arith.constant 25 : i32
        %dma_start3A_470 = arith.constant 0 : i32
        %dma_start3A_471 = tpu.memref_slice %arg17[%dma_start3A_468, %dma_start3A_470] : memref<64x128xf32, #tpu.memory_space<vmem>> -> memref<1x128xf32, #tpu.memory_space<vmem>>
        %dma_start3A_472 = tpu.memref_squeeze %dma_start3A_471 : memref<1x128xf32, #tpu.memory_space<vmem>> -> memref<128xf32, #tpu.memory_space<vmem>>
        %dma_start3A_473 = arith.constant 0 : i32
        %dma_start3A_474 = tpu.memref_slice %arg14[%dma_start3A_469, %dma_start3A_473] : memref<64x128xi32, #tpu.memory_space<vmem>> -> memref<1x128xi32, #tpu.memory_space<vmem>>
        %dma_start3A_475 = tpu.memref_squeeze %dma_start3A_474 : memref<1x128xi32, #tpu.memory_space<vmem>> -> memref<128xi32, #tpu.memory_space<vmem>>
        %dma_start3A_476 = arith.constant 0 : i32
        %dma_start3A_477 = tpu.memref_slice %arg13[%dma_start3A_476] : memref<262144xf32, #tpu.memory_space<vmem_shared>> -> memref<262144xf32, #tpu.memory_space<vmem_shared>>
        tpu.enqueue_indirect_dma source(%dma_start3A_472 : memref<128xf32, #tpu.memory_space<vmem>>) target(%dma_start3A_477 : memref<262144xf32, #tpu.memory_space<vmem_shared>>) offsets(%dma_start3A_475 : memref<128xi32, #tpu.memory_space<vmem>>) semaphore(%arg22 : memref<!tpu.dma_semaphore, #tpu.memory_space<semaphore_mem>>) {add = true}
        %dma_wait3A_478 = arith.constant 10 : i32
        %dma_wait3A_479 = arith.constant 10 : i32
        %dma_wait3A_480 = arith.constant 0 : i32
        %dma_wait3A_481 = tpu.memref_slice %arg17[%dma_wait3A_478, %dma_wait3A_480] : memref<64x128xf32, #tpu.memory_space<vmem>> -> memref<1x128xf32, #tpu.memory_space<vmem>>
        %dma_wait3A_482 = tpu.memref_squeeze %dma_wait3A_481 : memref<1x128xf32, #tpu.memory_space<vmem>> -> memref<128xf32, #tpu.memory_space<vmem>>
        %dma_wait3A_483 = arith.constant 0 : i32
        %dma_wait3A_484 = tpu.memref_slice %arg14[%dma_wait3A_479, %dma_wait3A_483] : memref<64x128xi32, #tpu.memory_space<vmem>> -> memref<1x128xi32, #tpu.memory_space<vmem>>
        %dma_wait3A_485 = tpu.memref_squeeze %dma_wait3A_484 : memref<1x128xi32, #tpu.memory_space<vmem>> -> memref<128xi32, #tpu.memory_space<vmem>>
        %dma_wait3A_486 = arith.constant 0 : i32
        %dma_wait3A_487 = tpu.memref_slice %arg13[%dma_wait3A_486] : memref<262144xf32, #tpu.memory_space<vmem_shared>> -> memref<262144xf32, #tpu.memory_space<vmem_shared>>
        tpu.wait_indirect_dma semaphore(%arg22 : memref<!tpu.dma_semaphore, #tpu.memory_space<semaphore_mem>>) src(%dma_wait3A_482 : memref<128xf32, #tpu.memory_space<vmem>>) dst(%dma_wait3A_487 : memref<262144xf32, #tpu.memory_space<vmem_shared>>)
        %dma_start3A_488 = arith.constant 26 : i32
        %dma_start3A_489 = arith.constant 26 : i32
        %dma_start3A_490 = arith.constant 0 : i32
        %dma_start3A_491 = tpu.memref_slice %arg17[%dma_start3A_488, %dma_start3A_490] : memref<64x128xf32, #tpu.memory_space<vmem>> -> memref<1x128xf32, #tpu.memory_space<vmem>>
        %dma_start3A_492 = tpu.memref_squeeze %dma_start3A_491 : memref<1x128xf32, #tpu.memory_space<vmem>> -> memref<128xf32, #tpu.memory_space<vmem>>
        %dma_start3A_493 = arith.constant 0 : i32
        %dma_start3A_494 = tpu.memref_slice %arg14[%dma_start3A_489, %dma_start3A_493] : memref<64x128xi32, #tpu.memory_space<vmem>> -> memref<1x128xi32, #tpu.memory_space<vmem>>
        %dma_start3A_495 = tpu.memref_squeeze %dma_start3A_494 : memref<1x128xi32, #tpu.memory_space<vmem>> -> memref<128xi32, #tpu.memory_space<vmem>>
        %dma_start3A_496 = arith.constant 0 : i32
        %dma_start3A_497 = tpu.memref_slice %arg13[%dma_start3A_496] : memref<262144xf32, #tpu.memory_space<vmem_shared>> -> memref<262144xf32, #tpu.memory_space<vmem_shared>>
        tpu.enqueue_indirect_dma source(%dma_start3A_492 : memref<128xf32, #tpu.memory_space<vmem>>) target(%dma_start3A_497 : memref<262144xf32, #tpu.memory_space<vmem_shared>>) offsets(%dma_start3A_495 : memref<128xi32, #tpu.memory_space<vmem>>) semaphore(%arg22 : memref<!tpu.dma_semaphore, #tpu.memory_space<semaphore_mem>>) {add = true}
        %dma_wait3A_498 = arith.constant 11 : i32
        %dma_wait3A_499 = arith.constant 11 : i32
        %dma_wait3A_500 = arith.constant 0 : i32
        %dma_wait3A_501 = tpu.memref_slice %arg17[%dma_wait3A_498, %dma_wait3A_500] : memref<64x128xf32, #tpu.memory_space<vmem>> -> memref<1x128xf32, #tpu.memory_space<vmem>>
        %dma_wait3A_502 = tpu.memref_squeeze %dma_wait3A_501 : memref<1x128xf32, #tpu.memory_space<vmem>> -> memref<128xf32, #tpu.memory_space<vmem>>
        %dma_wait3A_503 = arith.constant 0 : i32
        %dma_wait3A_504 = tpu.memref_slice %arg14[%dma_wait3A_499, %dma_wait3A_503] : memref<64x128xi32, #tpu.memory_space<vmem>> -> memref<1x128xi32, #tpu.memory_space<vmem>>
        %dma_wait3A_505 = tpu.memref_squeeze %dma_wait3A_504 : memref<1x128xi32, #tpu.memory_space<vmem>> -> memref<128xi32, #tpu.memory_space<vmem>>
        %dma_wait3A_506 = arith.constant 0 : i32
        %dma_wait3A_507 = tpu.memref_slice %arg13[%dma_wait3A_506] : memref<262144xf32, #tpu.memory_space<vmem_shared>> -> memref<262144xf32, #tpu.memory_space<vmem_shared>>
        tpu.wait_indirect_dma semaphore(%arg22 : memref<!tpu.dma_semaphore, #tpu.memory_space<semaphore_mem>>) src(%dma_wait3A_502 : memref<128xf32, #tpu.memory_space<vmem>>) dst(%dma_wait3A_507 : memref<262144xf32, #tpu.memory_space<vmem_shared>>)
        %dma_start3A_508 = arith.constant 27 : i32
        %dma_start3A_509 = arith.constant 27 : i32
        %dma_start3A_510 = arith.constant 0 : i32
        %dma_start3A_511 = tpu.memref_slice %arg17[%dma_start3A_508, %dma_start3A_510] : memref<64x128xf32, #tpu.memory_space<vmem>> -> memref<1x128xf32, #tpu.memory_space<vmem>>
        %dma_start3A_512 = tpu.memref_squeeze %dma_start3A_511 : memref<1x128xf32, #tpu.memory_space<vmem>> -> memref<128xf32, #tpu.memory_space<vmem>>
        %dma_start3A_513 = arith.constant 0 : i32
        %dma_start3A_514 = tpu.memref_slice %arg14[%dma_start3A_509, %dma_start3A_513] : memref<64x128xi32, #tpu.memory_space<vmem>> -> memref<1x128xi32, #tpu.memory_space<vmem>>
        %dma_start3A_515 = tpu.memref_squeeze %dma_start3A_514 : memref<1x128xi32, #tpu.memory_space<vmem>> -> memref<128xi32, #tpu.memory_space<vmem>>
        %dma_start3A_516 = arith.constant 0 : i32
        %dma_start3A_517 = tpu.memref_slice %arg13[%dma_start3A_516] : memref<262144xf32, #tpu.memory_space<vmem_shared>> -> memref<262144xf32, #tpu.memory_space<vmem_shared>>
        tpu.enqueue_indirect_dma source(%dma_start3A_512 : memref<128xf32, #tpu.memory_space<vmem>>) target(%dma_start3A_517 : memref<262144xf32, #tpu.memory_space<vmem_shared>>) offsets(%dma_start3A_515 : memref<128xi32, #tpu.memory_space<vmem>>) semaphore(%arg22 : memref<!tpu.dma_semaphore, #tpu.memory_space<semaphore_mem>>) {add = true}
        %dma_wait3A_518 = arith.constant 12 : i32
        %dma_wait3A_519 = arith.constant 12 : i32
        %dma_wait3A_520 = arith.constant 0 : i32
        %dma_wait3A_521 = tpu.memref_slice %arg17[%dma_wait3A_518, %dma_wait3A_520] : memref<64x128xf32, #tpu.memory_space<vmem>> -> memref<1x128xf32, #tpu.memory_space<vmem>>
        %dma_wait3A_522 = tpu.memref_squeeze %dma_wait3A_521 : memref<1x128xf32, #tpu.memory_space<vmem>> -> memref<128xf32, #tpu.memory_space<vmem>>
        %dma_wait3A_523 = arith.constant 0 : i32
        %dma_wait3A_524 = tpu.memref_slice %arg14[%dma_wait3A_519, %dma_wait3A_523] : memref<64x128xi32, #tpu.memory_space<vmem>> -> memref<1x128xi32, #tpu.memory_space<vmem>>
        %dma_wait3A_525 = tpu.memref_squeeze %dma_wait3A_524 : memref<1x128xi32, #tpu.memory_space<vmem>> -> memref<128xi32, #tpu.memory_space<vmem>>
        %dma_wait3A_526 = arith.constant 0 : i32
        %dma_wait3A_527 = tpu.memref_slice %arg13[%dma_wait3A_526] : memref<262144xf32, #tpu.memory_space<vmem_shared>> -> memref<262144xf32, #tpu.memory_space<vmem_shared>>
        tpu.wait_indirect_dma semaphore(%arg22 : memref<!tpu.dma_semaphore, #tpu.memory_space<semaphore_mem>>) src(%dma_wait3A_522 : memref<128xf32, #tpu.memory_space<vmem>>) dst(%dma_wait3A_527 : memref<262144xf32, #tpu.memory_space<vmem_shared>>)
        %dma_start3A_528 = arith.constant 28 : i32
        %dma_start3A_529 = arith.constant 28 : i32
        %dma_start3A_530 = arith.constant 0 : i32
        %dma_start3A_531 = tpu.memref_slice %arg17[%dma_start3A_528, %dma_start3A_530] : memref<64x128xf32, #tpu.memory_space<vmem>> -> memref<1x128xf32, #tpu.memory_space<vmem>>
        %dma_start3A_532 = tpu.memref_squeeze %dma_start3A_531 : memref<1x128xf32, #tpu.memory_space<vmem>> -> memref<128xf32, #tpu.memory_space<vmem>>
        %dma_start3A_533 = arith.constant 0 : i32
        %dma_start3A_534 = tpu.memref_slice %arg14[%dma_start3A_529, %dma_start3A_533] : memref<64x128xi32, #tpu.memory_space<vmem>> -> memref<1x128xi32, #tpu.memory_space<vmem>>
        %dma_start3A_535 = tpu.memref_squeeze %dma_start3A_534 : memref<1x128xi32, #tpu.memory_space<vmem>> -> memref<128xi32, #tpu.memory_space<vmem>>
        %dma_start3A_536 = arith.constant 0 : i32
        %dma_start3A_537 = tpu.memref_slice %arg13[%dma_start3A_536] : memref<262144xf32, #tpu.memory_space<vmem_shared>> -> memref<262144xf32, #tpu.memory_space<vmem_shared>>
        tpu.enqueue_indirect_dma source(%dma_start3A_532 : memref<128xf32, #tpu.memory_space<vmem>>) target(%dma_start3A_537 : memref<262144xf32, #tpu.memory_space<vmem_shared>>) offsets(%dma_start3A_535 : memref<128xi32, #tpu.memory_space<vmem>>) semaphore(%arg22 : memref<!tpu.dma_semaphore, #tpu.memory_space<semaphore_mem>>) {add = true}
        %dma_wait3A_538 = arith.constant 13 : i32
        %dma_wait3A_539 = arith.constant 13 : i32
        %dma_wait3A_540 = arith.constant 0 : i32
        %dma_wait3A_541 = tpu.memref_slice %arg17[%dma_wait3A_538, %dma_wait3A_540] : memref<64x128xf32, #tpu.memory_space<vmem>> -> memref<1x128xf32, #tpu.memory_space<vmem>>
        %dma_wait3A_542 = tpu.memref_squeeze %dma_wait3A_541 : memref<1x128xf32, #tpu.memory_space<vmem>> -> memref<128xf32, #tpu.memory_space<vmem>>
        %dma_wait3A_543 = arith.constant 0 : i32
        %dma_wait3A_544 = tpu.memref_slice %arg14[%dma_wait3A_539, %dma_wait3A_543] : memref<64x128xi32, #tpu.memory_space<vmem>> -> memref<1x128xi32, #tpu.memory_space<vmem>>
        %dma_wait3A_545 = tpu.memref_squeeze %dma_wait3A_544 : memref<1x128xi32, #tpu.memory_space<vmem>> -> memref<128xi32, #tpu.memory_space<vmem>>
        %dma_wait3A_546 = arith.constant 0 : i32
        %dma_wait3A_547 = tpu.memref_slice %arg13[%dma_wait3A_546] : memref<262144xf32, #tpu.memory_space<vmem_shared>> -> memref<262144xf32, #tpu.memory_space<vmem_shared>>
        tpu.wait_indirect_dma semaphore(%arg22 : memref<!tpu.dma_semaphore, #tpu.memory_space<semaphore_mem>>) src(%dma_wait3A_542 : memref<128xf32, #tpu.memory_space<vmem>>) dst(%dma_wait3A_547 : memref<262144xf32, #tpu.memory_space<vmem_shared>>)
        %dma_start3A_548 = arith.constant 29 : i32
        %dma_start3A_549 = arith.constant 29 : i32
        %dma_start3A_550 = arith.constant 0 : i32
        %dma_start3A_551 = tpu.memref_slice %arg17[%dma_start3A_548, %dma_start3A_550] : memref<64x128xf32, #tpu.memory_space<vmem>> -> memref<1x128xf32, #tpu.memory_space<vmem>>
        %dma_start3A_552 = tpu.memref_squeeze %dma_start3A_551 : memref<1x128xf32, #tpu.memory_space<vmem>> -> memref<128xf32, #tpu.memory_space<vmem>>
        %dma_start3A_553 = arith.constant 0 : i32
        %dma_start3A_554 = tpu.memref_slice %arg14[%dma_start3A_549, %dma_start3A_553] : memref<64x128xi32, #tpu.memory_space<vmem>> -> memref<1x128xi32, #tpu.memory_space<vmem>>
        %dma_start3A_555 = tpu.memref_squeeze %dma_start3A_554 : memref<1x128xi32, #tpu.memory_space<vmem>> -> memref<128xi32, #tpu.memory_space<vmem>>
        %dma_start3A_556 = arith.constant 0 : i32
        %dma_start3A_557 = tpu.memref_slice %arg13[%dma_start3A_556] : memref<262144xf32, #tpu.memory_space<vmem_shared>> -> memref<262144xf32, #tpu.memory_space<vmem_shared>>
        tpu.enqueue_indirect_dma source(%dma_start3A_552 : memref<128xf32, #tpu.memory_space<vmem>>) target(%dma_start3A_557 : memref<262144xf32, #tpu.memory_space<vmem_shared>>) offsets(%dma_start3A_555 : memref<128xi32, #tpu.memory_space<vmem>>) semaphore(%arg22 : memref<!tpu.dma_semaphore, #tpu.memory_space<semaphore_mem>>) {add = true}
        %dma_wait3A_558 = arith.constant 14 : i32
        %dma_wait3A_559 = arith.constant 14 : i32
        %dma_wait3A_560 = arith.constant 0 : i32
        %dma_wait3A_561 = tpu.memref_slice %arg17[%dma_wait3A_558, %dma_wait3A_560] : memref<64x128xf32, #tpu.memory_space<vmem>> -> memref<1x128xf32, #tpu.memory_space<vmem>>
        %dma_wait3A_562 = tpu.memref_squeeze %dma_wait3A_561 : memref<1x128xf32, #tpu.memory_space<vmem>> -> memref<128xf32, #tpu.memory_space<vmem>>
        %dma_wait3A_563 = arith.constant 0 : i32
        %dma_wait3A_564 = tpu.memref_slice %arg14[%dma_wait3A_559, %dma_wait3A_563] : memref<64x128xi32, #tpu.memory_space<vmem>> -> memref<1x128xi32, #tpu.memory_space<vmem>>
        %dma_wait3A_565 = tpu.memref_squeeze %dma_wait3A_564 : memref<1x128xi32, #tpu.memory_space<vmem>> -> memref<128xi32, #tpu.memory_space<vmem>>
        %dma_wait3A_566 = arith.constant 0 : i32
        %dma_wait3A_567 = tpu.memref_slice %arg13[%dma_wait3A_566] : memref<262144xf32, #tpu.memory_space<vmem_shared>> -> memref<262144xf32, #tpu.memory_space<vmem_shared>>
        tpu.wait_indirect_dma semaphore(%arg22 : memref<!tpu.dma_semaphore, #tpu.memory_space<semaphore_mem>>) src(%dma_wait3A_562 : memref<128xf32, #tpu.memory_space<vmem>>) dst(%dma_wait3A_567 : memref<262144xf32, #tpu.memory_space<vmem_shared>>)
        %dma_start3A_568 = arith.constant 30 : i32
        %dma_start3A_569 = arith.constant 30 : i32
        %dma_start3A_570 = arith.constant 0 : i32
        %dma_start3A_571 = tpu.memref_slice %arg17[%dma_start3A_568, %dma_start3A_570] : memref<64x128xf32, #tpu.memory_space<vmem>> -> memref<1x128xf32, #tpu.memory_space<vmem>>
        %dma_start3A_572 = tpu.memref_squeeze %dma_start3A_571 : memref<1x128xf32, #tpu.memory_space<vmem>> -> memref<128xf32, #tpu.memory_space<vmem>>
        %dma_start3A_573 = arith.constant 0 : i32
        %dma_start3A_574 = tpu.memref_slice %arg14[%dma_start3A_569, %dma_start3A_573] : memref<64x128xi32, #tpu.memory_space<vmem>> -> memref<1x128xi32, #tpu.memory_space<vmem>>
        %dma_start3A_575 = tpu.memref_squeeze %dma_start3A_574 : memref<1x128xi32, #tpu.memory_space<vmem>> -> memref<128xi32, #tpu.memory_space<vmem>>
        %dma_start3A_576 = arith.constant 0 : i32
        %dma_start3A_577 = tpu.memref_slice %arg13[%dma_start3A_576] : memref<262144xf32, #tpu.memory_space<vmem_shared>> -> memref<262144xf32, #tpu.memory_space<vmem_shared>>
        tpu.enqueue_indirect_dma source(%dma_start3A_572 : memref<128xf32, #tpu.memory_space<vmem>>) target(%dma_start3A_577 : memref<262144xf32, #tpu.memory_space<vmem_shared>>) offsets(%dma_start3A_575 : memref<128xi32, #tpu.memory_space<vmem>>) semaphore(%arg22 : memref<!tpu.dma_semaphore, #tpu.memory_space<semaphore_mem>>) {add = true}
        %dma_wait3A_578 = arith.constant 15 : i32
        %dma_wait3A_579 = arith.constant 15 : i32
        %dma_wait3A_580 = arith.constant 0 : i32
        %dma_wait3A_581 = tpu.memref_slice %arg17[%dma_wait3A_578, %dma_wait3A_580] : memref<64x128xf32, #tpu.memory_space<vmem>> -> memref<1x128xf32, #tpu.memory_space<vmem>>
        %dma_wait3A_582 = tpu.memref_squeeze %dma_wait3A_581 : memref<1x128xf32, #tpu.memory_space<vmem>> -> memref<128xf32, #tpu.memory_space<vmem>>
        %dma_wait3A_583 = arith.constant 0 : i32
        %dma_wait3A_584 = tpu.memref_slice %arg14[%dma_wait3A_579, %dma_wait3A_583] : memref<64x128xi32, #tpu.memory_space<vmem>> -> memref<1x128xi32, #tpu.memory_space<vmem>>
        %dma_wait3A_585 = tpu.memref_squeeze %dma_wait3A_584 : memref<1x128xi32, #tpu.memory_space<vmem>> -> memref<128xi32, #tpu.memory_space<vmem>>
        %dma_wait3A_586 = arith.constant 0 : i32
        %dma_wait3A_587 = tpu.memref_slice %arg13[%dma_wait3A_586] : memref<262144xf32, #tpu.memory_space<vmem_shared>> -> memref<262144xf32, #tpu.memory_space<vmem_shared>>
        tpu.wait_indirect_dma semaphore(%arg22 : memref<!tpu.dma_semaphore, #tpu.memory_space<semaphore_mem>>) src(%dma_wait3A_582 : memref<128xf32, #tpu.memory_space<vmem>>) dst(%dma_wait3A_587 : memref<262144xf32, #tpu.memory_space<vmem_shared>>)
        %dma_start3A_588 = arith.constant 31 : i32
        %dma_start3A_589 = arith.constant 31 : i32
        %dma_start3A_590 = arith.constant 0 : i32
        %dma_start3A_591 = tpu.memref_slice %arg17[%dma_start3A_588, %dma_start3A_590] : memref<64x128xf32, #tpu.memory_space<vmem>> -> memref<1x128xf32, #tpu.memory_space<vmem>>
        %dma_start3A_592 = tpu.memref_squeeze %dma_start3A_591 : memref<1x128xf32, #tpu.memory_space<vmem>> -> memref<128xf32, #tpu.memory_space<vmem>>
        %dma_start3A_593 = arith.constant 0 : i32
        %dma_start3A_594 = tpu.memref_slice %arg14[%dma_start3A_589, %dma_start3A_593] : memref<64x128xi32, #tpu.memory_space<vmem>> -> memref<1x128xi32, #tpu.memory_space<vmem>>
        %dma_start3A_595 = tpu.memref_squeeze %dma_start3A_594 : memref<1x128xi32, #tpu.memory_space<vmem>> -> memref<128xi32, #tpu.memory_space<vmem>>
        %dma_start3A_596 = arith.constant 0 : i32
        %dma_start3A_597 = tpu.memref_slice %arg13[%dma_start3A_596] : memref<262144xf32, #tpu.memory_space<vmem_shared>> -> memref<262144xf32, #tpu.memory_space<vmem_shared>>
        tpu.enqueue_indirect_dma source(%dma_start3A_592 : memref<128xf32, #tpu.memory_space<vmem>>) target(%dma_start3A_597 : memref<262144xf32, #tpu.memory_space<vmem_shared>>) offsets(%dma_start3A_595 : memref<128xi32, #tpu.memory_space<vmem>>) semaphore(%arg22 : memref<!tpu.dma_semaphore, #tpu.memory_space<semaphore_mem>>) {add = true}
        %dma_wait3A_598 = arith.constant 16 : i32
        %dma_wait3A_599 = arith.constant 16 : i32
        %dma_wait3A_600 = arith.constant 0 : i32
        %dma_wait3A_601 = tpu.memref_slice %arg17[%dma_wait3A_598, %dma_wait3A_600] : memref<64x128xf32, #tpu.memory_space<vmem>> -> memref<1x128xf32, #tpu.memory_space<vmem>>
        %dma_wait3A_602 = tpu.memref_squeeze %dma_wait3A_601 : memref<1x128xf32, #tpu.memory_space<vmem>> -> memref<128xf32, #tpu.memory_space<vmem>>
        %dma_wait3A_603 = arith.constant 0 : i32
        %dma_wait3A_604 = tpu.memref_slice %arg14[%dma_wait3A_599, %dma_wait3A_603] : memref<64x128xi32, #tpu.memory_space<vmem>> -> memref<1x128xi32, #tpu.memory_space<vmem>>
        %dma_wait3A_605 = tpu.memref_squeeze %dma_wait3A_604 : memref<1x128xi32, #tpu.memory_space<vmem>> -> memref<128xi32, #tpu.memory_space<vmem>>
        %dma_wait3A_606 = arith.constant 0 : i32
        %dma_wait3A_607 = tpu.memref_slice %arg13[%dma_wait3A_606] : memref<262144xf32, #tpu.memory_space<vmem_shared>> -> memref<262144xf32, #tpu.memory_space<vmem_shared>>
        tpu.wait_indirect_dma semaphore(%arg22 : memref<!tpu.dma_semaphore, #tpu.memory_space<semaphore_mem>>) src(%dma_wait3A_602 : memref<128xf32, #tpu.memory_space<vmem>>) dst(%dma_wait3A_607 : memref<262144xf32, #tpu.memory_space<vmem_shared>>)
        %dma_start3A_608 = arith.constant 32 : i32
        %dma_start3A_609 = arith.constant 32 : i32
        %dma_start3A_610 = arith.constant 0 : i32
        %dma_start3A_611 = tpu.memref_slice %arg17[%dma_start3A_608, %dma_start3A_610] : memref<64x128xf32, #tpu.memory_space<vmem>> -> memref<1x128xf32, #tpu.memory_space<vmem>>
        %dma_start3A_612 = tpu.memref_squeeze %dma_start3A_611 : memref<1x128xf32, #tpu.memory_space<vmem>> -> memref<128xf32, #tpu.memory_space<vmem>>
        %dma_start3A_613 = arith.constant 0 : i32
        %dma_start3A_614 = tpu.memref_slice %arg14[%dma_start3A_609, %dma_start3A_613] : memref<64x128xi32, #tpu.memory_space<vmem>> -> memref<1x128xi32, #tpu.memory_space<vmem>>
        %dma_start3A_615 = tpu.memref_squeeze %dma_start3A_614 : memref<1x128xi32, #tpu.memory_space<vmem>> -> memref<128xi32, #tpu.memory_space<vmem>>
        %dma_start3A_616 = arith.constant 0 : i32
        %dma_start3A_617 = tpu.memref_slice %arg13[%dma_start3A_616] : memref<262144xf32, #tpu.memory_space<vmem_shared>> -> memref<262144xf32, #tpu.memory_space<vmem_shared>>
        tpu.enqueue_indirect_dma source(%dma_start3A_612 : memref<128xf32, #tpu.memory_space<vmem>>) target(%dma_start3A_617 : memref<262144xf32, #tpu.memory_space<vmem_shared>>) offsets(%dma_start3A_615 : memref<128xi32, #tpu.memory_space<vmem>>) semaphore(%arg22 : memref<!tpu.dma_semaphore, #tpu.memory_space<semaphore_mem>>) {add = true}
        %dma_wait3A_618 = arith.constant 17 : i32
        %dma_wait3A_619 = arith.constant 17 : i32
        %dma_wait3A_620 = arith.constant 0 : i32
        %dma_wait3A_621 = tpu.memref_slice %arg17[%dma_wait3A_618, %dma_wait3A_620] : memref<64x128xf32, #tpu.memory_space<vmem>> -> memref<1x128xf32, #tpu.memory_space<vmem>>
        %dma_wait3A_622 = tpu.memref_squeeze %dma_wait3A_621 : memref<1x128xf32, #tpu.memory_space<vmem>> -> memref<128xf32, #tpu.memory_space<vmem>>
        %dma_wait3A_623 = arith.constant 0 : i32
        %dma_wait3A_624 = tpu.memref_slice %arg14[%dma_wait3A_619, %dma_wait3A_623] : memref<64x128xi32, #tpu.memory_space<vmem>> -> memref<1x128xi32, #tpu.memory_space<vmem>>
        %dma_wait3A_625 = tpu.memref_squeeze %dma_wait3A_624 : memref<1x128xi32, #tpu.memory_space<vmem>> -> memref<128xi32, #tpu.memory_space<vmem>>
        %dma_wait3A_626 = arith.constant 0 : i32
        %dma_wait3A_627 = tpu.memref_slice %arg13[%dma_wait3A_626] : memref<262144xf32, #tpu.memory_space<vmem_shared>> -> memref<262144xf32, #tpu.memory_space<vmem_shared>>
        tpu.wait_indirect_dma semaphore(%arg22 : memref<!tpu.dma_semaphore, #tpu.memory_space<semaphore_mem>>) src(%dma_wait3A_622 : memref<128xf32, #tpu.memory_space<vmem>>) dst(%dma_wait3A_627 : memref<262144xf32, #tpu.memory_space<vmem_shared>>)
        %dma_start3A_628 = arith.constant 33 : i32
        %dma_start3A_629 = arith.constant 33 : i32
        %dma_start3A_630 = arith.constant 0 : i32
        %dma_start3A_631 = tpu.memref_slice %arg17[%dma_start3A_628, %dma_start3A_630] : memref<64x128xf32, #tpu.memory_space<vmem>> -> memref<1x128xf32, #tpu.memory_space<vmem>>
        %dma_start3A_632 = tpu.memref_squeeze %dma_start3A_631 : memref<1x128xf32, #tpu.memory_space<vmem>> -> memref<128xf32, #tpu.memory_space<vmem>>
        %dma_start3A_633 = arith.constant 0 : i32
        %dma_start3A_634 = tpu.memref_slice %arg14[%dma_start3A_629, %dma_start3A_633] : memref<64x128xi32, #tpu.memory_space<vmem>> -> memref<1x128xi32, #tpu.memory_space<vmem>>
        %dma_start3A_635 = tpu.memref_squeeze %dma_start3A_634 : memref<1x128xi32, #tpu.memory_space<vmem>> -> memref<128xi32, #tpu.memory_space<vmem>>
        %dma_start3A_636 = arith.constant 0 : i32
        %dma_start3A_637 = tpu.memref_slice %arg13[%dma_start3A_636] : memref<262144xf32, #tpu.memory_space<vmem_shared>> -> memref<262144xf32, #tpu.memory_space<vmem_shared>>
        tpu.enqueue_indirect_dma source(%dma_start3A_632 : memref<128xf32, #tpu.memory_space<vmem>>) target(%dma_start3A_637 : memref<262144xf32, #tpu.memory_space<vmem_shared>>) offsets(%dma_start3A_635 : memref<128xi32, #tpu.memory_space<vmem>>) semaphore(%arg22 : memref<!tpu.dma_semaphore, #tpu.memory_space<semaphore_mem>>) {add = true}
        %dma_wait3A_638 = arith.constant 18 : i32
        %dma_wait3A_639 = arith.constant 18 : i32
        %dma_wait3A_640 = arith.constant 0 : i32
        %dma_wait3A_641 = tpu.memref_slice %arg17[%dma_wait3A_638, %dma_wait3A_640] : memref<64x128xf32, #tpu.memory_space<vmem>> -> memref<1x128xf32, #tpu.memory_space<vmem>>
        %dma_wait3A_642 = tpu.memref_squeeze %dma_wait3A_641 : memref<1x128xf32, #tpu.memory_space<vmem>> -> memref<128xf32, #tpu.memory_space<vmem>>
        %dma_wait3A_643 = arith.constant 0 : i32
        %dma_wait3A_644 = tpu.memref_slice %arg14[%dma_wait3A_639, %dma_wait3A_643] : memref<64x128xi32, #tpu.memory_space<vmem>> -> memref<1x128xi32, #tpu.memory_space<vmem>>
        %dma_wait3A_645 = tpu.memref_squeeze %dma_wait3A_644 : memref<1x128xi32, #tpu.memory_space<vmem>> -> memref<128xi32, #tpu.memory_space<vmem>>
        %dma_wait3A_646 = arith.constant 0 : i32
        %dma_wait3A_647 = tpu.memref_slice %arg13[%dma_wait3A_646] : memref<262144xf32, #tpu.memory_space<vmem_shared>> -> memref<262144xf32, #tpu.memory_space<vmem_shared>>
        tpu.wait_indirect_dma semaphore(%arg22 : memref<!tpu.dma_semaphore, #tpu.memory_space<semaphore_mem>>) src(%dma_wait3A_642 : memref<128xf32, #tpu.memory_space<vmem>>) dst(%dma_wait3A_647 : memref<262144xf32, #tpu.memory_space<vmem_shared>>)
        %dma_start3A_648 = arith.constant 34 : i32
        %dma_start3A_649 = arith.constant 34 : i32
        %dma_start3A_650 = arith.constant 0 : i32
        %dma_start3A_651 = tpu.memref_slice %arg17[%dma_start3A_648, %dma_start3A_650] : memref<64x128xf32, #tpu.memory_space<vmem>> -> memref<1x128xf32, #tpu.memory_space<vmem>>
        %dma_start3A_652 = tpu.memref_squeeze %dma_start3A_651 : memref<1x128xf32, #tpu.memory_space<vmem>> -> memref<128xf32, #tpu.memory_space<vmem>>
        %dma_start3A_653 = arith.constant 0 : i32
        %dma_start3A_654 = tpu.memref_slice %arg14[%dma_start3A_649, %dma_start3A_653] : memref<64x128xi32, #tpu.memory_space<vmem>> -> memref<1x128xi32, #tpu.memory_space<vmem>>
        %dma_start3A_655 = tpu.memref_squeeze %dma_start3A_654 : memref<1x128xi32, #tpu.memory_space<vmem>> -> memref<128xi32, #tpu.memory_space<vmem>>
        %dma_start3A_656 = arith.constant 0 : i32
        %dma_start3A_657 = tpu.memref_slice %arg13[%dma_start3A_656] : memref<262144xf32, #tpu.memory_space<vmem_shared>> -> memref<262144xf32, #tpu.memory_space<vmem_shared>>
        tpu.enqueue_indirect_dma source(%dma_start3A_652 : memref<128xf32, #tpu.memory_space<vmem>>) target(%dma_start3A_657 : memref<262144xf32, #tpu.memory_space<vmem_shared>>) offsets(%dma_start3A_655 : memref<128xi32, #tpu.memory_space<vmem>>) semaphore(%arg22 : memref<!tpu.dma_semaphore, #tpu.memory_space<semaphore_mem>>) {add = true}
        %dma_wait3A_658 = arith.constant 19 : i32
        %dma_wait3A_659 = arith.constant 19 : i32
        %dma_wait3A_660 = arith.constant 0 : i32
        %dma_wait3A_661 = tpu.memref_slice %arg17[%dma_wait3A_658, %dma_wait3A_660] : memref<64x128xf32, #tpu.memory_space<vmem>> -> memref<1x128xf32, #tpu.memory_space<vmem>>
        %dma_wait3A_662 = tpu.memref_squeeze %dma_wait3A_661 : memref<1x128xf32, #tpu.memory_space<vmem>> -> memref<128xf32, #tpu.memory_space<vmem>>
        %dma_wait3A_663 = arith.constant 0 : i32
        %dma_wait3A_664 = tpu.memref_slice %arg14[%dma_wait3A_659, %dma_wait3A_663] : memref<64x128xi32, #tpu.memory_space<vmem>> -> memref<1x128xi32, #tpu.memory_space<vmem>>
        %dma_wait3A_665 = tpu.memref_squeeze %dma_wait3A_664 : memref<1x128xi32, #tpu.memory_space<vmem>> -> memref<128xi32, #tpu.memory_space<vmem>>
        %dma_wait3A_666 = arith.constant 0 : i32
        %dma_wait3A_667 = tpu.memref_slice %arg13[%dma_wait3A_666] : memref<262144xf32, #tpu.memory_space<vmem_shared>> -> memref<262144xf32, #tpu.memory_space<vmem_shared>>
        tpu.wait_indirect_dma semaphore(%arg22 : memref<!tpu.dma_semaphore, #tpu.memory_space<semaphore_mem>>) src(%dma_wait3A_662 : memref<128xf32, #tpu.memory_space<vmem>>) dst(%dma_wait3A_667 : memref<262144xf32, #tpu.memory_space<vmem_shared>>)
        %dma_start3A_668 = arith.constant 35 : i32
        %dma_start3A_669 = arith.constant 35 : i32
        %dma_start3A_670 = arith.constant 0 : i32
        %dma_start3A_671 = tpu.memref_slice %arg17[%dma_start3A_668, %dma_start3A_670] : memref<64x128xf32, #tpu.memory_space<vmem>> -> memref<1x128xf32, #tpu.memory_space<vmem>>
        %dma_start3A_672 = tpu.memref_squeeze %dma_start3A_671 : memref<1x128xf32, #tpu.memory_space<vmem>> -> memref<128xf32, #tpu.memory_space<vmem>>
        %dma_start3A_673 = arith.constant 0 : i32
        %dma_start3A_674 = tpu.memref_slice %arg14[%dma_start3A_669, %dma_start3A_673] : memref<64x128xi32, #tpu.memory_space<vmem>> -> memref<1x128xi32, #tpu.memory_space<vmem>>
        %dma_start3A_675 = tpu.memref_squeeze %dma_start3A_674 : memref<1x128xi32, #tpu.memory_space<vmem>> -> memref<128xi32, #tpu.memory_space<vmem>>
        %dma_start3A_676 = arith.constant 0 : i32
        %dma_start3A_677 = tpu.memref_slice %arg13[%dma_start3A_676] : memref<262144xf32, #tpu.memory_space<vmem_shared>> -> memref<262144xf32, #tpu.memory_space<vmem_shared>>
        tpu.enqueue_indirect_dma source(%dma_start3A_672 : memref<128xf32, #tpu.memory_space<vmem>>) target(%dma_start3A_677 : memref<262144xf32, #tpu.memory_space<vmem_shared>>) offsets(%dma_start3A_675 : memref<128xi32, #tpu.memory_space<vmem>>) semaphore(%arg22 : memref<!tpu.dma_semaphore, #tpu.memory_space<semaphore_mem>>) {add = true}
        %dma_wait3A_678 = arith.constant 20 : i32
        %dma_wait3A_679 = arith.constant 20 : i32
        %dma_wait3A_680 = arith.constant 0 : i32
        %dma_wait3A_681 = tpu.memref_slice %arg17[%dma_wait3A_678, %dma_wait3A_680] : memref<64x128xf32, #tpu.memory_space<vmem>> -> memref<1x128xf32, #tpu.memory_space<vmem>>
        %dma_wait3A_682 = tpu.memref_squeeze %dma_wait3A_681 : memref<1x128xf32, #tpu.memory_space<vmem>> -> memref<128xf32, #tpu.memory_space<vmem>>
        %dma_wait3A_683 = arith.constant 0 : i32
        %dma_wait3A_684 = tpu.memref_slice %arg14[%dma_wait3A_679, %dma_wait3A_683] : memref<64x128xi32, #tpu.memory_space<vmem>> -> memref<1x128xi32, #tpu.memory_space<vmem>>
        %dma_wait3A_685 = tpu.memref_squeeze %dma_wait3A_684 : memref<1x128xi32, #tpu.memory_space<vmem>> -> memref<128xi32, #tpu.memory_space<vmem>>
        %dma_wait3A_686 = arith.constant 0 : i32
        %dma_wait3A_687 = tpu.memref_slice %arg13[%dma_wait3A_686] : memref<262144xf32, #tpu.memory_space<vmem_shared>> -> memref<262144xf32, #tpu.memory_space<vmem_shared>>
        tpu.wait_indirect_dma semaphore(%arg22 : memref<!tpu.dma_semaphore, #tpu.memory_space<semaphore_mem>>) src(%dma_wait3A_682 : memref<128xf32, #tpu.memory_space<vmem>>) dst(%dma_wait3A_687 : memref<262144xf32, #tpu.memory_space<vmem_shared>>)
        %dma_start3A_688 = arith.constant 36 : i32
        %dma_start3A_689 = arith.constant 36 : i32
        %dma_start3A_690 = arith.constant 0 : i32
        %dma_start3A_691 = tpu.memref_slice %arg17[%dma_start3A_688, %dma_start3A_690] : memref<64x128xf32, #tpu.memory_space<vmem>> -> memref<1x128xf32, #tpu.memory_space<vmem>>
        %dma_start3A_692 = tpu.memref_squeeze %dma_start3A_691 : memref<1x128xf32, #tpu.memory_space<vmem>> -> memref<128xf32, #tpu.memory_space<vmem>>
        %dma_start3A_693 = arith.constant 0 : i32
        %dma_start3A_694 = tpu.memref_slice %arg14[%dma_start3A_689, %dma_start3A_693] : memref<64x128xi32, #tpu.memory_space<vmem>> -> memref<1x128xi32, #tpu.memory_space<vmem>>
        %dma_start3A_695 = tpu.memref_squeeze %dma_start3A_694 : memref<1x128xi32, #tpu.memory_space<vmem>> -> memref<128xi32, #tpu.memory_space<vmem>>
        %dma_start3A_696 = arith.constant 0 : i32
        %dma_start3A_697 = tpu.memref_slice %arg13[%dma_start3A_696] : memref<262144xf32, #tpu.memory_space<vmem_shared>> -> memref<262144xf32, #tpu.memory_space<vmem_shared>>
        tpu.enqueue_indirect_dma source(%dma_start3A_692 : memref<128xf32, #tpu.memory_space<vmem>>) target(%dma_start3A_697 : memref<262144xf32, #tpu.memory_space<vmem_shared>>) offsets(%dma_start3A_695 : memref<128xi32, #tpu.memory_space<vmem>>) semaphore(%arg22 : memref<!tpu.dma_semaphore, #tpu.memory_space<semaphore_mem>>) {add = true}
        %dma_wait3A_698 = arith.constant 21 : i32
        %dma_wait3A_699 = arith.constant 21 : i32
        %dma_wait3A_700 = arith.constant 0 : i32
        %dma_wait3A_701 = tpu.memref_slice %arg17[%dma_wait3A_698, %dma_wait3A_700] : memref<64x128xf32, #tpu.memory_space<vmem>> -> memref<1x128xf32, #tpu.memory_space<vmem>>
        %dma_wait3A_702 = tpu.memref_squeeze %dma_wait3A_701 : memref<1x128xf32, #tpu.memory_space<vmem>> -> memref<128xf32, #tpu.memory_space<vmem>>
        %dma_wait3A_703 = arith.constant 0 : i32
        %dma_wait3A_704 = tpu.memref_slice %arg14[%dma_wait3A_699, %dma_wait3A_703] : memref<64x128xi32, #tpu.memory_space<vmem>> -> memref<1x128xi32, #tpu.memory_space<vmem>>
        %dma_wait3A_705 = tpu.memref_squeeze %dma_wait3A_704 : memref<1x128xi32, #tpu.memory_space<vmem>> -> memref<128xi32, #tpu.memory_space<vmem>>
        %dma_wait3A_706 = arith.constant 0 : i32
        %dma_wait3A_707 = tpu.memref_slice %arg13[%dma_wait3A_706] : memref<262144xf32, #tpu.memory_space<vmem_shared>> -> memref<262144xf32, #tpu.memory_space<vmem_shared>>
        tpu.wait_indirect_dma semaphore(%arg22 : memref<!tpu.dma_semaphore, #tpu.memory_space<semaphore_mem>>) src(%dma_wait3A_702 : memref<128xf32, #tpu.memory_space<vmem>>) dst(%dma_wait3A_707 : memref<262144xf32, #tpu.memory_space<vmem_shared>>)
        %dma_start3A_708 = arith.constant 37 : i32
        %dma_start3A_709 = arith.constant 37 : i32
        %dma_start3A_710 = arith.constant 0 : i32
        %dma_start3A_711 = tpu.memref_slice %arg17[%dma_start3A_708, %dma_start3A_710] : memref<64x128xf32, #tpu.memory_space<vmem>> -> memref<1x128xf32, #tpu.memory_space<vmem>>
        %dma_start3A_712 = tpu.memref_squeeze %dma_start3A_711 : memref<1x128xf32, #tpu.memory_space<vmem>> -> memref<128xf32, #tpu.memory_space<vmem>>
        %dma_start3A_713 = arith.constant 0 : i32
        %dma_start3A_714 = tpu.memref_slice %arg14[%dma_start3A_709, %dma_start3A_713] : memref<64x128xi32, #tpu.memory_space<vmem>> -> memref<1x128xi32, #tpu.memory_space<vmem>>
        %dma_start3A_715 = tpu.memref_squeeze %dma_start3A_714 : memref<1x128xi32, #tpu.memory_space<vmem>> -> memref<128xi32, #tpu.memory_space<vmem>>
        %dma_start3A_716 = arith.constant 0 : i32
        %dma_start3A_717 = tpu.memref_slice %arg13[%dma_start3A_716] : memref<262144xf32, #tpu.memory_space<vmem_shared>> -> memref<262144xf32, #tpu.memory_space<vmem_shared>>
        tpu.enqueue_indirect_dma source(%dma_start3A_712 : memref<128xf32, #tpu.memory_space<vmem>>) target(%dma_start3A_717 : memref<262144xf32, #tpu.memory_space<vmem_shared>>) offsets(%dma_start3A_715 : memref<128xi32, #tpu.memory_space<vmem>>) semaphore(%arg22 : memref<!tpu.dma_semaphore, #tpu.memory_space<semaphore_mem>>) {add = true}
        %dma_wait3A_718 = arith.constant 22 : i32
        %dma_wait3A_719 = arith.constant 22 : i32
        %dma_wait3A_720 = arith.constant 0 : i32
        %dma_wait3A_721 = tpu.memref_slice %arg17[%dma_wait3A_718, %dma_wait3A_720] : memref<64x128xf32, #tpu.memory_space<vmem>> -> memref<1x128xf32, #tpu.memory_space<vmem>>
        %dma_wait3A_722 = tpu.memref_squeeze %dma_wait3A_721 : memref<1x128xf32, #tpu.memory_space<vmem>> -> memref<128xf32, #tpu.memory_space<vmem>>
        %dma_wait3A_723 = arith.constant 0 : i32
        %dma_wait3A_724 = tpu.memref_slice %arg14[%dma_wait3A_719, %dma_wait3A_723] : memref<64x128xi32, #tpu.memory_space<vmem>> -> memref<1x128xi32, #tpu.memory_space<vmem>>
        %dma_wait3A_725 = tpu.memref_squeeze %dma_wait3A_724 : memref<1x128xi32, #tpu.memory_space<vmem>> -> memref<128xi32, #tpu.memory_space<vmem>>
        %dma_wait3A_726 = arith.constant 0 : i32
        %dma_wait3A_727 = tpu.memref_slice %arg13[%dma_wait3A_726] : memref<262144xf32, #tpu.memory_space<vmem_shared>> -> memref<262144xf32, #tpu.memory_space<vmem_shared>>
        tpu.wait_indirect_dma semaphore(%arg22 : memref<!tpu.dma_semaphore, #tpu.memory_space<semaphore_mem>>) src(%dma_wait3A_722 : memref<128xf32, #tpu.memory_space<vmem>>) dst(%dma_wait3A_727 : memref<262144xf32, #tpu.memory_space<vmem_shared>>)
        %dma_start3A_728 = arith.constant 38 : i32
        %dma_start3A_729 = arith.constant 38 : i32
        %dma_start3A_730 = arith.constant 0 : i32
        %dma_start3A_731 = tpu.memref_slice %arg17[%dma_start3A_728, %dma_start3A_730] : memref<64x128xf32, #tpu.memory_space<vmem>> -> memref<1x128xf32, #tpu.memory_space<vmem>>
        %dma_start3A_732 = tpu.memref_squeeze %dma_start3A_731 : memref<1x128xf32, #tpu.memory_space<vmem>> -> memref<128xf32, #tpu.memory_space<vmem>>
        %dma_start3A_733 = arith.constant 0 : i32
        %dma_start3A_734 = tpu.memref_slice %arg14[%dma_start3A_729, %dma_start3A_733] : memref<64x128xi32, #tpu.memory_space<vmem>> -> memref<1x128xi32, #tpu.memory_space<vmem>>
        %dma_start3A_735 = tpu.memref_squeeze %dma_start3A_734 : memref<1x128xi32, #tpu.memory_space<vmem>> -> memref<128xi32, #tpu.memory_space<vmem>>
        %dma_start3A_736 = arith.constant 0 : i32
        %dma_start3A_737 = tpu.memref_slice %arg13[%dma_start3A_736] : memref<262144xf32, #tpu.memory_space<vmem_shared>> -> memref<262144xf32, #tpu.memory_space<vmem_shared>>
        tpu.enqueue_indirect_dma source(%dma_start3A_732 : memref<128xf32, #tpu.memory_space<vmem>>) target(%dma_start3A_737 : memref<262144xf32, #tpu.memory_space<vmem_shared>>) offsets(%dma_start3A_735 : memref<128xi32, #tpu.memory_space<vmem>>) semaphore(%arg22 : memref<!tpu.dma_semaphore, #tpu.memory_space<semaphore_mem>>) {add = true}
        %dma_wait3A_738 = arith.constant 23 : i32
        %dma_wait3A_739 = arith.constant 23 : i32
        %dma_wait3A_740 = arith.constant 0 : i32
        %dma_wait3A_741 = tpu.memref_slice %arg17[%dma_wait3A_738, %dma_wait3A_740] : memref<64x128xf32, #tpu.memory_space<vmem>> -> memref<1x128xf32, #tpu.memory_space<vmem>>
        %dma_wait3A_742 = tpu.memref_squeeze %dma_wait3A_741 : memref<1x128xf32, #tpu.memory_space<vmem>> -> memref<128xf32, #tpu.memory_space<vmem>>
        %dma_wait3A_743 = arith.constant 0 : i32
        %dma_wait3A_744 = tpu.memref_slice %arg14[%dma_wait3A_739, %dma_wait3A_743] : memref<64x128xi32, #tpu.memory_space<vmem>> -> memref<1x128xi32, #tpu.memory_space<vmem>>
        %dma_wait3A_745 = tpu.memref_squeeze %dma_wait3A_744 : memref<1x128xi32, #tpu.memory_space<vmem>> -> memref<128xi32, #tpu.memory_space<vmem>>
        %dma_wait3A_746 = arith.constant 0 : i32
        %dma_wait3A_747 = tpu.memref_slice %arg13[%dma_wait3A_746] : memref<262144xf32, #tpu.memory_space<vmem_shared>> -> memref<262144xf32, #tpu.memory_space<vmem_shared>>
        tpu.wait_indirect_dma semaphore(%arg22 : memref<!tpu.dma_semaphore, #tpu.memory_space<semaphore_mem>>) src(%dma_wait3A_742 : memref<128xf32, #tpu.memory_space<vmem>>) dst(%dma_wait3A_747 : memref<262144xf32, #tpu.memory_space<vmem_shared>>)
        %dma_start3A_748 = arith.constant 39 : i32
        %dma_start3A_749 = arith.constant 39 : i32
        %dma_start3A_750 = arith.constant 0 : i32
        %dma_start3A_751 = tpu.memref_slice %arg17[%dma_start3A_748, %dma_start3A_750] : memref<64x128xf32, #tpu.memory_space<vmem>> -> memref<1x128xf32, #tpu.memory_space<vmem>>
        %dma_start3A_752 = tpu.memref_squeeze %dma_start3A_751 : memref<1x128xf32, #tpu.memory_space<vmem>> -> memref<128xf32, #tpu.memory_space<vmem>>
        %dma_start3A_753 = arith.constant 0 : i32
        %dma_start3A_754 = tpu.memref_slice %arg14[%dma_start3A_749, %dma_start3A_753] : memref<64x128xi32, #tpu.memory_space<vmem>> -> memref<1x128xi32, #tpu.memory_space<vmem>>
        %dma_start3A_755 = tpu.memref_squeeze %dma_start3A_754 : memref<1x128xi32, #tpu.memory_space<vmem>> -> memref<128xi32, #tpu.memory_space<vmem>>
        %dma_start3A_756 = arith.constant 0 : i32
        %dma_start3A_757 = tpu.memref_slice %arg13[%dma_start3A_756] : memref<262144xf32, #tpu.memory_space<vmem_shared>> -> memref<262144xf32, #tpu.memory_space<vmem_shared>>
        tpu.enqueue_indirect_dma source(%dma_start3A_752 : memref<128xf32, #tpu.memory_space<vmem>>) target(%dma_start3A_757 : memref<262144xf32, #tpu.memory_space<vmem_shared>>) offsets(%dma_start3A_755 : memref<128xi32, #tpu.memory_space<vmem>>) semaphore(%arg22 : memref<!tpu.dma_semaphore, #tpu.memory_space<semaphore_mem>>) {add = true}
        %dma_wait3A_758 = arith.constant 24 : i32
        %dma_wait3A_759 = arith.constant 24 : i32
        %dma_wait3A_760 = arith.constant 0 : i32
        %dma_wait3A_761 = tpu.memref_slice %arg17[%dma_wait3A_758, %dma_wait3A_760] : memref<64x128xf32, #tpu.memory_space<vmem>> -> memref<1x128xf32, #tpu.memory_space<vmem>>
        %dma_wait3A_762 = tpu.memref_squeeze %dma_wait3A_761 : memref<1x128xf32, #tpu.memory_space<vmem>> -> memref<128xf32, #tpu.memory_space<vmem>>
        %dma_wait3A_763 = arith.constant 0 : i32
        %dma_wait3A_764 = tpu.memref_slice %arg14[%dma_wait3A_759, %dma_wait3A_763] : memref<64x128xi32, #tpu.memory_space<vmem>> -> memref<1x128xi32, #tpu.memory_space<vmem>>
        %dma_wait3A_765 = tpu.memref_squeeze %dma_wait3A_764 : memref<1x128xi32, #tpu.memory_space<vmem>> -> memref<128xi32, #tpu.memory_space<vmem>>
        %dma_wait3A_766 = arith.constant 0 : i32
        %dma_wait3A_767 = tpu.memref_slice %arg13[%dma_wait3A_766] : memref<262144xf32, #tpu.memory_space<vmem_shared>> -> memref<262144xf32, #tpu.memory_space<vmem_shared>>
        tpu.wait_indirect_dma semaphore(%arg22 : memref<!tpu.dma_semaphore, #tpu.memory_space<semaphore_mem>>) src(%dma_wait3A_762 : memref<128xf32, #tpu.memory_space<vmem>>) dst(%dma_wait3A_767 : memref<262144xf32, #tpu.memory_space<vmem_shared>>)
        %dma_start3A_768 = arith.constant 40 : i32
        %dma_start3A_769 = arith.constant 40 : i32
        %dma_start3A_770 = arith.constant 0 : i32
        %dma_start3A_771 = tpu.memref_slice %arg17[%dma_start3A_768, %dma_start3A_770] : memref<64x128xf32, #tpu.memory_space<vmem>> -> memref<1x128xf32, #tpu.memory_space<vmem>>
        %dma_start3A_772 = tpu.memref_squeeze %dma_start3A_771 : memref<1x128xf32, #tpu.memory_space<vmem>> -> memref<128xf32, #tpu.memory_space<vmem>>
        %dma_start3A_773 = arith.constant 0 : i32
        %dma_start3A_774 = tpu.memref_slice %arg14[%dma_start3A_769, %dma_start3A_773] : memref<64x128xi32, #tpu.memory_space<vmem>> -> memref<1x128xi32, #tpu.memory_space<vmem>>
        %dma_start3A_775 = tpu.memref_squeeze %dma_start3A_774 : memref<1x128xi32, #tpu.memory_space<vmem>> -> memref<128xi32, #tpu.memory_space<vmem>>
        %dma_start3A_776 = arith.constant 0 : i32
        %dma_start3A_777 = tpu.memref_slice %arg13[%dma_start3A_776] : memref<262144xf32, #tpu.memory_space<vmem_shared>> -> memref<262144xf32, #tpu.memory_space<vmem_shared>>
        tpu.enqueue_indirect_dma source(%dma_start3A_772 : memref<128xf32, #tpu.memory_space<vmem>>) target(%dma_start3A_777 : memref<262144xf32, #tpu.memory_space<vmem_shared>>) offsets(%dma_start3A_775 : memref<128xi32, #tpu.memory_space<vmem>>) semaphore(%arg22 : memref<!tpu.dma_semaphore, #tpu.memory_space<semaphore_mem>>) {add = true}
        %dma_wait3A_778 = arith.constant 25 : i32
        %dma_wait3A_779 = arith.constant 25 : i32
        %dma_wait3A_780 = arith.constant 0 : i32
        %dma_wait3A_781 = tpu.memref_slice %arg17[%dma_wait3A_778, %dma_wait3A_780] : memref<64x128xf32, #tpu.memory_space<vmem>> -> memref<1x128xf32, #tpu.memory_space<vmem>>
        %dma_wait3A_782 = tpu.memref_squeeze %dma_wait3A_781 : memref<1x128xf32, #tpu.memory_space<vmem>> -> memref<128xf32, #tpu.memory_space<vmem>>
        %dma_wait3A_783 = arith.constant 0 : i32
        %dma_wait3A_784 = tpu.memref_slice %arg14[%dma_wait3A_779, %dma_wait3A_783] : memref<64x128xi32, #tpu.memory_space<vmem>> -> memref<1x128xi32, #tpu.memory_space<vmem>>
        %dma_wait3A_785 = tpu.memref_squeeze %dma_wait3A_784 : memref<1x128xi32, #tpu.memory_space<vmem>> -> memref<128xi32, #tpu.memory_space<vmem>>
        %dma_wait3A_786 = arith.constant 0 : i32
        %dma_wait3A_787 = tpu.memref_slice %arg13[%dma_wait3A_786] : memref<262144xf32, #tpu.memory_space<vmem_shared>> -> memref<262144xf32, #tpu.memory_space<vmem_shared>>
        tpu.wait_indirect_dma semaphore(%arg22 : memref<!tpu.dma_semaphore, #tpu.memory_space<semaphore_mem>>) src(%dma_wait3A_782 : memref<128xf32, #tpu.memory_space<vmem>>) dst(%dma_wait3A_787 : memref<262144xf32, #tpu.memory_space<vmem_shared>>)
        %dma_start3A_788 = arith.constant 41 : i32
        %dma_start3A_789 = arith.constant 41 : i32
        %dma_start3A_790 = arith.constant 0 : i32
        %dma_start3A_791 = tpu.memref_slice %arg17[%dma_start3A_788, %dma_start3A_790] : memref<64x128xf32, #tpu.memory_space<vmem>> -> memref<1x128xf32, #tpu.memory_space<vmem>>
        %dma_start3A_792 = tpu.memref_squeeze %dma_start3A_791 : memref<1x128xf32, #tpu.memory_space<vmem>> -> memref<128xf32, #tpu.memory_space<vmem>>
        %dma_start3A_793 = arith.constant 0 : i32
        %dma_start3A_794 = tpu.memref_slice %arg14[%dma_start3A_789, %dma_start3A_793] : memref<64x128xi32, #tpu.memory_space<vmem>> -> memref<1x128xi32, #tpu.memory_space<vmem>>
        %dma_start3A_795 = tpu.memref_squeeze %dma_start3A_794 : memref<1x128xi32, #tpu.memory_space<vmem>> -> memref<128xi32, #tpu.memory_space<vmem>>
        %dma_start3A_796 = arith.constant 0 : i32
        %dma_start3A_797 = tpu.memref_slice %arg13[%dma_start3A_796] : memref<262144xf32, #tpu.memory_space<vmem_shared>> -> memref<262144xf32, #tpu.memory_space<vmem_shared>>
        tpu.enqueue_indirect_dma source(%dma_start3A_792 : memref<128xf32, #tpu.memory_space<vmem>>) target(%dma_start3A_797 : memref<262144xf32, #tpu.memory_space<vmem_shared>>) offsets(%dma_start3A_795 : memref<128xi32, #tpu.memory_space<vmem>>) semaphore(%arg22 : memref<!tpu.dma_semaphore, #tpu.memory_space<semaphore_mem>>) {add = true}
        %dma_wait3A_798 = arith.constant 26 : i32
        %dma_wait3A_799 = arith.constant 26 : i32
        %dma_wait3A_800 = arith.constant 0 : i32
        %dma_wait3A_801 = tpu.memref_slice %arg17[%dma_wait3A_798, %dma_wait3A_800] : memref<64x128xf32, #tpu.memory_space<vmem>> -> memref<1x128xf32, #tpu.memory_space<vmem>>
        %dma_wait3A_802 = tpu.memref_squeeze %dma_wait3A_801 : memref<1x128xf32, #tpu.memory_space<vmem>> -> memref<128xf32, #tpu.memory_space<vmem>>
        %dma_wait3A_803 = arith.constant 0 : i32
        %dma_wait3A_804 = tpu.memref_slice %arg14[%dma_wait3A_799, %dma_wait3A_803] : memref<64x128xi32, #tpu.memory_space<vmem>> -> memref<1x128xi32, #tpu.memory_space<vmem>>
        %dma_wait3A_805 = tpu.memref_squeeze %dma_wait3A_804 : memref<1x128xi32, #tpu.memory_space<vmem>> -> memref<128xi32, #tpu.memory_space<vmem>>
        %dma_wait3A_806 = arith.constant 0 : i32
        %dma_wait3A_807 = tpu.memref_slice %arg13[%dma_wait3A_806] : memref<262144xf32, #tpu.memory_space<vmem_shared>> -> memref<262144xf32, #tpu.memory_space<vmem_shared>>
        tpu.wait_indirect_dma semaphore(%arg22 : memref<!tpu.dma_semaphore, #tpu.memory_space<semaphore_mem>>) src(%dma_wait3A_802 : memref<128xf32, #tpu.memory_space<vmem>>) dst(%dma_wait3A_807 : memref<262144xf32, #tpu.memory_space<vmem_shared>>)
        %dma_start3A_808 = arith.constant 42 : i32
        %dma_start3A_809 = arith.constant 42 : i32
        %dma_start3A_810 = arith.constant 0 : i32
        %dma_start3A_811 = tpu.memref_slice %arg17[%dma_start3A_808, %dma_start3A_810] : memref<64x128xf32, #tpu.memory_space<vmem>> -> memref<1x128xf32, #tpu.memory_space<vmem>>
        %dma_start3A_812 = tpu.memref_squeeze %dma_start3A_811 : memref<1x128xf32, #tpu.memory_space<vmem>> -> memref<128xf32, #tpu.memory_space<vmem>>
        %dma_start3A_813 = arith.constant 0 : i32
        %dma_start3A_814 = tpu.memref_slice %arg14[%dma_start3A_809, %dma_start3A_813] : memref<64x128xi32, #tpu.memory_space<vmem>> -> memref<1x128xi32, #tpu.memory_space<vmem>>
        %dma_start3A_815 = tpu.memref_squeeze %dma_start3A_814 : memref<1x128xi32, #tpu.memory_space<vmem>> -> memref<128xi32, #tpu.memory_space<vmem>>
        %dma_start3A_816 = arith.constant 0 : i32
        %dma_start3A_817 = tpu.memref_slice %arg13[%dma_start3A_816] : memref<262144xf32, #tpu.memory_space<vmem_shared>> -> memref<262144xf32, #tpu.memory_space<vmem_shared>>
        tpu.enqueue_indirect_dma source(%dma_start3A_812 : memref<128xf32, #tpu.memory_space<vmem>>) target(%dma_start3A_817 : memref<262144xf32, #tpu.memory_space<vmem_shared>>) offsets(%dma_start3A_815 : memref<128xi32, #tpu.memory_space<vmem>>) semaphore(%arg22 : memref<!tpu.dma_semaphore, #tpu.memory_space<semaphore_mem>>) {add = true}
        %dma_wait3A_818 = arith.constant 27 : i32
        %dma_wait3A_819 = arith.constant 27 : i32
        %dma_wait3A_820 = arith.constant 0 : i32
        %dma_wait3A_821 = tpu.memref_slice %arg17[%dma_wait3A_818, %dma_wait3A_820] : memref<64x128xf32, #tpu.memory_space<vmem>> -> memref<1x128xf32, #tpu.memory_space<vmem>>
        %dma_wait3A_822 = tpu.memref_squeeze %dma_wait3A_821 : memref<1x128xf32, #tpu.memory_space<vmem>> -> memref<128xf32, #tpu.memory_space<vmem>>
        %dma_wait3A_823 = arith.constant 0 : i32
        %dma_wait3A_824 = tpu.memref_slice %arg14[%dma_wait3A_819, %dma_wait3A_823] : memref<64x128xi32, #tpu.memory_space<vmem>> -> memref<1x128xi32, #tpu.memory_space<vmem>>
        %dma_wait3A_825 = tpu.memref_squeeze %dma_wait3A_824 : memref<1x128xi32, #tpu.memory_space<vmem>> -> memref<128xi32, #tpu.memory_space<vmem>>
        %dma_wait3A_826 = arith.constant 0 : i32
        %dma_wait3A_827 = tpu.memref_slice %arg13[%dma_wait3A_826] : memref<262144xf32, #tpu.memory_space<vmem_shared>> -> memref<262144xf32, #tpu.memory_space<vmem_shared>>
        tpu.wait_indirect_dma semaphore(%arg22 : memref<!tpu.dma_semaphore, #tpu.memory_space<semaphore_mem>>) src(%dma_wait3A_822 : memref<128xf32, #tpu.memory_space<vmem>>) dst(%dma_wait3A_827 : memref<262144xf32, #tpu.memory_space<vmem_shared>>)
        %dma_start3A_828 = arith.constant 43 : i32
        %dma_start3A_829 = arith.constant 43 : i32
        %dma_start3A_830 = arith.constant 0 : i32
        %dma_start3A_831 = tpu.memref_slice %arg17[%dma_start3A_828, %dma_start3A_830] : memref<64x128xf32, #tpu.memory_space<vmem>> -> memref<1x128xf32, #tpu.memory_space<vmem>>
        %dma_start3A_832 = tpu.memref_squeeze %dma_start3A_831 : memref<1x128xf32, #tpu.memory_space<vmem>> -> memref<128xf32, #tpu.memory_space<vmem>>
        %dma_start3A_833 = arith.constant 0 : i32
        %dma_start3A_834 = tpu.memref_slice %arg14[%dma_start3A_829, %dma_start3A_833] : memref<64x128xi32, #tpu.memory_space<vmem>> -> memref<1x128xi32, #tpu.memory_space<vmem>>
        %dma_start3A_835 = tpu.memref_squeeze %dma_start3A_834 : memref<1x128xi32, #tpu.memory_space<vmem>> -> memref<128xi32, #tpu.memory_space<vmem>>
        %dma_start3A_836 = arith.constant 0 : i32
        %dma_start3A_837 = tpu.memref_slice %arg13[%dma_start3A_836] : memref<262144xf32, #tpu.memory_space<vmem_shared>> -> memref<262144xf32, #tpu.memory_space<vmem_shared>>
        tpu.enqueue_indirect_dma source(%dma_start3A_832 : memref<128xf32, #tpu.memory_space<vmem>>) target(%dma_start3A_837 : memref<262144xf32, #tpu.memory_space<vmem_shared>>) offsets(%dma_start3A_835 : memref<128xi32, #tpu.memory_space<vmem>>) semaphore(%arg22 : memref<!tpu.dma_semaphore, #tpu.memory_space<semaphore_mem>>) {add = true}
        %dma_wait3A_838 = arith.constant 28 : i32
        %dma_wait3A_839 = arith.constant 28 : i32
        %dma_wait3A_840 = arith.constant 0 : i32
        %dma_wait3A_841 = tpu.memref_slice %arg17[%dma_wait3A_838, %dma_wait3A_840] : memref<64x128xf32, #tpu.memory_space<vmem>> -> memref<1x128xf32, #tpu.memory_space<vmem>>
        %dma_wait3A_842 = tpu.memref_squeeze %dma_wait3A_841 : memref<1x128xf32, #tpu.memory_space<vmem>> -> memref<128xf32, #tpu.memory_space<vmem>>
        %dma_wait3A_843 = arith.constant 0 : i32
        %dma_wait3A_844 = tpu.memref_slice %arg14[%dma_wait3A_839, %dma_wait3A_843] : memref<64x128xi32, #tpu.memory_space<vmem>> -> memref<1x128xi32, #tpu.memory_space<vmem>>
        %dma_wait3A_845 = tpu.memref_squeeze %dma_wait3A_844 : memref<1x128xi32, #tpu.memory_space<vmem>> -> memref<128xi32, #tpu.memory_space<vmem>>
        %dma_wait3A_846 = arith.constant 0 : i32
        %dma_wait3A_847 = tpu.memref_slice %arg13[%dma_wait3A_846] : memref<262144xf32, #tpu.memory_space<vmem_shared>> -> memref<262144xf32, #tpu.memory_space<vmem_shared>>
        tpu.wait_indirect_dma semaphore(%arg22 : memref<!tpu.dma_semaphore, #tpu.memory_space<semaphore_mem>>) src(%dma_wait3A_842 : memref<128xf32, #tpu.memory_space<vmem>>) dst(%dma_wait3A_847 : memref<262144xf32, #tpu.memory_space<vmem_shared>>)
        %dma_start3A_848 = arith.constant 44 : i32
        %dma_start3A_849 = arith.constant 44 : i32
        %dma_start3A_850 = arith.constant 0 : i32
        %dma_start3A_851 = tpu.memref_slice %arg17[%dma_start3A_848, %dma_start3A_850] : memref<64x128xf32, #tpu.memory_space<vmem>> -> memref<1x128xf32, #tpu.memory_space<vmem>>
        %dma_start3A_852 = tpu.memref_squeeze %dma_start3A_851 : memref<1x128xf32, #tpu.memory_space<vmem>> -> memref<128xf32, #tpu.memory_space<vmem>>
        %dma_start3A_853 = arith.constant 0 : i32
        %dma_start3A_854 = tpu.memref_slice %arg14[%dma_start3A_849, %dma_start3A_853] : memref<64x128xi32, #tpu.memory_space<vmem>> -> memref<1x128xi32, #tpu.memory_space<vmem>>
        %dma_start3A_855 = tpu.memref_squeeze %dma_start3A_854 : memref<1x128xi32, #tpu.memory_space<vmem>> -> memref<128xi32, #tpu.memory_space<vmem>>
        %dma_start3A_856 = arith.constant 0 : i32
        %dma_start3A_857 = tpu.memref_slice %arg13[%dma_start3A_856] : memref<262144xf32, #tpu.memory_space<vmem_shared>> -> memref<262144xf32, #tpu.memory_space<vmem_shared>>
        tpu.enqueue_indirect_dma source(%dma_start3A_852 : memref<128xf32, #tpu.memory_space<vmem>>) target(%dma_start3A_857 : memref<262144xf32, #tpu.memory_space<vmem_shared>>) offsets(%dma_start3A_855 : memref<128xi32, #tpu.memory_space<vmem>>) semaphore(%arg22 : memref<!tpu.dma_semaphore, #tpu.memory_space<semaphore_mem>>) {add = true}
        %dma_wait3A_858 = arith.constant 29 : i32
        %dma_wait3A_859 = arith.constant 29 : i32
        %dma_wait3A_860 = arith.constant 0 : i32
        %dma_wait3A_861 = tpu.memref_slice %arg17[%dma_wait3A_858, %dma_wait3A_860] : memref<64x128xf32, #tpu.memory_space<vmem>> -> memref<1x128xf32, #tpu.memory_space<vmem>>
        %dma_wait3A_862 = tpu.memref_squeeze %dma_wait3A_861 : memref<1x128xf32, #tpu.memory_space<vmem>> -> memref<128xf32, #tpu.memory_space<vmem>>
        %dma_wait3A_863 = arith.constant 0 : i32
        %dma_wait3A_864 = tpu.memref_slice %arg14[%dma_wait3A_859, %dma_wait3A_863] : memref<64x128xi32, #tpu.memory_space<vmem>> -> memref<1x128xi32, #tpu.memory_space<vmem>>
        %dma_wait3A_865 = tpu.memref_squeeze %dma_wait3A_864 : memref<1x128xi32, #tpu.memory_space<vmem>> -> memref<128xi32, #tpu.memory_space<vmem>>
        %dma_wait3A_866 = arith.constant 0 : i32
        %dma_wait3A_867 = tpu.memref_slice %arg13[%dma_wait3A_866] : memref<262144xf32, #tpu.memory_space<vmem_shared>> -> memref<262144xf32, #tpu.memory_space<vmem_shared>>
        tpu.wait_indirect_dma semaphore(%arg22 : memref<!tpu.dma_semaphore, #tpu.memory_space<semaphore_mem>>) src(%dma_wait3A_862 : memref<128xf32, #tpu.memory_space<vmem>>) dst(%dma_wait3A_867 : memref<262144xf32, #tpu.memory_space<vmem_shared>>)
        %dma_start3A_868 = arith.constant 45 : i32
        %dma_start3A_869 = arith.constant 45 : i32
        %dma_start3A_870 = arith.constant 0 : i32
        %dma_start3A_871 = tpu.memref_slice %arg17[%dma_start3A_868, %dma_start3A_870] : memref<64x128xf32, #tpu.memory_space<vmem>> -> memref<1x128xf32, #tpu.memory_space<vmem>>
        %dma_start3A_872 = tpu.memref_squeeze %dma_start3A_871 : memref<1x128xf32, #tpu.memory_space<vmem>> -> memref<128xf32, #tpu.memory_space<vmem>>
        %dma_start3A_873 = arith.constant 0 : i32
        %dma_start3A_874 = tpu.memref_slice %arg14[%dma_start3A_869, %dma_start3A_873] : memref<64x128xi32, #tpu.memory_space<vmem>> -> memref<1x128xi32, #tpu.memory_space<vmem>>
        %dma_start3A_875 = tpu.memref_squeeze %dma_start3A_874 : memref<1x128xi32, #tpu.memory_space<vmem>> -> memref<128xi32, #tpu.memory_space<vmem>>
        %dma_start3A_876 = arith.constant 0 : i32
        %dma_start3A_877 = tpu.memref_slice %arg13[%dma_start3A_876] : memref<262144xf32, #tpu.memory_space<vmem_shared>> -> memref<262144xf32, #tpu.memory_space<vmem_shared>>
        tpu.enqueue_indirect_dma source(%dma_start3A_872 : memref<128xf32, #tpu.memory_space<vmem>>) target(%dma_start3A_877 : memref<262144xf32, #tpu.memory_space<vmem_shared>>) offsets(%dma_start3A_875 : memref<128xi32, #tpu.memory_space<vmem>>) semaphore(%arg22 : memref<!tpu.dma_semaphore, #tpu.memory_space<semaphore_mem>>) {add = true}
        %dma_wait3A_878 = arith.constant 30 : i32
        %dma_wait3A_879 = arith.constant 30 : i32
        %dma_wait3A_880 = arith.constant 0 : i32
        %dma_wait3A_881 = tpu.memref_slice %arg17[%dma_wait3A_878, %dma_wait3A_880] : memref<64x128xf32, #tpu.memory_space<vmem>> -> memref<1x128xf32, #tpu.memory_space<vmem>>
        %dma_wait3A_882 = tpu.memref_squeeze %dma_wait3A_881 : memref<1x128xf32, #tpu.memory_space<vmem>> -> memref<128xf32, #tpu.memory_space<vmem>>
        %dma_wait3A_883 = arith.constant 0 : i32
        %dma_wait3A_884 = tpu.memref_slice %arg14[%dma_wait3A_879, %dma_wait3A_883] : memref<64x128xi32, #tpu.memory_space<vmem>> -> memref<1x128xi32, #tpu.memory_space<vmem>>
        %dma_wait3A_885 = tpu.memref_squeeze %dma_wait3A_884 : memref<1x128xi32, #tpu.memory_space<vmem>> -> memref<128xi32, #tpu.memory_space<vmem>>
        %dma_wait3A_886 = arith.constant 0 : i32
        %dma_wait3A_887 = tpu.memref_slice %arg13[%dma_wait3A_886] : memref<262144xf32, #tpu.memory_space<vmem_shared>> -> memref<262144xf32, #tpu.memory_space<vmem_shared>>
        tpu.wait_indirect_dma semaphore(%arg22 : memref<!tpu.dma_semaphore, #tpu.memory_space<semaphore_mem>>) src(%dma_wait3A_882 : memref<128xf32, #tpu.memory_space<vmem>>) dst(%dma_wait3A_887 : memref<262144xf32, #tpu.memory_space<vmem_shared>>)
        %dma_start3A_888 = arith.constant 46 : i32
        %dma_start3A_889 = arith.constant 46 : i32
        %dma_start3A_890 = arith.constant 0 : i32
        %dma_start3A_891 = tpu.memref_slice %arg17[%dma_start3A_888, %dma_start3A_890] : memref<64x128xf32, #tpu.memory_space<vmem>> -> memref<1x128xf32, #tpu.memory_space<vmem>>
        %dma_start3A_892 = tpu.memref_squeeze %dma_start3A_891 : memref<1x128xf32, #tpu.memory_space<vmem>> -> memref<128xf32, #tpu.memory_space<vmem>>
        %dma_start3A_893 = arith.constant 0 : i32
        %dma_start3A_894 = tpu.memref_slice %arg14[%dma_start3A_889, %dma_start3A_893] : memref<64x128xi32, #tpu.memory_space<vmem>> -> memref<1x128xi32, #tpu.memory_space<vmem>>
        %dma_start3A_895 = tpu.memref_squeeze %dma_start3A_894 : memref<1x128xi32, #tpu.memory_space<vmem>> -> memref<128xi32, #tpu.memory_space<vmem>>
        %dma_start3A_896 = arith.constant 0 : i32
        %dma_start3A_897 = tpu.memref_slice %arg13[%dma_start3A_896] : memref<262144xf32, #tpu.memory_space<vmem_shared>> -> memref<262144xf32, #tpu.memory_space<vmem_shared>>
        tpu.enqueue_indirect_dma source(%dma_start3A_892 : memref<128xf32, #tpu.memory_space<vmem>>) target(%dma_start3A_897 : memref<262144xf32, #tpu.memory_space<vmem_shared>>) offsets(%dma_start3A_895 : memref<128xi32, #tpu.memory_space<vmem>>) semaphore(%arg22 : memref<!tpu.dma_semaphore, #tpu.memory_space<semaphore_mem>>) {add = true}
        %dma_wait3A_898 = arith.constant 31 : i32
        %dma_wait3A_899 = arith.constant 31 : i32
        %dma_wait3A_900 = arith.constant 0 : i32
        %dma_wait3A_901 = tpu.memref_slice %arg17[%dma_wait3A_898, %dma_wait3A_900] : memref<64x128xf32, #tpu.memory_space<vmem>> -> memref<1x128xf32, #tpu.memory_space<vmem>>
        %dma_wait3A_902 = tpu.memref_squeeze %dma_wait3A_901 : memref<1x128xf32, #tpu.memory_space<vmem>> -> memref<128xf32, #tpu.memory_space<vmem>>
        %dma_wait3A_903 = arith.constant 0 : i32
        %dma_wait3A_904 = tpu.memref_slice %arg14[%dma_wait3A_899, %dma_wait3A_903] : memref<64x128xi32, #tpu.memory_space<vmem>> -> memref<1x128xi32, #tpu.memory_space<vmem>>
        %dma_wait3A_905 = tpu.memref_squeeze %dma_wait3A_904 : memref<1x128xi32, #tpu.memory_space<vmem>> -> memref<128xi32, #tpu.memory_space<vmem>>
        %dma_wait3A_906 = arith.constant 0 : i32
        %dma_wait3A_907 = tpu.memref_slice %arg13[%dma_wait3A_906] : memref<262144xf32, #tpu.memory_space<vmem_shared>> -> memref<262144xf32, #tpu.memory_space<vmem_shared>>
        tpu.wait_indirect_dma semaphore(%arg22 : memref<!tpu.dma_semaphore, #tpu.memory_space<semaphore_mem>>) src(%dma_wait3A_902 : memref<128xf32, #tpu.memory_space<vmem>>) dst(%dma_wait3A_907 : memref<262144xf32, #tpu.memory_space<vmem_shared>>)
        %dma_start3A_908 = arith.constant 47 : i32
        %dma_start3A_909 = arith.constant 47 : i32
        %dma_start3A_910 = arith.constant 0 : i32
        %dma_start3A_911 = tpu.memref_slice %arg17[%dma_start3A_908, %dma_start3A_910] : memref<64x128xf32, #tpu.memory_space<vmem>> -> memref<1x128xf32, #tpu.memory_space<vmem>>
        %dma_start3A_912 = tpu.memref_squeeze %dma_start3A_911 : memref<1x128xf32, #tpu.memory_space<vmem>> -> memref<128xf32, #tpu.memory_space<vmem>>
        %dma_start3A_913 = arith.constant 0 : i32
        %dma_start3A_914 = tpu.memref_slice %arg14[%dma_start3A_909, %dma_start3A_913] : memref<64x128xi32, #tpu.memory_space<vmem>> -> memref<1x128xi32, #tpu.memory_space<vmem>>
        %dma_start3A_915 = tpu.memref_squeeze %dma_start3A_914 : memref<1x128xi32, #tpu.memory_space<vmem>> -> memref<128xi32, #tpu.memory_space<vmem>>
        %dma_start3A_916 = arith.constant 0 : i32
        %dma_start3A_917 = tpu.memref_slice %arg13[%dma_start3A_916] : memref<262144xf32, #tpu.memory_space<vmem_shared>> -> memref<262144xf32, #tpu.memory_space<vmem_shared>>
        tpu.enqueue_indirect_dma source(%dma_start3A_912 : memref<128xf32, #tpu.memory_space<vmem>>) target(%dma_start3A_917 : memref<262144xf32, #tpu.memory_space<vmem_shared>>) offsets(%dma_start3A_915 : memref<128xi32, #tpu.memory_space<vmem>>) semaphore(%arg22 : memref<!tpu.dma_semaphore, #tpu.memory_space<semaphore_mem>>) {add = true}
        %dma_wait3A_918 = arith.constant 32 : i32
        %dma_wait3A_919 = arith.constant 32 : i32
        %dma_wait3A_920 = arith.constant 0 : i32
        %dma_wait3A_921 = tpu.memref_slice %arg17[%dma_wait3A_918, %dma_wait3A_920] : memref<64x128xf32, #tpu.memory_space<vmem>> -> memref<1x128xf32, #tpu.memory_space<vmem>>
        %dma_wait3A_922 = tpu.memref_squeeze %dma_wait3A_921 : memref<1x128xf32, #tpu.memory_space<vmem>> -> memref<128xf32, #tpu.memory_space<vmem>>
        %dma_wait3A_923 = arith.constant 0 : i32
        %dma_wait3A_924 = tpu.memref_slice %arg14[%dma_wait3A_919, %dma_wait3A_923] : memref<64x128xi32, #tpu.memory_space<vmem>> -> memref<1x128xi32, #tpu.memory_space<vmem>>
        %dma_wait3A_925 = tpu.memref_squeeze %dma_wait3A_924 : memref<1x128xi32, #tpu.memory_space<vmem>> -> memref<128xi32, #tpu.memory_space<vmem>>
        %dma_wait3A_926 = arith.constant 0 : i32
        %dma_wait3A_927 = tpu.memref_slice %arg13[%dma_wait3A_926] : memref<262144xf32, #tpu.memory_space<vmem_shared>> -> memref<262144xf32, #tpu.memory_space<vmem_shared>>
        tpu.wait_indirect_dma semaphore(%arg22 : memref<!tpu.dma_semaphore, #tpu.memory_space<semaphore_mem>>) src(%dma_wait3A_922 : memref<128xf32, #tpu.memory_space<vmem>>) dst(%dma_wait3A_927 : memref<262144xf32, #tpu.memory_space<vmem_shared>>)
        %dma_start3A_928 = arith.constant 48 : i32
        %dma_start3A_929 = arith.constant 48 : i32
        %dma_start3A_930 = arith.constant 0 : i32
        %dma_start3A_931 = tpu.memref_slice %arg17[%dma_start3A_928, %dma_start3A_930] : memref<64x128xf32, #tpu.memory_space<vmem>> -> memref<1x128xf32, #tpu.memory_space<vmem>>
        %dma_start3A_932 = tpu.memref_squeeze %dma_start3A_931 : memref<1x128xf32, #tpu.memory_space<vmem>> -> memref<128xf32, #tpu.memory_space<vmem>>
        %dma_start3A_933 = arith.constant 0 : i32
        %dma_start3A_934 = tpu.memref_slice %arg14[%dma_start3A_929, %dma_start3A_933] : memref<64x128xi32, #tpu.memory_space<vmem>> -> memref<1x128xi32, #tpu.memory_space<vmem>>
        %dma_start3A_935 = tpu.memref_squeeze %dma_start3A_934 : memref<1x128xi32, #tpu.memory_space<vmem>> -> memref<128xi32, #tpu.memory_space<vmem>>
        %dma_start3A_936 = arith.constant 0 : i32
        %dma_start3A_937 = tpu.memref_slice %arg13[%dma_start3A_936] : memref<262144xf32, #tpu.memory_space<vmem_shared>> -> memref<262144xf32, #tpu.memory_space<vmem_shared>>
        tpu.enqueue_indirect_dma source(%dma_start3A_932 : memref<128xf32, #tpu.memory_space<vmem>>) target(%dma_start3A_937 : memref<262144xf32, #tpu.memory_space<vmem_shared>>) offsets(%dma_start3A_935 : memref<128xi32, #tpu.memory_space<vmem>>) semaphore(%arg22 : memref<!tpu.dma_semaphore, #tpu.memory_space<semaphore_mem>>) {add = true}
        %dma_wait3A_938 = arith.constant 33 : i32
        %dma_wait3A_939 = arith.constant 33 : i32
        %dma_wait3A_940 = arith.constant 0 : i32
        %dma_wait3A_941 = tpu.memref_slice %arg17[%dma_wait3A_938, %dma_wait3A_940] : memref<64x128xf32, #tpu.memory_space<vmem>> -> memref<1x128xf32, #tpu.memory_space<vmem>>
        %dma_wait3A_942 = tpu.memref_squeeze %dma_wait3A_941 : memref<1x128xf32, #tpu.memory_space<vmem>> -> memref<128xf32, #tpu.memory_space<vmem>>
        %dma_wait3A_943 = arith.constant 0 : i32
        %dma_wait3A_944 = tpu.memref_slice %arg14[%dma_wait3A_939, %dma_wait3A_943] : memref<64x128xi32, #tpu.memory_space<vmem>> -> memref<1x128xi32, #tpu.memory_space<vmem>>
        %dma_wait3A_945 = tpu.memref_squeeze %dma_wait3A_944 : memref<1x128xi32, #tpu.memory_space<vmem>> -> memref<128xi32, #tpu.memory_space<vmem>>
        %dma_wait3A_946 = arith.constant 0 : i32
        %dma_wait3A_947 = tpu.memref_slice %arg13[%dma_wait3A_946] : memref<262144xf32, #tpu.memory_space<vmem_shared>> -> memref<262144xf32, #tpu.memory_space<vmem_shared>>
        tpu.wait_indirect_dma semaphore(%arg22 : memref<!tpu.dma_semaphore, #tpu.memory_space<semaphore_mem>>) src(%dma_wait3A_942 : memref<128xf32, #tpu.memory_space<vmem>>) dst(%dma_wait3A_947 : memref<262144xf32, #tpu.memory_space<vmem_shared>>)
        %dma_start3A_948 = arith.constant 49 : i32
        %dma_start3A_949 = arith.constant 49 : i32
        %dma_start3A_950 = arith.constant 0 : i32
        %dma_start3A_951 = tpu.memref_slice %arg17[%dma_start3A_948, %dma_start3A_950] : memref<64x128xf32, #tpu.memory_space<vmem>> -> memref<1x128xf32, #tpu.memory_space<vmem>>
        %dma_start3A_952 = tpu.memref_squeeze %dma_start3A_951 : memref<1x128xf32, #tpu.memory_space<vmem>> -> memref<128xf32, #tpu.memory_space<vmem>>
        %dma_start3A_953 = arith.constant 0 : i32
        %dma_start3A_954 = tpu.memref_slice %arg14[%dma_start3A_949, %dma_start3A_953] : memref<64x128xi32, #tpu.memory_space<vmem>> -> memref<1x128xi32, #tpu.memory_space<vmem>>
        %dma_start3A_955 = tpu.memref_squeeze %dma_start3A_954 : memref<1x128xi32, #tpu.memory_space<vmem>> -> memref<128xi32, #tpu.memory_space<vmem>>
        %dma_start3A_956 = arith.constant 0 : i32
        %dma_start3A_957 = tpu.memref_slice %arg13[%dma_start3A_956] : memref<262144xf32, #tpu.memory_space<vmem_shared>> -> memref<262144xf32, #tpu.memory_space<vmem_shared>>
        tpu.enqueue_indirect_dma source(%dma_start3A_952 : memref<128xf32, #tpu.memory_space<vmem>>) target(%dma_start3A_957 : memref<262144xf32, #tpu.memory_space<vmem_shared>>) offsets(%dma_start3A_955 : memref<128xi32, #tpu.memory_space<vmem>>) semaphore(%arg22 : memref<!tpu.dma_semaphore, #tpu.memory_space<semaphore_mem>>) {add = true}
        %dma_wait3A_958 = arith.constant 34 : i32
        %dma_wait3A_959 = arith.constant 34 : i32
        %dma_wait3A_960 = arith.constant 0 : i32
        %dma_wait3A_961 = tpu.memref_slice %arg17[%dma_wait3A_958, %dma_wait3A_960] : memref<64x128xf32, #tpu.memory_space<vmem>> -> memref<1x128xf32, #tpu.memory_space<vmem>>
        %dma_wait3A_962 = tpu.memref_squeeze %dma_wait3A_961 : memref<1x128xf32, #tpu.memory_space<vmem>> -> memref<128xf32, #tpu.memory_space<vmem>>
        %dma_wait3A_963 = arith.constant 0 : i32
        %dma_wait3A_964 = tpu.memref_slice %arg14[%dma_wait3A_959, %dma_wait3A_963] : memref<64x128xi32, #tpu.memory_space<vmem>> -> memref<1x128xi32, #tpu.memory_space<vmem>>
        %dma_wait3A_965 = tpu.memref_squeeze %dma_wait3A_964 : memref<1x128xi32, #tpu.memory_space<vmem>> -> memref<128xi32, #tpu.memory_space<vmem>>
        %dma_wait3A_966 = arith.constant 0 : i32
        %dma_wait3A_967 = tpu.memref_slice %arg13[%dma_wait3A_966] : memref<262144xf32, #tpu.memory_space<vmem_shared>> -> memref<262144xf32, #tpu.memory_space<vmem_shared>>
        tpu.wait_indirect_dma semaphore(%arg22 : memref<!tpu.dma_semaphore, #tpu.memory_space<semaphore_mem>>) src(%dma_wait3A_962 : memref<128xf32, #tpu.memory_space<vmem>>) dst(%dma_wait3A_967 : memref<262144xf32, #tpu.memory_space<vmem_shared>>)
        %dma_start3A_968 = arith.constant 50 : i32
        %dma_start3A_969 = arith.constant 50 : i32
        %dma_start3A_970 = arith.constant 0 : i32
        %dma_start3A_971 = tpu.memref_slice %arg17[%dma_start3A_968, %dma_start3A_970] : memref<64x128xf32, #tpu.memory_space<vmem>> -> memref<1x128xf32, #tpu.memory_space<vmem>>
        %dma_start3A_972 = tpu.memref_squeeze %dma_start3A_971 : memref<1x128xf32, #tpu.memory_space<vmem>> -> memref<128xf32, #tpu.memory_space<vmem>>
        %dma_start3A_973 = arith.constant 0 : i32
        %dma_start3A_974 = tpu.memref_slice %arg14[%dma_start3A_969, %dma_start3A_973] : memref<64x128xi32, #tpu.memory_space<vmem>> -> memref<1x128xi32, #tpu.memory_space<vmem>>
        %dma_start3A_975 = tpu.memref_squeeze %dma_start3A_974 : memref<1x128xi32, #tpu.memory_space<vmem>> -> memref<128xi32, #tpu.memory_space<vmem>>
        %dma_start3A_976 = arith.constant 0 : i32
        %dma_start3A_977 = tpu.memref_slice %arg13[%dma_start3A_976] : memref<262144xf32, #tpu.memory_space<vmem_shared>> -> memref<262144xf32, #tpu.memory_space<vmem_shared>>
        tpu.enqueue_indirect_dma source(%dma_start3A_972 : memref<128xf32, #tpu.memory_space<vmem>>) target(%dma_start3A_977 : memref<262144xf32, #tpu.memory_space<vmem_shared>>) offsets(%dma_start3A_975 : memref<128xi32, #tpu.memory_space<vmem>>) semaphore(%arg22 : memref<!tpu.dma_semaphore, #tpu.memory_space<semaphore_mem>>) {add = true}
        %dma_wait3A_978 = arith.constant 35 : i32
        %dma_wait3A_979 = arith.constant 35 : i32
        %dma_wait3A_980 = arith.constant 0 : i32
        %dma_wait3A_981 = tpu.memref_slice %arg17[%dma_wait3A_978, %dma_wait3A_980] : memref<64x128xf32, #tpu.memory_space<vmem>> -> memref<1x128xf32, #tpu.memory_space<vmem>>
        %dma_wait3A_982 = tpu.memref_squeeze %dma_wait3A_981 : memref<1x128xf32, #tpu.memory_space<vmem>> -> memref<128xf32, #tpu.memory_space<vmem>>
        %dma_wait3A_983 = arith.constant 0 : i32
        %dma_wait3A_984 = tpu.memref_slice %arg14[%dma_wait3A_979, %dma_wait3A_983] : memref<64x128xi32, #tpu.memory_space<vmem>> -> memref<1x128xi32, #tpu.memory_space<vmem>>
        %dma_wait3A_985 = tpu.memref_squeeze %dma_wait3A_984 : memref<1x128xi32, #tpu.memory_space<vmem>> -> memref<128xi32, #tpu.memory_space<vmem>>
        %dma_wait3A_986 = arith.constant 0 : i32
        %dma_wait3A_987 = tpu.memref_slice %arg13[%dma_wait3A_986] : memref<262144xf32, #tpu.memory_space<vmem_shared>> -> memref<262144xf32, #tpu.memory_space<vmem_shared>>
        tpu.wait_indirect_dma semaphore(%arg22 : memref<!tpu.dma_semaphore, #tpu.memory_space<semaphore_mem>>) src(%dma_wait3A_982 : memref<128xf32, #tpu.memory_space<vmem>>) dst(%dma_wait3A_987 : memref<262144xf32, #tpu.memory_space<vmem_shared>>)
        %dma_start3A_988 = arith.constant 51 : i32
        %dma_start3A_989 = arith.constant 51 : i32
        %dma_start3A_990 = arith.constant 0 : i32
        %dma_start3A_991 = tpu.memref_slice %arg17[%dma_start3A_988, %dma_start3A_990] : memref<64x128xf32, #tpu.memory_space<vmem>> -> memref<1x128xf32, #tpu.memory_space<vmem>>
        %dma_start3A_992 = tpu.memref_squeeze %dma_start3A_991 : memref<1x128xf32, #tpu.memory_space<vmem>> -> memref<128xf32, #tpu.memory_space<vmem>>
        %dma_start3A_993 = arith.constant 0 : i32
        %dma_start3A_994 = tpu.memref_slice %arg14[%dma_start3A_989, %dma_start3A_993] : memref<64x128xi32, #tpu.memory_space<vmem>> -> memref<1x128xi32, #tpu.memory_space<vmem>>
        %dma_start3A_995 = tpu.memref_squeeze %dma_start3A_994 : memref<1x128xi32, #tpu.memory_space<vmem>> -> memref<128xi32, #tpu.memory_space<vmem>>
        %dma_start3A_996 = arith.constant 0 : i32
        %dma_start3A_997 = tpu.memref_slice %arg13[%dma_start3A_996] : memref<262144xf32, #tpu.memory_space<vmem_shared>> -> memref<262144xf32, #tpu.memory_space<vmem_shared>>
        tpu.enqueue_indirect_dma source(%dma_start3A_992 : memref<128xf32, #tpu.memory_space<vmem>>) target(%dma_start3A_997 : memref<262144xf32, #tpu.memory_space<vmem_shared>>) offsets(%dma_start3A_995 : memref<128xi32, #tpu.memory_space<vmem>>) semaphore(%arg22 : memref<!tpu.dma_semaphore, #tpu.memory_space<semaphore_mem>>) {add = true}
        %dma_wait3A_998 = arith.constant 36 : i32
        %dma_wait3A_999 = arith.constant 36 : i32
        %dma_wait3A_1000 = arith.constant 0 : i32
        %dma_wait3A_1001 = tpu.memref_slice %arg17[%dma_wait3A_998, %dma_wait3A_1000] : memref<64x128xf32, #tpu.memory_space<vmem>> -> memref<1x128xf32, #tpu.memory_space<vmem>>
        %dma_wait3A_1002 = tpu.memref_squeeze %dma_wait3A_1001 : memref<1x128xf32, #tpu.memory_space<vmem>> -> memref<128xf32, #tpu.memory_space<vmem>>
        %dma_wait3A_1003 = arith.constant 0 : i32
        %dma_wait3A_1004 = tpu.memref_slice %arg14[%dma_wait3A_999, %dma_wait3A_1003] : memref<64x128xi32, #tpu.memory_space<vmem>> -> memref<1x128xi32, #tpu.memory_space<vmem>>
        %dma_wait3A_1005 = tpu.memref_squeeze %dma_wait3A_1004 : memref<1x128xi32, #tpu.memory_space<vmem>> -> memref<128xi32, #tpu.memory_space<vmem>>
        %dma_wait3A_1006 = arith.constant 0 : i32
        %dma_wait3A_1007 = tpu.memref_slice %arg13[%dma_wait3A_1006] : memref<262144xf32, #tpu.memory_space<vmem_shared>> -> memref<262144xf32, #tpu.memory_space<vmem_shared>>
        tpu.wait_indirect_dma semaphore(%arg22 : memref<!tpu.dma_semaphore, #tpu.memory_space<semaphore_mem>>) src(%dma_wait3A_1002 : memref<128xf32, #tpu.memory_space<vmem>>) dst(%dma_wait3A_1007 : memref<262144xf32, #tpu.memory_space<vmem_shared>>)
        %dma_start3A_1008 = arith.constant 52 : i32
        %dma_start3A_1009 = arith.constant 52 : i32
        %dma_start3A_1010 = arith.constant 0 : i32
        %dma_start3A_1011 = tpu.memref_slice %arg17[%dma_start3A_1008, %dma_start3A_1010] : memref<64x128xf32, #tpu.memory_space<vmem>> -> memref<1x128xf32, #tpu.memory_space<vmem>>
        %dma_start3A_1012 = tpu.memref_squeeze %dma_start3A_1011 : memref<1x128xf32, #tpu.memory_space<vmem>> -> memref<128xf32, #tpu.memory_space<vmem>>
        %dma_start3A_1013 = arith.constant 0 : i32
        %dma_start3A_1014 = tpu.memref_slice %arg14[%dma_start3A_1009, %dma_start3A_1013] : memref<64x128xi32, #tpu.memory_space<vmem>> -> memref<1x128xi32, #tpu.memory_space<vmem>>
        %dma_start3A_1015 = tpu.memref_squeeze %dma_start3A_1014 : memref<1x128xi32, #tpu.memory_space<vmem>> -> memref<128xi32, #tpu.memory_space<vmem>>
        %dma_start3A_1016 = arith.constant 0 : i32
        %dma_start3A_1017 = tpu.memref_slice %arg13[%dma_start3A_1016] : memref<262144xf32, #tpu.memory_space<vmem_shared>> -> memref<262144xf32, #tpu.memory_space<vmem_shared>>
        tpu.enqueue_indirect_dma source(%dma_start3A_1012 : memref<128xf32, #tpu.memory_space<vmem>>) target(%dma_start3A_1017 : memref<262144xf32, #tpu.memory_space<vmem_shared>>) offsets(%dma_start3A_1015 : memref<128xi32, #tpu.memory_space<vmem>>) semaphore(%arg22 : memref<!tpu.dma_semaphore, #tpu.memory_space<semaphore_mem>>) {add = true}
        %dma_wait3A_1018 = arith.constant 37 : i32
        %dma_wait3A_1019 = arith.constant 37 : i32
        %dma_wait3A_1020 = arith.constant 0 : i32
        %dma_wait3A_1021 = tpu.memref_slice %arg17[%dma_wait3A_1018, %dma_wait3A_1020] : memref<64x128xf32, #tpu.memory_space<vmem>> -> memref<1x128xf32, #tpu.memory_space<vmem>>
        %dma_wait3A_1022 = tpu.memref_squeeze %dma_wait3A_1021 : memref<1x128xf32, #tpu.memory_space<vmem>> -> memref<128xf32, #tpu.memory_space<vmem>>
        %dma_wait3A_1023 = arith.constant 0 : i32
        %dma_wait3A_1024 = tpu.memref_slice %arg14[%dma_wait3A_1019, %dma_wait3A_1023] : memref<64x128xi32, #tpu.memory_space<vmem>> -> memref<1x128xi32, #tpu.memory_space<vmem>>
        %dma_wait3A_1025 = tpu.memref_squeeze %dma_wait3A_1024 : memref<1x128xi32, #tpu.memory_space<vmem>> -> memref<128xi32, #tpu.memory_space<vmem>>
        %dma_wait3A_1026 = arith.constant 0 : i32
        %dma_wait3A_1027 = tpu.memref_slice %arg13[%dma_wait3A_1026] : memref<262144xf32, #tpu.memory_space<vmem_shared>> -> memref<262144xf32, #tpu.memory_space<vmem_shared>>
        tpu.wait_indirect_dma semaphore(%arg22 : memref<!tpu.dma_semaphore, #tpu.memory_space<semaphore_mem>>) src(%dma_wait3A_1022 : memref<128xf32, #tpu.memory_space<vmem>>) dst(%dma_wait3A_1027 : memref<262144xf32, #tpu.memory_space<vmem_shared>>)
        %dma_start3A_1028 = arith.constant 53 : i32
        %dma_start3A_1029 = arith.constant 53 : i32
        %dma_start3A_1030 = arith.constant 0 : i32
        %dma_start3A_1031 = tpu.memref_slice %arg17[%dma_start3A_1028, %dma_start3A_1030] : memref<64x128xf32, #tpu.memory_space<vmem>> -> memref<1x128xf32, #tpu.memory_space<vmem>>
        %dma_start3A_1032 = tpu.memref_squeeze %dma_start3A_1031 : memref<1x128xf32, #tpu.memory_space<vmem>> -> memref<128xf32, #tpu.memory_space<vmem>>
        %dma_start3A_1033 = arith.constant 0 : i32
        %dma_start3A_1034 = tpu.memref_slice %arg14[%dma_start3A_1029, %dma_start3A_1033] : memref<64x128xi32, #tpu.memory_space<vmem>> -> memref<1x128xi32, #tpu.memory_space<vmem>>
        %dma_start3A_1035 = tpu.memref_squeeze %dma_start3A_1034 : memref<1x128xi32, #tpu.memory_space<vmem>> -> memref<128xi32, #tpu.memory_space<vmem>>
        %dma_start3A_1036 = arith.constant 0 : i32
        %dma_start3A_1037 = tpu.memref_slice %arg13[%dma_start3A_1036] : memref<262144xf32, #tpu.memory_space<vmem_shared>> -> memref<262144xf32, #tpu.memory_space<vmem_shared>>
        tpu.enqueue_indirect_dma source(%dma_start3A_1032 : memref<128xf32, #tpu.memory_space<vmem>>) target(%dma_start3A_1037 : memref<262144xf32, #tpu.memory_space<vmem_shared>>) offsets(%dma_start3A_1035 : memref<128xi32, #tpu.memory_space<vmem>>) semaphore(%arg22 : memref<!tpu.dma_semaphore, #tpu.memory_space<semaphore_mem>>) {add = true}
        %dma_wait3A_1038 = arith.constant 38 : i32
        %dma_wait3A_1039 = arith.constant 38 : i32
        %dma_wait3A_1040 = arith.constant 0 : i32
        %dma_wait3A_1041 = tpu.memref_slice %arg17[%dma_wait3A_1038, %dma_wait3A_1040] : memref<64x128xf32, #tpu.memory_space<vmem>> -> memref<1x128xf32, #tpu.memory_space<vmem>>
        %dma_wait3A_1042 = tpu.memref_squeeze %dma_wait3A_1041 : memref<1x128xf32, #tpu.memory_space<vmem>> -> memref<128xf32, #tpu.memory_space<vmem>>
        %dma_wait3A_1043 = arith.constant 0 : i32
        %dma_wait3A_1044 = tpu.memref_slice %arg14[%dma_wait3A_1039, %dma_wait3A_1043] : memref<64x128xi32, #tpu.memory_space<vmem>> -> memref<1x128xi32, #tpu.memory_space<vmem>>
        %dma_wait3A_1045 = tpu.memref_squeeze %dma_wait3A_1044 : memref<1x128xi32, #tpu.memory_space<vmem>> -> memref<128xi32, #tpu.memory_space<vmem>>
        %dma_wait3A_1046 = arith.constant 0 : i32
        %dma_wait3A_1047 = tpu.memref_slice %arg13[%dma_wait3A_1046] : memref<262144xf32, #tpu.memory_space<vmem_shared>> -> memref<262144xf32, #tpu.memory_space<vmem_shared>>
        tpu.wait_indirect_dma semaphore(%arg22 : memref<!tpu.dma_semaphore, #tpu.memory_space<semaphore_mem>>) src(%dma_wait3A_1042 : memref<128xf32, #tpu.memory_space<vmem>>) dst(%dma_wait3A_1047 : memref<262144xf32, #tpu.memory_space<vmem_shared>>)
        %dma_start3A_1048 = arith.constant 54 : i32
        %dma_start3A_1049 = arith.constant 54 : i32
        %dma_start3A_1050 = arith.constant 0 : i32
        %dma_start3A_1051 = tpu.memref_slice %arg17[%dma_start3A_1048, %dma_start3A_1050] : memref<64x128xf32, #tpu.memory_space<vmem>> -> memref<1x128xf32, #tpu.memory_space<vmem>>
        %dma_start3A_1052 = tpu.memref_squeeze %dma_start3A_1051 : memref<1x128xf32, #tpu.memory_space<vmem>> -> memref<128xf32, #tpu.memory_space<vmem>>
        %dma_start3A_1053 = arith.constant 0 : i32
        %dma_start3A_1054 = tpu.memref_slice %arg14[%dma_start3A_1049, %dma_start3A_1053] : memref<64x128xi32, #tpu.memory_space<vmem>> -> memref<1x128xi32, #tpu.memory_space<vmem>>
        %dma_start3A_1055 = tpu.memref_squeeze %dma_start3A_1054 : memref<1x128xi32, #tpu.memory_space<vmem>> -> memref<128xi32, #tpu.memory_space<vmem>>
        %dma_start3A_1056 = arith.constant 0 : i32
        %dma_start3A_1057 = tpu.memref_slice %arg13[%dma_start3A_1056] : memref<262144xf32, #tpu.memory_space<vmem_shared>> -> memref<262144xf32, #tpu.memory_space<vmem_shared>>
        tpu.enqueue_indirect_dma source(%dma_start3A_1052 : memref<128xf32, #tpu.memory_space<vmem>>) target(%dma_start3A_1057 : memref<262144xf32, #tpu.memory_space<vmem_shared>>) offsets(%dma_start3A_1055 : memref<128xi32, #tpu.memory_space<vmem>>) semaphore(%arg22 : memref<!tpu.dma_semaphore, #tpu.memory_space<semaphore_mem>>) {add = true}
        %dma_wait3A_1058 = arith.constant 39 : i32
        %dma_wait3A_1059 = arith.constant 39 : i32
        %dma_wait3A_1060 = arith.constant 0 : i32
        %dma_wait3A_1061 = tpu.memref_slice %arg17[%dma_wait3A_1058, %dma_wait3A_1060] : memref<64x128xf32, #tpu.memory_space<vmem>> -> memref<1x128xf32, #tpu.memory_space<vmem>>
        %dma_wait3A_1062 = tpu.memref_squeeze %dma_wait3A_1061 : memref<1x128xf32, #tpu.memory_space<vmem>> -> memref<128xf32, #tpu.memory_space<vmem>>
        %dma_wait3A_1063 = arith.constant 0 : i32
        %dma_wait3A_1064 = tpu.memref_slice %arg14[%dma_wait3A_1059, %dma_wait3A_1063] : memref<64x128xi32, #tpu.memory_space<vmem>> -> memref<1x128xi32, #tpu.memory_space<vmem>>
        %dma_wait3A_1065 = tpu.memref_squeeze %dma_wait3A_1064 : memref<1x128xi32, #tpu.memory_space<vmem>> -> memref<128xi32, #tpu.memory_space<vmem>>
        %dma_wait3A_1066 = arith.constant 0 : i32
        %dma_wait3A_1067 = tpu.memref_slice %arg13[%dma_wait3A_1066] : memref<262144xf32, #tpu.memory_space<vmem_shared>> -> memref<262144xf32, #tpu.memory_space<vmem_shared>>
        tpu.wait_indirect_dma semaphore(%arg22 : memref<!tpu.dma_semaphore, #tpu.memory_space<semaphore_mem>>) src(%dma_wait3A_1062 : memref<128xf32, #tpu.memory_space<vmem>>) dst(%dma_wait3A_1067 : memref<262144xf32, #tpu.memory_space<vmem_shared>>)
        %dma_start3A_1068 = arith.constant 55 : i32
        %dma_start3A_1069 = arith.constant 55 : i32
        %dma_start3A_1070 = arith.constant 0 : i32
        %dma_start3A_1071 = tpu.memref_slice %arg17[%dma_start3A_1068, %dma_start3A_1070] : memref<64x128xf32, #tpu.memory_space<vmem>> -> memref<1x128xf32, #tpu.memory_space<vmem>>
        %dma_start3A_1072 = tpu.memref_squeeze %dma_start3A_1071 : memref<1x128xf32, #tpu.memory_space<vmem>> -> memref<128xf32, #tpu.memory_space<vmem>>
        %dma_start3A_1073 = arith.constant 0 : i32
        %dma_start3A_1074 = tpu.memref_slice %arg14[%dma_start3A_1069, %dma_start3A_1073] : memref<64x128xi32, #tpu.memory_space<vmem>> -> memref<1x128xi32, #tpu.memory_space<vmem>>
        %dma_start3A_1075 = tpu.memref_squeeze %dma_start3A_1074 : memref<1x128xi32, #tpu.memory_space<vmem>> -> memref<128xi32, #tpu.memory_space<vmem>>
        %dma_start3A_1076 = arith.constant 0 : i32
        %dma_start3A_1077 = tpu.memref_slice %arg13[%dma_start3A_1076] : memref<262144xf32, #tpu.memory_space<vmem_shared>> -> memref<262144xf32, #tpu.memory_space<vmem_shared>>
        tpu.enqueue_indirect_dma source(%dma_start3A_1072 : memref<128xf32, #tpu.memory_space<vmem>>) target(%dma_start3A_1077 : memref<262144xf32, #tpu.memory_space<vmem_shared>>) offsets(%dma_start3A_1075 : memref<128xi32, #tpu.memory_space<vmem>>) semaphore(%arg22 : memref<!tpu.dma_semaphore, #tpu.memory_space<semaphore_mem>>) {add = true}
        %dma_wait3A_1078 = arith.constant 40 : i32
        %dma_wait3A_1079 = arith.constant 40 : i32
        %dma_wait3A_1080 = arith.constant 0 : i32
        %dma_wait3A_1081 = tpu.memref_slice %arg17[%dma_wait3A_1078, %dma_wait3A_1080] : memref<64x128xf32, #tpu.memory_space<vmem>> -> memref<1x128xf32, #tpu.memory_space<vmem>>
        %dma_wait3A_1082 = tpu.memref_squeeze %dma_wait3A_1081 : memref<1x128xf32, #tpu.memory_space<vmem>> -> memref<128xf32, #tpu.memory_space<vmem>>
        %dma_wait3A_1083 = arith.constant 0 : i32
        %dma_wait3A_1084 = tpu.memref_slice %arg14[%dma_wait3A_1079, %dma_wait3A_1083] : memref<64x128xi32, #tpu.memory_space<vmem>> -> memref<1x128xi32, #tpu.memory_space<vmem>>
        %dma_wait3A_1085 = tpu.memref_squeeze %dma_wait3A_1084 : memref<1x128xi32, #tpu.memory_space<vmem>> -> memref<128xi32, #tpu.memory_space<vmem>>
        %dma_wait3A_1086 = arith.constant 0 : i32
        %dma_wait3A_1087 = tpu.memref_slice %arg13[%dma_wait3A_1086] : memref<262144xf32, #tpu.memory_space<vmem_shared>> -> memref<262144xf32, #tpu.memory_space<vmem_shared>>
        tpu.wait_indirect_dma semaphore(%arg22 : memref<!tpu.dma_semaphore, #tpu.memory_space<semaphore_mem>>) src(%dma_wait3A_1082 : memref<128xf32, #tpu.memory_space<vmem>>) dst(%dma_wait3A_1087 : memref<262144xf32, #tpu.memory_space<vmem_shared>>)
        %dma_start3A_1088 = arith.constant 56 : i32
        %dma_start3A_1089 = arith.constant 56 : i32
        %dma_start3A_1090 = arith.constant 0 : i32
        %dma_start3A_1091 = tpu.memref_slice %arg17[%dma_start3A_1088, %dma_start3A_1090] : memref<64x128xf32, #tpu.memory_space<vmem>> -> memref<1x128xf32, #tpu.memory_space<vmem>>
        %dma_start3A_1092 = tpu.memref_squeeze %dma_start3A_1091 : memref<1x128xf32, #tpu.memory_space<vmem>> -> memref<128xf32, #tpu.memory_space<vmem>>
        %dma_start3A_1093 = arith.constant 0 : i32
        %dma_start3A_1094 = tpu.memref_slice %arg14[%dma_start3A_1089, %dma_start3A_1093] : memref<64x128xi32, #tpu.memory_space<vmem>> -> memref<1x128xi32, #tpu.memory_space<vmem>>
        %dma_start3A_1095 = tpu.memref_squeeze %dma_start3A_1094 : memref<1x128xi32, #tpu.memory_space<vmem>> -> memref<128xi32, #tpu.memory_space<vmem>>
        %dma_start3A_1096 = arith.constant 0 : i32
        %dma_start3A_1097 = tpu.memref_slice %arg13[%dma_start3A_1096] : memref<262144xf32, #tpu.memory_space<vmem_shared>> -> memref<262144xf32, #tpu.memory_space<vmem_shared>>
        tpu.enqueue_indirect_dma source(%dma_start3A_1092 : memref<128xf32, #tpu.memory_space<vmem>>) target(%dma_start3A_1097 : memref<262144xf32, #tpu.memory_space<vmem_shared>>) offsets(%dma_start3A_1095 : memref<128xi32, #tpu.memory_space<vmem>>) semaphore(%arg22 : memref<!tpu.dma_semaphore, #tpu.memory_space<semaphore_mem>>) {add = true}
        %dma_wait3A_1098 = arith.constant 41 : i32
        %dma_wait3A_1099 = arith.constant 41 : i32
        %dma_wait3A_1100 = arith.constant 0 : i32
        %dma_wait3A_1101 = tpu.memref_slice %arg17[%dma_wait3A_1098, %dma_wait3A_1100] : memref<64x128xf32, #tpu.memory_space<vmem>> -> memref<1x128xf32, #tpu.memory_space<vmem>>
        %dma_wait3A_1102 = tpu.memref_squeeze %dma_wait3A_1101 : memref<1x128xf32, #tpu.memory_space<vmem>> -> memref<128xf32, #tpu.memory_space<vmem>>
        %dma_wait3A_1103 = arith.constant 0 : i32
        %dma_wait3A_1104 = tpu.memref_slice %arg14[%dma_wait3A_1099, %dma_wait3A_1103] : memref<64x128xi32, #tpu.memory_space<vmem>> -> memref<1x128xi32, #tpu.memory_space<vmem>>
        %dma_wait3A_1105 = tpu.memref_squeeze %dma_wait3A_1104 : memref<1x128xi32, #tpu.memory_space<vmem>> -> memref<128xi32, #tpu.memory_space<vmem>>
        %dma_wait3A_1106 = arith.constant 0 : i32
        %dma_wait3A_1107 = tpu.memref_slice %arg13[%dma_wait3A_1106] : memref<262144xf32, #tpu.memory_space<vmem_shared>> -> memref<262144xf32, #tpu.memory_space<vmem_shared>>
        tpu.wait_indirect_dma semaphore(%arg22 : memref<!tpu.dma_semaphore, #tpu.memory_space<semaphore_mem>>) src(%dma_wait3A_1102 : memref<128xf32, #tpu.memory_space<vmem>>) dst(%dma_wait3A_1107 : memref<262144xf32, #tpu.memory_space<vmem_shared>>)
        %dma_start3A_1108 = arith.constant 57 : i32
        %dma_start3A_1109 = arith.constant 57 : i32
        %dma_start3A_1110 = arith.constant 0 : i32
        %dma_start3A_1111 = tpu.memref_slice %arg17[%dma_start3A_1108, %dma_start3A_1110] : memref<64x128xf32, #tpu.memory_space<vmem>> -> memref<1x128xf32, #tpu.memory_space<vmem>>
        %dma_start3A_1112 = tpu.memref_squeeze %dma_start3A_1111 : memref<1x128xf32, #tpu.memory_space<vmem>> -> memref<128xf32, #tpu.memory_space<vmem>>
        %dma_start3A_1113 = arith.constant 0 : i32
        %dma_start3A_1114 = tpu.memref_slice %arg14[%dma_start3A_1109, %dma_start3A_1113] : memref<64x128xi32, #tpu.memory_space<vmem>> -> memref<1x128xi32, #tpu.memory_space<vmem>>
        %dma_start3A_1115 = tpu.memref_squeeze %dma_start3A_1114 : memref<1x128xi32, #tpu.memory_space<vmem>> -> memref<128xi32, #tpu.memory_space<vmem>>
        %dma_start3A_1116 = arith.constant 0 : i32
        %dma_start3A_1117 = tpu.memref_slice %arg13[%dma_start3A_1116] : memref<262144xf32, #tpu.memory_space<vmem_shared>> -> memref<262144xf32, #tpu.memory_space<vmem_shared>>
        tpu.enqueue_indirect_dma source(%dma_start3A_1112 : memref<128xf32, #tpu.memory_space<vmem>>) target(%dma_start3A_1117 : memref<262144xf32, #tpu.memory_space<vmem_shared>>) offsets(%dma_start3A_1115 : memref<128xi32, #tpu.memory_space<vmem>>) semaphore(%arg22 : memref<!tpu.dma_semaphore, #tpu.memory_space<semaphore_mem>>) {add = true}
        %dma_wait3A_1118 = arith.constant 42 : i32
        %dma_wait3A_1119 = arith.constant 42 : i32
        %dma_wait3A_1120 = arith.constant 0 : i32
        %dma_wait3A_1121 = tpu.memref_slice %arg17[%dma_wait3A_1118, %dma_wait3A_1120] : memref<64x128xf32, #tpu.memory_space<vmem>> -> memref<1x128xf32, #tpu.memory_space<vmem>>
        %dma_wait3A_1122 = tpu.memref_squeeze %dma_wait3A_1121 : memref<1x128xf32, #tpu.memory_space<vmem>> -> memref<128xf32, #tpu.memory_space<vmem>>
        %dma_wait3A_1123 = arith.constant 0 : i32
        %dma_wait3A_1124 = tpu.memref_slice %arg14[%dma_wait3A_1119, %dma_wait3A_1123] : memref<64x128xi32, #tpu.memory_space<vmem>> -> memref<1x128xi32, #tpu.memory_space<vmem>>
        %dma_wait3A_1125 = tpu.memref_squeeze %dma_wait3A_1124 : memref<1x128xi32, #tpu.memory_space<vmem>> -> memref<128xi32, #tpu.memory_space<vmem>>
        %dma_wait3A_1126 = arith.constant 0 : i32
        %dma_wait3A_1127 = tpu.memref_slice %arg13[%dma_wait3A_1126] : memref<262144xf32, #tpu.memory_space<vmem_shared>> -> memref<262144xf32, #tpu.memory_space<vmem_shared>>
        tpu.wait_indirect_dma semaphore(%arg22 : memref<!tpu.dma_semaphore, #tpu.memory_space<semaphore_mem>>) src(%dma_wait3A_1122 : memref<128xf32, #tpu.memory_space<vmem>>) dst(%dma_wait3A_1127 : memref<262144xf32, #tpu.memory_space<vmem_shared>>)
        %dma_start3A_1128 = arith.constant 58 : i32
        %dma_start3A_1129 = arith.constant 58 : i32
        %dma_start3A_1130 = arith.constant 0 : i32
        %dma_start3A_1131 = tpu.memref_slice %arg17[%dma_start3A_1128, %dma_start3A_1130] : memref<64x128xf32, #tpu.memory_space<vmem>> -> memref<1x128xf32, #tpu.memory_space<vmem>>
        %dma_start3A_1132 = tpu.memref_squeeze %dma_start3A_1131 : memref<1x128xf32, #tpu.memory_space<vmem>> -> memref<128xf32, #tpu.memory_space<vmem>>
        %dma_start3A_1133 = arith.constant 0 : i32
        %dma_start3A_1134 = tpu.memref_slice %arg14[%dma_start3A_1129, %dma_start3A_1133] : memref<64x128xi32, #tpu.memory_space<vmem>> -> memref<1x128xi32, #tpu.memory_space<vmem>>
        %dma_start3A_1135 = tpu.memref_squeeze %dma_start3A_1134 : memref<1x128xi32, #tpu.memory_space<vmem>> -> memref<128xi32, #tpu.memory_space<vmem>>
        %dma_start3A_1136 = arith.constant 0 : i32
        %dma_start3A_1137 = tpu.memref_slice %arg13[%dma_start3A_1136] : memref<262144xf32, #tpu.memory_space<vmem_shared>> -> memref<262144xf32, #tpu.memory_space<vmem_shared>>
        tpu.enqueue_indirect_dma source(%dma_start3A_1132 : memref<128xf32, #tpu.memory_space<vmem>>) target(%dma_start3A_1137 : memref<262144xf32, #tpu.memory_space<vmem_shared>>) offsets(%dma_start3A_1135 : memref<128xi32, #tpu.memory_space<vmem>>) semaphore(%arg22 : memref<!tpu.dma_semaphore, #tpu.memory_space<semaphore_mem>>) {add = true}
        %dma_wait3A_1138 = arith.constant 43 : i32
        %dma_wait3A_1139 = arith.constant 43 : i32
        %dma_wait3A_1140 = arith.constant 0 : i32
        %dma_wait3A_1141 = tpu.memref_slice %arg17[%dma_wait3A_1138, %dma_wait3A_1140] : memref<64x128xf32, #tpu.memory_space<vmem>> -> memref<1x128xf32, #tpu.memory_space<vmem>>
        %dma_wait3A_1142 = tpu.memref_squeeze %dma_wait3A_1141 : memref<1x128xf32, #tpu.memory_space<vmem>> -> memref<128xf32, #tpu.memory_space<vmem>>
        %dma_wait3A_1143 = arith.constant 0 : i32
        %dma_wait3A_1144 = tpu.memref_slice %arg14[%dma_wait3A_1139, %dma_wait3A_1143] : memref<64x128xi32, #tpu.memory_space<vmem>> -> memref<1x128xi32, #tpu.memory_space<vmem>>
        %dma_wait3A_1145 = tpu.memref_squeeze %dma_wait3A_1144 : memref<1x128xi32, #tpu.memory_space<vmem>> -> memref<128xi32, #tpu.memory_space<vmem>>
        %dma_wait3A_1146 = arith.constant 0 : i32
        %dma_wait3A_1147 = tpu.memref_slice %arg13[%dma_wait3A_1146] : memref<262144xf32, #tpu.memory_space<vmem_shared>> -> memref<262144xf32, #tpu.memory_space<vmem_shared>>
        tpu.wait_indirect_dma semaphore(%arg22 : memref<!tpu.dma_semaphore, #tpu.memory_space<semaphore_mem>>) src(%dma_wait3A_1142 : memref<128xf32, #tpu.memory_space<vmem>>) dst(%dma_wait3A_1147 : memref<262144xf32, #tpu.memory_space<vmem_shared>>)
        %dma_start3A_1148 = arith.constant 59 : i32
        %dma_start3A_1149 = arith.constant 59 : i32
        %dma_start3A_1150 = arith.constant 0 : i32
        %dma_start3A_1151 = tpu.memref_slice %arg17[%dma_start3A_1148, %dma_start3A_1150] : memref<64x128xf32, #tpu.memory_space<vmem>> -> memref<1x128xf32, #tpu.memory_space<vmem>>
        %dma_start3A_1152 = tpu.memref_squeeze %dma_start3A_1151 : memref<1x128xf32, #tpu.memory_space<vmem>> -> memref<128xf32, #tpu.memory_space<vmem>>
        %dma_start3A_1153 = arith.constant 0 : i32
        %dma_start3A_1154 = tpu.memref_slice %arg14[%dma_start3A_1149, %dma_start3A_1153] : memref<64x128xi32, #tpu.memory_space<vmem>> -> memref<1x128xi32, #tpu.memory_space<vmem>>
        %dma_start3A_1155 = tpu.memref_squeeze %dma_start3A_1154 : memref<1x128xi32, #tpu.memory_space<vmem>> -> memref<128xi32, #tpu.memory_space<vmem>>
        %dma_start3A_1156 = arith.constant 0 : i32
        %dma_start3A_1157 = tpu.memref_slice %arg13[%dma_start3A_1156] : memref<262144xf32, #tpu.memory_space<vmem_shared>> -> memref<262144xf32, #tpu.memory_space<vmem_shared>>
        tpu.enqueue_indirect_dma source(%dma_start3A_1152 : memref<128xf32, #tpu.memory_space<vmem>>) target(%dma_start3A_1157 : memref<262144xf32, #tpu.memory_space<vmem_shared>>) offsets(%dma_start3A_1155 : memref<128xi32, #tpu.memory_space<vmem>>) semaphore(%arg22 : memref<!tpu.dma_semaphore, #tpu.memory_space<semaphore_mem>>) {add = true}
        %dma_wait3A_1158 = arith.constant 44 : i32
        %dma_wait3A_1159 = arith.constant 44 : i32
        %dma_wait3A_1160 = arith.constant 0 : i32
        %dma_wait3A_1161 = tpu.memref_slice %arg17[%dma_wait3A_1158, %dma_wait3A_1160] : memref<64x128xf32, #tpu.memory_space<vmem>> -> memref<1x128xf32, #tpu.memory_space<vmem>>
        %dma_wait3A_1162 = tpu.memref_squeeze %dma_wait3A_1161 : memref<1x128xf32, #tpu.memory_space<vmem>> -> memref<128xf32, #tpu.memory_space<vmem>>
        %dma_wait3A_1163 = arith.constant 0 : i32
        %dma_wait3A_1164 = tpu.memref_slice %arg14[%dma_wait3A_1159, %dma_wait3A_1163] : memref<64x128xi32, #tpu.memory_space<vmem>> -> memref<1x128xi32, #tpu.memory_space<vmem>>
        %dma_wait3A_1165 = tpu.memref_squeeze %dma_wait3A_1164 : memref<1x128xi32, #tpu.memory_space<vmem>> -> memref<128xi32, #tpu.memory_space<vmem>>
        %dma_wait3A_1166 = arith.constant 0 : i32
        %dma_wait3A_1167 = tpu.memref_slice %arg13[%dma_wait3A_1166] : memref<262144xf32, #tpu.memory_space<vmem_shared>> -> memref<262144xf32, #tpu.memory_space<vmem_shared>>
        tpu.wait_indirect_dma semaphore(%arg22 : memref<!tpu.dma_semaphore, #tpu.memory_space<semaphore_mem>>) src(%dma_wait3A_1162 : memref<128xf32, #tpu.memory_space<vmem>>) dst(%dma_wait3A_1167 : memref<262144xf32, #tpu.memory_space<vmem_shared>>)
        %dma_start3A_1168 = arith.constant 60 : i32
        %dma_start3A_1169 = arith.constant 60 : i32
        %dma_start3A_1170 = arith.constant 0 : i32
        %dma_start3A_1171 = tpu.memref_slice %arg17[%dma_start3A_1168, %dma_start3A_1170] : memref<64x128xf32, #tpu.memory_space<vmem>> -> memref<1x128xf32, #tpu.memory_space<vmem>>
        %dma_start3A_1172 = tpu.memref_squeeze %dma_start3A_1171 : memref<1x128xf32, #tpu.memory_space<vmem>> -> memref<128xf32, #tpu.memory_space<vmem>>
        %dma_start3A_1173 = arith.constant 0 : i32
        %dma_start3A_1174 = tpu.memref_slice %arg14[%dma_start3A_1169, %dma_start3A_1173] : memref<64x128xi32, #tpu.memory_space<vmem>> -> memref<1x128xi32, #tpu.memory_space<vmem>>
        %dma_start3A_1175 = tpu.memref_squeeze %dma_start3A_1174 : memref<1x128xi32, #tpu.memory_space<vmem>> -> memref<128xi32, #tpu.memory_space<vmem>>
        %dma_start3A_1176 = arith.constant 0 : i32
        %dma_start3A_1177 = tpu.memref_slice %arg13[%dma_start3A_1176] : memref<262144xf32, #tpu.memory_space<vmem_shared>> -> memref<262144xf32, #tpu.memory_space<vmem_shared>>
        tpu.enqueue_indirect_dma source(%dma_start3A_1172 : memref<128xf32, #tpu.memory_space<vmem>>) target(%dma_start3A_1177 : memref<262144xf32, #tpu.memory_space<vmem_shared>>) offsets(%dma_start3A_1175 : memref<128xi32, #tpu.memory_space<vmem>>) semaphore(%arg22 : memref<!tpu.dma_semaphore, #tpu.memory_space<semaphore_mem>>) {add = true}
        %dma_wait3A_1178 = arith.constant 45 : i32
        %dma_wait3A_1179 = arith.constant 45 : i32
        %dma_wait3A_1180 = arith.constant 0 : i32
        %dma_wait3A_1181 = tpu.memref_slice %arg17[%dma_wait3A_1178, %dma_wait3A_1180] : memref<64x128xf32, #tpu.memory_space<vmem>> -> memref<1x128xf32, #tpu.memory_space<vmem>>
        %dma_wait3A_1182 = tpu.memref_squeeze %dma_wait3A_1181 : memref<1x128xf32, #tpu.memory_space<vmem>> -> memref<128xf32, #tpu.memory_space<vmem>>
        %dma_wait3A_1183 = arith.constant 0 : i32
        %dma_wait3A_1184 = tpu.memref_slice %arg14[%dma_wait3A_1179, %dma_wait3A_1183] : memref<64x128xi32, #tpu.memory_space<vmem>> -> memref<1x128xi32, #tpu.memory_space<vmem>>
        %dma_wait3A_1185 = tpu.memref_squeeze %dma_wait3A_1184 : memref<1x128xi32, #tpu.memory_space<vmem>> -> memref<128xi32, #tpu.memory_space<vmem>>
        %dma_wait3A_1186 = arith.constant 0 : i32
        %dma_wait3A_1187 = tpu.memref_slice %arg13[%dma_wait3A_1186] : memref<262144xf32, #tpu.memory_space<vmem_shared>> -> memref<262144xf32, #tpu.memory_space<vmem_shared>>
        tpu.wait_indirect_dma semaphore(%arg22 : memref<!tpu.dma_semaphore, #tpu.memory_space<semaphore_mem>>) src(%dma_wait3A_1182 : memref<128xf32, #tpu.memory_space<vmem>>) dst(%dma_wait3A_1187 : memref<262144xf32, #tpu.memory_space<vmem_shared>>)
        %dma_start3A_1188 = arith.constant 61 : i32
        %dma_start3A_1189 = arith.constant 61 : i32
        %dma_start3A_1190 = arith.constant 0 : i32
        %dma_start3A_1191 = tpu.memref_slice %arg17[%dma_start3A_1188, %dma_start3A_1190] : memref<64x128xf32, #tpu.memory_space<vmem>> -> memref<1x128xf32, #tpu.memory_space<vmem>>
        %dma_start3A_1192 = tpu.memref_squeeze %dma_start3A_1191 : memref<1x128xf32, #tpu.memory_space<vmem>> -> memref<128xf32, #tpu.memory_space<vmem>>
        %dma_start3A_1193 = arith.constant 0 : i32
        %dma_start3A_1194 = tpu.memref_slice %arg14[%dma_start3A_1189, %dma_start3A_1193] : memref<64x128xi32, #tpu.memory_space<vmem>> -> memref<1x128xi32, #tpu.memory_space<vmem>>
        %dma_start3A_1195 = tpu.memref_squeeze %dma_start3A_1194 : memref<1x128xi32, #tpu.memory_space<vmem>> -> memref<128xi32, #tpu.memory_space<vmem>>
        %dma_start3A_1196 = arith.constant 0 : i32
        %dma_start3A_1197 = tpu.memref_slice %arg13[%dma_start3A_1196] : memref<262144xf32, #tpu.memory_space<vmem_shared>> -> memref<262144xf32, #tpu.memory_space<vmem_shared>>
        tpu.enqueue_indirect_dma source(%dma_start3A_1192 : memref<128xf32, #tpu.memory_space<vmem>>) target(%dma_start3A_1197 : memref<262144xf32, #tpu.memory_space<vmem_shared>>) offsets(%dma_start3A_1195 : memref<128xi32, #tpu.memory_space<vmem>>) semaphore(%arg22 : memref<!tpu.dma_semaphore, #tpu.memory_space<semaphore_mem>>) {add = true}
        %dma_wait3A_1198 = arith.constant 46 : i32
        %dma_wait3A_1199 = arith.constant 46 : i32
        %dma_wait3A_1200 = arith.constant 0 : i32
        %dma_wait3A_1201 = tpu.memref_slice %arg17[%dma_wait3A_1198, %dma_wait3A_1200] : memref<64x128xf32, #tpu.memory_space<vmem>> -> memref<1x128xf32, #tpu.memory_space<vmem>>
        %dma_wait3A_1202 = tpu.memref_squeeze %dma_wait3A_1201 : memref<1x128xf32, #tpu.memory_space<vmem>> -> memref<128xf32, #tpu.memory_space<vmem>>
        %dma_wait3A_1203 = arith.constant 0 : i32
        %dma_wait3A_1204 = tpu.memref_slice %arg14[%dma_wait3A_1199, %dma_wait3A_1203] : memref<64x128xi32, #tpu.memory_space<vmem>> -> memref<1x128xi32, #tpu.memory_space<vmem>>
        %dma_wait3A_1205 = tpu.memref_squeeze %dma_wait3A_1204 : memref<1x128xi32, #tpu.memory_space<vmem>> -> memref<128xi32, #tpu.memory_space<vmem>>
        %dma_wait3A_1206 = arith.constant 0 : i32
        %dma_wait3A_1207 = tpu.memref_slice %arg13[%dma_wait3A_1206] : memref<262144xf32, #tpu.memory_space<vmem_shared>> -> memref<262144xf32, #tpu.memory_space<vmem_shared>>
        tpu.wait_indirect_dma semaphore(%arg22 : memref<!tpu.dma_semaphore, #tpu.memory_space<semaphore_mem>>) src(%dma_wait3A_1202 : memref<128xf32, #tpu.memory_space<vmem>>) dst(%dma_wait3A_1207 : memref<262144xf32, #tpu.memory_space<vmem_shared>>)
        %dma_start3A_1208 = arith.constant 62 : i32
        %dma_start3A_1209 = arith.constant 62 : i32
        %dma_start3A_1210 = arith.constant 0 : i32
        %dma_start3A_1211 = tpu.memref_slice %arg17[%dma_start3A_1208, %dma_start3A_1210] : memref<64x128xf32, #tpu.memory_space<vmem>> -> memref<1x128xf32, #tpu.memory_space<vmem>>
        %dma_start3A_1212 = tpu.memref_squeeze %dma_start3A_1211 : memref<1x128xf32, #tpu.memory_space<vmem>> -> memref<128xf32, #tpu.memory_space<vmem>>
        %dma_start3A_1213 = arith.constant 0 : i32
        %dma_start3A_1214 = tpu.memref_slice %arg14[%dma_start3A_1209, %dma_start3A_1213] : memref<64x128xi32, #tpu.memory_space<vmem>> -> memref<1x128xi32, #tpu.memory_space<vmem>>
        %dma_start3A_1215 = tpu.memref_squeeze %dma_start3A_1214 : memref<1x128xi32, #tpu.memory_space<vmem>> -> memref<128xi32, #tpu.memory_space<vmem>>
        %dma_start3A_1216 = arith.constant 0 : i32
        %dma_start3A_1217 = tpu.memref_slice %arg13[%dma_start3A_1216] : memref<262144xf32, #tpu.memory_space<vmem_shared>> -> memref<262144xf32, #tpu.memory_space<vmem_shared>>
        tpu.enqueue_indirect_dma source(%dma_start3A_1212 : memref<128xf32, #tpu.memory_space<vmem>>) target(%dma_start3A_1217 : memref<262144xf32, #tpu.memory_space<vmem_shared>>) offsets(%dma_start3A_1215 : memref<128xi32, #tpu.memory_space<vmem>>) semaphore(%arg22 : memref<!tpu.dma_semaphore, #tpu.memory_space<semaphore_mem>>) {add = true}
        %dma_wait3A_1218 = arith.constant 47 : i32
        %dma_wait3A_1219 = arith.constant 47 : i32
        %dma_wait3A_1220 = arith.constant 0 : i32
        %dma_wait3A_1221 = tpu.memref_slice %arg17[%dma_wait3A_1218, %dma_wait3A_1220] : memref<64x128xf32, #tpu.memory_space<vmem>> -> memref<1x128xf32, #tpu.memory_space<vmem>>
        %dma_wait3A_1222 = tpu.memref_squeeze %dma_wait3A_1221 : memref<1x128xf32, #tpu.memory_space<vmem>> -> memref<128xf32, #tpu.memory_space<vmem>>
        %dma_wait3A_1223 = arith.constant 0 : i32
        %dma_wait3A_1224 = tpu.memref_slice %arg14[%dma_wait3A_1219, %dma_wait3A_1223] : memref<64x128xi32, #tpu.memory_space<vmem>> -> memref<1x128xi32, #tpu.memory_space<vmem>>
        %dma_wait3A_1225 = tpu.memref_squeeze %dma_wait3A_1224 : memref<1x128xi32, #tpu.memory_space<vmem>> -> memref<128xi32, #tpu.memory_space<vmem>>
        %dma_wait3A_1226 = arith.constant 0 : i32
        %dma_wait3A_1227 = tpu.memref_slice %arg13[%dma_wait3A_1226] : memref<262144xf32, #tpu.memory_space<vmem_shared>> -> memref<262144xf32, #tpu.memory_space<vmem_shared>>
        tpu.wait_indirect_dma semaphore(%arg22 : memref<!tpu.dma_semaphore, #tpu.memory_space<semaphore_mem>>) src(%dma_wait3A_1222 : memref<128xf32, #tpu.memory_space<vmem>>) dst(%dma_wait3A_1227 : memref<262144xf32, #tpu.memory_space<vmem_shared>>)
        %dma_start3A_1228 = arith.constant 63 : i32
        %dma_start3A_1229 = arith.constant 63 : i32
        %dma_start3A_1230 = arith.constant 0 : i32
        %dma_start3A_1231 = tpu.memref_slice %arg17[%dma_start3A_1228, %dma_start3A_1230] : memref<64x128xf32, #tpu.memory_space<vmem>> -> memref<1x128xf32, #tpu.memory_space<vmem>>
        %dma_start3A_1232 = tpu.memref_squeeze %dma_start3A_1231 : memref<1x128xf32, #tpu.memory_space<vmem>> -> memref<128xf32, #tpu.memory_space<vmem>>
        %dma_start3A_1233 = arith.constant 0 : i32
        %dma_start3A_1234 = tpu.memref_slice %arg14[%dma_start3A_1229, %dma_start3A_1233] : memref<64x128xi32, #tpu.memory_space<vmem>> -> memref<1x128xi32, #tpu.memory_space<vmem>>
        %dma_start3A_1235 = tpu.memref_squeeze %dma_start3A_1234 : memref<1x128xi32, #tpu.memory_space<vmem>> -> memref<128xi32, #tpu.memory_space<vmem>>
        %dma_start3A_1236 = arith.constant 0 : i32
        %dma_start3A_1237 = tpu.memref_slice %arg13[%dma_start3A_1236] : memref<262144xf32, #tpu.memory_space<vmem_shared>> -> memref<262144xf32, #tpu.memory_space<vmem_shared>>
        tpu.enqueue_indirect_dma source(%dma_start3A_1232 : memref<128xf32, #tpu.memory_space<vmem>>) target(%dma_start3A_1237 : memref<262144xf32, #tpu.memory_space<vmem_shared>>) offsets(%dma_start3A_1235 : memref<128xi32, #tpu.memory_space<vmem>>) semaphore(%arg22 : memref<!tpu.dma_semaphore, #tpu.memory_space<semaphore_mem>>) {add = true}
        %dma_wait3A_1238 = arith.constant 48 : i32
        %dma_wait3A_1239 = arith.constant 48 : i32
        %dma_wait3A_1240 = arith.constant 0 : i32
        %dma_wait3A_1241 = tpu.memref_slice %arg17[%dma_wait3A_1238, %dma_wait3A_1240] : memref<64x128xf32, #tpu.memory_space<vmem>> -> memref<1x128xf32, #tpu.memory_space<vmem>>
        %dma_wait3A_1242 = tpu.memref_squeeze %dma_wait3A_1241 : memref<1x128xf32, #tpu.memory_space<vmem>> -> memref<128xf32, #tpu.memory_space<vmem>>
        %dma_wait3A_1243 = arith.constant 0 : i32
        %dma_wait3A_1244 = tpu.memref_slice %arg14[%dma_wait3A_1239, %dma_wait3A_1243] : memref<64x128xi32, #tpu.memory_space<vmem>> -> memref<1x128xi32, #tpu.memory_space<vmem>>
        %dma_wait3A_1245 = tpu.memref_squeeze %dma_wait3A_1244 : memref<1x128xi32, #tpu.memory_space<vmem>> -> memref<128xi32, #tpu.memory_space<vmem>>
        %dma_wait3A_1246 = arith.constant 0 : i32
        %dma_wait3A_1247 = tpu.memref_slice %arg13[%dma_wait3A_1246] : memref<262144xf32, #tpu.memory_space<vmem_shared>> -> memref<262144xf32, #tpu.memory_space<vmem_shared>>
        tpu.wait_indirect_dma semaphore(%arg22 : memref<!tpu.dma_semaphore, #tpu.memory_space<semaphore_mem>>) src(%dma_wait3A_1242 : memref<128xf32, #tpu.memory_space<vmem>>) dst(%dma_wait3A_1247 : memref<262144xf32, #tpu.memory_space<vmem_shared>>)
        %dma_wait3A_1248 = arith.constant 49 : i32
        %dma_wait3A_1249 = arith.constant 49 : i32
        %dma_wait3A_1250 = arith.constant 0 : i32
        %dma_wait3A_1251 = tpu.memref_slice %arg17[%dma_wait3A_1248, %dma_wait3A_1250] : memref<64x128xf32, #tpu.memory_space<vmem>> -> memref<1x128xf32, #tpu.memory_space<vmem>>
        %dma_wait3A_1252 = tpu.memref_squeeze %dma_wait3A_1251 : memref<1x128xf32, #tpu.memory_space<vmem>> -> memref<128xf32, #tpu.memory_space<vmem>>
        %dma_wait3A_1253 = arith.constant 0 : i32
        %dma_wait3A_1254 = tpu.memref_slice %arg14[%dma_wait3A_1249, %dma_wait3A_1253] : memref<64x128xi32, #tpu.memory_space<vmem>> -> memref<1x128xi32, #tpu.memory_space<vmem>>
        %dma_wait3A_1255 = tpu.memref_squeeze %dma_wait3A_1254 : memref<1x128xi32, #tpu.memory_space<vmem>> -> memref<128xi32, #tpu.memory_space<vmem>>
        %dma_wait3A_1256 = arith.constant 0 : i32
        %dma_wait3A_1257 = tpu.memref_slice %arg13[%dma_wait3A_1256] : memref<262144xf32, #tpu.memory_space<vmem_shared>> -> memref<262144xf32, #tpu.memory_space<vmem_shared>>
        tpu.wait_indirect_dma semaphore(%arg22 : memref<!tpu.dma_semaphore, #tpu.memory_space<semaphore_mem>>) src(%dma_wait3A_1252 : memref<128xf32, #tpu.memory_space<vmem>>) dst(%dma_wait3A_1257 : memref<262144xf32, #tpu.memory_space<vmem_shared>>)
        %dma_wait3A_1258 = arith.constant 50 : i32
        %dma_wait3A_1259 = arith.constant 50 : i32
        %dma_wait3A_1260 = arith.constant 0 : i32
        %dma_wait3A_1261 = tpu.memref_slice %arg17[%dma_wait3A_1258, %dma_wait3A_1260] : memref<64x128xf32, #tpu.memory_space<vmem>> -> memref<1x128xf32, #tpu.memory_space<vmem>>
        %dma_wait3A_1262 = tpu.memref_squeeze %dma_wait3A_1261 : memref<1x128xf32, #tpu.memory_space<vmem>> -> memref<128xf32, #tpu.memory_space<vmem>>
        %dma_wait3A_1263 = arith.constant 0 : i32
        %dma_wait3A_1264 = tpu.memref_slice %arg14[%dma_wait3A_1259, %dma_wait3A_1263] : memref<64x128xi32, #tpu.memory_space<vmem>> -> memref<1x128xi32, #tpu.memory_space<vmem>>
        %dma_wait3A_1265 = tpu.memref_squeeze %dma_wait3A_1264 : memref<1x128xi32, #tpu.memory_space<vmem>> -> memref<128xi32, #tpu.memory_space<vmem>>
        %dma_wait3A_1266 = arith.constant 0 : i32
        %dma_wait3A_1267 = tpu.memref_slice %arg13[%dma_wait3A_1266] : memref<262144xf32, #tpu.memory_space<vmem_shared>> -> memref<262144xf32, #tpu.memory_space<vmem_shared>>
        tpu.wait_indirect_dma semaphore(%arg22 : memref<!tpu.dma_semaphore, #tpu.memory_space<semaphore_mem>>) src(%dma_wait3A_1262 : memref<128xf32, #tpu.memory_space<vmem>>) dst(%dma_wait3A_1267 : memref<262144xf32, #tpu.memory_space<vmem_shared>>)
        %dma_wait3A_1268 = arith.constant 51 : i32
        %dma_wait3A_1269 = arith.constant 51 : i32
        %dma_wait3A_1270 = arith.constant 0 : i32
        %dma_wait3A_1271 = tpu.memref_slice %arg17[%dma_wait3A_1268, %dma_wait3A_1270] : memref<64x128xf32, #tpu.memory_space<vmem>> -> memref<1x128xf32, #tpu.memory_space<vmem>>
        %dma_wait3A_1272 = tpu.memref_squeeze %dma_wait3A_1271 : memref<1x128xf32, #tpu.memory_space<vmem>> -> memref<128xf32, #tpu.memory_space<vmem>>
        %dma_wait3A_1273 = arith.constant 0 : i32
        %dma_wait3A_1274 = tpu.memref_slice %arg14[%dma_wait3A_1269, %dma_wait3A_1273] : memref<64x128xi32, #tpu.memory_space<vmem>> -> memref<1x128xi32, #tpu.memory_space<vmem>>
        %dma_wait3A_1275 = tpu.memref_squeeze %dma_wait3A_1274 : memref<1x128xi32, #tpu.memory_space<vmem>> -> memref<128xi32, #tpu.memory_space<vmem>>
        %dma_wait3A_1276 = arith.constant 0 : i32
        %dma_wait3A_1277 = tpu.memref_slice %arg13[%dma_wait3A_1276] : memref<262144xf32, #tpu.memory_space<vmem_shared>> -> memref<262144xf32, #tpu.memory_space<vmem_shared>>
        tpu.wait_indirect_dma semaphore(%arg22 : memref<!tpu.dma_semaphore, #tpu.memory_space<semaphore_mem>>) src(%dma_wait3A_1272 : memref<128xf32, #tpu.memory_space<vmem>>) dst(%dma_wait3A_1277 : memref<262144xf32, #tpu.memory_space<vmem_shared>>)
        %dma_wait3A_1278 = arith.constant 52 : i32
        %dma_wait3A_1279 = arith.constant 52 : i32
        %dma_wait3A_1280 = arith.constant 0 : i32
        %dma_wait3A_1281 = tpu.memref_slice %arg17[%dma_wait3A_1278, %dma_wait3A_1280] : memref<64x128xf32, #tpu.memory_space<vmem>> -> memref<1x128xf32, #tpu.memory_space<vmem>>
        %dma_wait3A_1282 = tpu.memref_squeeze %dma_wait3A_1281 : memref<1x128xf32, #tpu.memory_space<vmem>> -> memref<128xf32, #tpu.memory_space<vmem>>
        %dma_wait3A_1283 = arith.constant 0 : i32
        %dma_wait3A_1284 = tpu.memref_slice %arg14[%dma_wait3A_1279, %dma_wait3A_1283] : memref<64x128xi32, #tpu.memory_space<vmem>> -> memref<1x128xi32, #tpu.memory_space<vmem>>
        %dma_wait3A_1285 = tpu.memref_squeeze %dma_wait3A_1284 : memref<1x128xi32, #tpu.memory_space<vmem>> -> memref<128xi32, #tpu.memory_space<vmem>>
        %dma_wait3A_1286 = arith.constant 0 : i32
        %dma_wait3A_1287 = tpu.memref_slice %arg13[%dma_wait3A_1286] : memref<262144xf32, #tpu.memory_space<vmem_shared>> -> memref<262144xf32, #tpu.memory_space<vmem_shared>>
        tpu.wait_indirect_dma semaphore(%arg22 : memref<!tpu.dma_semaphore, #tpu.memory_space<semaphore_mem>>) src(%dma_wait3A_1282 : memref<128xf32, #tpu.memory_space<vmem>>) dst(%dma_wait3A_1287 : memref<262144xf32, #tpu.memory_space<vmem_shared>>)
        %dma_wait3A_1288 = arith.constant 53 : i32
        %dma_wait3A_1289 = arith.constant 53 : i32
        %dma_wait3A_1290 = arith.constant 0 : i32
        %dma_wait3A_1291 = tpu.memref_slice %arg17[%dma_wait3A_1288, %dma_wait3A_1290] : memref<64x128xf32, #tpu.memory_space<vmem>> -> memref<1x128xf32, #tpu.memory_space<vmem>>
        %dma_wait3A_1292 = tpu.memref_squeeze %dma_wait3A_1291 : memref<1x128xf32, #tpu.memory_space<vmem>> -> memref<128xf32, #tpu.memory_space<vmem>>
        %dma_wait3A_1293 = arith.constant 0 : i32
        %dma_wait3A_1294 = tpu.memref_slice %arg14[%dma_wait3A_1289, %dma_wait3A_1293] : memref<64x128xi32, #tpu.memory_space<vmem>> -> memref<1x128xi32, #tpu.memory_space<vmem>>
        %dma_wait3A_1295 = tpu.memref_squeeze %dma_wait3A_1294 : memref<1x128xi32, #tpu.memory_space<vmem>> -> memref<128xi32, #tpu.memory_space<vmem>>
        %dma_wait3A_1296 = arith.constant 0 : i32
        %dma_wait3A_1297 = tpu.memref_slice %arg13[%dma_wait3A_1296] : memref<262144xf32, #tpu.memory_space<vmem_shared>> -> memref<262144xf32, #tpu.memory_space<vmem_shared>>
        tpu.wait_indirect_dma semaphore(%arg22 : memref<!tpu.dma_semaphore, #tpu.memory_space<semaphore_mem>>) src(%dma_wait3A_1292 : memref<128xf32, #tpu.memory_space<vmem>>) dst(%dma_wait3A_1297 : memref<262144xf32, #tpu.memory_space<vmem_shared>>)
        %dma_wait3A_1298 = arith.constant 54 : i32
        %dma_wait3A_1299 = arith.constant 54 : i32
        %dma_wait3A_1300 = arith.constant 0 : i32
        %dma_wait3A_1301 = tpu.memref_slice %arg17[%dma_wait3A_1298, %dma_wait3A_1300] : memref<64x128xf32, #tpu.memory_space<vmem>> -> memref<1x128xf32, #tpu.memory_space<vmem>>
        %dma_wait3A_1302 = tpu.memref_squeeze %dma_wait3A_1301 : memref<1x128xf32, #tpu.memory_space<vmem>> -> memref<128xf32, #tpu.memory_space<vmem>>
        %dma_wait3A_1303 = arith.constant 0 : i32
        %dma_wait3A_1304 = tpu.memref_slice %arg14[%dma_wait3A_1299, %dma_wait3A_1303] : memref<64x128xi32, #tpu.memory_space<vmem>> -> memref<1x128xi32, #tpu.memory_space<vmem>>
        %dma_wait3A_1305 = tpu.memref_squeeze %dma_wait3A_1304 : memref<1x128xi32, #tpu.memory_space<vmem>> -> memref<128xi32, #tpu.memory_space<vmem>>
        %dma_wait3A_1306 = arith.constant 0 : i32
        %dma_wait3A_1307 = tpu.memref_slice %arg13[%dma_wait3A_1306] : memref<262144xf32, #tpu.memory_space<vmem_shared>> -> memref<262144xf32, #tpu.memory_space<vmem_shared>>
        tpu.wait_indirect_dma semaphore(%arg22 : memref<!tpu.dma_semaphore, #tpu.memory_space<semaphore_mem>>) src(%dma_wait3A_1302 : memref<128xf32, #tpu.memory_space<vmem>>) dst(%dma_wait3A_1307 : memref<262144xf32, #tpu.memory_space<vmem_shared>>)
        %dma_wait3A_1308 = arith.constant 55 : i32
        %dma_wait3A_1309 = arith.constant 55 : i32
        %dma_wait3A_1310 = arith.constant 0 : i32
        %dma_wait3A_1311 = tpu.memref_slice %arg17[%dma_wait3A_1308, %dma_wait3A_1310] : memref<64x128xf32, #tpu.memory_space<vmem>> -> memref<1x128xf32, #tpu.memory_space<vmem>>
        %dma_wait3A_1312 = tpu.memref_squeeze %dma_wait3A_1311 : memref<1x128xf32, #tpu.memory_space<vmem>> -> memref<128xf32, #tpu.memory_space<vmem>>
        %dma_wait3A_1313 = arith.constant 0 : i32
        %dma_wait3A_1314 = tpu.memref_slice %arg14[%dma_wait3A_1309, %dma_wait3A_1313] : memref<64x128xi32, #tpu.memory_space<vmem>> -> memref<1x128xi32, #tpu.memory_space<vmem>>
        %dma_wait3A_1315 = tpu.memref_squeeze %dma_wait3A_1314 : memref<1x128xi32, #tpu.memory_space<vmem>> -> memref<128xi32, #tpu.memory_space<vmem>>
        %dma_wait3A_1316 = arith.constant 0 : i32
        %dma_wait3A_1317 = tpu.memref_slice %arg13[%dma_wait3A_1316] : memref<262144xf32, #tpu.memory_space<vmem_shared>> -> memref<262144xf32, #tpu.memory_space<vmem_shared>>
        tpu.wait_indirect_dma semaphore(%arg22 : memref<!tpu.dma_semaphore, #tpu.memory_space<semaphore_mem>>) src(%dma_wait3A_1312 : memref<128xf32, #tpu.memory_space<vmem>>) dst(%dma_wait3A_1317 : memref<262144xf32, #tpu.memory_space<vmem_shared>>)
        %dma_wait3A_1318 = arith.constant 56 : i32
        %dma_wait3A_1319 = arith.constant 56 : i32
        %dma_wait3A_1320 = arith.constant 0 : i32
        %dma_wait3A_1321 = tpu.memref_slice %arg17[%dma_wait3A_1318, %dma_wait3A_1320] : memref<64x128xf32, #tpu.memory_space<vmem>> -> memref<1x128xf32, #tpu.memory_space<vmem>>
        %dma_wait3A_1322 = tpu.memref_squeeze %dma_wait3A_1321 : memref<1x128xf32, #tpu.memory_space<vmem>> -> memref<128xf32, #tpu.memory_space<vmem>>
        %dma_wait3A_1323 = arith.constant 0 : i32
        %dma_wait3A_1324 = tpu.memref_slice %arg14[%dma_wait3A_1319, %dma_wait3A_1323] : memref<64x128xi32, #tpu.memory_space<vmem>> -> memref<1x128xi32, #tpu.memory_space<vmem>>
        %dma_wait3A_1325 = tpu.memref_squeeze %dma_wait3A_1324 : memref<1x128xi32, #tpu.memory_space<vmem>> -> memref<128xi32, #tpu.memory_space<vmem>>
        %dma_wait3A_1326 = arith.constant 0 : i32
        %dma_wait3A_1327 = tpu.memref_slice %arg13[%dma_wait3A_1326] : memref<262144xf32, #tpu.memory_space<vmem_shared>> -> memref<262144xf32, #tpu.memory_space<vmem_shared>>
        tpu.wait_indirect_dma semaphore(%arg22 : memref<!tpu.dma_semaphore, #tpu.memory_space<semaphore_mem>>) src(%dma_wait3A_1322 : memref<128xf32, #tpu.memory_space<vmem>>) dst(%dma_wait3A_1327 : memref<262144xf32, #tpu.memory_space<vmem_shared>>)
        %dma_wait3A_1328 = arith.constant 57 : i32
        %dma_wait3A_1329 = arith.constant 57 : i32
        %dma_wait3A_1330 = arith.constant 0 : i32
        %dma_wait3A_1331 = tpu.memref_slice %arg17[%dma_wait3A_1328, %dma_wait3A_1330] : memref<64x128xf32, #tpu.memory_space<vmem>> -> memref<1x128xf32, #tpu.memory_space<vmem>>
        %dma_wait3A_1332 = tpu.memref_squeeze %dma_wait3A_1331 : memref<1x128xf32, #tpu.memory_space<vmem>> -> memref<128xf32, #tpu.memory_space<vmem>>
        %dma_wait3A_1333 = arith.constant 0 : i32
        %dma_wait3A_1334 = tpu.memref_slice %arg14[%dma_wait3A_1329, %dma_wait3A_1333] : memref<64x128xi32, #tpu.memory_space<vmem>> -> memref<1x128xi32, #tpu.memory_space<vmem>>
        %dma_wait3A_1335 = tpu.memref_squeeze %dma_wait3A_1334 : memref<1x128xi32, #tpu.memory_space<vmem>> -> memref<128xi32, #tpu.memory_space<vmem>>
        %dma_wait3A_1336 = arith.constant 0 : i32
        %dma_wait3A_1337 = tpu.memref_slice %arg13[%dma_wait3A_1336] : memref<262144xf32, #tpu.memory_space<vmem_shared>> -> memref<262144xf32, #tpu.memory_space<vmem_shared>>
        tpu.wait_indirect_dma semaphore(%arg22 : memref<!tpu.dma_semaphore, #tpu.memory_space<semaphore_mem>>) src(%dma_wait3A_1332 : memref<128xf32, #tpu.memory_space<vmem>>) dst(%dma_wait3A_1337 : memref<262144xf32, #tpu.memory_space<vmem_shared>>)
        %dma_wait3A_1338 = arith.constant 58 : i32
        %dma_wait3A_1339 = arith.constant 58 : i32
        %dma_wait3A_1340 = arith.constant 0 : i32
        %dma_wait3A_1341 = tpu.memref_slice %arg17[%dma_wait3A_1338, %dma_wait3A_1340] : memref<64x128xf32, #tpu.memory_space<vmem>> -> memref<1x128xf32, #tpu.memory_space<vmem>>
        %dma_wait3A_1342 = tpu.memref_squeeze %dma_wait3A_1341 : memref<1x128xf32, #tpu.memory_space<vmem>> -> memref<128xf32, #tpu.memory_space<vmem>>
        %dma_wait3A_1343 = arith.constant 0 : i32
        %dma_wait3A_1344 = tpu.memref_slice %arg14[%dma_wait3A_1339, %dma_wait3A_1343] : memref<64x128xi32, #tpu.memory_space<vmem>> -> memref<1x128xi32, #tpu.memory_space<vmem>>
        %dma_wait3A_1345 = tpu.memref_squeeze %dma_wait3A_1344 : memref<1x128xi32, #tpu.memory_space<vmem>> -> memref<128xi32, #tpu.memory_space<vmem>>
        %dma_wait3A_1346 = arith.constant 0 : i32
        %dma_wait3A_1347 = tpu.memref_slice %arg13[%dma_wait3A_1346] : memref<262144xf32, #tpu.memory_space<vmem_shared>> -> memref<262144xf32, #tpu.memory_space<vmem_shared>>
        tpu.wait_indirect_dma semaphore(%arg22 : memref<!tpu.dma_semaphore, #tpu.memory_space<semaphore_mem>>) src(%dma_wait3A_1342 : memref<128xf32, #tpu.memory_space<vmem>>) dst(%dma_wait3A_1347 : memref<262144xf32, #tpu.memory_space<vmem_shared>>)
        %dma_wait3A_1348 = arith.constant 59 : i32
        %dma_wait3A_1349 = arith.constant 59 : i32
        %dma_wait3A_1350 = arith.constant 0 : i32
        %dma_wait3A_1351 = tpu.memref_slice %arg17[%dma_wait3A_1348, %dma_wait3A_1350] : memref<64x128xf32, #tpu.memory_space<vmem>> -> memref<1x128xf32, #tpu.memory_space<vmem>>
        %dma_wait3A_1352 = tpu.memref_squeeze %dma_wait3A_1351 : memref<1x128xf32, #tpu.memory_space<vmem>> -> memref<128xf32, #tpu.memory_space<vmem>>
        %dma_wait3A_1353 = arith.constant 0 : i32
        %dma_wait3A_1354 = tpu.memref_slice %arg14[%dma_wait3A_1349, %dma_wait3A_1353] : memref<64x128xi32, #tpu.memory_space<vmem>> -> memref<1x128xi32, #tpu.memory_space<vmem>>
        %dma_wait3A_1355 = tpu.memref_squeeze %dma_wait3A_1354 : memref<1x128xi32, #tpu.memory_space<vmem>> -> memref<128xi32, #tpu.memory_space<vmem>>
        %dma_wait3A_1356 = arith.constant 0 : i32
        %dma_wait3A_1357 = tpu.memref_slice %arg13[%dma_wait3A_1356] : memref<262144xf32, #tpu.memory_space<vmem_shared>> -> memref<262144xf32, #tpu.memory_space<vmem_shared>>
        tpu.wait_indirect_dma semaphore(%arg22 : memref<!tpu.dma_semaphore, #tpu.memory_space<semaphore_mem>>) src(%dma_wait3A_1352 : memref<128xf32, #tpu.memory_space<vmem>>) dst(%dma_wait3A_1357 : memref<262144xf32, #tpu.memory_space<vmem_shared>>)
        %dma_wait3A_1358 = arith.constant 60 : i32
        %dma_wait3A_1359 = arith.constant 60 : i32
        %dma_wait3A_1360 = arith.constant 0 : i32
        %dma_wait3A_1361 = tpu.memref_slice %arg17[%dma_wait3A_1358, %dma_wait3A_1360] : memref<64x128xf32, #tpu.memory_space<vmem>> -> memref<1x128xf32, #tpu.memory_space<vmem>>
        %dma_wait3A_1362 = tpu.memref_squeeze %dma_wait3A_1361 : memref<1x128xf32, #tpu.memory_space<vmem>> -> memref<128xf32, #tpu.memory_space<vmem>>
        %dma_wait3A_1363 = arith.constant 0 : i32
        %dma_wait3A_1364 = tpu.memref_slice %arg14[%dma_wait3A_1359, %dma_wait3A_1363] : memref<64x128xi32, #tpu.memory_space<vmem>> -> memref<1x128xi32, #tpu.memory_space<vmem>>
        %dma_wait3A_1365 = tpu.memref_squeeze %dma_wait3A_1364 : memref<1x128xi32, #tpu.memory_space<vmem>> -> memref<128xi32, #tpu.memory_space<vmem>>
        %dma_wait3A_1366 = arith.constant 0 : i32
        %dma_wait3A_1367 = tpu.memref_slice %arg13[%dma_wait3A_1366] : memref<262144xf32, #tpu.memory_space<vmem_shared>> -> memref<262144xf32, #tpu.memory_space<vmem_shared>>
        tpu.wait_indirect_dma semaphore(%arg22 : memref<!tpu.dma_semaphore, #tpu.memory_space<semaphore_mem>>) src(%dma_wait3A_1362 : memref<128xf32, #tpu.memory_space<vmem>>) dst(%dma_wait3A_1367 : memref<262144xf32, #tpu.memory_space<vmem_shared>>)
        %dma_wait3A_1368 = arith.constant 61 : i32
        %dma_wait3A_1369 = arith.constant 61 : i32
        %dma_wait3A_1370 = arith.constant 0 : i32
        %dma_wait3A_1371 = tpu.memref_slice %arg17[%dma_wait3A_1368, %dma_wait3A_1370] : memref<64x128xf32, #tpu.memory_space<vmem>> -> memref<1x128xf32, #tpu.memory_space<vmem>>
        %dma_wait3A_1372 = tpu.memref_squeeze %dma_wait3A_1371 : memref<1x128xf32, #tpu.memory_space<vmem>> -> memref<128xf32, #tpu.memory_space<vmem>>
        %dma_wait3A_1373 = arith.constant 0 : i32
        %dma_wait3A_1374 = tpu.memref_slice %arg14[%dma_wait3A_1369, %dma_wait3A_1373] : memref<64x128xi32, #tpu.memory_space<vmem>> -> memref<1x128xi32, #tpu.memory_space<vmem>>
        %dma_wait3A_1375 = tpu.memref_squeeze %dma_wait3A_1374 : memref<1x128xi32, #tpu.memory_space<vmem>> -> memref<128xi32, #tpu.memory_space<vmem>>
        %dma_wait3A_1376 = arith.constant 0 : i32
        %dma_wait3A_1377 = tpu.memref_slice %arg13[%dma_wait3A_1376] : memref<262144xf32, #tpu.memory_space<vmem_shared>> -> memref<262144xf32, #tpu.memory_space<vmem_shared>>
        tpu.wait_indirect_dma semaphore(%arg22 : memref<!tpu.dma_semaphore, #tpu.memory_space<semaphore_mem>>) src(%dma_wait3A_1372 : memref<128xf32, #tpu.memory_space<vmem>>) dst(%dma_wait3A_1377 : memref<262144xf32, #tpu.memory_space<vmem_shared>>)
        %dma_wait3A_1378 = arith.constant 62 : i32
        %dma_wait3A_1379 = arith.constant 62 : i32
        %dma_wait3A_1380 = arith.constant 0 : i32
        %dma_wait3A_1381 = tpu.memref_slice %arg17[%dma_wait3A_1378, %dma_wait3A_1380] : memref<64x128xf32, #tpu.memory_space<vmem>> -> memref<1x128xf32, #tpu.memory_space<vmem>>
        %dma_wait3A_1382 = tpu.memref_squeeze %dma_wait3A_1381 : memref<1x128xf32, #tpu.memory_space<vmem>> -> memref<128xf32, #tpu.memory_space<vmem>>
        %dma_wait3A_1383 = arith.constant 0 : i32
        %dma_wait3A_1384 = tpu.memref_slice %arg14[%dma_wait3A_1379, %dma_wait3A_1383] : memref<64x128xi32, #tpu.memory_space<vmem>> -> memref<1x128xi32, #tpu.memory_space<vmem>>
        %dma_wait3A_1385 = tpu.memref_squeeze %dma_wait3A_1384 : memref<1x128xi32, #tpu.memory_space<vmem>> -> memref<128xi32, #tpu.memory_space<vmem>>
        %dma_wait3A_1386 = arith.constant 0 : i32
        %dma_wait3A_1387 = tpu.memref_slice %arg13[%dma_wait3A_1386] : memref<262144xf32, #tpu.memory_space<vmem_shared>> -> memref<262144xf32, #tpu.memory_space<vmem_shared>>
        tpu.wait_indirect_dma semaphore(%arg22 : memref<!tpu.dma_semaphore, #tpu.memory_space<semaphore_mem>>) src(%dma_wait3A_1382 : memref<128xf32, #tpu.memory_space<vmem>>) dst(%dma_wait3A_1387 : memref<262144xf32, #tpu.memory_space<vmem_shared>>)
        %dma_wait3A_1388 = arith.constant 63 : i32
        %dma_wait3A_1389 = arith.constant 63 : i32
        %dma_wait3A_1390 = arith.constant 0 : i32
        %dma_wait3A_1391 = tpu.memref_slice %arg17[%dma_wait3A_1388, %dma_wait3A_1390] : memref<64x128xf32, #tpu.memory_space<vmem>> -> memref<1x128xf32, #tpu.memory_space<vmem>>
        %dma_wait3A_1392 = tpu.memref_squeeze %dma_wait3A_1391 : memref<1x128xf32, #tpu.memory_space<vmem>> -> memref<128xf32, #tpu.memory_space<vmem>>
        %dma_wait3A_1393 = arith.constant 0 : i32
        %dma_wait3A_1394 = tpu.memref_slice %arg14[%dma_wait3A_1389, %dma_wait3A_1393] : memref<64x128xi32, #tpu.memory_space<vmem>> -> memref<1x128xi32, #tpu.memory_space<vmem>>
        %dma_wait3A_1395 = tpu.memref_squeeze %dma_wait3A_1394 : memref<1x128xi32, #tpu.memory_space<vmem>> -> memref<128xi32, #tpu.memory_space<vmem>>
        %dma_wait3A_1396 = arith.constant 0 : i32
        %dma_wait3A_1397 = tpu.memref_slice %arg13[%dma_wait3A_1396] : memref<262144xf32, #tpu.memory_space<vmem_shared>> -> memref<262144xf32, #tpu.memory_space<vmem_shared>>
        tpu.wait_indirect_dma semaphore(%arg22 : memref<!tpu.dma_semaphore, #tpu.memory_space<semaphore_mem>>) src(%dma_wait3A_1392 : memref<128xf32, #tpu.memory_space<vmem>>) dst(%dma_wait3A_1397 : memref<262144xf32, #tpu.memory_space<vmem_shared>>)
      } else {
      }
      %barrier3A_92 = arith.constant 0 : index
      tpu.barrier barrier_id(%barrier3A_92)
      %and3A_93 = arith.andi %eq3A_62, %lt3A_59 : i1
      %convert_element_type3A_94 = arith.extui %and3A_93 : i1 to i32
      %cond3A_95 = arith.constant 0 : i32
      %cond3A_96 = arith.cmpi ne, %convert_element_type3A_94, %cond3A_95 : i32
      scf.if %cond3A_96 {
        "tpu.region"() ({
          %run_scoped3A_118 = tpu.sem_alloc : memref<!tpu.dma_semaphore, #tpu.memory_space<semaphore_mem>>
          %dma_start3A_119 = arith.constant 0 : i32
          %dma_start3A_120 = tpu.memref_slice %arg12[%dma_start3A_119] : memref<262144xf32, #tpu.memory_space<vmem_shared>> -> memref<262144xf32, #tpu.memory_space<vmem_shared>>
          tpu.enqueue_indirect_dma source(%dma_start3A_120 : memref<262144xf32, #tpu.memory_space<vmem_shared>>) target(%arg18 : memref<8192xf32, #tpu.memory_space<vmem>>) offsets(%arg15 : memref<8192xi32, #tpu.memory_space<vmem>>) semaphore(%run_scoped3A_118 : memref<!tpu.dma_semaphore, #tpu.memory_space<semaphore_mem>>)
          %dma_wait3A_121 = arith.constant 0 : i32
          %dma_wait3A_122 = tpu.memref_slice %arg12[%dma_wait3A_121] : memref<262144xf32, #tpu.memory_space<vmem_shared>> -> memref<262144xf32, #tpu.memory_space<vmem_shared>>
          tpu.wait_indirect_dma semaphore(%run_scoped3A_118 : memref<!tpu.dma_semaphore, #tpu.memory_space<semaphore_mem>>) src(%dma_wait3A_122 : memref<262144xf32, #tpu.memory_space<vmem_shared>>) dst(%arg18 : memref<8192xf32, #tpu.memory_space<vmem>>)
          tpu.yield
        }) : () -> ()
        "tpu.region"() ({
          %run_scoped3A_118 = tpu.sem_alloc : memref<!tpu.dma_semaphore, #tpu.memory_space<semaphore_mem>>
          %dma_start3A_119 = arith.constant 0 : i32
          %dma_start3A_120 = tpu.memref_slice %arg9[%add3A_58, %arg1, %dma_start3A_119] : memref<59x16x8192xf32, #tpu.memory_space<hbm>> -> memref<1x1x8192xf32, #tpu.memory_space<hbm>>
          %dma_start3A_121 = tpu.memref_squeeze %dma_start3A_120 : memref<1x1x8192xf32, #tpu.memory_space<hbm>> -> memref<8192xf32, #tpu.memory_space<hbm>>
          %dma_start3A_122 = arith.constant 0 : i32
          %dma_start3A_123 = tpu.memref_slice %arg9[%add3A_58, %arg1, %dma_start3A_122] : memref<59x16x8192xf32, #tpu.memory_space<hbm>> -> memref<1x1x8192xf32, #tpu.memory_space<hbm>>
          %dma_start3A_124 = tpu.memref_squeeze %dma_start3A_123 : memref<1x1x8192xf32, #tpu.memory_space<hbm>> -> memref<8192xf32, #tpu.memory_space<hbm>>
          tpu.enqueue_dma source(%arg18 : memref<8192xf32, #tpu.memory_space<vmem>>) target(%dma_start3A_124 : memref<8192xf32, #tpu.memory_space<hbm>>) target_semaphore(%run_scoped3A_118 : memref<!tpu.dma_semaphore, #tpu.memory_space<semaphore_mem>>)
          %dma_wait3A_125 = arith.constant 0 : i32
          %dma_wait3A_126 = tpu.memref_slice %arg9[%add3A_58, %arg1, %dma_wait3A_125] : memref<59x16x8192xf32, #tpu.memory_space<hbm>> -> memref<1x1x8192xf32, #tpu.memory_space<hbm>>
          %dma_wait3A_127 = tpu.memref_squeeze %dma_wait3A_126 : memref<1x1x8192xf32, #tpu.memory_space<hbm>> -> memref<8192xf32, #tpu.memory_space<hbm>>
          %dma_wait3A_128 = arith.constant 0 : i32
          %dma_wait3A_129 = tpu.memref_slice %arg9[%add3A_58, %arg1, %dma_wait3A_128] : memref<59x16x8192xf32, #tpu.memory_space<hbm>> -> memref<1x1x8192xf32, #tpu.memory_space<hbm>>
          %dma_wait3A_130 = tpu.memref_squeeze %dma_wait3A_129 : memref<1x1x8192xf32, #tpu.memory_space<hbm>> -> memref<8192xf32, #tpu.memory_space<hbm>>
          tpu.wait_dma2 semaphore(%run_scoped3A_118 : memref<!tpu.dma_semaphore, #tpu.memory_space<semaphore_mem>>) src(%arg18 : memref<8192xf32, #tpu.memory_space<vmem>>) dst(%dma_wait3A_130 : memref<8192xf32, #tpu.memory_space<hbm>>)
          tpu.yield
        }) : () -> ()
      } else {
      }
      %not3A_97 = arith.constant true
      %not3A_98 = arith.xori %eq3A_62, %not3A_97 : i1
      %and3A_99 = arith.andi %not3A_98, %lt3A_59 : i1
      %convert_element_type3A_100 = arith.extui %and3A_99 : i1 to i32
      %cond3A_101 = arith.constant 0 : i32
      %cond3A_102 = arith.cmpi ne, %convert_element_type3A_100, %cond3A_101 : i32
      scf.if %cond3A_102 {
        "tpu.region"() ({
          %run_scoped3A_118 = tpu.sem_alloc : memref<!tpu.dma_semaphore, #tpu.memory_space<semaphore_mem>>
          %dma_start3A_119 = arith.constant 0 : i32
          %dma_start3A_120 = tpu.memref_slice %arg13[%dma_start3A_119] : memref<262144xf32, #tpu.memory_space<vmem_shared>> -> memref<262144xf32, #tpu.memory_space<vmem_shared>>
          tpu.enqueue_indirect_dma source(%dma_start3A_120 : memref<262144xf32, #tpu.memory_space<vmem_shared>>) target(%arg18 : memref<8192xf32, #tpu.memory_space<vmem>>) offsets(%arg15 : memref<8192xi32, #tpu.memory_space<vmem>>) semaphore(%run_scoped3A_118 : memref<!tpu.dma_semaphore, #tpu.memory_space<semaphore_mem>>)
          %dma_wait3A_121 = arith.constant 0 : i32
          %dma_wait3A_122 = tpu.memref_slice %arg13[%dma_wait3A_121] : memref<262144xf32, #tpu.memory_space<vmem_shared>> -> memref<262144xf32, #tpu.memory_space<vmem_shared>>
          tpu.wait_indirect_dma semaphore(%run_scoped3A_118 : memref<!tpu.dma_semaphore, #tpu.memory_space<semaphore_mem>>) src(%dma_wait3A_122 : memref<262144xf32, #tpu.memory_space<vmem_shared>>) dst(%arg18 : memref<8192xf32, #tpu.memory_space<vmem>>)
          tpu.yield
        }) : () -> ()
        "tpu.region"() ({
          %run_scoped3A_118 = tpu.sem_alloc : memref<!tpu.dma_semaphore, #tpu.memory_space<semaphore_mem>>
          %dma_start3A_119 = arith.constant 0 : i32
          %dma_start3A_120 = tpu.memref_slice %arg9[%add3A_58, %arg1, %dma_start3A_119] : memref<59x16x8192xf32, #tpu.memory_space<hbm>> -> memref<1x1x8192xf32, #tpu.memory_space<hbm>>
          %dma_start3A_121 = tpu.memref_squeeze %dma_start3A_120 : memref<1x1x8192xf32, #tpu.memory_space<hbm>> -> memref<8192xf32, #tpu.memory_space<hbm>>
          %dma_start3A_122 = arith.constant 0 : i32
          %dma_start3A_123 = tpu.memref_slice %arg9[%add3A_58, %arg1, %dma_start3A_122] : memref<59x16x8192xf32, #tpu.memory_space<hbm>> -> memref<1x1x8192xf32, #tpu.memory_space<hbm>>
          %dma_start3A_124 = tpu.memref_squeeze %dma_start3A_123 : memref<1x1x8192xf32, #tpu.memory_space<hbm>> -> memref<8192xf32, #tpu.memory_space<hbm>>
          tpu.enqueue_dma source(%arg18 : memref<8192xf32, #tpu.memory_space<vmem>>) target(%dma_start3A_124 : memref<8192xf32, #tpu.memory_space<hbm>>) target_semaphore(%run_scoped3A_118 : memref<!tpu.dma_semaphore, #tpu.memory_space<semaphore_mem>>)
          %dma_wait3A_125 = arith.constant 0 : i32
          %dma_wait3A_126 = tpu.memref_slice %arg9[%add3A_58, %arg1, %dma_wait3A_125] : memref<59x16x8192xf32, #tpu.memory_space<hbm>> -> memref<1x1x8192xf32, #tpu.memory_space<hbm>>
          %dma_wait3A_127 = tpu.memref_squeeze %dma_wait3A_126 : memref<1x1x8192xf32, #tpu.memory_space<hbm>> -> memref<8192xf32, #tpu.memory_space<hbm>>
          %dma_wait3A_128 = arith.constant 0 : i32
          %dma_wait3A_129 = tpu.memref_slice %arg9[%add3A_58, %arg1, %dma_wait3A_128] : memref<59x16x8192xf32, #tpu.memory_space<hbm>> -> memref<1x1x8192xf32, #tpu.memory_space<hbm>>
          %dma_wait3A_130 = tpu.memref_squeeze %dma_wait3A_129 : memref<1x1x8192xf32, #tpu.memory_space<hbm>> -> memref<8192xf32, #tpu.memory_space<hbm>>
          tpu.wait_dma2 semaphore(%run_scoped3A_118 : memref<!tpu.dma_semaphore, #tpu.memory_space<semaphore_mem>>) src(%arg18 : memref<8192xf32, #tpu.memory_space<vmem>>) dst(%dma_wait3A_130 : memref<8192xf32, #tpu.memory_space<hbm>>)
          tpu.yield
        }) : () -> ()
      } else {
      }
      %lt3A_103 = arith.constant 3 : i32
      %lt3A_104 = arith.cmpi slt, %add3A_58, %lt3A_103 : i32
      %and3A_105 = arith.andi %eq3A_62, %lt3A_104 : i1
      %convert_element_type3A_106 = arith.extui %and3A_105 : i1 to i32
      %cond3A_107 = arith.constant 0 : i32
      %cond3A_108 = arith.cmpi ne, %convert_element_type3A_106, %cond3A_107 : i32
      scf.if %cond3A_108 {
        "tpu.region"() ({
          %run_scoped3A_147 = tpu.sem_alloc : memref<!tpu.dma_semaphore, #tpu.memory_space<semaphore_mem>>
          %dma_start3A_148 = tpu.memref_slice %arg12[%mul3A_12] : memref<262144xf32, #tpu.memory_space<vmem_shared>> -> memref<16384xf32, #tpu.memory_space<vmem_shared>>
          %dma_start3A_149 = tpu.memref_slice %arg12[%mul3A_12] : memref<262144xf32, #tpu.memory_space<vmem_shared>> -> memref<16384xf32, #tpu.memory_space<vmem_shared>>
          tpu.enqueue_dma source(%dma_start3A_149 : memref<16384xf32, #tpu.memory_space<vmem_shared>>) target(%arg20 : memref<16384xf32, #tpu.memory_space<vmem>>) target_semaphore(%run_scoped3A_147 : memref<!tpu.dma_semaphore, #tpu.memory_space<semaphore_mem>>)
          %dma_wait3A_150 = tpu.memref_slice %arg12[%mul3A_12] : memref<262144xf32, #tpu.memory_space<vmem_shared>> -> memref<16384xf32, #tpu.memory_space<vmem_shared>>
          %dma_wait3A_151 = tpu.memref_slice %arg12[%mul3A_12] : memref<262144xf32, #tpu.memory_space<vmem_shared>> -> memref<16384xf32, #tpu.memory_space<vmem_shared>>
          tpu.wait_dma2 semaphore(%run_scoped3A_147 : memref<!tpu.dma_semaphore, #tpu.memory_space<semaphore_mem>>) src(%dma_wait3A_151 : memref<16384xf32, #tpu.memory_space<vmem_shared>>) dst(%arg20 : memref<16384xf32, #tpu.memory_space<vmem>>)
          tpu.yield
        }) : () -> ()
        %scan3A_118 = arith.constant 0 : i32
        %scan3A_119 = arith.constant 1024 : i32
        %scan3A_120 = arith.addi %scan3A_118, %scan3A_119 : i32
        %scan3A_121 = arith.constant 1 : i32
        %scan3A_122:2 = scf.for %scan3A_147 = %scan3A_118 to %scan3A_120 step %scan3A_121 iter_args(%scan3A_148 = %broadcast_in_dim3A_0, %scan3A_149 = %broadcast_in_dim3A_0) -> (vector<16xf32>, vector<16xf32>)  : i32 {
          %mul3A_150 = arith.constant 16 : i32
          %mul3A_151 = arith.muli %scan3A_147, %mul3A_150 : i32
          %get3A_152 = arith.index_cast %mul3A_151 : i32 to index
          %get3A_153 = tpu.vector_load %arg20[%get3A_152] {strides = array<i32>} : memref<16384xf32, #tpu.memory_space<vmem>>, vector<16xf32>,
          %get3A_154 = vector.shape_cast %get3A_153 : vector<16xf32> to vector<16xf32>
          %add3A_155 = arith.addf %scan3A_148, %get3A_154 : vector<16xf32>
          %mul3A_156 = arith.mulf %get3A_154, %get3A_154 : vector<16xf32>
          %add3A_157 = arith.addf %scan3A_149, %mul3A_156 : vector<16xf32>
          scf.yield %add3A_155, %add3A_157 : vector<16xf32>, vector<16xf32>
        }
        %scan3A_123 = arith.constant 1024 : i32
        %get3A = arith.constant 0 : i32
        %get3A_124 = arith.index_cast %get3A : i32 to index
        %get3A_125 = arith.constant 0 : index
        %get3A_126 = tpu.vector_load %arg21[%get3A_124, %get3A_125] {strides = array<i32>} : memref<2x16xf32, #tpu.memory_space<vmem>>, vector<1x16xf32>,
        %get3A_127 = vector.shape_cast %get3A_126 : vector<1x16xf32> to vector<16xf32>
        %add3A_128 = arith.addf %get3A_127, %scan3A_122#0 : vector<16xf32>
        %swap3A_129 = arith.constant 0 : i32
        %swap3A_130 = arith.index_cast %swap3A_129 : i32 to index
        %swap3A_131 = arith.constant 0 : index
        %swap3A_132 = tpu.vector_load %arg21[%swap3A_130, %swap3A_131] {strides = array<i32>} : memref<2x16xf32, #tpu.memory_space<vmem>>, vector<1x16xf32>,
        %swap3A_133 = vector.shape_cast %swap3A_132 : vector<1x16xf32> to vector<16xf32>
        %swap3A_134 = vector.shape_cast %add3A_128 : vector<16xf32> to vector<1x16xf32>
        tpu.vector_store %arg21[%swap3A_130, %swap3A_131], %swap3A_134 {strides = array<i32>} : memref<2x16xf32, #tpu.memory_space<vmem>>, vector<1x16xf32>,
        %get3A_135 = arith.constant 1 : i32
        %get3A_136 = arith.index_cast %get3A_135 : i32 to index
        %get3A_137 = arith.constant 0 : index
        %get3A_138 = tpu.vector_load %arg21[%get3A_136, %get3A_137] {strides = array<i32>} : memref<2x16xf32, #tpu.memory_space<vmem>>, vector<1x16xf32>,
        %get3A_139 = vector.shape_cast %get3A_138 : vector<1x16xf32> to vector<16xf32>
        %add3A_140 = arith.addf %get3A_139, %scan3A_122#1 : vector<16xf32>
        %swap3A_141 = arith.constant 1 : i32
        %swap3A_142 = arith.index_cast %swap3A_141 : i32 to index
        %swap3A_143 = arith.constant 0 : index
        %swap3A_144 = tpu.vector_load %arg21[%swap3A_142, %swap3A_143] {strides = array<i32>} : memref<2x16xf32, #tpu.memory_space<vmem>>, vector<1x16xf32>,
        %swap3A_145 = vector.shape_cast %swap3A_144 : vector<1x16xf32> to vector<16xf32>
        %swap3A_146 = vector.shape_cast %add3A_140 : vector<16xf32> to vector<1x16xf32>
        tpu.vector_store %arg21[%swap3A_142, %swap3A_143], %swap3A_146 {strides = array<i32>} : memref<2x16xf32, #tpu.memory_space<vmem>>, vector<1x16xf32>,
      } else {
      }
      %not3A_109 = arith.constant true
      %not3A_110 = arith.xori %eq3A_62, %not3A_109 : i1
      %lt3A_111 = arith.constant 3 : i32
      %lt3A_112 = arith.cmpi slt, %add3A_58, %lt3A_111 : i32
      %and3A_113 = arith.andi %not3A_110, %lt3A_112 : i1
      %convert_element_type3A_114 = arith.extui %and3A_113 : i1 to i32
      %cond3A_115 = arith.constant 0 : i32
      %cond3A_116 = arith.cmpi ne, %convert_element_type3A_114, %cond3A_115 : i32
      scf.if %cond3A_116 {
        "tpu.region"() ({
          %run_scoped3A_147 = tpu.sem_alloc : memref<!tpu.dma_semaphore, #tpu.memory_space<semaphore_mem>>
          %dma_start3A_148 = tpu.memref_slice %arg13[%mul3A_12] : memref<262144xf32, #tpu.memory_space<vmem_shared>> -> memref<16384xf32, #tpu.memory_space<vmem_shared>>
          %dma_start3A_149 = tpu.memref_slice %arg13[%mul3A_12] : memref<262144xf32, #tpu.memory_space<vmem_shared>> -> memref<16384xf32, #tpu.memory_space<vmem_shared>>
          tpu.enqueue_dma source(%dma_start3A_149 : memref<16384xf32, #tpu.memory_space<vmem_shared>>) target(%arg20 : memref<16384xf32, #tpu.memory_space<vmem>>) target_semaphore(%run_scoped3A_147 : memref<!tpu.dma_semaphore, #tpu.memory_space<semaphore_mem>>)
          %dma_wait3A_150 = tpu.memref_slice %arg13[%mul3A_12] : memref<262144xf32, #tpu.memory_space<vmem_shared>> -> memref<16384xf32, #tpu.memory_space<vmem_shared>>
          %dma_wait3A_151 = tpu.memref_slice %arg13[%mul3A_12] : memref<262144xf32, #tpu.memory_space<vmem_shared>> -> memref<16384xf32, #tpu.memory_space<vmem_shared>>
          tpu.wait_dma2 semaphore(%run_scoped3A_147 : memref<!tpu.dma_semaphore, #tpu.memory_space<semaphore_mem>>) src(%dma_wait3A_151 : memref<16384xf32, #tpu.memory_space<vmem_shared>>) dst(%arg20 : memref<16384xf32, #tpu.memory_space<vmem>>)
          tpu.yield
        }) : () -> ()
        %scan3A_118 = arith.constant 0 : i32
        %scan3A_119 = arith.constant 1024 : i32
        %scan3A_120 = arith.addi %scan3A_118, %scan3A_119 : i32
        %scan3A_121 = arith.constant 1 : i32
        %scan3A_122:2 = scf.for %scan3A_147 = %scan3A_118 to %scan3A_120 step %scan3A_121 iter_args(%scan3A_148 = %broadcast_in_dim3A_0, %scan3A_149 = %broadcast_in_dim3A_0) -> (vector<16xf32>, vector<16xf32>)  : i32 {
          %mul3A_150 = arith.constant 16 : i32
          %mul3A_151 = arith.muli %scan3A_147, %mul3A_150 : i32
          %get3A_152 = arith.index_cast %mul3A_151 : i32 to index
          %get3A_153 = tpu.vector_load %arg20[%get3A_152] {strides = array<i32>} : memref<16384xf32, #tpu.memory_space<vmem>>, vector<16xf32>,
          %get3A_154 = vector.shape_cast %get3A_153 : vector<16xf32> to vector<16xf32>
          %add3A_155 = arith.addf %scan3A_148, %get3A_154 : vector<16xf32>
          %mul3A_156 = arith.mulf %get3A_154, %get3A_154 : vector<16xf32>
          %add3A_157 = arith.addf %scan3A_149, %mul3A_156 : vector<16xf32>
          scf.yield %add3A_155, %add3A_157 : vector<16xf32>, vector<16xf32>
        }
        %scan3A_123 = arith.constant 1024 : i32
        %get3A = arith.constant 0 : i32
        %get3A_124 = arith.index_cast %get3A : i32 to index
        %get3A_125 = arith.constant 0 : index
        %get3A_126 = tpu.vector_load %arg21[%get3A_124, %get3A_125] {strides = array<i32>} : memref<2x16xf32, #tpu.memory_space<vmem>>, vector<1x16xf32>,
        %get3A_127 = vector.shape_cast %get3A_126 : vector<1x16xf32> to vector<16xf32>
        %add3A_128 = arith.addf %get3A_127, %scan3A_122#0 : vector<16xf32>
        %swap3A_129 = arith.constant 0 : i32
        %swap3A_130 = arith.index_cast %swap3A_129 : i32 to index
        %swap3A_131 = arith.constant 0 : index
        %swap3A_132 = tpu.vector_load %arg21[%swap3A_130, %swap3A_131] {strides = array<i32>} : memref<2x16xf32, #tpu.memory_space<vmem>>, vector<1x16xf32>,
        %swap3A_133 = vector.shape_cast %swap3A_132 : vector<1x16xf32> to vector<16xf32>
        %swap3A_134 = vector.shape_cast %add3A_128 : vector<16xf32> to vector<1x16xf32>
        tpu.vector_store %arg21[%swap3A_130, %swap3A_131], %swap3A_134 {strides = array<i32>} : memref<2x16xf32, #tpu.memory_space<vmem>>, vector<1x16xf32>,
        %get3A_135 = arith.constant 1 : i32
        %get3A_136 = arith.index_cast %get3A_135 : i32 to index
        %get3A_137 = arith.constant 0 : index
        %get3A_138 = tpu.vector_load %arg21[%get3A_136, %get3A_137] {strides = array<i32>} : memref<2x16xf32, #tpu.memory_space<vmem>>, vector<1x16xf32>,
        %get3A_139 = vector.shape_cast %get3A_138 : vector<1x16xf32> to vector<16xf32>
        %add3A_140 = arith.addf %get3A_139, %scan3A_122#1 : vector<16xf32>
        %swap3A_141 = arith.constant 1 : i32
        %swap3A_142 = arith.index_cast %swap3A_141 : i32 to index
        %swap3A_143 = arith.constant 0 : index
        %swap3A_144 = tpu.vector_load %arg21[%swap3A_142, %swap3A_143] {strides = array<i32>} : memref<2x16xf32, #tpu.memory_space<vmem>>, vector<1x16xf32>,
        %swap3A_145 = vector.shape_cast %swap3A_144 : vector<1x16xf32> to vector<16xf32>
        %swap3A_146 = vector.shape_cast %add3A_140 : vector<16xf32> to vector<1x16xf32>
        tpu.vector_store %arg21[%swap3A_142, %swap3A_143], %swap3A_146 {strides = array<i32>} : memref<2x16xf32, #tpu.memory_space<vmem>>, vector<1x16xf32>,
      } else {
      }
      %barrier3A_117 = arith.constant 0 : index
      tpu.barrier barrier_id(%barrier3A_117)
    }
    %scan3A_40 = arith.constant 30 : i32
    %dma_wait3A = arith.constant 0 : i32
    %dma_wait3A_41 = tpu.memref_slice %arg12[%mul3A_12] : memref<262144xf32, #tpu.memory_space<vmem_shared>> -> memref<16384xf32, #tpu.memory_space<vmem_shared>>
    %dma_wait3A_42 = tpu.memref_slice %arg2[%dma_wait3A, %mul3A_12] : memref<59x262144xf32, #tpu.memory_space<hbm>> -> memref<1x16384xf32, #tpu.memory_space<hbm>>
    %dma_wait3A_43 = tpu.memref_squeeze %dma_wait3A_42 : memref<1x16384xf32, #tpu.memory_space<hbm>> -> memref<16384xf32, #tpu.memory_space<hbm>>
    tpu.wait_dma2 semaphore(%arg23 : memref<!tpu.dma_semaphore, #tpu.memory_space<semaphore_mem>>) src(%dma_wait3A_43 : memref<16384xf32, #tpu.memory_space<hbm>>) dst(%dma_wait3A_41 : memref<16384xf32, #tpu.memory_space<vmem_shared>>)
    %dma_wait3A_44 = arith.constant 0 : i32
    %dma_wait3A_45 = arith.constant 0 : i32
    %dma_wait3A_46 = arith.constant 0 : i32
    %dma_wait3A_47 = tpu.memref_slice %arg3[%dma_wait3A_44, %dma_wait3A_45, %dma_wait3A_46] : memref<59x1024x128xf32, #tpu.memory_space<hbm>> -> memref<1x64x128xf32, #tpu.memory_space<hbm>>
    %dma_wait3A_48 = tpu.memref_squeeze %dma_wait3A_47 : memref<1x64x128xf32, #tpu.memory_space<hbm>> -> memref<64x128xf32, #tpu.memory_space<hbm>>
    %dma_wait3A_49 = arith.constant 0 : i32
    %dma_wait3A_50 = arith.constant 0 : i32
    %dma_wait3A_51 = tpu.memref_slice %arg3[%dma_wait3A_44, %dma_wait3A_49, %dma_wait3A_50] : memref<59x1024x128xf32, #tpu.memory_space<hbm>> -> memref<1x64x128xf32, #tpu.memory_space<hbm>>
    %dma_wait3A_52 = tpu.memref_squeeze %dma_wait3A_51 : memref<1x64x128xf32, #tpu.memory_space<hbm>> -> memref<64x128xf32, #tpu.memory_space<hbm>>
    tpu.wait_dma2 semaphore(%arg24 : memref<!tpu.dma_semaphore, #tpu.memory_space<semaphore_mem>>) src(%dma_wait3A_52 : memref<64x128xf32, #tpu.memory_space<hbm>>) dst(%arg16 : memref<64x128xf32, #tpu.memory_space<vmem>>)
    %eq3A = arith.constant 0 : i32
    %eq3A_53 = arith.cmpi eq, %arg0, %eq3A : i32
    %convert_element_type3A = arith.extui %eq3A_53 : i1 to i32
    %cond3A = arith.constant 0 : i32
    %cond3A_54 = arith.cmpi ne, %convert_element_type3A, %cond3A : i32
    scf.if %cond3A_54 {
      %run_scoped3A_55 = arith.constant 0 : i32
      %run_scoped3A_56 = arith.constant 0 : i32
      "tpu.region"() ({
        %run_scoped3A_59 = tpu.sem_alloc : memref<!tpu.dma_semaphore, #tpu.memory_space<semaphore_mem>>
        %dma_start3A_60 = arith.constant 0 : i32
        %dma_start3A_61 = tpu.memref_slice %arg21[%run_scoped3A_55, %dma_start3A_60] : memref<2x16xf32, #tpu.memory_space<vmem>> -> memref<1x16xf32, #tpu.memory_space<vmem>>
        %dma_start3A_62 = tpu.memref_squeeze %dma_start3A_61 : memref<1x16xf32, #tpu.memory_space<vmem>> -> memref<16xf32, #tpu.memory_space<vmem>>
        %dma_start3A_63 = arith.constant 0 : i32
        %dma_start3A_64 = tpu.memref_slice %arg11[%run_scoped3A_56, %arg1, %dma_start3A_63] : memref<2x16x16xf32, #tpu.memory_space<hbm>> -> memref<1x1x16xf32, #tpu.memory_space<hbm>>
        %dma_start3A_65 = tpu.memref_squeeze %dma_start3A_64 : memref<1x1x16xf32, #tpu.memory_space<hbm>> -> memref<16xf32, #tpu.memory_space<hbm>>
        %dma_start3A_66 = arith.constant 0 : i32
        %dma_start3A_67 = tpu.memref_slice %arg11[%run_scoped3A_56, %arg1, %dma_start3A_66] : memref<2x16x16xf32, #tpu.memory_space<hbm>> -> memref<1x1x16xf32, #tpu.memory_space<hbm>>
        %dma_start3A_68 = tpu.memref_squeeze %dma_start3A_67 : memref<1x1x16xf32, #tpu.memory_space<hbm>> -> memref<16xf32, #tpu.memory_space<hbm>>
        %dma_start3A_69 = arith.constant 0 : i32
        %dma_start3A_70 = tpu.memref_slice %arg21[%run_scoped3A_55, %dma_start3A_69] : memref<2x16xf32, #tpu.memory_space<vmem>> -> memref<1x16xf32, #tpu.memory_space<vmem>>
        %dma_start3A_71 = tpu.memref_squeeze %dma_start3A_70 : memref<1x16xf32, #tpu.memory_space<vmem>> -> memref<16xf32, #tpu.memory_space<vmem>>
        tpu.enqueue_dma source(%dma_start3A_71 : memref<16xf32, #tpu.memory_space<vmem>>) target(%dma_start3A_68 : memref<16xf32, #tpu.memory_space<hbm>>) target_semaphore(%run_scoped3A_59 : memref<!tpu.dma_semaphore, #tpu.memory_space<semaphore_mem>>)
        %dma_wait3A_72 = arith.constant 0 : i32
        %dma_wait3A_73 = tpu.memref_slice %arg21[%run_scoped3A_55, %dma_wait3A_72] : memref<2x16xf32, #tpu.memory_space<vmem>> -> memref<1x16xf32, #tpu.memory_space<vmem>>
        %dma_wait3A_74 = tpu.memref_squeeze %dma_wait3A_73 : memref<1x16xf32, #tpu.memory_space<vmem>> -> memref<16xf32, #tpu.memory_space<vmem>>
        %dma_wait3A_75 = arith.constant 0 : i32
        %dma_wait3A_76 = tpu.memref_slice %arg11[%run_scoped3A_56, %arg1, %dma_wait3A_75] : memref<2x16x16xf32, #tpu.memory_space<hbm>> -> memref<1x1x16xf32, #tpu.memory_space<hbm>>
        %dma_wait3A_77 = tpu.memref_squeeze %dma_wait3A_76 : memref<1x1x16xf32, #tpu.memory_space<hbm>> -> memref<16xf32, #tpu.memory_space<hbm>>
        %dma_wait3A_78 = arith.constant 0 : i32
        %dma_wait3A_79 = tpu.memref_slice %arg11[%run_scoped3A_56, %arg1, %dma_wait3A_78] : memref<2x16x16xf32, #tpu.memory_space<hbm>> -> memref<1x1x16xf32, #tpu.memory_space<hbm>>
        %dma_wait3A_80 = tpu.memref_squeeze %dma_wait3A_79 : memref<1x1x16xf32, #tpu.memory_space<hbm>> -> memref<16xf32, #tpu.memory_space<hbm>>
        %dma_wait3A_81 = arith.constant 0 : i32
        %dma_wait3A_82 = tpu.memref_slice %arg21[%run_scoped3A_55, %dma_wait3A_81] : memref<2x16xf32, #tpu.memory_space<vmem>> -> memref<1x16xf32, #tpu.memory_space<vmem>>
        %dma_wait3A_83 = tpu.memref_squeeze %dma_wait3A_82 : memref<1x16xf32, #tpu.memory_space<vmem>> -> memref<16xf32, #tpu.memory_space<vmem>>
        tpu.wait_dma2 semaphore(%run_scoped3A_59 : memref<!tpu.dma_semaphore, #tpu.memory_space<semaphore_mem>>) src(%dma_wait3A_83 : memref<16xf32, #tpu.memory_space<vmem>>) dst(%dma_wait3A_80 : memref<16xf32, #tpu.memory_space<hbm>>)
        tpu.yield
      }) : () -> ()
      %run_scoped3A_57 = arith.constant 1 : i32
      %run_scoped3A_58 = arith.constant 1 : i32
      "tpu.region"() ({
        %run_scoped3A_59 = tpu.sem_alloc : memref<!tpu.dma_semaphore, #tpu.memory_space<semaphore_mem>>
        %dma_start3A_60 = arith.constant 0 : i32
        %dma_start3A_61 = tpu.memref_slice %arg21[%run_scoped3A_57, %dma_start3A_60] : memref<2x16xf32, #tpu.memory_space<vmem>> -> memref<1x16xf32, #tpu.memory_space<vmem>>
        %dma_start3A_62 = tpu.memref_squeeze %dma_start3A_61 : memref<1x16xf32, #tpu.memory_space<vmem>> -> memref<16xf32, #tpu.memory_space<vmem>>
        %dma_start3A_63 = arith.constant 0 : i32
        %dma_start3A_64 = tpu.memref_slice %arg11[%run_scoped3A_58, %arg1, %dma_start3A_63] : memref<2x16x16xf32, #tpu.memory_space<hbm>> -> memref<1x1x16xf32, #tpu.memory_space<hbm>>
        %dma_start3A_65 = tpu.memref_squeeze %dma_start3A_64 : memref<1x1x16xf32, #tpu.memory_space<hbm>> -> memref<16xf32, #tpu.memory_space<hbm>>
        %dma_start3A_66 = arith.constant 0 : i32
        %dma_start3A_67 = tpu.memref_slice %arg11[%run_scoped3A_58, %arg1, %dma_start3A_66] : memref<2x16x16xf32, #tpu.memory_space<hbm>> -> memref<1x1x16xf32, #tpu.memory_space<hbm>>
        %dma_start3A_68 = tpu.memref_squeeze %dma_start3A_67 : memref<1x1x16xf32, #tpu.memory_space<hbm>> -> memref<16xf32, #tpu.memory_space<hbm>>
        %dma_start3A_69 = arith.constant 0 : i32
        %dma_start3A_70 = tpu.memref_slice %arg21[%run_scoped3A_57, %dma_start3A_69] : memref<2x16xf32, #tpu.memory_space<vmem>> -> memref<1x16xf32, #tpu.memory_space<vmem>>
        %dma_start3A_71 = tpu.memref_squeeze %dma_start3A_70 : memref<1x16xf32, #tpu.memory_space<vmem>> -> memref<16xf32, #tpu.memory_space<vmem>>
        tpu.enqueue_dma source(%dma_start3A_71 : memref<16xf32, #tpu.memory_space<vmem>>) target(%dma_start3A_68 : memref<16xf32, #tpu.memory_space<hbm>>) target_semaphore(%run_scoped3A_59 : memref<!tpu.dma_semaphore, #tpu.memory_space<semaphore_mem>>)
        %dma_wait3A_72 = arith.constant 0 : i32
        %dma_wait3A_73 = tpu.memref_slice %arg21[%run_scoped3A_57, %dma_wait3A_72] : memref<2x16xf32, #tpu.memory_space<vmem>> -> memref<1x16xf32, #tpu.memory_space<vmem>>
        %dma_wait3A_74 = tpu.memref_squeeze %dma_wait3A_73 : memref<1x16xf32, #tpu.memory_space<vmem>> -> memref<16xf32, #tpu.memory_space<vmem>>
        %dma_wait3A_75 = arith.constant 0 : i32
        %dma_wait3A_76 = tpu.memref_slice %arg11[%run_scoped3A_58, %arg1, %dma_wait3A_75] : memref<2x16x16xf32, #tpu.memory_space<hbm>> -> memref<1x1x16xf32, #tpu.memory_space<hbm>>
        %dma_wait3A_77 = tpu.memref_squeeze %dma_wait3A_76 : memref<1x1x16xf32, #tpu.memory_space<hbm>> -> memref<16xf32, #tpu.memory_space<hbm>>
        %dma_wait3A_78 = arith.constant 0 : i32
        %dma_wait3A_79 = tpu.memref_slice %arg11[%run_scoped3A_58, %arg1, %dma_wait3A_78] : memref<2x16x16xf32, #tpu.memory_space<hbm>> -> memref<1x1x16xf32, #tpu.memory_space<hbm>>
        %dma_wait3A_80 = tpu.memref_squeeze %dma_wait3A_79 : memref<1x1x16xf32, #tpu.memory_space<hbm>> -> memref<16xf32, #tpu.memory_space<hbm>>
        %dma_wait3A_81 = arith.constant 0 : i32
        %dma_wait3A_82 = tpu.memref_slice %arg21[%run_scoped3A_57, %dma_wait3A_81] : memref<2x16xf32, #tpu.memory_space<vmem>> -> memref<1x16xf32, #tpu.memory_space<vmem>>
        %dma_wait3A_83 = tpu.memref_squeeze %dma_wait3A_82 : memref<1x16xf32, #tpu.memory_space<vmem>> -> memref<16xf32, #tpu.memory_space<vmem>>
        tpu.wait_dma2 semaphore(%run_scoped3A_59 : memref<!tpu.dma_semaphore, #tpu.memory_space<semaphore_mem>>) src(%dma_wait3A_83 : memref<16xf32, #tpu.memory_space<vmem>>) dst(%dma_wait3A_80 : memref<16xf32, #tpu.memory_space<hbm>>)
        tpu.yield
      }) : () -> ()
    } else {
    }
    return
  }
}

module attributes {stable_mosaic.version = 14 : i64} {
  func.func @_tc_dense_body(%arg0: i32, %arg1: memref<59x4096xf32, #tpu.memory_space<vmem>>, %arg2: memref<3x4096xf32, #tpu.memory_space<vmem>>, %arg3: memref<2x16x16xf32, #tpu.memory_space<vmem>>, %arg4: memref<8x1xf32, #tpu.memory_space<vmem>>, %arg5: memref<3x4096xf32, #tpu.memory_space<vmem>>, %arg6: memref<9x4096xf32, #tpu.memory_space<vmem>>, %arg7: memref<48x4096xf32, #tpu.memory_space<vmem>>, %arg8: memref<1x4096xf32, #tpu.memory_space<vmem>>) attributes {dimension_semantics = [#tpu.dimension_semantics<arbitrary>], iteration_bounds = array<i64: 32>, scalar_prefetch = 0 : i64, scratch_operands = 0 : i64, tpu.core_type = #tpu.core_type<tc>, window_params = [{transform_indices = @transform_0, window_bounds = array<i64: 59, 4096>}, {transform_indices = @transform_1, window_bounds = array<i64: 3, 4096>}, {pipeline_mode = #tpu.pipeline_mode<synchronous>, transform_indices = @transform_2, window_bounds = array<i64: 2, 16, 16>}, {pipeline_mode = #tpu.pipeline_mode<synchronous>, transform_indices = @transform_3, window_bounds = array<i64: 8, 1>}, {transform_indices = @transform_4, window_bounds = array<i64: 3, 4096>}, {transform_indices = @transform_5, window_bounds = array<i64: 9, 4096>}, {transform_indices = @transform_6, window_bounds = array<i64: 48, 4096>}, {transform_indices = @transform_7, window_bounds = array<i64: 1, 4096>}]} {
    %get3A = arith.constant 0 : index
    %get3A_0 = arith.constant 0 : index
    %get3A_1 = arith.constant 0 : index
    %get3A_2 = vector.load %arg3[%get3A, %get3A_0, %get3A_1] : memref<2x16x16xf32, #tpu.memory_space<vmem>>, vector<2x16x16xf32>
    %slice3A = vector.extract_strided_slice %get3A_2 {offsets = [0, 0, 0], sizes = [1, 16, 16], strides = [1, 1, 1]} : vector<2x16x16xf32> to vector<1x16x16xf32>
    %squeeze3A = vector.shape_cast %slice3A : vector<1x16x16xf32> to vector<16x16xf32>
    %reduce_sum3A = vector.shape_cast %squeeze3A : vector<16x16xf32> to vector<1x16x16xf32>
    %reduce_sum3A_3 = arith.constant dense<0.000000e+00> : vector<1xf32>
    %reduce_sum3A_4 = vector.multi_reduction <add>, %reduce_sum3A, %reduce_sum3A_3 [1, 2] : vector<1x16x16xf32> to vector<1xf32>
    %reduce_sum3A_5 = vector.shape_cast %reduce_sum3A_4 : vector<1xf32> to vector<1x1x1xf32>
    %reduce_sum3A_6 = vector.extract %reduce_sum3A_5[0, 0, 0] : f32 from vector<1x1x1xf32>
    %slice3A_7 = vector.extract_strided_slice %get3A_2 {offsets = [1, 0, 0], sizes = [1, 16, 16], strides = [1, 1, 1]} : vector<2x16x16xf32> to vector<1x16x16xf32>
    %squeeze3A_8 = vector.shape_cast %slice3A_7 : vector<1x16x16xf32> to vector<16x16xf32>
    %reduce_sum3A_9 = vector.shape_cast %squeeze3A_8 : vector<16x16xf32> to vector<1x16x16xf32>
    %reduce_sum3A_10 = arith.constant dense<0.000000e+00> : vector<1xf32>
    %reduce_sum3A_11 = vector.multi_reduction <add>, %reduce_sum3A_9, %reduce_sum3A_10 [1, 2] : vector<1x16x16xf32> to vector<1xf32>
    %reduce_sum3A_12 = vector.shape_cast %reduce_sum3A_11 : vector<1xf32> to vector<1x1x1xf32>
    %reduce_sum3A_13 = vector.extract %reduce_sum3A_12[0, 0, 0] : f32 from vector<1x1x1xf32>
    %div3A = arith.constant 7.864320e+05 : f32
    %div3A_14 = arith.divf %reduce_sum3A_6, %div3A : f32
    %mul3A = arith.mulf %reduce_sum3A_6, %reduce_sum3A_6 : f32
    %div3A_15 = arith.constant 7.864320e+05 : f32
    %div3A_16 = arith.divf %mul3A, %div3A_15 : f32
    %sub3A = arith.subf %reduce_sum3A_13, %div3A_16 : f32
    %sub3A_17 = arith.constant 7.864320e+05 : f32
    %sub3A_18 = arith.constant 1.000000e+00 : f32
    %sub3A_19 = arith.subf %sub3A_17, %sub3A_18 : f32
    %div3A_20 = arith.divf %sub3A, %sub3A_19 : f32
    %rsqrt3A = math.rsqrt %div3A_20 : f32
    %get3A_21 = arith.constant 0 : index
    %get3A_22 = arith.constant 0 : index
    %get3A_23 = vector.load %arg4[%get3A_21, %get3A_22] : memref<8x1xf32, #tpu.memory_space<vmem>>, vector<8x1xf32>
    %slice3A_24 = vector.extract_strided_slice %get3A_23 {offsets = [0, 0], sizes = [1, 1], strides = [1, 1]} : vector<8x1xf32> to vector<1x1xf32>
    %slice3A_25 = vector.extract_strided_slice %get3A_23 {offsets = [1, 0], sizes = [1, 1], strides = [1, 1]} : vector<8x1xf32> to vector<1x1xf32>
    %slice3A_26 = vector.extract_strided_slice %get3A_23 {offsets = [2, 0], sizes = [3, 1], strides = [1, 1]} : vector<8x1xf32> to vector<3x1xf32>
    %get3A_27 = arith.constant 0 : index
    %get3A_28 = arith.constant 0 : index
    %get3A_29 = vector.load %arg1[%get3A_27, %get3A_28] : memref<59x4096xf32, #tpu.memory_space<vmem>>, vector<59x4096xf32>
    %get3A_30 = arith.constant 0 : index
    %get3A_31 = arith.constant 0 : index
    %get3A_32 = vector.load %arg2[%get3A_30, %get3A_31] : memref<3x4096xf32, #tpu.memory_space<vmem>>, vector<3x4096xf32>
    %slice3A_33 = vector.extract_strided_slice %get3A_29 {offsets = [0, 0], sizes = [3, 4096], strides = [1, 1]} : vector<59x4096xf32> to vector<3x4096xf32>
    %sub3A_34 = vector.broadcast %div3A_14 : f32 to vector<3x4096xf32>
    %sub3A_35 = arith.subf %slice3A_33, %sub3A_34 : vector<3x4096xf32>
    %mul3A_36 = vector.broadcast %rsqrt3A : f32 to vector<1x1xf32>
    %mul3A_37 = arith.mulf %mul3A_36, %slice3A_25 : vector<1x1xf32>
    %mul3A_38 = vector.broadcast %mul3A_37 : vector<1x1xf32> to vector<3x4096xf32>
    %mul3A_39 = arith.mulf %sub3A_35, %mul3A_38 : vector<3x4096xf32>
    %mul3A_40 = vector.broadcast %slice3A_24 : vector<1x1xf32> to vector<3x4096xf32>
    %mul3A_41 = arith.mulf %get3A_32, %mul3A_40 : vector<3x4096xf32>
    %add3A = arith.addf %mul3A_39, %mul3A_41 : vector<3x4096xf32>
    %add3A_42 = vector.broadcast %slice3A_26 : vector<3x1xf32> to vector<3x4096xf32>
    %add3A_43 = arith.addf %add3A, %add3A_42 : vector<3x4096xf32>
    %swap3A = arith.constant 0 : index
    %swap3A_44 = arith.constant 0 : index
    %swap3A_45 = vector.load %arg5[%swap3A, %swap3A_44] : memref<3x4096xf32, #tpu.memory_space<vmem>>, vector<3x4096xf32>
    tpu.vector_store %arg5[%swap3A, %swap3A_44], %add3A_43 {strides = array<i32>} : memref<3x4096xf32, #tpu.memory_space<vmem>>, vector<3x4096xf32>,
    %slice3A_46 = vector.extract_strided_slice %get3A_29 {offsets = [3, 0], sizes = [4, 4096], strides = [1, 1]} : vector<59x4096xf32> to vector<4x4096xf32>
    %mul3A_47 = arith.mulf %slice3A_46, %slice3A_46 : vector<4x4096xf32>
    %reduce_sum3A_48 = arith.constant dense<0.000000e+00> : vector<4096xf32>
    %reduce_sum3A_49 = vector.multi_reduction <add>, %mul3A_47, %reduce_sum3A_48 [0] : vector<4x4096xf32> to vector<4096xf32>
    %broadcast_in_dim3A = vector.shape_cast %reduce_sum3A_49 : vector<4096xf32> to vector<1x4096xf32>
    %rsqrt3A_50 = math.rsqrt %broadcast_in_dim3A : vector<1x4096xf32>
    %mul3A_51 = vector.broadcast %rsqrt3A_50 : vector<1x4096xf32> to vector<4x4096xf32>
    %mul3A_52 = arith.mulf %slice3A_46, %mul3A_51 : vector<4x4096xf32>
    %slice3A_53 = vector.extract_strided_slice %mul3A_52 {offsets = [0, 0], sizes = [1, 4096], strides = [1, 1]} : vector<4x4096xf32> to vector<1x4096xf32>
    %slice3A_54 = vector.extract_strided_slice %mul3A_52 {offsets = [1, 0], sizes = [1, 4096], strides = [1, 1]} : vector<4x4096xf32> to vector<1x4096xf32>
    %slice3A_55 = vector.extract_strided_slice %mul3A_52 {offsets = [2, 0], sizes = [1, 4096], strides = [1, 1]} : vector<4x4096xf32> to vector<1x4096xf32>
    %slice3A_56 = vector.extract_strided_slice %mul3A_52 {offsets = [3, 0], sizes = [1, 4096], strides = [1, 1]} : vector<4x4096xf32> to vector<1x4096xf32>
    %slice3A_57 = vector.extract_strided_slice %get3A_29 {offsets = [7, 0], sizes = [3, 4096], strides = [1, 1]} : vector<59x4096xf32> to vector<3x4096xf32>
    %logistic3A = arith.negf %slice3A_57 : vector<3x4096xf32>
    %logistic3A_58 = math.exp %logistic3A : vector<3x4096xf32>
    %logistic3A_59 = arith.constant 1.000000e+00 : f32
    %logistic3A_60 = vector.broadcast %logistic3A_59 : f32 to vector<3x4096xf32>
    %logistic3A_61 = arith.addf %logistic3A_60, %logistic3A_58 : vector<3x4096xf32>
    %logistic3A_62 = arith.divf %logistic3A_60, %logistic3A_61 : vector<3x4096xf32>
    %mul3A_63 = vector.broadcast %slice3A_24 : vector<1x1xf32> to vector<3x4096xf32>
    %mul3A_64 = arith.mulf %logistic3A_62, %mul3A_63 : vector<3x4096xf32>
    %slice3A_65 = vector.extract_strided_slice %mul3A_64 {offsets = [0, 0], sizes = [1, 4096], strides = [1, 1]} : vector<3x4096xf32> to vector<1x4096xf32>
    %slice3A_66 = vector.extract_strided_slice %mul3A_64 {offsets = [1, 0], sizes = [1, 4096], strides = [1, 1]} : vector<3x4096xf32> to vector<1x4096xf32>
    %slice3A_67 = vector.extract_strided_slice %mul3A_64 {offsets = [2, 0], sizes = [1, 4096], strides = [1, 1]} : vector<3x4096xf32> to vector<1x4096xf32>
    %mul3A_68 = arith.mulf %slice3A_55, %slice3A_55 : vector<1x4096xf32>
    %mul3A_69 = arith.mulf %slice3A_56, %slice3A_56 : vector<1x4096xf32>
    %add3A_70 = arith.addf %mul3A_68, %mul3A_69 : vector<1x4096xf32>
    %mul3A_71 = arith.constant 2.000000e+00 : f32
    %mul3A_72 = vector.broadcast %mul3A_71 : f32 to vector<1x4096xf32>
    %mul3A_73 = arith.mulf %mul3A_72, %add3A_70 : vector<1x4096xf32>
    %sub3A_74 = arith.constant 1.000000e+00 : f32
    %sub3A_75 = vector.broadcast %sub3A_74 : f32 to vector<1x4096xf32>
    %sub3A_76 = arith.subf %sub3A_75, %mul3A_73 : vector<1x4096xf32>
    %mul3A_77 = arith.mulf %slice3A_54, %slice3A_55 : vector<1x4096xf32>
    %mul3A_78 = arith.mulf %slice3A_53, %slice3A_56 : vector<1x4096xf32>
    %sub3A_79 = arith.subf %mul3A_77, %mul3A_78 : vector<1x4096xf32>
    %mul3A_80 = arith.constant 2.000000e+00 : f32
    %mul3A_81 = vector.broadcast %mul3A_80 : f32 to vector<1x4096xf32>
    %mul3A_82 = arith.mulf %mul3A_81, %sub3A_79 : vector<1x4096xf32>
    %mul3A_83 = arith.mulf %slice3A_54, %slice3A_56 : vector<1x4096xf32>
    %mul3A_84 = arith.mulf %slice3A_53, %slice3A_55 : vector<1x4096xf32>
    %add3A_85 = arith.addf %mul3A_83, %mul3A_84 : vector<1x4096xf32>
    %mul3A_86 = arith.constant 2.000000e+00 : f32
    %mul3A_87 = vector.broadcast %mul3A_86 : f32 to vector<1x4096xf32>
    %mul3A_88 = arith.mulf %mul3A_87, %add3A_85 : vector<1x4096xf32>
    %mul3A_89 = arith.mulf %slice3A_54, %slice3A_55 : vector<1x4096xf32>
    %mul3A_90 = arith.mulf %slice3A_53, %slice3A_56 : vector<1x4096xf32>
    %add3A_91 = arith.addf %mul3A_89, %mul3A_90 : vector<1x4096xf32>
    %mul3A_92 = arith.constant 2.000000e+00 : f32
    %mul3A_93 = vector.broadcast %mul3A_92 : f32 to vector<1x4096xf32>
    %mul3A_94 = arith.mulf %mul3A_93, %add3A_91 : vector<1x4096xf32>
    %mul3A_95 = arith.mulf %slice3A_54, %slice3A_54 : vector<1x4096xf32>
    %mul3A_96 = arith.mulf %slice3A_56, %slice3A_56 : vector<1x4096xf32>
    %add3A_97 = arith.addf %mul3A_95, %mul3A_96 : vector<1x4096xf32>
    %mul3A_98 = arith.constant 2.000000e+00 : f32
    %mul3A_99 = vector.broadcast %mul3A_98 : f32 to vector<1x4096xf32>
    %mul3A_100 = arith.mulf %mul3A_99, %add3A_97 : vector<1x4096xf32>
    %sub3A_101 = arith.constant 1.000000e+00 : f32
    %sub3A_102 = vector.broadcast %sub3A_101 : f32 to vector<1x4096xf32>
    %sub3A_103 = arith.subf %sub3A_102, %mul3A_100 : vector<1x4096xf32>
    %mul3A_104 = arith.mulf %slice3A_55, %slice3A_56 : vector<1x4096xf32>
    %mul3A_105 = arith.mulf %slice3A_53, %slice3A_54 : vector<1x4096xf32>
    %sub3A_106 = arith.subf %mul3A_104, %mul3A_105 : vector<1x4096xf32>
    %mul3A_107 = arith.constant 2.000000e+00 : f32
    %mul3A_108 = vector.broadcast %mul3A_107 : f32 to vector<1x4096xf32>
    %mul3A_109 = arith.mulf %mul3A_108, %sub3A_106 : vector<1x4096xf32>
    %mul3A_110 = arith.mulf %slice3A_54, %slice3A_56 : vector<1x4096xf32>
    %mul3A_111 = arith.mulf %slice3A_53, %slice3A_55 : vector<1x4096xf32>
    %sub3A_112 = arith.subf %mul3A_110, %mul3A_111 : vector<1x4096xf32>
    %mul3A_113 = arith.constant 2.000000e+00 : f32
    %mul3A_114 = vector.broadcast %mul3A_113 : f32 to vector<1x4096xf32>
    %mul3A_115 = arith.mulf %mul3A_114, %sub3A_112 : vector<1x4096xf32>
    %mul3A_116 = arith.mulf %slice3A_55, %slice3A_56 : vector<1x4096xf32>
    %mul3A_117 = arith.mulf %slice3A_53, %slice3A_54 : vector<1x4096xf32>
    %add3A_118 = arith.addf %mul3A_116, %mul3A_117 : vector<1x4096xf32>
    %mul3A_119 = arith.constant 2.000000e+00 : f32
    %mul3A_120 = vector.broadcast %mul3A_119 : f32 to vector<1x4096xf32>
    %mul3A_121 = arith.mulf %mul3A_120, %add3A_118 : vector<1x4096xf32>
    %mul3A_122 = arith.mulf %slice3A_54, %slice3A_54 : vector<1x4096xf32>
    %mul3A_123 = arith.mulf %slice3A_55, %slice3A_55 : vector<1x4096xf32>
    %add3A_124 = arith.addf %mul3A_122, %mul3A_123 : vector<1x4096xf32>
    %mul3A_125 = arith.constant 2.000000e+00 : f32
    %mul3A_126 = vector.broadcast %mul3A_125 : f32 to vector<1x4096xf32>
    %mul3A_127 = arith.mulf %mul3A_126, %add3A_124 : vector<1x4096xf32>
    %sub3A_128 = arith.constant 1.000000e+00 : f32
    %sub3A_129 = vector.broadcast %sub3A_128 : f32 to vector<1x4096xf32>
    %sub3A_130 = arith.subf %sub3A_129, %mul3A_127 : vector<1x4096xf32>
    %mul3A_131 = arith.mulf %sub3A_76, %slice3A_65 : vector<1x4096xf32>
    %mul3A_132 = arith.mulf %mul3A_82, %slice3A_66 : vector<1x4096xf32>
    %mul3A_133 = arith.mulf %mul3A_88, %slice3A_67 : vector<1x4096xf32>
    %mul3A_134 = arith.mulf %mul3A_94, %slice3A_65 : vector<1x4096xf32>
    %mul3A_135 = arith.mulf %sub3A_103, %slice3A_66 : vector<1x4096xf32>
    %mul3A_136 = arith.mulf %mul3A_109, %slice3A_67 : vector<1x4096xf32>
    %mul3A_137 = arith.mulf %mul3A_115, %slice3A_65 : vector<1x4096xf32>
    %mul3A_138 = arith.mulf %mul3A_121, %slice3A_66 : vector<1x4096xf32>
    %mul3A_139 = arith.mulf %sub3A_130, %slice3A_67 : vector<1x4096xf32>
    %mul3A_140 = arith.mulf %mul3A_131, %mul3A_131 : vector<1x4096xf32>
    %mul3A_141 = arith.mulf %mul3A_132, %mul3A_132 : vector<1x4096xf32>
    %add3A_142 = arith.addf %mul3A_140, %mul3A_141 : vector<1x4096xf32>
    %mul3A_143 = arith.mulf %mul3A_133, %mul3A_133 : vector<1x4096xf32>
    %add3A_144 = arith.addf %add3A_142, %mul3A_143 : vector<1x4096xf32>
    %mul3A_145 = arith.mulf %mul3A_131, %mul3A_134 : vector<1x4096xf32>
    %mul3A_146 = arith.mulf %mul3A_132, %mul3A_135 : vector<1x4096xf32>
    %add3A_147 = arith.addf %mul3A_145, %mul3A_146 : vector<1x4096xf32>
    %mul3A_148 = arith.mulf %mul3A_133, %mul3A_136 : vector<1x4096xf32>
    %add3A_149 = arith.addf %add3A_147, %mul3A_148 : vector<1x4096xf32>
    %mul3A_150 = arith.mulf %mul3A_131, %mul3A_137 : vector<1x4096xf32>
    %mul3A_151 = arith.mulf %mul3A_132, %mul3A_138 : vector<1x4096xf32>
    %add3A_152 = arith.addf %mul3A_150, %mul3A_151 : vector<1x4096xf32>
    %mul3A_153 = arith.mulf %mul3A_133, %mul3A_139 : vector<1x4096xf32>
    %add3A_154 = arith.addf %add3A_152, %mul3A_153 : vector<1x4096xf32>
    %mul3A_155 = arith.mulf %mul3A_134, %mul3A_134 : vector<1x4096xf32>
    %mul3A_156 = arith.mulf %mul3A_135, %mul3A_135 : vector<1x4096xf32>
    %add3A_157 = arith.addf %mul3A_155, %mul3A_156 : vector<1x4096xf32>
    %mul3A_158 = arith.mulf %mul3A_136, %mul3A_136 : vector<1x4096xf32>
    %add3A_159 = arith.addf %add3A_157, %mul3A_158 : vector<1x4096xf32>
    %mul3A_160 = arith.mulf %mul3A_134, %mul3A_137 : vector<1x4096xf32>
    %mul3A_161 = arith.mulf %mul3A_135, %mul3A_138 : vector<1x4096xf32>
    %add3A_162 = arith.addf %mul3A_160, %mul3A_161 : vector<1x4096xf32>
    %mul3A_163 = arith.mulf %mul3A_136, %mul3A_139 : vector<1x4096xf32>
    %add3A_164 = arith.addf %add3A_162, %mul3A_163 : vector<1x4096xf32>
    %mul3A_165 = arith.mulf %mul3A_137, %mul3A_137 : vector<1x4096xf32>
    %mul3A_166 = arith.mulf %mul3A_138, %mul3A_138 : vector<1x4096xf32>
    %add3A_167 = arith.addf %mul3A_165, %mul3A_166 : vector<1x4096xf32>
    %mul3A_168 = arith.mulf %mul3A_139, %mul3A_139 : vector<1x4096xf32>
    %add3A_169 = arith.addf %add3A_167, %mul3A_168 : vector<1x4096xf32>
    %concatenate3A = tpu.concatenate %add3A_144, %add3A_149, %add3A_154, %add3A_149, %add3A_159, %add3A_164, %add3A_154, %add3A_164, %add3A_169 in 0 : vector<1x4096xf32>, vector<1x4096xf32>, vector<1x4096xf32>, vector<1x4096xf32>, vector<1x4096xf32>, vector<1x4096xf32>, vector<1x4096xf32>, vector<1x4096xf32>, vector<1x4096xf32> -> vector<9x4096xf32>
    %swap3A_170 = arith.constant 0 : index
    %swap3A_171 = arith.constant 0 : index
    %swap3A_172 = vector.load %arg6[%swap3A_170, %swap3A_171] : memref<9x4096xf32, #tpu.memory_space<vmem>>, vector<9x4096xf32>
    tpu.vector_store %arg6[%swap3A_170, %swap3A_171], %concatenate3A {strides = array<i32>} : memref<9x4096xf32, #tpu.memory_space<vmem>>, vector<9x4096xf32>,
    %slice3A_173 = vector.extract_strided_slice %get3A_29 {offsets = [10, 0], sizes = [1, 4096], strides = [1, 1]} : vector<59x4096xf32> to vector<1x4096xf32>
    %sub3A_174 = arith.constant 4.000000e+00 : f32
    %sub3A_175 = vector.broadcast %sub3A_174 : f32 to vector<1x4096xf32>
    %sub3A_176 = arith.subf %slice3A_173, %sub3A_175 : vector<1x4096xf32>
    %logistic3A_177 = arith.negf %sub3A_176 : vector<1x4096xf32>
    %logistic3A_178 = math.exp %logistic3A_177 : vector<1x4096xf32>
    %logistic3A_179 = arith.constant 1.000000e+00 : f32
    %logistic3A_180 = vector.broadcast %logistic3A_179 : f32 to vector<1x4096xf32>
    %logistic3A_181 = arith.addf %logistic3A_180, %logistic3A_178 : vector<1x4096xf32>
    %logistic3A_182 = arith.divf %logistic3A_180, %logistic3A_181 : vector<1x4096xf32>
    %swap3A_183 = arith.constant 0 : index
    %swap3A_184 = arith.constant 0 : index
    %swap3A_185 = vector.load %arg8[%swap3A_183, %swap3A_184] : memref<1x4096xf32, #tpu.memory_space<vmem>>, vector<1x4096xf32>
    tpu.vector_store %arg8[%swap3A_183, %swap3A_184], %logistic3A_182 {strides = array<i32>} : memref<1x4096xf32, #tpu.memory_space<vmem>>, vector<1x4096xf32>,
    %slice3A_186 = vector.extract_strided_slice %get3A_29 {offsets = [11, 0], sizes = [3, 4096], strides = [1, 1]} : vector<59x4096xf32> to vector<3x4096xf32>
    %logistic3A_187 = arith.negf %slice3A_186 : vector<3x4096xf32>
    %logistic3A_188 = math.exp %logistic3A_187 : vector<3x4096xf32>
    %logistic3A_189 = arith.constant 1.000000e+00 : f32
    %logistic3A_190 = vector.broadcast %logistic3A_189 : f32 to vector<3x4096xf32>
    %logistic3A_191 = arith.addf %logistic3A_190, %logistic3A_188 : vector<3x4096xf32>
    %logistic3A_192 = arith.divf %logistic3A_190, %logistic3A_191 : vector<3x4096xf32>
    %sub3A_193 = arith.constant 5.000000e-01 : f32
    %sub3A_194 = vector.broadcast %sub3A_193 : f32 to vector<3x4096xf32>
    %sub3A_195 = arith.subf %logistic3A_192, %sub3A_194 : vector<3x4096xf32>
    %div3A_196 = arith.constant 0.282094806 : f32
    %div3A_197 = vector.broadcast %div3A_196 : f32 to vector<3x4096xf32>
    %div3A_198 = arith.divf %sub3A_195, %div3A_197 : vector<3x4096xf32>
    %slice3A_199 = vector.extract_strided_slice %get3A_29 {offsets = [14, 0], sizes = [45, 4096], strides = [1, 1]} : vector<59x4096xf32> to vector<45x4096xf32>
    %concatenate3A_200 = tpu.concatenate %div3A_198, %slice3A_199 in 0 : vector<3x4096xf32>, vector<45x4096xf32> -> vector<48x4096xf32>
    %swap3A_201 = arith.constant 0 : index
    %swap3A_202 = arith.constant 0 : index
    %swap3A_203 = vector.load %arg7[%swap3A_201, %swap3A_202] : memref<48x4096xf32, #tpu.memory_space<vmem>>, vector<48x4096xf32>
    tpu.vector_store %arg7[%swap3A_201, %swap3A_202], %concatenate3A_200 {strides = array<i32>} : memref<48x4096xf32, #tpu.memory_space<vmem>>, vector<48x4096xf32>,
    return
  }
  func.func @transform_0(%arg0: i32) -> (i32, i32) {
    %c0_i32 = arith.constant 0 : i32
    %c0_i32_0 = arith.constant 0 : i32
    return %c0_i32, %arg0 : i32, i32
  }
  func.func @transform_1(%arg0: i32) -> (i32, i32) {
    %c0_i32 = arith.constant 0 : i32
    %c0_i32_0 = arith.constant 0 : i32
    return %c0_i32, %arg0 : i32, i32
  }
  func.func @transform_2(%arg0: i32) -> (i32, i32, i32) {
    %c0_i32 = arith.constant 0 : i32
    %c0_i32_0 = arith.constant 0 : i32
    %c0_i32_1 = arith.constant 0 : i32
    %c0_i32_2 = arith.constant 0 : i32
    return %c0_i32, %c0_i32_0, %c0_i32_1 : i32, i32, i32
  }
  func.func @transform_3(%arg0: i32) -> (i32, i32) {
    %c0_i32 = arith.constant 0 : i32
    %c0_i32_0 = arith.constant 0 : i32
    %c0_i32_1 = arith.constant 0 : i32
    return %c0_i32, %c0_i32_0 : i32, i32
  }
  func.func @transform_4(%arg0: i32) -> (i32, i32) {
    %c0_i32 = arith.constant 0 : i32
    %c0_i32_0 = arith.constant 0 : i32
    return %c0_i32, %arg0 : i32, i32
  }
  func.func @transform_5(%arg0: i32) -> (i32, i32) {
    %c0_i32 = arith.constant 0 : i32
    %c0_i32_0 = arith.constant 0 : i32
    return %c0_i32, %arg0 : i32, i32
  }
  func.func @transform_6(%arg0: i32) -> (i32, i32) {
    %c0_i32 = arith.constant 0 : i32
    %c0_i32_0 = arith.constant 0 : i32
    return %c0_i32, %arg0 : i32, i32
  }
  func.func @transform_7(%arg0: i32) -> (i32, i32) {
    %c0_i32 = arith.constant 0 : i32
    %c0_i32_0 = arith.constant 0 : i32
    return %c0_i32, %arg0 : i32, i32
  }
}

</mosaic_0001>

<sc_bundles>
// kernel: kernel.4.cloned.1.call-start
scs
__scs_entry_jumppad:
0x0: {  	(pc) =	sbr.rel $0x88, $3  }
0x1: {  	(tag) =	ssettag $0x0;
	lr =	simm.s32 $0x1  }
0x2: {  	[smem:$0x3F9B] =	sst lr;
	_ =	strace $0xD0000000  }
0x3: {  	_ = 	snop  }
0x4: {  	_ = 	snop  }
0x5: {  	_ = 	snop  }
0x6: {  	_ = 	snop  }
0x7: {  	_ = 	snop  }
__scs_overlays_trampoline_lowered:
0x8: {  	[smem:$0x3FAA] =	sst s0  }
0x9: {  	[smem:$0x3FAB] =	sst s1  }
0xa: {  	[smem:$0x3FAC] =	sst s2  }
0xb: {  	[smem:$0x3FAD] =	sst s3  }
0xc: {  	[smem:$0x3FAE] =	sst s4  }
0xd: {  	[smem:$0x3FAF] =	sst s5  }
0xe: {  	[smem:$0x3FB0] =	sst s6  }
0xf: {  	[smem:$0x3FB1] =	sst s7  }
0x10: {  	[smem:$0x3FB2] =	sst s8  }
0x11: {  	[smem:$0x3FB3] =	sst s9;
	s0 =	simm.s32 @!p0 $0x0  }
0x12: {  	s1 =	sld [smem:$0x3F99];
	s0 =	simm.s32 @p0 $0x1  }
0x13: {  	[smem:$0x3FB4] =	sst s0;
	s0 =	simm.s32 @!p1 $0x0  }
0x14: {  	s2 =	sld [smem:$0x3F98];
	s0 =	simm.s32 @p1 $0x1  }
0x15: {  	[smem:$0x3FB5] =	sst s0;
	s0 =	simm.s32 @!p2 $0x0  }
0x16: {  	s3 =	sld [smem:$0x3FDB];
	s0 =	simm.s32 @p2 $0x1  }
0x17: {  	s4 =	simm.s32 $0x1BF5;
	[smem:$0x3FB7] =	sst s0  }
0x18: {  	s0 =	sld [smem:$0x3F9A];
	_ =	swait.ge [sflag:s4], $0x0  }
0x19: {  	s7 =	sld [smem:$0x3F9B]  }
0x1a: {  	s8 =	sadd.s32 $0xFFFFE003, lr  }
0x1b: {  	s9 =	sadd.s32 $0xFFFFFEF7, lr;
	s5 =	simm.s32 $0xFFFFFFFF;
	p2 =	slt.u32 s8, $0xFFFFF086  }
0x1c: {  	p1 =	slt.u32 s9, $0xF7A;
	s5 =	simm.s32 @!p2 $0x0  }
0x1d: {  	s5 =	simm.s32 @p1 $0x1;
	p0 =	seq.s32 s7, s2  }
0x1e: {  	s7 =	smul.u32 @!p0 $0xF7A, s2;
	p2 =	seq.s32 @!p0 s5, $0x0  }
0x1f: {  	s9 =	smul.u32 $0xF7A, s1;
	s8 =	simm.s32 @!p0 $0x1BF5;
	p2 =	por !p2, p0  }
0x20: {  	[sflag:s8] =	ssyncset.s32 @!p0 $0xFFFFF086;
	s6 =	sadd.s32 @!p0 s3, s7;
	s7 =	simm.s32 @!p0 $0x108  }
0x21: {  	s3 =	sadd.s32 s3, s9;
	s6 =	sadd.s32 @!p0 $0x88, s6;
	s7 =	simm.s32 @p2 $0x1082  }
0x22: {  	[simem:s7], [sflag:s8] =	dma.local @!p0 [hbm:s6], $0xF7A  }
0x23: {  	s9 =	sor.u32 $0xD0000000, s2;
	s6 =	simm.s32 $0x108;
	_ =	swait.ge @!p0 [sflag:s8], $0x0  }
0x24: {  	s3 =	sadd.s32 $0x88, s3;
	s6 =	simm.s32 @!p1 $0x1082;
	[sflag:s4] =	ssyncset.s32 $0xFFFFF086  }
0x25: {  	[simem:s6], [sflag:s4] =	dma.local [hbm:s3], $0xF7A  }
0x26: {  	[smem:$0x3F9B] =	sst s1;
	(tag) =	ssettag s2;
	_ =	strace s9  }
0x27: {  	s1 =	sld [smem:$0x3FAB]  }
0x28: {  	s2 =	sld [smem:$0x3FAC]  }
0x29: {  	s4 =	sld [smem:$0x3FAE]  }
0x2a: {  	p0 =	seq.s32 s5, $0x0;
	s5 =	sld [smem:$0x3FAF]  }
0x2b: {  	s6 =	sld [smem:$0x3FB0]  }
0x2c: {  	s7 =	sld [smem:$0x3FB1]  }
0x2d: {  	s3 =	simm.s32 $0x108;
	s8 =	sld [smem:$0x3FB2]  }
0x2e: {  	s3 =	simm.s32 @!p0 $0x1082;
	s9 =	sld [smem:$0x3FB3]  }
0x2f: {  	lr =	sadd.s32 s0, s3;
	s0 =	sld [smem:$0x3FAA]  }
0x30: {  	s3 =	sld [smem:$0x3FAD]  }
0x31: {  	[smem:$0x3FB6] =	sst s10  }
0x32: {  	s10 =	sld [smem:$0x3FB4];
	_ =	sdelay $0x3  }
0x33: {  	p0 =	seq.s32 s10, $0x1;
	s10 =	sld [smem:$0x3FB6];
	_ =	sdelay $0x3  }
0x34: {  	[smem:$0x3FB6] =	sst s10  }
0x35: {  	s10 =	sld [smem:$0x3FB5];
	_ =	sdelay $0x3  }
0x36: {  	p1 =	seq.s32 s10, $0x1;
	s10 =	sld [smem:$0x3FB6];
	_ =	sdelay $0x3  }
0x37: {  	[smem:$0x3FB6] =	sst s10  }
0x38: {  	s10 =	sld [smem:$0x3FB7]  }
0x39: {  	_ = 	snop;
	(pc) =	sbr.ind lr, $3  }
0x3a: {  	_ = 	snop  }
0x3b: {  	_ = 	snop  }
0x3c: {  	p2 =	seq.s32 s10, $0x1;
	s10 =	sld [smem:$0x3FB6]  }
0x3d: {  	_ =	shalt  }
0x3e: {  	_ =	shalt  }
0x3f: {  	_ =	shalt  }
0x40: {  	_ =	shalt  }
0x41: {  	_ =	shalt  }
0x42: {  	_ =	shalt  }
0x43: {  	_ =	shalt  }
0x44: {  	_ =	shalt  }
0x45: {  	_ =	shalt  }
0x46: {  	_ =	shalt  }
0x47: {  	_ =	shalt  }
0x48: {  	_ =	shalt  }
0x49: {  	_ =	shalt  }
0x4a: {  	_ =	shalt  }
0x4b: {  	_ =	shalt  }
0x4c: {  	_ =	shalt  }
0x4d: {  	_ =	shalt  }
0x4e: {  	_ =	shalt  }
0x4f: {  	_ =	shalt  }
0x50: {  	_ =	shalt  }
0x51: {  	_ =	shalt  }
0x52: {  	_ =	shalt  }
0x53: {  	_ =	shalt  }
0x54: {  	_ =	shalt  }
0x55: {  	_ =	shalt  }
0x56: {  	_ =	shalt  }
0x57: {  	_ =	shalt  }
0x58: {  	_ =	shalt  }
0x59: {  	_ =	shalt  }
0x5a: {  	_ =	shalt  }
0x5b: {  	_ =	shalt  }
0x5c: {  	_ =	shalt  }
0x5d: {  	_ =	shalt  }
0x5e: {  	_ =	shalt  }
0x5f: {  	_ =	shalt  }
0x60: {  	_ =	shalt  }
0x61: {  	_ =	shalt  }
0x62: {  	_ =	shalt  }
0x63: {  	_ =	shalt  }
0x64: {  	_ =	shalt  }
0x65: {  	_ =	shalt  }
0x66: {  	_ =	shalt  }
0x67: {  	_ =	shalt  }
0x68: {  	_ =	shalt  }
0x69: {  	_ =	shalt  }
0x6a: {  	_ =	shalt  }
0x6b: {  	_ =	shalt  }
0x6c: {  	_ =	shalt  }
0x6d: {  	_ =	shalt  }
0x6e: {  	_ =	shalt  }
0x6f: {  	_ =	shalt  }
0x70: {  	_ =	shalt  }
0x71: {  	_ =	shalt  }
0x72: {  	_ =	shalt  }
0x73: {  	_ =	shalt  }
0x74: {  	_ =	shalt  }
0x75: {  	_ =	shalt  }
0x76: {  	_ =	shalt  }
0x77: {  	_ =	shalt  }
0x78: {  	_ =	shalt  }
0x79: {  	_ =	shalt  }
0x7a: {  	_ =	shalt  }
0x7b: {  	_ =	shalt  }
0x7c: {  	_ =	shalt  }
0x7d: {  	_ =	shalt  }
0x7e: {  	_ =	shalt  }
0x7f: {  	_ =	shalt  }
0x80: {  	_ =	shalt  }
0x81: {  	_ =	shalt  }
0x82: {  	_ =	shalt  }
0x83: {  	_ =	shalt  }
0x84: {  	_ =	shalt  }
0x85: {  	_ =	shalt  }
0x86: {  	_ =	shalt  }
0x87: {  	_ =	shalt  }
.Lfunc_end0:
.L_simem_size_0:
called_computation.2_lowered:
.L_overlay_start_0:
0x88: {  	s2 =	sld [smem:$0x3FD9]  }
0x89: {  	s3 =	sld [smem:$0x3FFE];
	_ =	sdelay $0x1  }
0x8a: {  	s1 =	srdreg.scid  }
0x8b: {  	s0 =	sand.u32 $0x1, s1  }
0x8c: {  	s14 =	sshll.u32 s0, $0xA;
	s2 =	sadd.s32 s3, s2  }
0x8d: {  	s2 =	sadd.s32 s2, s14  }
0x8e: {  	[smem:$0x3FC2] =	sst s2  }
0x8f: {  	_ = 	snop  }
0x90: {  	s2 =	sld [smem:$0x3FD0];
	_ =	sdelay $0x1  }
0x91: {  	s15 =	sld [smem:$0x3FC9]  }
0x92: {  	s5 =	simm.s32 $0xA;
	s6 =	simm.s32 $0x10;
	s4 =	sld [smem:$0x3FC5]  }
0x93: {  	[smem:s6], [sflag:s5] =	dma.local [hbm:s2], $0x1  }
0x94: {  	_ =	swait.eq [sflag:s5], $0x1  }
0x95: {  	s16 =	sld [smem:$0x10]  }
0x96: {  	s17 =	sld [smem:$0x11];
	[sflag:s5] =	ssyncset.done $0x0  }
0x97: {  	s7 =	sld [smem:$0x12];
	[sflag:s5] =	ssyncadd.s32 $0xFFFFFFFF  }
0x98: {  	s18 =	sld [smem:$0x13];
	(tm) =	ssettm $0x1  }
0x99: {  	s8 =	sld [smem:$0x3FFB];
	_ =	sdelay $0x3  }
0x9a: {  	_ =	strace s8  }
0x9b: {  	s8 =	sld [smem:$0x3FFC];
	_ =	sdelay $0x3  }
0x9c: {  	_ =	strace s8  }
0x9d: {  	s8 =	sld [smem:$0x3FFD];
	_ =	sdelay $0x3  }
0x9e: {  	_ =	strace s8  }
0x9f: {  	_ =	strace $0x8FFFFFFF  }
0xa0: {  	s19 =	sld [smem:$0x3FDB];
	_ =	sdelay $0x1  }
0xa1: {  	s9 =	simm.s32 $_scs_section_size  }
0xa2: {  	s10 =	simm.s32 $_size__tile_overlayer_lowered;
	s11 =	simm.s32 $_tile_overlayer_lowered  }
0xa3: {  	s22 =	simm.s32 $0x1BFF;
	s21 =	sshll.u32 s11, $0x1;
	s8 =	sadd.s32 s9, s19  }
0xa4: {  	s12 =	simm.s32 $0x0;
	s20 =	sshll.u32 s10, $0x1;
	s10 =	sadd.s32 s21, s8  }
0xa5: {  	[timem:s12], [sflag:s22] =	dma.local [hbm:s10], s20  }
0xa6: {  	_ =	swait.ge [sflag:s22], s20  }
0xa7: {  	s9 =	ssub.s32 $0x0, s20;
	[sflag:s22] =	ssyncset.done $0x0  }
0xa8: {  	[sflag:s22] =	ssyncadd.s32 s9;
	_ =	sdelay $0x1  }
0xa9: {  	s23 =	simm.s32 $0x1B8B  }
0xaa: {  	_ =	swait.ge [sflag:s23], $0x1  }
0xab: {  	[sflag:s23] =	ssyncset.done $0x0  }
0xac: {  	s25 =	simm.s32 $0x1B8E;
	s24 =	sld [smem:$0x3FFE];
	[sflag:s23] =	ssyncadd.s32 $0xFFFFFFFF  }
0xad: {  	s26 =	simm.s32 $execute0_lowered;
	[smem:$0x3FD2] =	sst s25  }
0xae: {  	s10 =	sshll.u32 s26, $0x1;
	_ =	strace $0x80000049;
	[dreg:$0x1] =	wrdreg $0xFFFFFFFF  }
0xaf: {  	s28 =	simm.s32 $_size_execute0_lowered;
	s8 =	sadd.s32 s8, s10;
	[dreg:$0x0] =	wrdreg $0x0  }
0xb0: {  	s10 =	sshll.u32 s28, $0x1;
	[dreg:$0x2] =	wrdreg s8  }
0xb1: {  	[dreg:$0x3] =	wrdreg s10  }
0xb2: {  	[dreg:$0x4] =	wrdreg $0xC0  }
0xb3: {  	_ =	task [dreg:s12], $0x5FFFF  }
0xb4: {  	[dreg:$0x1] =	wrdreg $0xFFFFFFFF  }
0xb5: {  	[dreg:$0x0] =	wrdreg $0x60  }
0xb6: {  	[dreg:$0x2] =	wrdreg s15  }
0xb7: {  	[dreg:$0x3] =	wrdreg s24  }
0xb8: {  	[dreg:$0x4] =	wrdreg s4  }
0xb9: {  	[dreg:$0x5] =	wrdreg s18  }
0xba: {  	[dreg:$0x6] =	wrdreg s7  }
0xbb: {  	[dreg:$0x7] =	wrdreg s17  }
0xbc: {  	[dreg:$0x8] =	wrdreg s16  }
0xbd: {  	[dreg:$0x9] =	wrdreg $0x0  }
0xbe: {  	[dreg:$0xa] =	wrdreg $0x40000  }
0xbf: {  	[dreg:$0xb] =	wrdreg $0x9  }
0xc0: {  	_ =	task.clear_ibuf [dreg:s12], $0xCFFFF;
	_ =	strace $0x90000049  }
0xc1: {  	s29 =	simm.s32 $0x9;
	_ =	strace $0x8000004B  }
0xc2: {  	_ =	swait.ge [sflag:s29], $0x1  }
0xc3: {  	[sflag:s29] =	ssyncadd.s32 $0xFFFFFFFF  }
0xc4: {  	_ =	strace $0x9000004B  }
0xc5: {  	_ =	sfence  }
0xc6: {  	s30 =	sld [smem:$0x0];
	_ =	sdelay $0x2  }
0xc7: {  	s31 =	sshll.u32 s1, $0xD;
	s1 =	sshrl.u32 s1, $0x2  }
0xc8: {  	s3 =	sand.u32 $0x4000, s31;
	s1 =	sadd.s32 s1, s30  }
0xc9: {  	s0 =	sor.u32 s3, s0;
	s1 =	sshll.u32 s1, $0x11  }
0xca: {  	s0 =	sor.u32 s1, s0  }
0xcb: {  	s0 =	sadd.s32 $0x8F2B, s0  }
0xcc: {  	[sflag:s0] =	ssyncadd.remote.s32 $0x1  }
0xcd: {  	_ =	sfence.sel $0xFFFF  }
0xce: {  	[dreg:$0x0] =	wrdreg $0xFFFFFFFF;
	(pc) =	sbr.abs _section_cstart, $3  }
0xcf: {  	[dreg:$0x1] =	wrdreg $0xFFFFFFFF  }
0xd0: {  	_ =	task.clear_ibuf [dreg:s12], $0x2FFFF;
	_ =	strace $0x9FFFFFFF  }
0xd1: {  	(tm) =	ssettm $0x7FFFFFFF  }
tec
execute0_lowered:
.L_overlay_start_1:
0x0: {  	(tag) =	ssettag $0x1  }
0x1: {  	s0 =	rddreg [dreg:$0x0]  }
0x2: {  	s1 =	rddreg [dreg:$0x1]  }
0x3: {  	s2 =	rddreg [dreg:$0x2]  }
0x4: {  	s3 =	rddreg [dreg:$0x3]  }
0x5: {  	s6 =	rddreg [dreg:$0x6]  }
0x6: {  	s4 =	rddreg [dreg:$0x7]  }
0x7: {  	s5 =	rddreg [dreg:$0x8];
	s7 =	simm.s32 $0x0  }
0x8: {  	s18 =	stileid.u32;
	s10 =	srdreg.scid;
	s31 =	simm.s32 $0x4  }
0x9: {  	[smem:$0x7FF] =	sst s7;
	s8 =	sadd.s32 $0x109E00, s1;
	s26 =	sshrl.u32 s18, $0x3  }
0xa: {  	s9 =	sshll.u32 s18, $0x7;
	s14 =	sand.u32 $0x1, s10;
	s28 =	sadd.s32 $0x101E00, s1  }
0xb: {  	s10 =	sadd.s32 $0x1E00, s1;
	s30 =	sshll.u32 s18, $0xA;
	s16 =	sshll.u32 s18, $0x11  }
0xc: {  	_ =	strace $0x8000004A;
	s9 =	sand.u32 $0x380, s9;
	s11 =	sshll.u32 s26, $0xA  }
0xd: {  	[dreg:$0xa] =	wrdreg s28;
	s12 =	ssub.s32 $0x2, s14;
	s17 =	smul.u32 $0x780000, s14  }
0xe: {  	s7 =	sshll.u32 s26, $0x10;
	s2 =	sadd.s32 s2, s30;
	s20 =	smul.u32 $0x3C0000, s14  }
0xf: {  	s21 =	sshll.u32 s14, $0x7;
	s22 =	sshll.u32 s14, $0xC;
	p0 =	sne.s32 s14, $0x0  }
0x10: {  	s11 =	sor.u32 s9, s11;
	s13 =	sshrl.u32 s12, $0x1;
	[dreg:$0xb] =	wrdreg s2  }
0x11: {  	s24 =	sor.u32 $0xA000, s22;
	s11 =	sshrl.u32 s11, $0x3;
	s15 =	ssub.s32 s12, s13  }
0x12: {  	s12 =	sor.u32 s9, s7;
	s13 =	smul.u32 $0x1E, s14;
	s19 =	sand.u32 $0x600000, s17  }
0x13: {  	[dreg:$0x10] =	wrdreg s24;
	s1 =	sadd.s32 s11, s1;
	s11 =	sshll.u32 s18, $0xD  }
0x14: {  	s9 =	sshrl.u32 s12, $0x3;
	s18 =	sshll.u32 s18, $0xE;
	s26 =	smax.u32 s15, $0x1  }
0x15: {  	s15 =	simm.s32 $0x3;
	s7 =	sadd.s32 s3, s9;
	s9 =	smul.u32 $0x300, s14  }
0x16: {  	s17 =	sadd.s32 s18, s4;
	s22 =	sadd.s32 s18, s5;
	s25 =	sadd.s32 $0xEDE00, s1  }
0x17: {  	s1 =	sadd.s32 $0xEDF00, s1;
	[dreg:$0x13] =	wrdreg s26;
	s29 =	sor.u32 $0x1, s13  }
0x18: {  	s14 =	simm.s32 $0x2;
	s26 =	simm.s32 $0x9F80;
	[dreg:$0xc] =	wrdreg s7  }
0x19: {  	s18 =	simm.s32 $0x0;
	s7 =	sor.u32 s11, s20;
	[dreg:$0x11] =	wrdreg s25  }
0x1a: {  	[dreg:$0x12] =	wrdreg s1;
	s1 =	simm.s32 $0x80;
	s2 =	sor.u32 s9, s19  }
0x1b: {  	s9 =	sor.u32 s21, s11;
	s7 =	sshrl.u32 s7, $0x3;
	s2 =	sor.u32 s16, s2  }
0x1c: {  	s9 =	sshrl.u32 s9, $0x3;
	s23 =	sadd.s32 s8, s7;
	s2 =	sshrl.u32 s2, $0x3  }
.Ltmp0:
0x1d: {  	s9 =	sadd.s32 s6, s9;
	[dreg:$0xf] =	wrdreg s23;
	(pc) =	sbr.rel .LBB2_1-.Ltmp0, $4  }
0x1e: {  	s20 =	simm.s32 $0x9F00;
	s2 =	sadd.s32 s0, s2;
	[dreg:$0xd] =	wrdreg s9  }
0x1f: {  	s21 =	simm.s32 $0x9E80;
	s28 =	sadd.s32 $0x4000, s9;
	[dreg:$0xe] =	wrdreg s2  }
0x20: {  	s6 =	simm.s32 $0x9E00;
	s30 =	sadd.s32 $0x8000, s9;
	[dreg:$0x14] =	wrdreg s28  }
0x21: {  	v0 =	vimm.f32 $0.0e+00;
	s9 =	simm.s32 $0x13000;
	[dreg:$0x15] =	wrdreg s30;
	s2 =	simm.s32 $0x1  }
.LBB2_15:
0x22: {  	_ =	swait.ge [sflag:s14], $0x800  }
0x23: {  	[sflag:s14] =	ssyncset.done $0x0  }
0x24: {  	[sflag:s14] =	ssyncadd.s32 $0xFFFFF800  }
0x25: {  	_ =	swait.ge [sflag:s15], $0x2000  }
0x26: {  	s3 =	simm.s32 @!p0 $0x0;
	[sflag:s15] =	ssyncset.done $0x0  }
0x27: {  	s7 =	simm.s32 @!p0 $0x17000;
	s18 =	rddreg [dreg:$0x11];
	[sflag:s15] =	ssyncadd.s32 $0xFFFFE000  }
0x28: {  	[hbm4b:s18+s3] =	stream.linear.scatter @!p0 [tilespmem:s7], [sflag:$0x4], $0x80, $0x38;
	[tilespmem:$0x17100] =	vst v63  }
0x29: {  	s7 =	simm.s32 @!p0 $0x4  }
0x2a: {  	_ =	swait.ge @!p0 [sflag:s7], $0x80  }
0x2b: {  	[sflag:s7] =	ssyncset.done @!p0 $0x0  }
0x2c: {  	s18 =	simm.s32 @!p0 $0x17080;
	s19 =	rddreg [dreg:$0x12];
	[sflag:s7] =	ssyncadd.s32 @!p0 $0xFFFFFF80  }
0x2d: {  	[hbm4b:s19+s3] =	stream.linear.scatter @!p0 [tilespmem:s18], [sflag:$0x4], $0x80, $0x38;
	[tilespmem:$0x17100] =	vst v63  }
0x2e: {  	_ =	swait.ge @!p0 [sflag:s7], $0x80  }
0x2f: {  	s28 =	rddreg [dreg:$0x16]  }
0x30: {  	s30 =	rddreg [dreg:$0x13];
	s18 =	sadd.s32 $0x1, s28  }
0x31: {  	p1 =	sne.s32 s18, s30  }
.Ltmp1:
0x32: {  	_ = 	snop;
	(pc) =	sbr.rel @!p1 .LBB2_16-.Ltmp1, $3  }
0x33: {  	_ =	sdelay $0x1  }
0x34: {  	[sflag:s7] =	ssyncset.done @!p0 $0x0  }
0x35: {  	[sflag:s7] =	ssyncadd.s32 @!p0 $0xFFFFFF80  }
.LBB2_1:
0x36: {  	[dreg:$0x16] =	wrdreg s18  }
0x37: {  	s18 =	simm.s32 $0x0;
	s3 =	rddreg [dreg:$0xb];
	s7 =	simm.s32 $0x8000  }
0x38: {  	[tilespmem:s7], [sflag:$0x4] =	stream.linear.gather [hbm4b:s3+s18], $0x2000, $0x38;
	[tilespmem:$0x17100] =	vst v63  }
0x39: {  	_ =	swait.ge [sflag:s31], $0x2000  }
0x3a: {  	s28 =	simm.s32 $0x400;
	[sflag:s31] =	ssyncset.done $0x0  }
0x3b: {  	s19 =	simm.s32 $0xA000;
	s25 =	rddreg [dreg:$0xc];
	[sflag:s31] =	ssyncadd.s32 $0xFFFFE000  }
0x3c: {  	[tilespmem:s19], [sflag:$0x4] =	stream.strided.gather [hbm4b:s25+s1], $0x2000, s28, s1, $0x38;
	[tilespmem:$0x17100] =	vst v63  }
0x3d: {  	_ =	swait.ge [sflag:s31], $0x2000  }
0x3e: {  	[sflag:s31] =	ssyncset.done $0x0  }
0x3f: {  	s19 =	stileid.u32;
	[sflag:s31] =	ssyncadd.s32 $0xFFFFE000  }
0x40: {  	s24 =	sshrl.u32 s17, $0x3;
	s23 =	sshll.u32 s19, $0x6;
	[tilespmem:$0x17000] =	vst v0  }
0x41: {  	s28 =	simm.s32 $0x10;
	s30 =	sor.u32 $0x1C02, s23;
	s25 =	rddreg [dreg:$0xe];
	[tilespmem:$0x17080] =	vst v0  }
0x42: {  	[spmem:s24@s28], [sflag:s30] =	dma.strided [hbm:s25@s1], $0x800, s2, $0x10   }
0x43: {  	s3 =	rddreg [dreg:$0xf]  }
0x44: {  	s23 =	simm.s32 $0xC000;
	s24 =	rddreg [dreg:$0xa]  }
0x45: {  	[tilespmem:s23], [sflag:$0x3] =	stream.linear.gather [hbm4b:s3+s18], $0x2000, $0x38;
	[tilespmem:$0x17100] =	vst v63  }
0x46: {  	s19 =	simm.s32 $0x12000;
	s7 =	rddreg [dreg:$0x10];
	s18 =	simm.s32 $0x1000  }
0x47: {  	[tilespmem:s19], [sflag:$0x4] =	stream.indirect.gather [hbm4b:s24+s18], $0x1, s7, s18, $0xb8;
	[tilespmem:$0x17100] =	vst v63  }
0x48: {  	_ =	swait.ge [sflag:s31], $0x1000  }
0x49: {  	[sflag:s31] =	ssyncset.done $0x0  }
0x4a: {  	s23 =	simm.s32 $0x100;
	s25 =	rddreg [dreg:$0xd];
	[sflag:s31] =	ssyncadd.s32 $0xFFFFF000  }
0x4b: {  	[hbm4b:s25+s1] =	stream.strided.scatter [tilespmem:s19], [sflag:$0x4], $0x1000, s23, s1, $0x38;
	[tilespmem:$0x17100] =	vst v63  }
0x4c: {  	_ =	swait.ge [sflag:s31], $0x1000  }
0x4d: {  	[sflag:s31] =	ssyncset.done $0x0  }
0x4e: {  	[sflag:s31] =	ssyncadd.s32 $0xFFFFF000  }
0x4f: {  	s28 =	rddreg [dreg:$0x4]  }
0x50: {  	[tilespmem:s19], [sflag:$0x4] =	stream.indirect.gather [hbm4b:s28+s18], $0x1, s7, s18, $0xb8;
	[tilespmem:$0x17100] =	vst v63  }
0x51: {  	_ =	swait.ge [sflag:s31], $0x1000  }
0x52: {  	[sflag:s31] =	ssyncset.done $0x0  }
0x53: {  	s24 =	rddreg [dreg:$0x14];
	[sflag:s31] =	ssyncadd.s32 $0xFFFFF000  }
0x54: {  	[hbm4b:s24+s1] =	stream.strided.scatter [tilespmem:s19], [sflag:$0x4], $0x1000, s23, s1, $0x38;
	[tilespmem:$0x17100] =	vst v63  }
0x55: {  	_ =	swait.ge [sflag:s31], $0x1000  }
0x56: {  	[sflag:s31] =	ssyncset.done $0x0  }
0x57: {  	[sflag:s31] =	ssyncadd.s32 $0xFFFFF000  }
0x58: {  	s25 =	rddreg [dreg:$0x5]  }
0x59: {  	[tilespmem:s19], [sflag:$0x4] =	stream.indirect.gather [hbm4b:s25+s18], $0x1, s7, s18, $0xb8;
	[tilespmem:$0x17100] =	vst v63  }
0x5a: {  	_ =	swait.ge [sflag:s31], $0x1000  }
0x5b: {  	[sflag:s31] =	ssyncset.done $0x0  }
.Ltmp2:
0x5c: {  	s28 =	rddreg [dreg:$0x15];
	[sflag:s31] =	ssyncadd.s32 $0xFFFFF000;
	(pc) =	sbr.rel .LBB2_2-.Ltmp2, $4  }
0x5d: {  	[hbm4b:s28+s1] =	stream.strided.scatter [tilespmem:s19], [sflag:$0x4], $0x1000, s23, s1, $0x38;
	[tilespmem:$0x17100] =	vst v63  }
0x5e: {  	_ =	swait.ge [sflag:s31], $0x1000  }
0x5f: {  	[sflag:s31] =	ssyncset.done $0x0  }
0x60: {  	s24 =	simm.s32 $0x0;
	[sflag:s31] =	ssyncadd.s32 $0xFFFFF000  }
.LBB2_14:
0x61: {  	s24 =	sadd.s32 $0x1, s24  }
0x62: {  	p1 =	sne.s32 s24, $0x1E  }
.Ltmp3:
0x63: {  	_ = 	snop;
	(pc) =	sbr.rel @!p1 .LBB2_15-.Ltmp3, $2  }
0x64: {  	_ =	sdelay $0x1  }
0x65: {  	[bflag:$0x0] =	sbarrier.arrive $0xFFFF;
	_ =	sdelay $0x1  }
.LBB2_2:
0x66: {  	s7 =	sand.u32 $0x1, s24  }
0x67: {  	p1 =	seq.s32 s7, $0x1  }
0x68: {  	s18 =	sadd.s32 @!p1 s24, s29  }
0x69: {  	p2 =	slt.s32 @!p1 s18, $0x3A  }
0x6a: {  	p2 =	por !p2, p1  }
0x6b: {  	_ =	swait.ge [sflag:s14], $0x800;
	s18 =	simm.s32 @p2 $0x3A  }
0x6c: {  	[sflag:s14] =	ssyncset.done $0x0;
	s3 =	sshll.u32 @!p1 s18, $0x7;
	s19 =	sshll.u32 @!p1 s18, $0x12  }
0x6d: {  	[sflag:s14] =	ssyncadd.s32 $0xFFFFF800;
	s3 =	sand.u32 @!p1 $0x380, s3;
	s19 =	sand.u32 @!p1 $0xE00000, s19  }
0x6e: {  	s23 =	simm.s32 @!p1 $0x1;
	_ =	swait.ge [sflag:s15], $0x2000;
	s3 =	sor.u32 @!p1 s19, s3  }
0x6f: {  	s25 =	simm.s32 @!p1 $0x10;
	[sflag:s15] =	ssyncset.done $0x0;
	s3 =	sor.u32 @!p1 s16, s3  }
0x70: {  	s28 =	simm.s32 @!p1 $0x80;
	[sflag:s15] =	ssyncadd.s32 $0xFFFFE000;
	s3 =	sshrl.u32 @!p1 s3, $0x3  }
0x71: {  	[bflag:$0x0] =	sbarrier.arrive $0xFFFF;
	s19 =	sshrl.u32 @!p1 s22, $0x3;
	s3 =	sadd.s32 @!p1 s0, s3  }
0x72: {  	[spmem:s19@s25], [sflag:s30] =	dma.strided @!p1 [hbm:s3@s28], $0x800, s23, $0x10   }
0x73: {  	s3 =	sshll.u32 @!p1 s18, $0x11  }
0x74: {  	s3 =	sor.u32 @!p1 s11, s3  }
0x75: {  	p2 =	seq.s32 s7, $0x0;
	s3 =	sshrl.u32 @!p1 s3, $0x3  }
0x76: {  	s18 =	simm.s32 @!p1 $0x0;
	s19 =	simm.s32 @!p1 $0xE000;
	s3 =	sadd.s32 @!p1 s8, s3  }
0x77: {  	[tilespmem:s19], [sflag:$0x3] =	stream.linear.gather @!p1 [hbm4b:s3+s18], $0x2000, $0x38;
	[tilespmem:$0x17100] =	vst v63  }
0x78: {  	s3 =	sadd.s32 @!p2 s24, s29  }
0x79: {  	p3 =	slt.s32 @!p2 s3, $0x3A  }
0x7a: {  	p3 =	por !p3, p2  }
0x7b: {  	s3 =	simm.s32 @p3 $0x3A  }
0x7c: {  	s18 =	sshll.u32 @!p2 s3, $0x7;
	s19 =	sshll.u32 @!p2 s3, $0x12  }
0x7d: {  	s18 =	sand.u32 @!p2 $0x300, s18;
	s19 =	sand.u32 @!p2 $0xE00000, s19  }
0x7e: {  	s23 =	simm.s32 @!p2 $0x1;
	s3 =	sshll.u32 @!p2 s3, $0x11;
	s18 =	sor.u32 @!p2 s19, s18  }
0x7f: {  	s25 =	simm.s32 @!p2 $0x10;
	s3 =	sor.u32 @!p2 s11, s3;
	s18 =	sor.u32 @!p2 s16, s18  }
0x80: {  	s28 =	simm.s32 @!p2 $0x80;
	s3 =	sshrl.u32 @!p2 s3, $0x3;
	s18 =	sshrl.u32 @!p2 s18, $0x3  }
0x81: {  	s19 =	sshrl.u32 @!p2 s17, $0x3;
	s3 =	sadd.s32 @!p2 s8, s3;
	s18 =	sadd.s32 @!p2 s0, s18  }
0x82: {  	[spmem:s19@s25], [sflag:s30] =	dma.strided @!p2 [hbm:s18@s28], $0x800, s23, $0x10   }
0x83: {  	s18 =	sadd.s32 s13, s24;
	s19 =	simm.s32 @!p2 $0x0;
	s23 =	simm.s32 @!p2 $0xC000  }
0x84: {  	[tilespmem:s23], [sflag:$0x3] =	stream.linear.gather @!p2 [hbm4b:s3+s19], $0x2000, $0x38;
	[tilespmem:$0x17100] =	vst v63  }
0x85: {  	p3 =	slt.u32 s18, $0x3B  }
0x86: {  	p2 =	por !p2, !p3  }
0x87: {  	p2 =	por !p2, !p2  }
.Ltmp4:
0x88: {  	_ = 	snop;
	(pc) =	sbr.rel @!p2 .LBB2_4-.Ltmp4, $1  }
0x89: {  	_ =	sdelay $0x3  }
0x8a: {  	s3 =	simm.s32 $0x8000;
	s19 =	simm.s32 $0xC000  }
0x8b: {  	[spmem:s4] =	stream.indirect.scatter.add.f32 [tilespmem:s19], [sflag:$0x1], $0x1, s3, s1, $0xb8;
	[tilespmem:$0x17100] =	vst v63  }
0x8c: {  	s25 =	simm.s32 $0x8080;
	s28 =	simm.s32 $0xC080  }
0x8d: {  	[spmem:s4] =	stream.indirect.scatter.add.f32 [tilespmem:s28], [sflag:$0x1], $0x1, s25, s1, $0xb8;
	[tilespmem:$0x17100] =	vst v63  }
0x8e: {  	s23 =	simm.s32 $0xC100;
	s19 =	simm.s32 $0x8100  }
0x8f: {  	[spmem:s4] =	stream.indirect.scatter.add.f32 [tilespmem:s23], [sflag:$0x1], $0x1, s19, s1, $0xb8;
	[tilespmem:$0x17100] =	vst v63  }
0x90: {  	s25 =	simm.s32 $0x8180;
	s28 =	simm.s32 $0xC180  }
0x91: {  	[spmem:s4] =	stream.indirect.scatter.add.f32 [tilespmem:s28], [sflag:$0x1], $0x1, s25, s1, $0xb8;
	[tilespmem:$0x17100] =	vst v63  }
0x92: {  	s19 =	simm.s32 $0x8200;
	s23 =	simm.s32 $0xC200  }
0x93: {  	[spmem:s4] =	stream.indirect.scatter.add.f32 [tilespmem:s23], [sflag:$0x1], $0x1, s19, s1, $0xb8;
	[tilespmem:$0x17100] =	vst v63  }
0x94: {  	s25 =	simm.s32 $0x8280;
	s28 =	simm.s32 $0xC280  }
0x95: {  	[spmem:s4] =	stream.indirect.scatter.add.f32 [tilespmem:s28], [sflag:$0x1], $0x1, s25, s1, $0xb8;
	[tilespmem:$0x17100] =	vst v63  }
0x96: {  	s19 =	simm.s32 $0x8300;
	s23 =	simm.s32 $0xC300  }
0x97: {  	[spmem:s4] =	stream.indirect.scatter.add.f32 [tilespmem:s23], [sflag:$0x1], $0x1, s19, s1, $0xb8;
	[tilespmem:$0x17100] =	vst v63  }
0x98: {  	s25 =	simm.s32 $0x8380;
	s28 =	simm.s32 $0xC380  }
0x99: {  	[spmem:s4] =	stream.indirect.scatter.add.f32 [tilespmem:s28], [sflag:$0x1], $0x1, s25, s1, $0xb8;
	[tilespmem:$0x17100] =	vst v63  }
0x9a: {  	s19 =	simm.s32 $0x8400;
	s23 =	simm.s32 $0xC400  }
0x9b: {  	[spmem:s4] =	stream.indirect.scatter.add.f32 [tilespmem:s23], [sflag:$0x1], $0x1, s19, s1, $0xb8;
	[tilespmem:$0x17100] =	vst v63  }
0x9c: {  	s25 =	simm.s32 $0x8480;
	s28 =	simm.s32 $0xC480  }
0x9d: {  	[spmem:s4] =	stream.indirect.scatter.add.f32 [tilespmem:s28], [sflag:$0x1], $0x1, s25, s1, $0xb8;
	[tilespmem:$0x17100] =	vst v63  }
0x9e: {  	s19 =	simm.s32 $0x8500;
	s23 =	simm.s32 $0xC500  }
0x9f: {  	[spmem:s4] =	stream.indirect.scatter.add.f32 [tilespmem:s23], [sflag:$0x1], $0x1, s19, s1, $0xb8;
	[tilespmem:$0x17100] =	vst v63  }
0xa0: {  	s25 =	simm.s32 $0x8580;
	s28 =	simm.s32 $0xC580  }
0xa1: {  	[spmem:s4] =	stream.indirect.scatter.add.f32 [tilespmem:s28], [sflag:$0x1], $0x1, s25, s1, $0xb8;
	[tilespmem:$0x17100] =	vst v63  }
0xa2: {  	s19 =	simm.s32 $0x8600;
	s23 =	simm.s32 $0xC600  }
0xa3: {  	[spmem:s4] =	stream.indirect.scatter.add.f32 [tilespmem:s23], [sflag:$0x1], $0x1, s19, s1, $0xb8;
	[tilespmem:$0x17100] =	vst v63  }
0xa4: {  	s25 =	simm.s32 $0x8680;
	s28 =	simm.s32 $0xC680  }
0xa5: {  	[spmem:s4] =	stream.indirect.scatter.add.f32 [tilespmem:s28], [sflag:$0x1], $0x1, s25, s1, $0xb8;
	[tilespmem:$0x17100] =	vst v63  }
0xa6: {  	s19 =	simm.s32 $0x8700;
	s23 =	simm.s32 $0xC700  }
0xa7: {  	[spmem:s4] =	stream.indirect.scatter.add.f32 [tilespmem:s23], [sflag:$0x1], $0x1, s19, s1, $0xb8;
	[tilespmem:$0x17100] =	vst v63  }
0xa8: {  	s25 =	simm.s32 $0x8780;
	s28 =	simm.s32 $0xC780  }
0xa9: {  	[spmem:s4] =	stream.indirect.scatter.add.f32 [tilespmem:s28], [sflag:$0x1], $0x1, s25, s1, $0xb8;
	[tilespmem:$0x17100] =	vst v63  }
0xaa: {  	_ =	swait.ge [sflag:s2], $0x80  }
0xab: {  	[sflag:s2] =	ssyncset.done $0x0  }
0xac: {  	s19 =	simm.s32 $0x8800;
	s23 =	simm.s32 $0xC800;
	[sflag:s2] =	ssyncadd.s32 $0xFFFFFF80  }
0xad: {  	[spmem:s4] =	stream.indirect.scatter.add.f32 [tilespmem:s23], [sflag:$0x1], $0x1, s19, s1, $0xb8;
	[tilespmem:$0x17100] =	vst v63  }
0xae: {  	_ =	swait.ge [sflag:s2], $0x80  }
0xaf: {  	[sflag:s2] =	ssyncset.done $0x0  }
0xb0: {  	s25 =	simm.s32 $0x8880;
	s28 =	simm.s32 $0xC880;
	[sflag:s2] =	ssyncadd.s32 $0xFFFFFF80  }
0xb1: {  	[spmem:s4] =	stream.indirect.scatter.add.f32 [tilespmem:s28], [sflag:$0x1], $0x1, s25, s1, $0xb8;
	[tilespmem:$0x17100] =	vst v63  }
0xb2: {  	_ =	swait.ge [sflag:s2], $0x80  }
0xb3: {  	[sflag:s2] =	ssyncset.done $0x0  }
0xb4: {  	s19 =	simm.s32 $0x8900;
	s23 =	simm.s32 $0xC900;
	[sflag:s2] =	ssyncadd.s32 $0xFFFFFF80  }
0xb5: {  	[spmem:s4] =	stream.indirect.scatter.add.f32 [tilespmem:s23], [sflag:$0x1], $0x1, s19, s1, $0xb8;
	[tilespmem:$0x17100] =	vst v63  }
0xb6: {  	_ =	swait.ge [sflag:s2], $0x80  }
0xb7: {  	[sflag:s2] =	ssyncset.done $0x0  }
0xb8: {  	s25 =	simm.s32 $0x8980;
	s28 =	simm.s32 $0xC980;
	[sflag:s2] =	ssyncadd.s32 $0xFFFFFF80  }
0xb9: {  	[spmem:s4] =	stream.indirect.scatter.add.f32 [tilespmem:s28], [sflag:$0x1], $0x1, s25, s1, $0xb8;
	[tilespmem:$0x17100] =	vst v63  }
0xba: {  	_ =	swait.ge [sflag:s2], $0x80  }
0xbb: {  	[sflag:s2] =	ssyncset.done $0x0  }
0xbc: {  	s19 =	simm.s32 $0x8A00;
	s23 =	simm.s32 $0xCA00;
	[sflag:s2] =	ssyncadd.s32 $0xFFFFFF80  }
0xbd: {  	[spmem:s4] =	stream.indirect.scatter.add.f32 [tilespmem:s23], [sflag:$0x1], $0x1, s19, s1, $0xb8;
	[tilespmem:$0x17100] =	vst v63  }
0xbe: {  	_ =	swait.ge [sflag:s2], $0x80  }
0xbf: {  	[sflag:s2] =	ssyncset.done $0x0  }
0xc0: {  	s25 =	simm.s32 $0x8A80;
	s28 =	simm.s32 $0xCA80;
	[sflag:s2] =	ssyncadd.s32 $0xFFFFFF80  }
0xc1: {  	[spmem:s4] =	stream.indirect.scatter.add.f32 [tilespmem:s28], [sflag:$0x1], $0x1, s25, s1, $0xb8;
	[tilespmem:$0x17100] =	vst v63  }
0xc2: {  	_ =	swait.ge [sflag:s2], $0x80  }
0xc3: {  	[sflag:s2] =	ssyncset.done $0x0  }
0xc4: {  	s19 =	simm.s32 $0x8B00;
	s23 =	simm.s32 $0xCB00;
	[sflag:s2] =	ssyncadd.s32 $0xFFFFFF80  }
0xc5: {  	[spmem:s4] =	stream.indirect.scatter.add.f32 [tilespmem:s23], [sflag:$0x1], $0x1, s19, s1, $0xb8;
	[tilespmem:$0x17100] =	vst v63  }
0xc6: {  	_ =	swait.ge [sflag:s2], $0x80  }
0xc7: {  	[sflag:s2] =	ssyncset.done $0x0  }
0xc8: {  	s25 =	simm.s32 $0x8B80;
	s28 =	simm.s32 $0xCB80;
	[sflag:s2] =	ssyncadd.s32 $0xFFFFFF80  }
0xc9: {  	[spmem:s4] =	stream.indirect.scatter.add.f32 [tilespmem:s28], [sflag:$0x1], $0x1, s25, s1, $0xb8;
	[tilespmem:$0x17100] =	vst v63  }
0xca: {  	_ =	swait.ge [sflag:s2], $0x80  }
0xcb: {  	[sflag:s2] =	ssyncset.done $0x0  }
0xcc: {  	s19 =	simm.s32 $0x8C00;
	s23 =	simm.s32 $0xCC00;
	[sflag:s2] =	ssyncadd.s32 $0xFFFFFF80  }
0xcd: {  	[spmem:s4] =	stream.indirect.scatter.add.f32 [tilespmem:s23], [sflag:$0x1], $0x1, s19, s1, $0xb8;
	[tilespmem:$0x17100] =	vst v63  }
0xce: {  	_ =	swait.ge [sflag:s2], $0x80  }
0xcf: {  	[sflag:s2] =	ssyncset.done $0x0  }
0xd0: {  	s25 =	simm.s32 $0x8C80;
	s28 =	simm.s32 $0xCC80;
	[sflag:s2] =	ssyncadd.s32 $0xFFFFFF80  }
0xd1: {  	[spmem:s4] =	stream.indirect.scatter.add.f32 [tilespmem:s28], [sflag:$0x1], $0x1, s25, s1, $0xb8;
	[tilespmem:$0x17100] =	vst v63  }
0xd2: {  	_ =	swait.ge [sflag:s2], $0x80  }
0xd3: {  	[sflag:s2] =	ssyncset.done $0x0  }
0xd4: {  	s19 =	simm.s32 $0x8D00;
	s23 =	simm.s32 $0xCD00;
	[sflag:s2] =	ssyncadd.s32 $0xFFFFFF80  }
0xd5: {  	[spmem:s4] =	stream.indirect.scatter.add.f32 [tilespmem:s23], [sflag:$0x1], $0x1, s19, s1, $0xb8;
	[tilespmem:$0x17100] =	vst v63  }
0xd6: {  	_ =	swait.ge [sflag:s2], $0x80  }
0xd7: {  	[sflag:s2] =	ssyncset.done $0x0  }
0xd8: {  	s25 =	simm.s32 $0x8D80;
	s28 =	simm.s32 $0xCD80;
	[sflag:s2] =	ssyncadd.s32 $0xFFFFFF80  }
0xd9: {  	[spmem:s4] =	stream.indirect.scatter.add.f32 [tilespmem:s28], [sflag:$0x1], $0x1, s25, s1, $0xb8;
	[tilespmem:$0x17100] =	vst v63  }
0xda: {  	_ =	swait.ge [sflag:s2], $0x80  }
0xdb: {  	[sflag:s2] =	ssyncset.done $0x0  }
0xdc: {  	s19 =	simm.s32 $0x8E00;
	s23 =	simm.s32 $0xCE00;
	[sflag:s2] =	ssyncadd.s32 $0xFFFFFF80  }
0xdd: {  	[spmem:s4] =	stream.indirect.scatter.add.f32 [tilespmem:s23], [sflag:$0x1], $0x1, s19, s1, $0xb8;
	[tilespmem:$0x17100] =	vst v63  }
0xde: {  	_ =	swait.ge [sflag:s2], $0x80  }
0xdf: {  	[sflag:s2] =	ssyncset.done $0x0  }
0xe0: {  	s25 =	simm.s32 $0x8E80;
	s28 =	simm.s32 $0xCE80;
	[sflag:s2] =	ssyncadd.s32 $0xFFFFFF80  }
0xe1: {  	[spmem:s4] =	stream.indirect.scatter.add.f32 [tilespmem:s28], [sflag:$0x1], $0x1, s25, s1, $0xb8;
	[tilespmem:$0x17100] =	vst v63  }
0xe2: {  	_ =	swait.ge [sflag:s2], $0x80  }
0xe3: {  	[sflag:s2] =	ssyncset.done $0x0  }
0xe4: {  	s19 =	simm.s32 $0x8F00;
	s23 =	simm.s32 $0xCF00;
	[sflag:s2] =	ssyncadd.s32 $0xFFFFFF80  }
0xe5: {  	[spmem:s4] =	stream.indirect.scatter.add.f32 [tilespmem:s23], [sflag:$0x1], $0x1, s19, s1, $0xb8;
	[tilespmem:$0x17100] =	vst v63  }
0xe6: {  	_ =	swait.ge [sflag:s2], $0x80  }
0xe7: {  	[sflag:s2] =	ssyncset.done $0x0  }
0xe8: {  	s25 =	simm.s32 $0x8F80;
	s28 =	simm.s32 $0xCF80;
	[sflag:s2] =	ssyncadd.s32 $0xFFFFFF80  }
0xe9: {  	[spmem:s4] =	stream.indirect.scatter.add.f32 [tilespmem:s28], [sflag:$0x1], $0x1, s25, s1, $0xb8;
	[tilespmem:$0x17100] =	vst v63  }
0xea: {  	_ =	swait.ge [sflag:s2], $0x80  }
0xeb: {  	[sflag:s2] =	ssyncset.done $0x0  }
0xec: {  	s19 =	simm.s32 $0x9000;
	s23 =	simm.s32 $0xD000;
	[sflag:s2] =	ssyncadd.s32 $0xFFFFFF80  }
0xed: {  	[spmem:s4] =	stream.indirect.scatter.add.f32 [tilespmem:s23], [sflag:$0x1], $0x1, s19, s1, $0xb8;
	[tilespmem:$0x17100] =	vst v63  }
0xee: {  	_ =	swait.ge [sflag:s2], $0x80  }
0xef: {  	[sflag:s2] =	ssyncset.done $0x0  }
0xf0: {  	s25 =	simm.s32 $0x9080;
	s28 =	simm.s32 $0xD080;
	[sflag:s2] =	ssyncadd.s32 $0xFFFFFF80  }
0xf1: {  	[spmem:s4] =	stream.indirect.scatter.add.f32 [tilespmem:s28], [sflag:$0x1], $0x1, s25, s1, $0xb8;
	[tilespmem:$0x17100] =	vst v63  }
0xf2: {  	_ =	swait.ge [sflag:s2], $0x80  }
0xf3: {  	[sflag:s2] =	ssyncset.done $0x0  }
0xf4: {  	s19 =	simm.s32 $0x9100;
	s23 =	simm.s32 $0xD100;
	[sflag:s2] =	ssyncadd.s32 $0xFFFFFF80  }
0xf5: {  	[spmem:s4] =	stream.indirect.scatter.add.f32 [tilespmem:s23], [sflag:$0x1], $0x1, s19, s1, $0xb8;
	[tilespmem:$0x17100] =	vst v63  }
0xf6: {  	_ =	swait.ge [sflag:s2], $0x80  }
0xf7: {  	[sflag:s2] =	ssyncset.done $0x0  }
0xf8: {  	s25 =	simm.s32 $0x9180;
	s28 =	simm.s32 $0xD180;
	[sflag:s2] =	ssyncadd.s32 $0xFFFFFF80  }
0xf9: {  	[spmem:s4] =	stream.indirect.scatter.add.f32 [tilespmem:s28], [sflag:$0x1], $0x1, s25, s1, $0xb8;
	[tilespmem:$0x17100] =	vst v63  }
0xfa: {  	_ =	swait.ge [sflag:s2], $0x80  }
0xfb: {  	[sflag:s2] =	ssyncset.done $0x0  }
0xfc: {  	s19 =	simm.s32 $0x9200;
	s23 =	simm.s32 $0xD200;
	[sflag:s2] =	ssyncadd.s32 $0xFFFFFF80  }
0xfd: {  	[spmem:s4] =	stream.indirect.scatter.add.f32 [tilespmem:s23], [sflag:$0x1], $0x1, s19, s1, $0xb8;
	[tilespmem:$0x17100] =	vst v63  }
0xfe: {  	_ =	swait.ge [sflag:s2], $0x80  }
0xff: {  	[sflag:s2] =	ssyncset.done $0x0  }
0x100: {  	s25 =	simm.s32 $0x9280;
	s28 =	simm.s32 $0xD280;
	[sflag:s2] =	ssyncadd.s32 $0xFFFFFF80  }
0x101: {  	[spmem:s4] =	stream.indirect.scatter.add.f32 [tilespmem:s28], [sflag:$0x1], $0x1, s25, s1, $0xb8;
	[tilespmem:$0x17100] =	vst v63  }
0x102: {  	_ =	swait.ge [sflag:s2], $0x80  }
0x103: {  	[sflag:s2] =	ssyncset.done $0x0  }
0x104: {  	s19 =	simm.s32 $0x9300;
	s23 =	simm.s32 $0xD300;
	[sflag:s2] =	ssyncadd.s32 $0xFFFFFF80  }
0x105: {  	[spmem:s4] =	stream.indirect.scatter.add.f32 [tilespmem:s23], [sflag:$0x1], $0x1, s19, s1, $0xb8;
	[tilespmem:$0x17100] =	vst v63  }
0x106: {  	_ =	swait.ge [sflag:s2], $0x80  }
0x107: {  	[sflag:s2] =	ssyncset.done $0x0  }
0x108: {  	s25 =	simm.s32 $0x9380;
	s28 =	simm.s32 $0xD380;
	[sflag:s2] =	ssyncadd.s32 $0xFFFFFF80  }
0x109: {  	[spmem:s4] =	stream.indirect.scatter.add.f32 [tilespmem:s28], [sflag:$0x1], $0x1, s25, s1, $0xb8;
	[tilespmem:$0x17100] =	vst v63  }
0x10a: {  	_ =	swait.ge [sflag:s2], $0x80  }
0x10b: {  	[sflag:s2] =	ssyncset.done $0x0  }
0x10c: {  	s19 =	simm.s32 $0x9400;
	s23 =	simm.s32 $0xD400;
	[sflag:s2] =	ssyncadd.s32 $0xFFFFFF80  }
0x10d: {  	[spmem:s4] =	stream.indirect.scatter.add.f32 [tilespmem:s23], [sflag:$0x1], $0x1, s19, s1, $0xb8;
	[tilespmem:$0x17100] =	vst v63  }
0x10e: {  	_ =	swait.ge [sflag:s2], $0x80  }
0x10f: {  	[sflag:s2] =	ssyncset.done $0x0  }
0x110: {  	s25 =	simm.s32 $0x9480;
	s28 =	simm.s32 $0xD480;
	[sflag:s2] =	ssyncadd.s32 $0xFFFFFF80  }
0x111: {  	[spmem:s4] =	stream.indirect.scatter.add.f32 [tilespmem:s28], [sflag:$0x1], $0x1, s25, s1, $0xb8;
	[tilespmem:$0x17100] =	vst v63  }
0x112: {  	_ =	swait.ge [sflag:s2], $0x80  }
0x113: {  	[sflag:s2] =	ssyncset.done $0x0  }
0x114: {  	s19 =	simm.s32 $0x9500;
	s23 =	simm.s32 $0xD500;
	[sflag:s2] =	ssyncadd.s32 $0xFFFFFF80  }
0x115: {  	[spmem:s4] =	stream.indirect.scatter.add.f32 [tilespmem:s23], [sflag:$0x1], $0x1, s19, s1, $0xb8;
	[tilespmem:$0x17100] =	vst v63  }
0x116: {  	_ =	swait.ge [sflag:s2], $0x80  }
0x117: {  	[sflag:s2] =	ssyncset.done $0x0  }
0x118: {  	s25 =	simm.s32 $0x9580;
	s28 =	simm.s32 $0xD580;
	[sflag:s2] =	ssyncadd.s32 $0xFFFFFF80  }
0x119: {  	[spmem:s4] =	stream.indirect.scatter.add.f32 [tilespmem:s28], [sflag:$0x1], $0x1, s25, s1, $0xb8;
	[tilespmem:$0x17100] =	vst v63  }
0x11a: {  	_ =	swait.ge [sflag:s2], $0x80  }
0x11b: {  	[sflag:s2] =	ssyncset.done $0x0  }
0x11c: {  	s19 =	simm.s32 $0x9600;
	s23 =	simm.s32 $0xD600;
	[sflag:s2] =	ssyncadd.s32 $0xFFFFFF80  }
0x11d: {  	[spmem:s4] =	stream.indirect.scatter.add.f32 [tilespmem:s23], [sflag:$0x1], $0x1, s19, s1, $0xb8;
	[tilespmem:$0x17100] =	vst v63  }
0x11e: {  	_ =	swait.ge [sflag:s2], $0x80  }
0x11f: {  	[sflag:s2] =	ssyncset.done $0x0  }
0x120: {  	s25 =	simm.s32 $0x9680;
	s28 =	simm.s32 $0xD680;
	[sflag:s2] =	ssyncadd.s32 $0xFFFFFF80  }
0x121: {  	[spmem:s4] =	stream.indirect.scatter.add.f32 [tilespmem:s28], [sflag:$0x1], $0x1, s25, s1, $0xb8;
	[tilespmem:$0x17100] =	vst v63  }
0x122: {  	_ =	swait.ge [sflag:s2], $0x80  }
0x123: {  	[sflag:s2] =	ssyncset.done $0x0  }
0x124: {  	s19 =	simm.s32 $0x9700;
	s23 =	simm.s32 $0xD700;
	[sflag:s2] =	ssyncadd.s32 $0xFFFFFF80  }
0x125: {  	[spmem:s4] =	stream.indirect.scatter.add.f32 [tilespmem:s23], [sflag:$0x1], $0x1, s19, s1, $0xb8;
	[tilespmem:$0x17100] =	vst v63  }
0x126: {  	_ =	swait.ge [sflag:s2], $0x80  }
0x127: {  	[sflag:s2] =	ssyncset.done $0x0  }
0x128: {  	s25 =	simm.s32 $0x9780;
	s28 =	simm.s32 $0xD780;
	[sflag:s2] =	ssyncadd.s32 $0xFFFFFF80  }
0x129: {  	[spmem:s4] =	stream.indirect.scatter.add.f32 [tilespmem:s28], [sflag:$0x1], $0x1, s25, s1, $0xb8;
	[tilespmem:$0x17100] =	vst v63  }
0x12a: {  	_ =	swait.ge [sflag:s2], $0x80  }
0x12b: {  	[sflag:s2] =	ssyncset.done $0x0  }
0x12c: {  	s19 =	simm.s32 $0x9800;
	s23 =	simm.s32 $0xD800;
	[sflag:s2] =	ssyncadd.s32 $0xFFFFFF80  }
0x12d: {  	[spmem:s4] =	stream.indirect.scatter.add.f32 [tilespmem:s23], [sflag:$0x1], $0x1, s19, s1, $0xb8;
	[tilespmem:$0x17100] =	vst v63  }
0x12e: {  	_ =	swait.ge [sflag:s2], $0x80  }
0x12f: {  	[sflag:s2] =	ssyncset.done $0x0  }
0x130: {  	s25 =	simm.s32 $0x9880;
	s28 =	simm.s32 $0xD880;
	[sflag:s2] =	ssyncadd.s32 $0xFFFFFF80  }
0x131: {  	[spmem:s4] =	stream.indirect.scatter.add.f32 [tilespmem:s28], [sflag:$0x1], $0x1, s25, s1, $0xb8;
	[tilespmem:$0x17100] =	vst v63  }
0x132: {  	_ =	swait.ge [sflag:s2], $0x80  }
0x133: {  	[sflag:s2] =	ssyncset.done $0x0  }
0x134: {  	s19 =	simm.s32 $0x9900;
	s23 =	simm.s32 $0xD900;
	[sflag:s2] =	ssyncadd.s32 $0xFFFFFF80  }
0x135: {  	[spmem:s4] =	stream.indirect.scatter.add.f32 [tilespmem:s23], [sflag:$0x1], $0x1, s19, s1, $0xb8;
	[tilespmem:$0x17100] =	vst v63  }
0x136: {  	_ =	swait.ge [sflag:s2], $0x80  }
0x137: {  	[sflag:s2] =	ssyncset.done $0x0  }
0x138: {  	s25 =	simm.s32 $0x9980;
	s28 =	simm.s32 $0xD980;
	[sflag:s2] =	ssyncadd.s32 $0xFFFFFF80  }
0x139: {  	[spmem:s4] =	stream.indirect.scatter.add.f32 [tilespmem:s28], [sflag:$0x1], $0x1, s25, s1, $0xb8;
	[tilespmem:$0x17100] =	vst v63  }
0x13a: {  	_ =	swait.ge [sflag:s2], $0x80  }
0x13b: {  	[sflag:s2] =	ssyncset.done $0x0  }
0x13c: {  	s19 =	simm.s32 $0x9A00;
	s23 =	simm.s32 $0xDA00;
	[sflag:s2] =	ssyncadd.s32 $0xFFFFFF80  }
0x13d: {  	[spmem:s4] =	stream.indirect.scatter.add.f32 [tilespmem:s23], [sflag:$0x1], $0x1, s19, s1, $0xb8;
	[tilespmem:$0x17100] =	vst v63  }
0x13e: {  	_ =	swait.ge [sflag:s2], $0x80  }
0x13f: {  	[sflag:s2] =	ssyncset.done $0x0  }
0x140: {  	s25 =	simm.s32 $0x9A80;
	s28 =	simm.s32 $0xDA80;
	[sflag:s2] =	ssyncadd.s32 $0xFFFFFF80  }
0x141: {  	[spmem:s4] =	stream.indirect.scatter.add.f32 [tilespmem:s28], [sflag:$0x1], $0x1, s25, s1, $0xb8;
	[tilespmem:$0x17100] =	vst v63  }
0x142: {  	_ =	swait.ge [sflag:s2], $0x80  }
0x143: {  	[sflag:s2] =	ssyncset.done $0x0  }
0x144: {  	s19 =	simm.s32 $0x9B00;
	s23 =	simm.s32 $0xDB00;
	[sflag:s2] =	ssyncadd.s32 $0xFFFFFF80  }
0x145: {  	[spmem:s4] =	stream.indirect.scatter.add.f32 [tilespmem:s23], [sflag:$0x1], $0x1, s19, s1, $0xb8;
	[tilespmem:$0x17100] =	vst v63  }
0x146: {  	_ =	swait.ge [sflag:s2], $0x80  }
0x147: {  	[sflag:s2] =	ssyncset.done $0x0  }
0x148: {  	s25 =	simm.s32 $0x9B80;
	s28 =	simm.s32 $0xDB80;
	[sflag:s2] =	ssyncadd.s32 $0xFFFFFF80  }
0x149: {  	[spmem:s4] =	stream.indirect.scatter.add.f32 [tilespmem:s28], [sflag:$0x1], $0x1, s25, s1, $0xb8;
	[tilespmem:$0x17100] =	vst v63  }
0x14a: {  	_ =	swait.ge [sflag:s2], $0x80  }
0x14b: {  	[sflag:s2] =	ssyncset.done $0x0  }
0x14c: {  	s19 =	simm.s32 $0x9C00;
	s23 =	simm.s32 $0xDC00;
	[sflag:s2] =	ssyncadd.s32 $0xFFFFFF80  }
0x14d: {  	[spmem:s4] =	stream.indirect.scatter.add.f32 [tilespmem:s23], [sflag:$0x1], $0x1, s19, s1, $0xb8;
	[tilespmem:$0x17100] =	vst v63  }
0x14e: {  	_ =	swait.ge [sflag:s2], $0x80  }
0x14f: {  	[sflag:s2] =	ssyncset.done $0x0  }
0x150: {  	s25 =	simm.s32 $0x9C80;
	s28 =	simm.s32 $0xDC80;
	[sflag:s2] =	ssyncadd.s32 $0xFFFFFF80  }
0x151: {  	[spmem:s4] =	stream.indirect.scatter.add.f32 [tilespmem:s28], [sflag:$0x1], $0x1, s25, s1, $0xb8;
	[tilespmem:$0x17100] =	vst v63  }
0x152: {  	_ =	swait.ge [sflag:s2], $0x80  }
0x153: {  	[sflag:s2] =	ssyncset.done $0x0  }
0x154: {  	s19 =	simm.s32 $0x9D00;
	s23 =	simm.s32 $0xDD00;
	[sflag:s2] =	ssyncadd.s32 $0xFFFFFF80  }
0x155: {  	[spmem:s4] =	stream.indirect.scatter.add.f32 [tilespmem:s23], [sflag:$0x1], $0x1, s19, s1, $0xb8;
	[tilespmem:$0x17100] =	vst v63  }
0x156: {  	_ =	swait.ge [sflag:s2], $0x80  }
0x157: {  	[sflag:s2] =	ssyncset.done $0x0  }
0x158: {  	s25 =	simm.s32 $0x9D80;
	s28 =	simm.s32 $0xDD80;
	[sflag:s2] =	ssyncadd.s32 $0xFFFFFF80  }
0x159: {  	[spmem:s4] =	stream.indirect.scatter.add.f32 [tilespmem:s28], [sflag:$0x1], $0x1, s25, s1, $0xb8;
	[tilespmem:$0x17100] =	vst v63  }
0x15a: {  	_ =	swait.ge [sflag:s2], $0x80  }
0x15b: {  	[sflag:s2] =	ssyncset.done $0x0  }
0x15c: {  	s19 =	simm.s32 $0xDE00;
	[sflag:s2] =	ssyncadd.s32 $0xFFFFFF80  }
0x15d: {  	[spmem:s4] =	stream.indirect.scatter.add.f32 [tilespmem:s19], [sflag:$0x1], $0x1, s6, s1, $0xb8;
	[tilespmem:$0x17100] =	vst v63  }
0x15e: {  	_ =	swait.ge [sflag:s2], $0x80  }
0x15f: {  	[sflag:s2] =	ssyncset.done $0x0  }
0x160: {  	s23 =	simm.s32 $0xDE80;
	[sflag:s2] =	ssyncadd.s32 $0xFFFFFF80  }
0x161: {  	[spmem:s4] =	stream.indirect.scatter.add.f32 [tilespmem:s23], [sflag:$0x1], $0x1, s21, s1, $0xb8;
	[tilespmem:$0x17100] =	vst v63  }
0x162: {  	_ =	swait.ge [sflag:s2], $0x80  }
0x163: {  	[sflag:s2] =	ssyncset.done $0x0  }
0x164: {  	s25 =	simm.s32 $0xDF00;
	[sflag:s2] =	ssyncadd.s32 $0xFFFFFF80  }
0x165: {  	[spmem:s4] =	stream.indirect.scatter.add.f32 [tilespmem:s25], [sflag:$0x1], $0x1, s20, s1, $0xb8;
	[tilespmem:$0x17100] =	vst v63  }
0x166: {  	_ =	swait.ge [sflag:s2], $0x80  }
0x167: {  	[sflag:s2] =	ssyncset.done $0x0  }
0x168: {  	s28 =	simm.s32 $0xDF80;
	[sflag:s2] =	ssyncadd.s32 $0xFFFFFF80  }
0x169: {  	[spmem:s4] =	stream.indirect.scatter.add.f32 [tilespmem:s28], [sflag:$0x1], $0x1, s26, s1, $0xb8;
	[tilespmem:$0x17100] =	vst v63  }
0x16a: {  	_ =	swait.ge [sflag:s2], $0x80  }
0x16b: {  	[sflag:s2] =	ssyncset.done $0x0  }
0x16c: {  	[sflag:s2] =	ssyncadd.s32 $0xFFFFFF80  }
0x16d: {  	_ =	swait.ge [sflag:s2], $0x80  }
0x16e: {  	[sflag:s2] =	ssyncset.done $0x0  }
0x16f: {  	[sflag:s2] =	ssyncadd.s32 $0xFFFFFF80  }
0x170: {  	_ =	swait.ge [sflag:s2], $0x80  }
0x171: {  	[sflag:s2] =	ssyncset.done $0x0  }
0x172: {  	[sflag:s2] =	ssyncadd.s32 $0xFFFFFF80  }
0x173: {  	_ =	swait.ge [sflag:s2], $0x80  }
0x174: {  	[sflag:s2] =	ssyncset.done $0x0  }
0x175: {  	[sflag:s2] =	ssyncadd.s32 $0xFFFFFF80  }
0x176: {  	_ =	swait.ge [sflag:s2], $0x80  }
0x177: {  	[sflag:s2] =	ssyncset.done $0x0  }
0x178: {  	[sflag:s2] =	ssyncadd.s32 $0xFFFFFF80  }
0x179: {  	_ =	swait.ge [sflag:s2], $0x80  }
0x17a: {  	[sflag:s2] =	ssyncset.done $0x0  }
0x17b: {  	[sflag:s2] =	ssyncadd.s32 $0xFFFFFF80  }
0x17c: {  	_ =	swait.ge [sflag:s2], $0x80  }
0x17d: {  	[sflag:s2] =	ssyncset.done $0x0  }
0x17e: {  	[sflag:s2] =	ssyncadd.s32 $0xFFFFFF80  }
0x17f: {  	_ =	swait.ge [sflag:s2], $0x80  }
0x180: {  	[sflag:s2] =	ssyncset.done $0x0  }
0x181: {  	[sflag:s2] =	ssyncadd.s32 $0xFFFFFF80  }
0x182: {  	_ =	swait.ge [sflag:s2], $0x80  }
0x183: {  	[sflag:s2] =	ssyncset.done $0x0  }
0x184: {  	[sflag:s2] =	ssyncadd.s32 $0xFFFFFF80  }
0x185: {  	_ =	swait.ge [sflag:s2], $0x80  }
0x186: {  	[sflag:s2] =	ssyncset.done $0x0  }
0x187: {  	[sflag:s2] =	ssyncadd.s32 $0xFFFFFF80  }
0x188: {  	_ =	swait.ge [sflag:s2], $0x80  }
0x189: {  	[sflag:s2] =	ssyncset.done $0x0  }
0x18a: {  	[sflag:s2] =	ssyncadd.s32 $0xFFFFFF80  }
0x18b: {  	_ =	swait.ge [sflag:s2], $0x80  }
0x18c: {  	[sflag:s2] =	ssyncset.done $0x0  }
0x18d: {  	[sflag:s2] =	ssyncadd.s32 $0xFFFFFF80  }
0x18e: {  	_ =	swait.ge [sflag:s2], $0x80  }
0x18f: {  	[sflag:s2] =	ssyncset.done $0x0  }
0x190: {  	[sflag:s2] =	ssyncadd.s32 $0xFFFFFF80  }
0x191: {  	_ =	swait.ge [sflag:s2], $0x80  }
0x192: {  	[sflag:s2] =	ssyncset.done $0x0  }
0x193: {  	[sflag:s2] =	ssyncadd.s32 $0xFFFFFF80  }
0x194: {  	_ =	swait.ge [sflag:s2], $0x80  }
0x195: {  	[sflag:s2] =	ssyncset.done $0x0  }
0x196: {  	[sflag:s2] =	ssyncadd.s32 $0xFFFFFF80  }
0x197: {  	_ =	swait.ge [sflag:s2], $0x80  }
0x198: {  	[sflag:s2] =	ssyncset.done $0x0  }
0x199: {  	[sflag:s2] =	ssyncadd.s32 $0xFFFFFF80  }
.LBB2_4:
0x19a: {  	p3 =	por !p3, !p1  }
0x19b: {  	p3 =	por !p3, !p3  }
.Ltmp5:
0x19c: {  	_ = 	snop;
	(pc) =	sbr.rel @!p3 .LBB2_6-.Ltmp5, $1  }
0x19d: {  	_ =	sdelay $0x3  }
0x19e: {  	s3 =	simm.s32 $0x8000;
	s19 =	simm.s32 $0xE000  }
0x19f: {  	[spmem:s5] =	stream.indirect.scatter.add.f32 [tilespmem:s19], [sflag:$0x1], $0x1, s3, s1, $0xb8;
	[tilespmem:$0x17100] =	vst v63  }
0x1a0: {  	s25 =	simm.s32 $0x8080;
	s28 =	simm.s32 $0xE080  }
0x1a1: {  	[spmem:s5] =	stream.indirect.scatter.add.f32 [tilespmem:s28], [sflag:$0x1], $0x1, s25, s1, $0xb8;
	[tilespmem:$0x17100] =	vst v63  }
0x1a2: {  	s23 =	simm.s32 $0xE100;
	s19 =	simm.s32 $0x8100  }
0x1a3: {  	[spmem:s5] =	stream.indirect.scatter.add.f32 [tilespmem:s23], [sflag:$0x1], $0x1, s19, s1, $0xb8;
	[tilespmem:$0x17100] =	vst v63  }
0x1a4: {  	s25 =	simm.s32 $0x8180;
	s28 =	simm.s32 $0xE180  }
0x1a5: {  	[spmem:s5] =	stream.indirect.scatter.add.f32 [tilespmem:s28], [sflag:$0x1], $0x1, s25, s1, $0xb8;
	[tilespmem:$0x17100] =	vst v63  }
0x1a6: {  	s19 =	simm.s32 $0x8200;
	s23 =	simm.s32 $0xE200  }
0x1a7: {  	[spmem:s5] =	stream.indirect.scatter.add.f32 [tilespmem:s23], [sflag:$0x1], $0x1, s19, s1, $0xb8;
	[tilespmem:$0x17100] =	vst v63  }
0x1a8: {  	s25 =	simm.s32 $0x8280;
	s28 =	simm.s32 $0xE280  }
0x1a9: {  	[spmem:s5] =	stream.indirect.scatter.add.f32 [tilespmem:s28], [sflag:$0x1], $0x1, s25, s1, $0xb8;
	[tilespmem:$0x17100] =	vst v63  }
0x1aa: {  	s19 =	simm.s32 $0x8300;
	s23 =	simm.s32 $0xE300  }
0x1ab: {  	[spmem:s5] =	stream.indirect.scatter.add.f32 [tilespmem:s23], [sflag:$0x1], $0x1, s19, s1, $0xb8;
	[tilespmem:$0x17100] =	vst v63  }
0x1ac: {  	s25 =	simm.s32 $0x8380;
	s28 =	simm.s32 $0xE380  }
0x1ad: {  	[spmem:s5] =	stream.indirect.scatter.add.f32 [tilespmem:s28], [sflag:$0x1], $0x1, s25, s1, $0xb8;
	[tilespmem:$0x17100] =	vst v63  }
0x1ae: {  	s19 =	simm.s32 $0x8400;
	s23 =	simm.s32 $0xE400  }
0x1af: {  	[spmem:s5] =	stream.indirect.scatter.add.f32 [tilespmem:s23], [sflag:$0x1], $0x1, s19, s1, $0xb8;
	[tilespmem:$0x17100] =	vst v63  }
0x1b0: {  	s25 =	simm.s32 $0x8480;
	s28 =	simm.s32 $0xE480  }
0x1b1: {  	[spmem:s5] =	stream.indirect.scatter.add.f32 [tilespmem:s28], [sflag:$0x1], $0x1, s25, s1, $0xb8;
	[tilespmem:$0x17100] =	vst v63  }
0x1b2: {  	s19 =	simm.s32 $0x8500;
	s23 =	simm.s32 $0xE500  }
0x1b3: {  	[spmem:s5] =	stream.indirect.scatter.add.f32 [tilespmem:s23], [sflag:$0x1], $0x1, s19, s1, $0xb8;
	[tilespmem:$0x17100] =	vst v63  }
0x1b4: {  	s25 =	simm.s32 $0x8580;
	s28 =	simm.s32 $0xE580  }
0x1b5: {  	[spmem:s5] =	stream.indirect.scatter.add.f32 [tilespmem:s28], [sflag:$0x1], $0x1, s25, s1, $0xb8;
	[tilespmem:$0x17100] =	vst v63  }
0x1b6: {  	s19 =	simm.s32 $0x8600;
	s23 =	simm.s32 $0xE600  }
0x1b7: {  	[spmem:s5] =	stream.indirect.scatter.add.f32 [tilespmem:s23], [sflag:$0x1], $0x1, s19, s1, $0xb8;
	[tilespmem:$0x17100] =	vst v63  }
0x1b8: {  	s25 =	simm.s32 $0x8680;
	s28 =	simm.s32 $0xE680  }
0x1b9: {  	[spmem:s5] =	stream.indirect.scatter.add.f32 [tilespmem:s28], [sflag:$0x1], $0x1, s25, s1, $0xb8;
	[tilespmem:$0x17100] =	vst v63  }
0x1ba: {  	s19 =	simm.s32 $0x8700;
	s23 =	simm.s32 $0xE700  }
0x1bb: {  	[spmem:s5] =	stream.indirect.scatter.add.f32 [tilespmem:s23], [sflag:$0x1], $0x1, s19, s1, $0xb8;
	[tilespmem:$0x17100] =	vst v63  }
0x1bc: {  	s25 =	simm.s32 $0x8780;
	s28 =	simm.s32 $0xE780  }
0x1bd: {  	[spmem:s5] =	stream.indirect.scatter.add.f32 [tilespmem:s28], [sflag:$0x1], $0x1, s25, s1, $0xb8;
	[tilespmem:$0x17100] =	vst v63  }
0x1be: {  	_ =	swait.ge [sflag:s2], $0x80  }
0x1bf: {  	[sflag:s2] =	ssyncset.done $0x0  }
0x1c0: {  	s19 =	simm.s32 $0x8800;
	s23 =	simm.s32 $0xE800;
	[sflag:s2] =	ssyncadd.s32 $0xFFFFFF80  }
0x1c1: {  	[spmem:s5] =	stream.indirect.scatter.add.f32 [tilespmem:s23], [sflag:$0x1], $0x1, s19, s1, $0xb8;
	[tilespmem:$0x17100] =	vst v63  }
0x1c2: {  	_ =	swait.ge [sflag:s2], $0x80  }
0x1c3: {  	[sflag:s2] =	ssyncset.done $0x0  }
0x1c4: {  	s25 =	simm.s32 $0x8880;
	s28 =	simm.s32 $0xE880;
	[sflag:s2] =	ssyncadd.s32 $0xFFFFFF80  }
0x1c5: {  	[spmem:s5] =	stream.indirect.scatter.add.f32 [tilespmem:s28], [sflag:$0x1], $0x1, s25, s1, $0xb8;
	[tilespmem:$0x17100] =	vst v63  }
0x1c6: {  	_ =	swait.ge [sflag:s2], $0x80  }
0x1c7: {  	[sflag:s2] =	ssyncset.done $0x0  }
0x1c8: {  	s19 =	simm.s32 $0x8900;
	s23 =	simm.s32 $0xE900;
	[sflag:s2] =	ssyncadd.s32 $0xFFFFFF80  }
0x1c9: {  	[spmem:s5] =	stream.indirect.scatter.add.f32 [tilespmem:s23], [sflag:$0x1], $0x1, s19, s1, $0xb8;
	[tilespmem:$0x17100] =	vst v63  }
0x1ca: {  	_ =	swait.ge [sflag:s2], $0x80  }
0x1cb: {  	[sflag:s2] =	ssyncset.done $0x0  }
0x1cc: {  	s25 =	simm.s32 $0x8980;
	s28 =	simm.s32 $0xE980;
	[sflag:s2] =	ssyncadd.s32 $0xFFFFFF80  }
0x1cd: {  	[spmem:s5] =	stream.indirect.scatter.add.f32 [tilespmem:s28], [sflag:$0x1], $0x1, s25, s1, $0xb8;
	[tilespmem:$0x17100] =	vst v63  }
0x1ce: {  	_ =	swait.ge [sflag:s2], $0x80  }
0x1cf: {  	[sflag:s2] =	ssyncset.done $0x0  }
0x1d0: {  	s19 =	simm.s32 $0x8A00;
	s23 =	simm.s32 $0xEA00;
	[sflag:s2] =	ssyncadd.s32 $0xFFFFFF80  }
0x1d1: {  	[spmem:s5] =	stream.indirect.scatter.add.f32 [tilespmem:s23], [sflag:$0x1], $0x1, s19, s1, $0xb8;
	[tilespmem:$0x17100] =	vst v63  }
0x1d2: {  	_ =	swait.ge [sflag:s2], $0x80  }
0x1d3: {  	[sflag:s2] =	ssyncset.done $0x0  }
0x1d4: {  	s25 =	simm.s32 $0x8A80;
	s28 =	simm.s32 $0xEA80;
	[sflag:s2] =	ssyncadd.s32 $0xFFFFFF80  }
0x1d5: {  	[spmem:s5] =	stream.indirect.scatter.add.f32 [tilespmem:s28], [sflag:$0x1], $0x1, s25, s1, $0xb8;
	[tilespmem:$0x17100] =	vst v63  }
0x1d6: {  	_ =	swait.ge [sflag:s2], $0x80  }
0x1d7: {  	[sflag:s2] =	ssyncset.done $0x0  }
0x1d8: {  	s19 =	simm.s32 $0x8B00;
	s23 =	simm.s32 $0xEB00;
	[sflag:s2] =	ssyncadd.s32 $0xFFFFFF80  }
0x1d9: {  	[spmem:s5] =	stream.indirect.scatter.add.f32 [tilespmem:s23], [sflag:$0x1], $0x1, s19, s1, $0xb8;
	[tilespmem:$0x17100] =	vst v63  }
0x1da: {  	_ =	swait.ge [sflag:s2], $0x80  }
0x1db: {  	[sflag:s2] =	ssyncset.done $0x0  }
0x1dc: {  	s25 =	simm.s32 $0x8B80;
	s28 =	simm.s32 $0xEB80;
	[sflag:s2] =	ssyncadd.s32 $0xFFFFFF80  }
0x1dd: {  	[spmem:s5] =	stream.indirect.scatter.add.f32 [tilespmem:s28], [sflag:$0x1], $0x1, s25, s1, $0xb8;
	[tilespmem:$0x17100] =	vst v63  }
0x1de: {  	_ =	swait.ge [sflag:s2], $0x80  }
0x1df: {  	[sflag:s2] =	ssyncset.done $0x0  }
0x1e0: {  	s19 =	simm.s32 $0x8C00;
	s23 =	simm.s32 $0xEC00;
	[sflag:s2] =	ssyncadd.s32 $0xFFFFFF80  }
0x1e1: {  	[spmem:s5] =	stream.indirect.scatter.add.f32 [tilespmem:s23], [sflag:$0x1], $0x1, s19, s1, $0xb8;
	[tilespmem:$0x17100] =	vst v63  }
0x1e2: {  	_ =	swait.ge [sflag:s2], $0x80  }
0x1e3: {  	[sflag:s2] =	ssyncset.done $0x0  }
0x1e4: {  	s25 =	simm.s32 $0x8C80;
	s28 =	simm.s32 $0xEC80;
	[sflag:s2] =	ssyncadd.s32 $0xFFFFFF80  }
0x1e5: {  	[spmem:s5] =	stream.indirect.scatter.add.f32 [tilespmem:s28], [sflag:$0x1], $0x1, s25, s1, $0xb8;
	[tilespmem:$0x17100] =	vst v63  }
0x1e6: {  	_ =	swait.ge [sflag:s2], $0x80  }
0x1e7: {  	[sflag:s2] =	ssyncset.done $0x0  }
0x1e8: {  	s19 =	simm.s32 $0x8D00;
	s23 =	simm.s32 $0xED00;
	[sflag:s2] =	ssyncadd.s32 $0xFFFFFF80  }
0x1e9: {  	[spmem:s5] =	stream.indirect.scatter.add.f32 [tilespmem:s23], [sflag:$0x1], $0x1, s19, s1, $0xb8;
	[tilespmem:$0x17100] =	vst v63  }
0x1ea: {  	_ =	swait.ge [sflag:s2], $0x80  }
0x1eb: {  	[sflag:s2] =	ssyncset.done $0x0  }
0x1ec: {  	s25 =	simm.s32 $0x8D80;
	s28 =	simm.s32 $0xED80;
	[sflag:s2] =	ssyncadd.s32 $0xFFFFFF80  }
0x1ed: {  	[spmem:s5] =	stream.indirect.scatter.add.f32 [tilespmem:s28], [sflag:$0x1], $0x1, s25, s1, $0xb8;
	[tilespmem:$0x17100] =	vst v63  }
0x1ee: {  	_ =	swait.ge [sflag:s2], $0x80  }
0x1ef: {  	[sflag:s2] =	ssyncset.done $0x0  }
0x1f0: {  	s19 =	simm.s32 $0x8E00;
	s23 =	simm.s32 $0xEE00;
	[sflag:s2] =	ssyncadd.s32 $0xFFFFFF80  }
0x1f1: {  	[spmem:s5] =	stream.indirect.scatter.add.f32 [tilespmem:s23], [sflag:$0x1], $0x1, s19, s1, $0xb8;
	[tilespmem:$0x17100] =	vst v63  }
0x1f2: {  	_ =	swait.ge [sflag:s2], $0x80  }
0x1f3: {  	[sflag:s2] =	ssyncset.done $0x0  }
0x1f4: {  	s25 =	simm.s32 $0x8E80;
	s28 =	simm.s32 $0xEE80;
	[sflag:s2] =	ssyncadd.s32 $0xFFFFFF80  }
0x1f5: {  	[spmem:s5] =	stream.indirect.scatter.add.f32 [tilespmem:s28], [sflag:$0x1], $0x1, s25, s1, $0xb8;
	[tilespmem:$0x17100] =	vst v63  }
0x1f6: {  	_ =	swait.ge [sflag:s2], $0x80  }
0x1f7: {  	[sflag:s2] =	ssyncset.done $0x0  }
0x1f8: {  	s19 =	simm.s32 $0x8F00;
	s23 =	simm.s32 $0xEF00;
	[sflag:s2] =	ssyncadd.s32 $0xFFFFFF80  }
0x1f9: {  	[spmem:s5] =	stream.indirect.scatter.add.f32 [tilespmem:s23], [sflag:$0x1], $0x1, s19, s1, $0xb8;
	[tilespmem:$0x17100] =	vst v63  }
0x1fa: {  	_ =	swait.ge [sflag:s2], $0x80  }
0x1fb: {  	[sflag:s2] =	ssyncset.done $0x0  }
0x1fc: {  	s25 =	simm.s32 $0x8F80;
	s28 =	simm.s32 $0xEF80;
	[sflag:s2] =	ssyncadd.s32 $0xFFFFFF80  }
0x1fd: {  	[spmem:s5] =	stream.indirect.scatter.add.f32 [tilespmem:s28], [sflag:$0x1], $0x1, s25, s1, $0xb8;
	[tilespmem:$0x17100] =	vst v63  }
0x1fe: {  	_ =	swait.ge [sflag:s2], $0x80  }
0x1ff: {  	[sflag:s2] =	ssyncset.done $0x0  }
0x200: {  	s19 =	simm.s32 $0x9000;
	s23 =	simm.s32 $0xF000;
	[sflag:s2] =	ssyncadd.s32 $0xFFFFFF80  }
0x201: {  	[spmem:s5] =	stream.indirect.scatter.add.f32 [tilespmem:s23], [sflag:$0x1], $0x1, s19, s1, $0xb8;
	[tilespmem:$0x17100] =	vst v63  }
0x202: {  	_ =	swait.ge [sflag:s2], $0x80  }
0x203: {  	[sflag:s2] =	ssyncset.done $0x0  }
0x204: {  	s25 =	simm.s32 $0x9080;
	s28 =	simm.s32 $0xF080;
	[sflag:s2] =	ssyncadd.s32 $0xFFFFFF80  }
0x205: {  	[spmem:s5] =	stream.indirect.scatter.add.f32 [tilespmem:s28], [sflag:$0x1], $0x1, s25, s1, $0xb8;
	[tilespmem:$0x17100] =	vst v63  }
0x206: {  	_ =	swait.ge [sflag:s2], $0x80  }
0x207: {  	[sflag:s2] =	ssyncset.done $0x0  }
0x208: {  	s19 =	simm.s32 $0x9100;
	s23 =	simm.s32 $0xF100;
	[sflag:s2] =	ssyncadd.s32 $0xFFFFFF80  }
0x209: {  	[spmem:s5] =	stream.indirect.scatter.add.f32 [tilespmem:s23], [sflag:$0x1], $0x1, s19, s1, $0xb8;
	[tilespmem:$0x17100] =	vst v63  }
0x20a: {  	_ =	swait.ge [sflag:s2], $0x80  }
0x20b: {  	[sflag:s2] =	ssyncset.done $0x0  }
0x20c: {  	s25 =	simm.s32 $0x9180;
	s28 =	simm.s32 $0xF180;
	[sflag:s2] =	ssyncadd.s32 $0xFFFFFF80  }
0x20d: {  	[spmem:s5] =	stream.indirect.scatter.add.f32 [tilespmem:s28], [sflag:$0x1], $0x1, s25, s1, $0xb8;
	[tilespmem:$0x17100] =	vst v63  }
0x20e: {  	_ =	swait.ge [sflag:s2], $0x80  }
0x20f: {  	[sflag:s2] =	ssyncset.done $0x0  }
0x210: {  	s19 =	simm.s32 $0x9200;
	s23 =	simm.s32 $0xF200;
	[sflag:s2] =	ssyncadd.s32 $0xFFFFFF80  }
0x211: {  	[spmem:s5] =	stream.indirect.scatter.add.f32 [tilespmem:s23], [sflag:$0x1], $0x1, s19, s1, $0xb8;
	[tilespmem:$0x17100] =	vst v63  }
0x212: {  	_ =	swait.ge [sflag:s2], $0x80  }
0x213: {  	[sflag:s2] =	ssyncset.done $0x0  }
0x214: {  	s25 =	simm.s32 $0x9280;
	s28 =	simm.s32 $0xF280;
	[sflag:s2] =	ssyncadd.s32 $0xFFFFFF80  }
0x215: {  	[spmem:s5] =	stream.indirect.scatter.add.f32 [tilespmem:s28], [sflag:$0x1], $0x1, s25, s1, $0xb8;
	[tilespmem:$0x17100] =	vst v63  }
0x216: {  	_ =	swait.ge [sflag:s2], $0x80  }
0x217: {  	[sflag:s2] =	ssyncset.done $0x0  }
0x218: {  	s19 =	simm.s32 $0x9300;
	s23 =	simm.s32 $0xF300;
	[sflag:s2] =	ssyncadd.s32 $0xFFFFFF80  }
0x219: {  	[spmem:s5] =	stream.indirect.scatter.add.f32 [tilespmem:s23], [sflag:$0x1], $0x1, s19, s1, $0xb8;
	[tilespmem:$0x17100] =	vst v63  }
0x21a: {  	_ =	swait.ge [sflag:s2], $0x80  }
0x21b: {  	[sflag:s2] =	ssyncset.done $0x0  }
0x21c: {  	s25 =	simm.s32 $0x9380;
	s28 =	simm.s32 $0xF380;
	[sflag:s2] =	ssyncadd.s32 $0xFFFFFF80  }
0x21d: {  	[spmem:s5] =	stream.indirect.scatter.add.f32 [tilespmem:s28], [sflag:$0x1], $0x1, s25, s1, $0xb8;
	[tilespmem:$0x17100] =	vst v63  }
0x21e: {  	_ =	swait.ge [sflag:s2], $0x80  }
0x21f: {  	[sflag:s2] =	ssyncset.done $0x0  }
0x220: {  	s19 =	simm.s32 $0x9400;
	s23 =	simm.s32 $0xF400;
	[sflag:s2] =	ssyncadd.s32 $0xFFFFFF80  }
0x221: {  	[spmem:s5] =	stream.indirect.scatter.add.f32 [tilespmem:s23], [sflag:$0x1], $0x1, s19, s1, $0xb8;
	[tilespmem:$0x17100] =	vst v63  }
0x222: {  	_ =	swait.ge [sflag:s2], $0x80  }
0x223: {  	[sflag:s2] =	ssyncset.done $0x0  }
0x224: {  	s25 =	simm.s32 $0x9480;
	s28 =	simm.s32 $0xF480;
	[sflag:s2] =	ssyncadd.s32 $0xFFFFFF80  }
0x225: {  	[spmem:s5] =	stream.indirect.scatter.add.f32 [tilespmem:s28], [sflag:$0x1], $0x1, s25, s1, $0xb8;
	[tilespmem:$0x17100] =	vst v63  }
0x226: {  	_ =	swait.ge [sflag:s2], $0x80  }
0x227: {  	[sflag:s2] =	ssyncset.done $0x0  }
0x228: {  	s19 =	simm.s32 $0x9500;
	s23 =	simm.s32 $0xF500;
	[sflag:s2] =	ssyncadd.s32 $0xFFFFFF80  }
0x229: {  	[spmem:s5] =	stream.indirect.scatter.add.f32 [tilespmem:s23], [sflag:$0x1], $0x1, s19, s1, $0xb8;
	[tilespmem:$0x17100] =	vst v63  }
0x22a: {  	_ =	swait.ge [sflag:s2], $0x80  }
0x22b: {  	[sflag:s2] =	ssyncset.done $0x0  }
0x22c: {  	s25 =	simm.s32 $0x9580;
	s28 =	simm.s32 $0xF580;
	[sflag:s2] =	ssyncadd.s32 $0xFFFFFF80  }
0x22d: {  	[spmem:s5] =	stream.indirect.scatter.add.f32 [tilespmem:s28], [sflag:$0x1], $0x1, s25, s1, $0xb8;
	[tilespmem:$0x17100] =	vst v63  }
0x22e: {  	_ =	swait.ge [sflag:s2], $0x80  }
0x22f: {  	[sflag:s2] =	ssyncset.done $0x0  }
0x230: {  	s19 =	simm.s32 $0x9600;
	s23 =	simm.s32 $0xF600;
	[sflag:s2] =	ssyncadd.s32 $0xFFFFFF80  }
0x231: {  	[spmem:s5] =	stream.indirect.scatter.add.f32 [tilespmem:s23], [sflag:$0x1], $0x1, s19, s1, $0xb8;
	[tilespmem:$0x17100] =	vst v63  }
0x232: {  	_ =	swait.ge [sflag:s2], $0x80  }
0x233: {  	[sflag:s2] =	ssyncset.done $0x0  }
0x234: {  	s25 =	simm.s32 $0x9680;
	s28 =	simm.s32 $0xF680;
	[sflag:s2] =	ssyncadd.s32 $0xFFFFFF80  }
0x235: {  	[spmem:s5] =	stream.indirect.scatter.add.f32 [tilespmem:s28], [sflag:$0x1], $0x1, s25, s1, $0xb8;
	[tilespmem:$0x17100] =	vst v63  }
0x236: {  	_ =	swait.ge [sflag:s2], $0x80  }
0x237: {  	[sflag:s2] =	ssyncset.done $0x0  }
0x238: {  	s19 =	simm.s32 $0x9700;
	s23 =	simm.s32 $0xF700;
	[sflag:s2] =	ssyncadd.s32 $0xFFFFFF80  }
0x239: {  	[spmem:s5] =	stream.indirect.scatter.add.f32 [tilespmem:s23], [sflag:$0x1], $0x1, s19, s1, $0xb8;
	[tilespmem:$0x17100] =	vst v63  }
0x23a: {  	_ =	swait.ge [sflag:s2], $0x80  }
0x23b: {  	[sflag:s2] =	ssyncset.done $0x0  }
0x23c: {  	s25 =	simm.s32 $0x9780;
	s28 =	simm.s32 $0xF780;
	[sflag:s2] =	ssyncadd.s32 $0xFFFFFF80  }
0x23d: {  	[spmem:s5] =	stream.indirect.scatter.add.f32 [tilespmem:s28], [sflag:$0x1], $0x1, s25, s1, $0xb8;
	[tilespmem:$0x17100] =	vst v63  }
0x23e: {  	_ =	swait.ge [sflag:s2], $0x80  }
0x23f: {  	[sflag:s2] =	ssyncset.done $0x0  }
0x240: {  	s19 =	simm.s32 $0x9800;
	s23 =	simm.s32 $0xF800;
	[sflag:s2] =	ssyncadd.s32 $0xFFFFFF80  }
0x241: {  	[spmem:s5] =	stream.indirect.scatter.add.f32 [tilespmem:s23], [sflag:$0x1], $0x1, s19, s1, $0xb8;
	[tilespmem:$0x17100] =	vst v63  }
0x242: {  	_ =	swait.ge [sflag:s2], $0x80  }
0x243: {  	[sflag:s2] =	ssyncset.done $0x0  }
0x244: {  	s25 =	simm.s32 $0x9880;
	s28 =	simm.s32 $0xF880;
	[sflag:s2] =	ssyncadd.s32 $0xFFFFFF80  }
0x245: {  	[spmem:s5] =	stream.indirect.scatter.add.f32 [tilespmem:s28], [sflag:$0x1], $0x1, s25, s1, $0xb8;
	[tilespmem:$0x17100] =	vst v63  }
0x246: {  	_ =	swait.ge [sflag:s2], $0x80  }
0x247: {  	[sflag:s2] =	ssyncset.done $0x0  }
0x248: {  	s19 =	simm.s32 $0x9900;
	s23 =	simm.s32 $0xF900;
	[sflag:s2] =	ssyncadd.s32 $0xFFFFFF80  }
0x249: {  	[spmem:s5] =	stream.indirect.scatter.add.f32 [tilespmem:s23], [sflag:$0x1], $0x1, s19, s1, $0xb8;
	[tilespmem:$0x17100] =	vst v63  }
0x24a: {  	_ =	swait.ge [sflag:s2], $0x80  }
0x24b: {  	[sflag:s2] =	ssyncset.done $0x0  }
0x24c: {  	s25 =	simm.s32 $0x9980;
	s28 =	simm.s32 $0xF980;
	[sflag:s2] =	ssyncadd.s32 $0xFFFFFF80  }
0x24d: {  	[spmem:s5] =	stream.indirect.scatter.add.f32 [tilespmem:s28], [sflag:$0x1], $0x1, s25, s1, $0xb8;
	[tilespmem:$0x17100] =	vst v63  }
0x24e: {  	_ =	swait.ge [sflag:s2], $0x80  }
0x24f: {  	[sflag:s2] =	ssyncset.done $0x0  }
0x250: {  	s19 =	simm.s32 $0x9A00;
	s23 =	simm.s32 $0xFA00;
	[sflag:s2] =	ssyncadd.s32 $0xFFFFFF80  }
0x251: {  	[spmem:s5] =	stream.indirect.scatter.add.f32 [tilespmem:s23], [sflag:$0x1], $0x1, s19, s1, $0xb8;
	[tilespmem:$0x17100] =	vst v63  }
0x252: {  	_ =	swait.ge [sflag:s2], $0x80  }
0x253: {  	[sflag:s2] =	ssyncset.done $0x0  }
0x254: {  	s25 =	simm.s32 $0x9A80;
	s28 =	simm.s32 $0xFA80;
	[sflag:s2] =	ssyncadd.s32 $0xFFFFFF80  }
0x255: {  	[spmem:s5] =	stream.indirect.scatter.add.f32 [tilespmem:s28], [sflag:$0x1], $0x1, s25, s1, $0xb8;
	[tilespmem:$0x17100] =	vst v63  }
0x256: {  	_ =	swait.ge [sflag:s2], $0x80  }
0x257: {  	[sflag:s2] =	ssyncset.done $0x0  }
0x258: {  	s19 =	simm.s32 $0x9B00;
	s23 =	simm.s32 $0xFB00;
	[sflag:s2] =	ssyncadd.s32 $0xFFFFFF80  }
0x259: {  	[spmem:s5] =	stream.indirect.scatter.add.f32 [tilespmem:s23], [sflag:$0x1], $0x1, s19, s1, $0xb8;
	[tilespmem:$0x17100] =	vst v63  }
0x25a: {  	_ =	swait.ge [sflag:s2], $0x80  }
0x25b: {  	[sflag:s2] =	ssyncset.done $0x0  }
0x25c: {  	s25 =	simm.s32 $0x9B80;
	s28 =	simm.s32 $0xFB80;
	[sflag:s2] =	ssyncadd.s32 $0xFFFFFF80  }
0x25d: {  	[spmem:s5] =	stream.indirect.scatter.add.f32 [tilespmem:s28], [sflag:$0x1], $0x1, s25, s1, $0xb8;
	[tilespmem:$0x17100] =	vst v63  }
0x25e: {  	_ =	swait.ge [sflag:s2], $0x80  }
0x25f: {  	[sflag:s2] =	ssyncset.done $0x0  }
0x260: {  	s19 =	simm.s32 $0x9C00;
	s23 =	simm.s32 $0xFC00;
	[sflag:s2] =	ssyncadd.s32 $0xFFFFFF80  }
0x261: {  	[spmem:s5] =	stream.indirect.scatter.add.f32 [tilespmem:s23], [sflag:$0x1], $0x1, s19, s1, $0xb8;
	[tilespmem:$0x17100] =	vst v63  }
0x262: {  	_ =	swait.ge [sflag:s2], $0x80  }
0x263: {  	[sflag:s2] =	ssyncset.done $0x0  }
0x264: {  	s25 =	simm.s32 $0x9C80;
	s28 =	simm.s32 $0xFC80;
	[sflag:s2] =	ssyncadd.s32 $0xFFFFFF80  }
0x265: {  	[spmem:s5] =	stream.indirect.scatter.add.f32 [tilespmem:s28], [sflag:$0x1], $0x1, s25, s1, $0xb8;
	[tilespmem:$0x17100] =	vst v63  }
0x266: {  	_ =	swait.ge [sflag:s2], $0x80  }
0x267: {  	[sflag:s2] =	ssyncset.done $0x0  }
0x268: {  	s19 =	simm.s32 $0x9D00;
	s23 =	simm.s32 $0xFD00;
	[sflag:s2] =	ssyncadd.s32 $0xFFFFFF80  }
0x269: {  	[spmem:s5] =	stream.indirect.scatter.add.f32 [tilespmem:s23], [sflag:$0x1], $0x1, s19, s1, $0xb8;
	[tilespmem:$0x17100] =	vst v63  }
0x26a: {  	_ =	swait.ge [sflag:s2], $0x80  }
0x26b: {  	[sflag:s2] =	ssyncset.done $0x0  }
0x26c: {  	s25 =	simm.s32 $0x9D80;
	s28 =	simm.s32 $0xFD80;
	[sflag:s2] =	ssyncadd.s32 $0xFFFFFF80  }
0x26d: {  	[spmem:s5] =	stream.indirect.scatter.add.f32 [tilespmem:s28], [sflag:$0x1], $0x1, s25, s1, $0xb8;
	[tilespmem:$0x17100] =	vst v63  }
0x26e: {  	_ =	swait.ge [sflag:s2], $0x80  }
0x26f: {  	[sflag:s2] =	ssyncset.done $0x0  }
0x270: {  	s19 =	simm.s32 $0xFE00;
	[sflag:s2] =	ssyncadd.s32 $0xFFFFFF80  }
0x271: {  	[spmem:s5] =	stream.indirect.scatter.add.f32 [tilespmem:s19], [sflag:$0x1], $0x1, s6, s1, $0xb8;
	[tilespmem:$0x17100] =	vst v63  }
0x272: {  	_ =	swait.ge [sflag:s2], $0x80  }
0x273: {  	[sflag:s2] =	ssyncset.done $0x0  }
0x274: {  	s23 =	simm.s32 $0xFE80;
	[sflag:s2] =	ssyncadd.s32 $0xFFFFFF80  }
0x275: {  	[spmem:s5] =	stream.indirect.scatter.add.f32 [tilespmem:s23], [sflag:$0x1], $0x1, s21, s1, $0xb8;
	[tilespmem:$0x17100] =	vst v63  }
0x276: {  	_ =	swait.ge [sflag:s2], $0x80  }
0x277: {  	[sflag:s2] =	ssyncset.done $0x0  }
0x278: {  	s25 =	simm.s32 $0xFF00;
	[sflag:s2] =	ssyncadd.s32 $0xFFFFFF80  }
0x279: {  	[spmem:s5] =	stream.indirect.scatter.add.f32 [tilespmem:s25], [sflag:$0x1], $0x1, s20, s1, $0xb8;
	[tilespmem:$0x17100] =	vst v63  }
0x27a: {  	_ =	swait.ge [sflag:s2], $0x80  }
0x27b: {  	[sflag:s2] =	ssyncset.done $0x0  }
0x27c: {  	s28 =	simm.s32 $0xFF80;
	[sflag:s2] =	ssyncadd.s32 $0xFFFFFF80  }
0x27d: {  	[spmem:s5] =	stream.indirect.scatter.add.f32 [tilespmem:s28], [sflag:$0x1], $0x1, s26, s1, $0xb8;
	[tilespmem:$0x17100] =	vst v63  }
0x27e: {  	_ =	swait.ge [sflag:s2], $0x80  }
0x27f: {  	[sflag:s2] =	ssyncset.done $0x0  }
0x280: {  	[sflag:s2] =	ssyncadd.s32 $0xFFFFFF80  }
0x281: {  	_ =	swait.ge [sflag:s2], $0x80  }
0x282: {  	[sflag:s2] =	ssyncset.done $0x0  }
0x283: {  	[sflag:s2] =	ssyncadd.s32 $0xFFFFFF80  }
0x284: {  	_ =	swait.ge [sflag:s2], $0x80  }
0x285: {  	[sflag:s2] =	ssyncset.done $0x0  }
0x286: {  	[sflag:s2] =	ssyncadd.s32 $0xFFFFFF80  }
0x287: {  	_ =	swait.ge [sflag:s2], $0x80  }
0x288: {  	[sflag:s2] =	ssyncset.done $0x0  }
0x289: {  	[sflag:s2] =	ssyncadd.s32 $0xFFFFFF80  }
0x28a: {  	_ =	swait.ge [sflag:s2], $0x80  }
0x28b: {  	[sflag:s2] =	ssyncset.done $0x0  }
0x28c: {  	[sflag:s2] =	ssyncadd.s32 $0xFFFFFF80  }
0x28d: {  	_ =	swait.ge [sflag:s2], $0x80  }
0x28e: {  	[sflag:s2] =	ssyncset.done $0x0  }
0x28f: {  	[sflag:s2] =	ssyncadd.s32 $0xFFFFFF80  }
0x290: {  	_ =	swait.ge [sflag:s2], $0x80  }
0x291: {  	[sflag:s2] =	ssyncset.done $0x0  }
0x292: {  	[sflag:s2] =	ssyncadd.s32 $0xFFFFFF80  }
0x293: {  	_ =	swait.ge [sflag:s2], $0x80  }
0x294: {  	[sflag:s2] =	ssyncset.done $0x0  }
0x295: {  	[sflag:s2] =	ssyncadd.s32 $0xFFFFFF80  }
0x296: {  	_ =	swait.ge [sflag:s2], $0x80  }
0x297: {  	[sflag:s2] =	ssyncset.done $0x0  }
0x298: {  	[sflag:s2] =	ssyncadd.s32 $0xFFFFFF80  }
0x299: {  	_ =	swait.ge [sflag:s2], $0x80  }
0x29a: {  	[sflag:s2] =	ssyncset.done $0x0  }
0x29b: {  	[sflag:s2] =	ssyncadd.s32 $0xFFFFFF80  }
0x29c: {  	_ =	swait.ge [sflag:s2], $0x80  }
0x29d: {  	[sflag:s2] =	ssyncset.done $0x0  }
0x29e: {  	[sflag:s2] =	ssyncadd.s32 $0xFFFFFF80  }
0x29f: {  	_ =	swait.ge [sflag:s2], $0x80  }
0x2a0: {  	[sflag:s2] =	ssyncset.done $0x0  }
0x2a1: {  	[sflag:s2] =	ssyncadd.s32 $0xFFFFFF80  }
0x2a2: {  	_ =	swait.ge [sflag:s2], $0x80  }
0x2a3: {  	[sflag:s2] =	ssyncset.done $0x0  }
0x2a4: {  	[sflag:s2] =	ssyncadd.s32 $0xFFFFFF80  }
0x2a5: {  	_ =	swait.ge [sflag:s2], $0x80  }
0x2a6: {  	[sflag:s2] =	ssyncset.done $0x0  }
0x2a7: {  	[sflag:s2] =	ssyncadd.s32 $0xFFFFFF80  }
0x2a8: {  	_ =	swait.ge [sflag:s2], $0x80  }
0x2a9: {  	[sflag:s2] =	ssyncset.done $0x0  }
0x2aa: {  	[sflag:s2] =	ssyncadd.s32 $0xFFFFFF80  }
0x2ab: {  	_ =	swait.ge [sflag:s2], $0x80  }
0x2ac: {  	[sflag:s2] =	ssyncset.done $0x0  }
0x2ad: {  	[sflag:s2] =	ssyncadd.s32 $0xFFFFFF80  }
.LBB2_6:
0x2ae: {  	[bflag:$0x0] =	sbarrier.arrive $0xFFFF  }
0x2af: {  	s3 =	simm.s32 @p2 $0x2000;
	s19 =	simm.s32 @p2 $0xA000;
	s23 =	simm.s32 @p2 $0x10000  }
0x2b0: {  	[tilespmem:s23], [sflag:$0x4] =	stream.indirect.gather @p2 [spmem:s4], $0x1, s19, s3, $0xb8;
	[tilespmem:$0x17100] =	vst v63  }
0x2b1: {  	s3 =	simm.s32 @p2 $0x4;
	s19 =	sshll.u32 @p2 s18, $0x11  }
0x2b2: {  	_ =	swait.ge @p2 [sflag:s3], $0x2000;
	s19 =	sor.u32 @p2 s12, s19  }
0x2b3: {  	s25 =	simm.s32 @p2 $0x80;
	[sflag:s3] =	ssyncset.done @p2 $0x0;
	s19 =	sshrl.u32 @p2 s19, $0x3  }
0x2b4: {  	s28 =	simm.s32 @p2 $0x400;
	[sflag:s3] =	ssyncadd.s32 @p2 $0xFFFFE000;
	s19 =	sadd.s32 @p2 s10, s19  }
0x2b5: {  	[hbm4b:s19+s25] =	stream.strided.scatter @p2 [tilespmem:s23], [sflag:$0x4], $0x2000, s28, s25, $0x38;
	[tilespmem:$0x17100] =	vst v63  }
0x2b6: {  	s19 =	simm.s32 @p3 $0xA000;
	_ =	swait.ge @p2 [sflag:s3], $0x2000  }
0x2b7: {  	s23 =	simm.s32 @p3 $0x10000;
	s25 =	simm.s32 @p3 $0x80;
	[sflag:s3] =	ssyncset.done @p2 $0x0  }
0x2b8: {  	s28 =	simm.s32 @p3 $0x400;
	[sflag:s3] =	ssyncadd.s32 @p2 $0xFFFFE000;
	s3 =	simm.s32 @p3 $0x2000  }
0x2b9: {  	[tilespmem:s23], [sflag:$0x4] =	stream.indirect.gather @p3 [spmem:s5], $0x1, s19, s3, $0xb8;
	[tilespmem:$0x17100] =	vst v63  }
0x2ba: {  	p2 =	sne.s32 s7, $0x0;
	s3 =	simm.s32 @p3 $0x4;
	s19 =	sshll.u32 @p3 s18, $0x11  }
0x2bb: {  	p4 =	sgt.u32 @!p2 s18, $0x2;
	_ =	swait.ge @p3 [sflag:s3], $0x2000;
	s19 =	sor.u32 @p3 s12, s19  }
0x2bc: {  	p2 =	por p2, p4;
	[sflag:s3] =	ssyncset.done @p3 $0x0;
	s19 =	sshrl.u32 @p3 s19, $0x3  }
.Ltmp6:
0x2bd: {  	[sflag:s3] =	ssyncadd.s32 @p3 $0xFFFFE000;
	s19 =	sadd.s32 @p3 s10, s19;
	(pc) =	sbr.rel @p2 .LBB2_10-.Ltmp6, $4  }
0x2be: {  	[hbm4b:s19+s25] =	stream.strided.scatter @p3 [tilespmem:s23], [sflag:$0x4], $0x2000, s28, s25, $0x38;
	[tilespmem:$0x17100] =	vst v63  }
0x2bf: {  	_ =	swait.ge @p3 [sflag:s3], $0x2000  }
0x2c0: {  	[sflag:s3] =	ssyncset.done @p3 $0x0  }
0x2c1: {  	[sflag:s3] =	ssyncadd.s32 @p3 $0xFFFFE000  }
0x2c2: {  	[tilespmem:s9], [sflag:$0x4] =	stream.linear.gather [spmem:s17], $0x4000, $0x38;
	[tilespmem:$0x17100] =	vst v63  }
0x2c3: {  	_ =	swait.ge [sflag:s31], $0x4000  }
0x2c4: {  	[sflag:s31] =	ssyncset.done $0x0  }
0x2c5: {  	s3 =	simm.s32 $0x0;
	[sflag:s31] =	ssyncadd.s32 $0xFFFFC000  }
0x2c6: {  	v3 =	vld [tilespmem:s3+$0x13000]  }
0x2c7: {  	v1 =	vimm.f32 $0.0e+00;
	s7 =	simm.s32 $0x40;
	v2 =	vimm.f32 $0.0e+00  }
.LBB2_8:
0x2c8: {  	p2 =	sne.s32 s7, $0xFFC0  }
.Ltmp7:
0x2c9: {  	_ = 	snop;
	(pc) =	sbr.rel @p2 .LBB2_8-.Ltmp7, $4  }
0x2ca: {  	_ = 	snop  }
0x2cb: {  	s3 =	sshra.s32 s7, $0x2;
	s7 =	sadd.s32 $0x40, s7;
	v1 =	vadd.f32 v3, v1;
	v4 =	vmul.f32 v3, v3  }
0x2cc: {  	v3 =	vld [tilespmem:s3+$0x13000]  }
0x2cd: {  	v2 =	vadd.f32 v4, v2  }
0x2ce: {  	_ = 	snop  }
0x2cf: {  	v4 =	vld [tilespmem:$0x17000]  }
0x2d0: {  	v5 =	vld [tilespmem:$0x17080]  }
0x2d1: {  	v6 =	vmul.f32 v3, v3  }
0x2d2: {  	v1 =	vadd.f32 v3, v1  }
0x2d3: {  	v2 =	vadd.f32 v6, v2  }
0x2d4: {  	v1 =	vadd.f32 v4, v1  }
0x2d5: {  	v2 =	vadd.f32 v5, v2  }
0x2d6: {  	[tilespmem:$0x17000] =	vst v1  }
0x2d7: {  	[tilespmem:$0x17080] =	vst v2  }
.LBB2_10:
0x2d8: {  	p2 =	sgt.u32 s18, $0x2;
	p1 =	por !p1, !p1  }
0x2d9: {  	p1 =	por p2, p1  }
.Ltmp8:
0x2da: {  	_ = 	snop;
	(pc) =	sbr.rel @p1 .LBB2_14-.Ltmp8, $1  }
0x2db: {  	_ =	sdelay $0x3  }
0x2dc: {  	[tilespmem:s9], [sflag:$0x4] =	stream.linear.gather [spmem:s22], $0x4000, $0x38;
	[tilespmem:$0x17100] =	vst v63  }
0x2dd: {  	_ =	swait.ge [sflag:s31], $0x4000  }
0x2de: {  	[sflag:s31] =	ssyncset.done $0x0  }
0x2df: {  	s3 =	simm.s32 $0x0;
	[sflag:s31] =	ssyncadd.s32 $0xFFFFC000  }
0x2e0: {  	v3 =	vld [tilespmem:s3+$0x13000]  }
0x2e1: {  	v1 =	vimm.f32 $0.0e+00;
	s7 =	simm.s32 $0x40;
	v2 =	vimm.f32 $0.0e+00  }
.LBB2_12:
0x2e2: {  	p1 =	sne.s32 s7, $0xFFC0  }
.Ltmp9:
0x2e3: {  	_ = 	snop;
	(pc) =	sbr.rel @p1 .LBB2_12-.Ltmp9, $4  }
0x2e4: {  	_ = 	snop  }
0x2e5: {  	s3 =	sshra.s32 s7, $0x2;
	s7 =	sadd.s32 $0x40, s7;
	v1 =	vadd.f32 v3, v1;
	v4 =	vmul.f32 v3, v3  }
0x2e6: {  	v3 =	vld [tilespmem:s3+$0x13000]  }
0x2e7: {  	v2 =	vadd.f32 v4, v2  }
0x2e8: {  	_ = 	snop  }
0x2e9: {  	v4 =	vld [tilespmem:$0x17000]  }
0x2ea: {  	v5 =	vld [tilespmem:$0x17080]  }
0x2eb: {  	v6 =	vmul.f32 v3, v3  }
0x2ec: {  	v1 =	vadd.f32 v3, v1  }
.Ltmp10:
0x2ed: {  	v2 =	vadd.f32 v6, v2;
	(pc) =	sbr.rel .LBB2_14-.Ltmp10, $4  }
0x2ee: {  	v1 =	vadd.f32 v4, v1  }
0x2ef: {  	v2 =	vadd.f32 v5, v2  }
0x2f0: {  	[tilespmem:$0x17000] =	vst v1  }
0x2f1: {  	[tilespmem:$0x17080] =	vst v2  }
.LBB2_16:
0x2f2: {  	_ =	sfence.sel $0x180000  }
0x2f3: {  	[bflag:$0x0] =	sbarrier.arrive $0xFFFF  }
0x2f4: {  	_ =	strace $0x9000004A  }
0x2f5: {  	s0 =	stileid.u32;
	[bflag:$0x2] =	sbarrier.arrive $0xFFFF  }
0x2f6: {  	p0 =	sne.s32 s0, $0x0;
	s0 =	rddreg [dreg:$0x9]  }
0x2f7: {  	s0 =	sadd.s32 @!p0 $0x100000, s0  }
0x2f8: {  	[sflag:s0] =	ssyncadd.tile.s32 @!p0 $0x1;
	_ =	shalt  }
.Lfunc_end2:
_tile_overlayer_lowered:
.L_overlay_start_2:
0x2f9: {  	(tag) =	ssettag $0x2  }
0x2fa: {  	s0 =	rddreg [dreg:$0x0];
	s2 =	stileid.u32  }
0x2fb: {  	s1 =	rddreg [dreg:$0x1];
	p0 =	sne.s32 s2, $0x0  }
0x2fc: {  	s3 =	rddreg [dreg:$0x2];
	[bflag:$0x3] =	sbarrier.arrive $0xFFFF;
	s2 =	simm.s32 @!p0 $0x1C04  }
0x2fd: {  	[timem:s3], [sflag:s2] =	dma.local @!p0 [hbm:s0], s1  }
0x2fe: {  	s0 =	simm.s32 @!p0 $0x4  }
0x2ff: {  	_ =	swait.ge @!p0 [sflag:s0], s1  }
0x300: {  	s1 =	ssub.s32 @!p0 $0x0, s1;
	[sflag:s0] =	ssyncset.done @!p0 $0x0  }
0x301: {  	[sflag:s0] =	ssyncadd.s32 @!p0 s1  }
0x302: {  	[bflag:$0x3] =	sbarrier.arrive $0xFFFF  }
0x303: {  	_ =	shalt  }

// kernel: sparse-core-data-format-call.1.cloned.1.call-start
scs
called_computation.1_lowered:
.L_overlay_start_0:
0x0: {  	s2 =	sld [smem:$0x3FD9]  }
0x1: {  	s3 =	sld [smem:$0x3FFE];
	_ =	sdelay $0x1  }
0x2: {  	s1 =	srdreg.scid  }
0x3: {  	s0 =	sand.u32 $0x1, s1  }
0x4: {  	s18 =	sshll.u32 s0, $0xA;
	s2 =	sadd.s32 s3, s2  }
0x5: {  	s2 =	sadd.s32 s2, s18  }
0x6: {  	[smem:$0x3FC2] =	sst s2  }
0x7: {  	_ = 	snop  }
0x8: {  	s2 =	sld [smem:$0x3FC8];
	(tm) =	ssettm $0x1  }
0x9: {  	s19 =	sld [smem:$0x3FFB];
	_ =	sdelay $0x3  }
0xa: {  	_ =	strace s19  }
0xb: {  	s3 =	sld [smem:$0x3FFC];
	_ =	sdelay $0x3  }
0xc: {  	_ =	strace s3  }
0xd: {  	s3 =	sld [smem:$0x3FFD];
	_ =	sdelay $0x3  }
0xe: {  	_ =	strace s3  }
0xf: {  	_ =	strace $0x8FFFFFFF  }
0x10: {  	s20 =	sld [smem:$0x3FDB];
	_ =	sdelay $0x1  }
0x11: {  	s4 =	simm.s32 $_scs_section_size  }
0x12: {  	s5 =	simm.s32 $_size__tile_overlayer_lowered;
	s6 =	simm.s32 $_tile_overlayer_lowered  }
0x13: {  	s23 =	simm.s32 $0x1BFF;
	s22 =	sshll.u32 s6, $0x1;
	s3 =	sadd.s32 s4, s20  }
0x14: {  	s7 =	simm.s32 $0x0;
	s21 =	sshll.u32 s5, $0x1;
	s5 =	sadd.s32 s22, s3  }
0x15: {  	[timem:s7], [sflag:s23] =	dma.local [hbm:s5], s21  }
0x16: {  	_ =	swait.ge [sflag:s23], s21  }
0x17: {  	s4 =	ssub.s32 $0x0, s21;
	[sflag:s23] =	ssyncset.done $0x0  }
0x18: {  	[sflag:s23] =	ssyncadd.s32 s4;
	_ =	sdelay $0x1  }
0x19: {  	s24 =	simm.s32 $0x1B8B  }
0x1a: {  	_ =	swait.ge [sflag:s24], $0x1  }
0x1b: {  	[sflag:s24] =	ssyncset.done $0x0  }
0x1c: {  	s26 =	simm.s32 $0x1B8E;
	s25 =	sld [smem:$0x3FFE];
	[sflag:s24] =	ssyncadd.s32 $0xFFFFFFFF  }
0x1d: {  	s27 =	simm.s32 $execute0_lowered;
	[smem:$0x3FD2] =	sst s26  }
0x1e: {  	s5 =	sshll.u32 s27, $0x1;
	_ =	strace $0x80000046;
	[dreg:$0x1] =	wrdreg $0xFFFFFFFF  }
0x1f: {  	s28 =	simm.s32 $_size_execute0_lowered;
	s3 =	sadd.s32 s3, s5;
	[dreg:$0x0] =	wrdreg $0x0  }
0x20: {  	s5 =	sshll.u32 s28, $0x1;
	[dreg:$0x2] =	wrdreg s3  }
0x21: {  	[dreg:$0x3] =	wrdreg s5  }
0x22: {  	[dreg:$0x4] =	wrdreg $0xC0  }
0x23: {  	_ =	task [dreg:s7], $0x5FFFF  }
0x24: {  	[dreg:$0x1] =	wrdreg $0xFFFFFFFF  }
0x25: {  	[dreg:$0x0] =	wrdreg $0x60  }
0x26: {  	[dreg:$0x2] =	wrdreg s2  }
0x27: {  	[dreg:$0x3] =	wrdreg s25  }
0x28: {  	[dreg:$0x4] =	wrdreg $0x9  }
0x29: {  	_ =	task.clear_ibuf [dreg:s7], $0x5FFFF;
	_ =	strace $0x90000046  }
0x2a: {  	s29 =	simm.s32 $0x9;
	_ =	strace $0x80000048  }
0x2b: {  	_ =	swait.ge [sflag:s29], $0x1  }
0x2c: {  	[sflag:s29] =	ssyncadd.s32 $0xFFFFFFFF  }
0x2d: {  	_ =	strace $0x90000048  }
0x2e: {  	_ =	sfence  }
0x2f: {  	s30 =	sld [smem:$0x0];
	_ =	sdelay $0x2  }
0x30: {  	s31 =	sshll.u32 s1, $0xD;
	s1 =	sshrl.u32 s1, $0x2  }
0x31: {  	s3 =	sand.u32 $0x4000, s31;
	s1 =	sadd.s32 s1, s30  }
0x32: {  	s0 =	sor.u32 s3, s0;
	s1 =	sshll.u32 s1, $0x11  }
0x33: {  	s0 =	sor.u32 s1, s0  }
0x34: {  	s0 =	sadd.s32 $0x8F2B, s0  }
0x35: {  	[sflag:s0] =	ssyncadd.remote.s32 $0x1  }
0x36: {  	_ =	sfence.sel $0xFFFF  }
0x37: {  	[dreg:$0x0] =	wrdreg $0xFFFFFFFF;
	(pc) =	sbr.abs _section_cstart, $3  }
0x38: {  	[dreg:$0x1] =	wrdreg $0xFFFFFFFF  }
0x39: {  	_ =	task.clear_ibuf [dreg:s7], $0x2FFFF;
	_ =	strace $0x9FFFFFFF  }
0x3a: {  	(tm) =	ssettm $0x7FFFFFFF  }
0x3b: {  	_ =	shalt  }
tec
execute0_lowered:
.L_overlay_start_1:
0x0: {  	(tag) =	ssettag $0x1  }
0x1: {  	s0 =	stileid.u32  }
0x2: {  	s1 =	srdreg.scid;
	s2 =	rddreg [dreg:$0x0]  }
0x3: {  	s4 =	rddreg [dreg:$0x1];
	s7 =	simm.s32 $0x1;
	s8 =	simm.s32 $0x2  }
0x4: {  	s15 =	simm.s32 $0x0;
	s3 =	sshll.u32 s0, $0x1;
	s1 =	sshll.u32 s1, $0x5  }
0x5: {  	s9 =	simm.s32 $0x800;
	s10 =	simm.s32 $0x20000;
	s1 =	sor.u32 s3, s1  }
0x6: {  	s11 =	simm.s32 $0x0;
	s16 =	simm.s32 $0x0;
	s3 =	sand.u32 $0x30, s1  }
0x7: {  	s14 =	simm.s32 $0x0;
	s4 =	sadd.s32 $0x1E00, s4;
	s6 =	ssub.s32 $0x400, s3  }
.Ltmp0:
0x8: {  	s1 =	rddreg [dreg:$0x2];
	s5 =	sand.u32 $0x30, s6;
	(pc) =	sbr.rel .LBB1_1-.Ltmp0, $4  }
0x9: {  	_ =	strace $0x80000047;
	s12 =	smov.u32 s3;
	p0 =	sne.s32 s5, $0x0  }
0xa: {  	s6 =	sshrl.u32 s6, $0x6;
	s5 =	simm.s32 $0x1;
	s7 =	simm.s32 @!p0 $0x0  }
0xb: {  	[sflag:s5] =	ssyncpa.u1 $0x0;
	s6 =	sadd.s32 s7, s6;
	s7 =	sand.u32 $0x7, s0  }
0xc: {  	[sflag:s8] =	ssyncpa.u1 $0x0;
	s8 =	sadd.s32 $0x1, s6;
	s13 =	smov.u32 s7  }
.LBB1_7:
0xd: {  	s17 =	sadd.s32 $0x40, s12  }
0xe: {  	s15 =	sadd.s32 $0x8, s13;
	s19 =	smov.u32 s13;
	p1 =	sgt.s32 s17, $0x3FF  }
0xf: {  	s19 =	smov.u32 @p1 s15  }
0x10: {  	s17 =	smov.u32 @p1 s3;
	p1 =	sgt.s32 s19, $0x7  }
0x11: {  	s19 =	smov.u32 @p1 s7;
	p1 =	sne.s32 s14, s8  }
.Ltmp1:
0x12: {  	p0 =	slt.u32 s14, $0x2;
	(pc) =	sbr.rel @!p1 .LBB1_8-.Ltmp1, $4  }
0x13: {  	s18 =	simm.s32 @!p0 $0x2  }
0x14: {  	s16 =	smov.u32 s13;
	s11 =	sadd.s32 $0x4000, s11;
	_ =	swait.ge @!p0 [sflag:s18], $0x4000  }
0x15: {  	s15 =	smov.u32 s12;
	[sflag:s18] =	ssyncset.done @!p0 $0x0;
	s12 =	smov.u32 s17  }
0x16: {  	s14 =	sadd.s32 $0x1, s14;
	[sflag:s18] =	ssyncadd.s32 @!p0 $0xFFFFC000;
	s13 =	smov.u32 s19  }
.LBB1_1:
0x17: {  	p0 =	sge.u32 s14, s6  }
0x18: {  	s31 =	sadd.s32 $0xFFFFFFFF, s14;
	s17 =	sxor.u32 @!p0 $0xFFFFFFFF, s14;
	s18 =	sshll.u32 @!p0 s13, $0x11  }
0x19: {  	s19 =	sshll.u32 @!p0 s12, $0x7;
	s17 =	sshll.u32 @!p0 s17, $0xE;
	s18 =	sadd.s32 @!p0 s2, s18  }
0x1a: {  	s17 =	sand.u32 @!p0 $0x4000, s17;
	s18 =	sadd.s32 @!p0 s19, s18;
	s19 =	simm.s32 @!p0 $0x0  }
0x1b: {  	[tilespmem:s17], [sflag:$0x1] =	stream.linear.gather @!p0 [hbm4b:s18+s19], $0x4000, $0x38;
	[tilespmem:$0x10000] =	vst v63  }
0x1c: {  	p0 =	sge.u32 s31, s6  }
.Ltmp2:
0x1d: {  	_ = 	snop;
	(pc) =	sbr.rel @p0 .LBB1_7-.Ltmp2, $1  }
0x1e: {  	_ =	sdelay $0x3  }
0x1f: {  	s18 =	sand.u32 $0x4000, s11  }
0x20: {  	_ =	swait.ge [sflag:s5], $0x4000;
	s20 =	sshll.u32 s14, $0xE;
	s17 =	sor.u32 $0x8040, s18  }
0x21: {  	s19 =	sor.u32 $0x40, s18;
	[sflag:s5] =	ssyncset.done $0x0;
	s31 =	sand.u32 $0x4000, s20  }
0x22: {  	s20 =	simm.s32 $0x0;
	[sflag:s5] =	ssyncadd.s32 $0xFFFFC000;
	s18 =	sor.u32 $0x8000, s31  }
.LBB1_3:
0x23: {  	v0 =	vmov s19;
	_ =	sdelay $0x3  }
0x24: {  	s22 =	simm.s32 $0x0  }
0x25: {  	v6 =	vld.idx.msk [tilespmem:v0+s22+$0x30 ss:$0x1], $0xffff  }
0x26: {  	v7 =	vld.idx.msk [tilespmem:v0+s22+$0xFFFFFFC0 ss:$0x1], $0xffff  }
0x27: {  	v5 =	vld.idx.msk [tilespmem:v0+s22+$0xFFFFFFD0 ss:$0x1], $0xffff  }
0x28: {  	v4 =	vld.idx.msk [tilespmem:v0+s22+$0xFFFFFFE0 ss:$0x1], $0xffff  }
0x29: {  	v3 =	vld.idx.msk [tilespmem:v0+s22+$0xFFFFFFF0 ss:$0x1], $0xffff  }
0x2a: {  	v1 =	vld.idx.msk [tilespmem:v0+s22+$0x0 ss:$0x1], $0xffff  }
0x2b: {  	v2 =	vld.idx.msk [tilespmem:v0+s22+$0x10 ss:$0x1], $0xffff;
	[tilespmem:s17+$0x30] =	vst v6  }
0x2c: {  	s21 =	simm.s32 $0x80;
	s23 =	simm.s32 $0x400;
	[tilespmem:s17+$0xFFFFFFC0] =	vst v7;
	v6 =	vld.idx.msk [tilespmem:v0+s22+$0x20 ss:$0x1], $0xffff;
	s22 =	smov.u32 s17  }
.LBB1_4:
0x2d: {  	p0 =	sne.s32 s23, $0xE00;
	v7 =	vld.idx.msk [tilespmem:v0+s21+$0x30 ss:$0x1], $0xffff;
	[tilespmem:s22+$0xFFFFFFD0] =	vst v5  }
0x2e: {  	v8 =	vld.idx.msk [tilespmem:v0+s21+$0xFFFFFFC0 ss:$0x1], $0xffff;
	[tilespmem:s22+$0xFFFFFFE0] =	vst v4  }
0x2f: {  	v5 =	vld.idx.msk [tilespmem:v0+s21+$0xFFFFFFD0 ss:$0x1], $0xffff;
	[tilespmem:s22+$0xFFFFFFF0] =	vst v3  }
.Ltmp3:
0x30: {  	v4 =	vld.idx.msk [tilespmem:v0+s21+$0xFFFFFFE0 ss:$0x1], $0xffff;
	[tilespmem:s22+$0x0] =	vst v1;
	(pc) =	sbr.rel @p0 .LBB1_4-.Ltmp3, $4  }
0x31: {  	v3 =	vld.idx.msk [tilespmem:v0+s21+$0xFFFFFFF0 ss:$0x1], $0xffff;
	[tilespmem:s22+$0x10] =	vst v2  }
0x32: {  	v1 =	vld.idx.msk [tilespmem:v0+s21+$0x0 ss:$0x1], $0xffff;
	[tilespmem:s22+$0x20] =	vst v6;
	s22 =	sadd.s32 $0x800, s22  }
0x33: {  	v2 =	vld.idx.msk [tilespmem:v0+s21+$0x10 ss:$0x1], $0xffff;
	[tilespmem:s22+$0x30] =	vst v7  }
0x34: {  	[tilespmem:s22+$0xFFFFFFC0] =	vst v8;
	v6 =	vld.idx.msk [tilespmem:v0+s21+$0x20 ss:$0x1], $0xffff;
	s21 =	sshra.s32 s23, $0x2;
	s23 =	sadd.s32 $0x200, s23  }
0x35: {  	_ =	sdelay $0x2  }
0x36: {  	[tilespmem:s22+$0xFFFFFFD0] =	vst v5  }
0x37: {  	v56 =	vld.idx.msk [tilespmem:v0+s21+$0x30 ss:$0x1], $0xffff;
	[tilespmem:s22+$0xFFFFFFE0] =	vst v4  }
0x38: {  	v57 =	vld.idx.msk [tilespmem:v0+s21+$0xFFFFFFC0 ss:$0x1], $0xffff;
	[tilespmem:s22+$0xFFFFFFF0] =	vst v3  }
0x39: {  	v58 =	vld.idx.msk [tilespmem:v0+s21+$0xFFFFFFD0 ss:$0x1], $0xffff;
	[tilespmem:s22+$0x0] =	vst v1  }
0x3a: {  	v59 =	vld.idx.msk [tilespmem:v0+s21+$0xFFFFFFE0 ss:$0x1], $0xffff;
	[tilespmem:s22+$0x10] =	vst v2  }
0x3b: {  	v60 =	vld.idx.msk [tilespmem:v0+s21+$0xFFFFFFF0 ss:$0x1], $0xffff;
	s31 =	sadd.s32 $0x800, s22;
	[tilespmem:s22+$0x20] =	vst v6  }
0x3c: {  	v61 =	vld.idx.msk [tilespmem:v0+s21+$0x0 ss:$0x1], $0xffff;
	[tilespmem:s31+$0x30] =	vst v56  }
0x3d: {  	v62 =	vld.idx.msk [tilespmem:v0+s21+$0x10 ss:$0x1], $0xffff;
	s20 =	sadd.s32 $0x1, s20;
	[tilespmem:s31+$0xFFFFFFC0] =	vst v57  }
0x3e: {  	v63 =	vld.idx.msk [tilespmem:v0+s21+$0x20 ss:$0x1], $0xffff;
	p0 =	sne.s32 s20, $0x10;
	[tilespmem:s31+$0xFFFFFFD0] =	vst v58  }
.Ltmp4:
0x3f: {  	[tilespmem:s31+$0xFFFFFFE0] =	vst v59;
	(pc) =	sbr.rel @p0 .LBB1_3-.Ltmp4, $4  }
0x40: {  	[tilespmem:s31+$0xFFFFFFF0] =	vst v60  }
0x41: {  	[tilespmem:s31+$0x0] =	vst v61  }
0x42: {  	[tilespmem:s31+$0x10] =	vst v62  }
0x43: {  	s17 =	sadd.s32 $0x80, s17;
	s19 =	sadd.s32 $0x400, s19;
	[tilespmem:s31+$0x20] =	vst v63  }
.Ltmp5:
0x44: {  	(pc) =	sbr.rel .LBB1_7-.Ltmp5, $4  }
0x45: {  	s16 =	sshll.u32 s16, $0x11;
	s15 =	sshll.u32 s15, $0x4  }
0x46: {  	s15 =	sand.u32 $0x3FF0, s15;
	s16 =	sadd.s32 s4, s16  }
0x47: {  	s15 =	sadd.s32 s15, s16  }
0x48: {  	[hbm4b:s15+s9] =	stream.strided.scatter [tilespmem:s18], [sflag:$0x2], $0x4000, s10, s9, $0x38;
	[tilespmem:$0x10000] =	vst v63  }
.LBB1_8:
0x49: {  	_ =	sfence.sel $0x180000  }
0x4a: {  	s2 =	simm.s32 $0x1;
	[bflag:$0x0] =	sbarrier.arrive $0xFFFF  }
0x4b: {  	s31 =	simm.s32 $0x2;
	[sflag:s2] =	ssyncpa.u1 $0x1  }
0x4c: {  	[sflag:s31] =	ssyncpa.u1 $0x1  }
0x4d: {  	p0 =	sne.s32 s0, $0x0;
	_ =	strace $0x90000047  }
0x4e: {  	s0 =	sadd.s32 @!p0 $0x100000, s1;
	[bflag:$0x2] =	sbarrier.arrive $0xFFFF  }
0x4f: {  	[sflag:s0] =	ssyncadd.tile.s32 @!p0 $0x1;
	_ =	shalt  }
.Lfunc_end1:
_tile_overlayer_lowered:
.L_overlay_start_2:
0x50: {  	(tag) =	ssettag $0x2  }
0x51: {  	s0 =	rddreg [dreg:$0x0];
	s2 =	stileid.u32  }
0x52: {  	s1 =	rddreg [dreg:$0x1];
	p0 =	sne.s32 s2, $0x0  }
0x53: {  	s3 =	rddreg [dreg:$0x2];
	[bflag:$0x3] =	sbarrier.arrive $0xFFFF;
	s2 =	simm.s32 @!p0 $0x1C01  }
0x54: {  	[timem:s3], [sflag:s2] =	dma.local @!p0 [hbm:s0], s1  }
0x55: {  	s0 =	simm.s32 @!p0 $0x1  }
0x56: {  	_ =	swait.ge @!p0 [sflag:s0], s1  }
0x57: {  	s1 =	ssub.s32 @!p0 $0x0, s1;
	[sflag:s0] =	ssyncset.done @!p0 $0x0  }
0x58: {  	[sflag:s0] =	ssyncadd.s32 @!p0 s1  }
0x59: {  	[bflag:$0x3] =	sbarrier.arrive $0xFFFF  }
0x5a: {  	_ =	shalt  }

// kernel: sparse-core-data-format-call.cloned.1.call-start
scs
called_computation_lowered:
.L_overlay_start_0:
0x0: {  	s1 =	sld [smem:$0x3FD9]  }
0x1: {  	s2 =	sld [smem:$0x3FFE];
	_ =	sdelay $0x1  }
0x2: {  	s3 =	srdreg.scid  }
0x3: {  	s0 =	sand.u32 $0x1, s3  }
0x4: {  	s17 =	sshll.u32 s0, $0xA;
	s1 =	sadd.s32 s2, s1  }
0x5: {  	s1 =	sadd.s32 s1, s17  }
0x6: {  	[smem:$0x3FC2] =	sst s1  }
0x7: {  	_ = 	snop  }
0x8: {  	(tm) =	ssettm $0x1  }
0x9: {  	s18 =	sld [smem:$0x3FFB];
	_ =	sdelay $0x3  }
0xa: {  	_ =	strace s18  }
0xb: {  	s1 =	sld [smem:$0x3FFC];
	_ =	sdelay $0x3  }
0xc: {  	_ =	strace s1  }
0xd: {  	s1 =	sld [smem:$0x3FFD];
	_ =	sdelay $0x3  }
0xe: {  	_ =	strace s1  }
0xf: {  	_ =	strace $0x8FFFFFFF  }
0x10: {  	s19 =	sld [smem:$0x3FDB];
	_ =	sdelay $0x1  }
0x11: {  	s20 =	simm.s32 $_scs_section_size  }
0x12: {  	s4 =	simm.s32 $_size__tile_overlayer_lowered;
	s5 =	simm.s32 $_tile_overlayer_lowered  }
0x13: {  	s23 =	simm.s32 $0x1BFF;
	s22 =	sshll.u32 s5, $0x1;
	s1 =	sadd.s32 s20, s19  }
0x14: {  	s6 =	simm.s32 $0x0;
	s21 =	sshll.u32 s4, $0x1;
	s4 =	sadd.s32 s22, s1  }
0x15: {  	[timem:s6], [sflag:s23] =	dma.local [hbm:s4], s21  }
0x16: {  	_ =	swait.ge [sflag:s23], s21  }
0x17: {  	s2 =	ssub.s32 $0x0, s21;
	[sflag:s23] =	ssyncset.done $0x0  }
0x18: {  	[sflag:s23] =	ssyncadd.s32 s2;
	_ =	sdelay $0x1  }
0x19: {  	s24 =	simm.s32 $0x1B8B  }
0x1a: {  	_ =	swait.ge [sflag:s24], $0x1  }
0x1b: {  	[sflag:s24] =	ssyncset.done $0x0  }
0x1c: {  	s26 =	simm.s32 $0x1B8E;
	s25 =	sld [smem:$0x3FFE];
	[sflag:s24] =	ssyncadd.s32 $0xFFFFFFFF  }
0x1d: {  	s27 =	simm.s32 $execute0_lowered;
	[smem:$0x3FD2] =	sst s26  }
0x1e: {  	s4 =	sshll.u32 s27, $0x1;
	_ =	strace $0x8000004C;
	[dreg:$0x1] =	wrdreg $0xFFFFFFFF  }
0x1f: {  	s28 =	simm.s32 $_size_execute0_lowered;
	s1 =	sadd.s32 s1, s4;
	[dreg:$0x0] =	wrdreg $0x0  }
0x20: {  	s4 =	sshll.u32 s28, $0x1;
	[dreg:$0x2] =	wrdreg s1  }
0x21: {  	[dreg:$0x3] =	wrdreg s4  }
0x22: {  	[dreg:$0x4] =	wrdreg $0xC0  }
0x23: {  	_ =	task [dreg:s6], $0x5FFFF  }
0x24: {  	[dreg:$0x1] =	wrdreg $0xFFFFFFFF  }
0x25: {  	[dreg:$0x0] =	wrdreg $0x60  }
0x26: {  	[dreg:$0x2] =	wrdreg s25  }
0x27: {  	[dreg:$0x3] =	wrdreg $0x9  }
0x28: {  	_ =	task.clear_ibuf [dreg:s6], $0x4FFFF;
	_ =	strace $0x9000004C  }
0x29: {  	s29 =	simm.s32 $0x9;
	_ =	strace $0x8000004E  }
0x2a: {  	_ =	swait.ge [sflag:s29], $0x1  }
0x2b: {  	[sflag:s29] =	ssyncadd.s32 $0xFFFFFFFF  }
0x2c: {  	_ =	strace $0x9000004E  }
0x2d: {  	_ =	sfence  }
0x2e: {  	s30 =	sld [smem:$0x0];
	_ =	sdelay $0x2  }
0x2f: {  	s31 =	sshll.u32 s3, $0xD;
	s3 =	sshrl.u32 s3, $0x2  }
0x30: {  	s2 =	sand.u32 $0x4000, s31;
	s1 =	sadd.s32 s3, s30  }
0x31: {  	s0 =	sor.u32 s2, s0;
	s1 =	sshll.u32 s1, $0x11  }
0x32: {  	s0 =	sor.u32 s1, s0  }
0x33: {  	s0 =	sadd.s32 $0x8F2B, s0  }
0x34: {  	[sflag:s0] =	ssyncadd.remote.s32 $0x1  }
0x35: {  	_ =	sfence.sel $0xFFFF  }
0x36: {  	[dreg:$0x0] =	wrdreg $0xFFFFFFFF;
	(pc) =	sbr.abs _section_cstart, $3  }
0x37: {  	[dreg:$0x1] =	wrdreg $0xFFFFFFFF  }
0x38: {  	_ =	task.clear_ibuf [dreg:s6], $0x2FFFF;
	_ =	strace $0x9FFFFFFF  }
0x39: {  	(tm) =	ssettm $0x7FFFFFFF  }
tec
execute0_lowered:
.L_overlay_start_1:
0x0: {  	(tag) =	ssettag $0x1  }
0x1: {  	s0 =	rddreg [dreg:$0x0];
	s1 =	srdreg.scid  }
0x2: {  	s10 =	stileid.u32;
	_ =	strace $0x8000004D;
	s9 =	simm.s32 $0x2  }
0x3: {  	s17 =	simm.s32 $0x0;
	s11 =	simm.s32 $0x0;
	s18 =	simm.s32 $0x0  }
0x4: {  	s20 =	simm.s32 $0x0;
	s19 =	simm.s32 $0x0;
	s14 =	simm.s32 $0x0  }
0x5: {  	s16 =	simm.s32 $0x0;
	s1 =	sshll.u32 s1, $0x8;
	s2 =	sand.u32 $0x8, s10  }
0x6: {  	s26 =	simm.s32 $0x0;
	s3 =	sand.u32 $0x100, s1;
	s30 =	ssub.s32 $0x10, s2  }
0x7: {  	s4 =	sadd.s32 $0xEE000, s0;
	s5 =	ssub.s32 $0x2000, s3;
	s1 =	sshrl.u32 s30, $0x3  }
0x8: {  	s6 =	sshrl.u32 s30, $0x4;
	s7 =	sshrl.u32 s5, $0x8;
	s1 =	sand.u32 $0x1, s1  }
.Ltmp0:
0x9: {  	s8 =	sshrl.u32 s5, $0x9;
	s7 =	sand.u32 $0x1, s7;
	(pc) =	sbr.rel .LBB1_1-.Ltmp0, $4  }
0xa: {  	s13 =	smov.u32 s2;
	s1 =	sadd.s32 s6, s1;
	s31 =	sadd.s32 s8, s7  }
0xb: {  	s12 =	smov.u32 s3;
	s5 =	simm.s32 $0x1;
	s6 =	smul.u32 s1, s31  }
0xc: {  	[sflag:s5] =	ssyncpa.u1 $0x0;
	s7 =	sadd.s32 $0x1EE000, s0;
	s8 =	sand.u32 $0x7, s10  }
0xd: {  	[sflag:s9] =	ssyncpa.u1 $0x0;
	s15 =	smov.u32 s8;
	s9 =	sadd.s32 $0x1, s6  }
.LBB1_7:
0xe: {  	s0 =	sadd.s32 $0x200, s12  }
0xf: {  	s1 =	sadd.s32 $0x10, s13;
	s10 =	smov.u32 s13;
	p1 =	sgt.s32 s0, $0x1FFF  }
0x10: {  	s10 =	smov.u32 @p1 s1  }
0x11: {  	s21 =	smov.u32 s14;
	s1 =	sadd.s32 $0x8, s14;
	p2 =	sgt.s32 s10, $0xF  }
0x12: {  	s21 =	smov.u32 @p2 s1  }
0x13: {  	s22 =	smov.u32 s15;
	s1 =	sadd.s32 $0x8, s15;
	p3 =	sgt.s32 s21, $0x7  }
0x14: {  	p0 =	slt.u32 s16, $0x2;
	s22 =	smov.u32 @p3 s1  }
0x15: {  	s17 =	smov.u32 s12;
	s0 =	smov.u32 @p1 s3;
	p1 =	sgt.s32 s22, $0x7  }
0x16: {  	s18 =	smov.u32 s13;
	s22 =	smov.u32 @p1 s8;
	p1 =	sne.s32 s16, s9  }
.Ltmp1:
0x17: {  	s20 =	smov.u32 s14;
	s19 =	smov.u32 s15;
	(pc) =	sbr.rel @!p1 .LBB1_8-.Ltmp1, $4  }
0x18: {  	s11 =	sadd.s32 $0x4000, s11;
	s12 =	smov.u32 s0;
	s1 =	simm.s32 @!p0 $0x2  }
0x19: {  	s10 =	smov.u32 @p2 s2;
	s21 =	simm.s32 @p3 $0x0;
	_ =	swait.ge @!p0 [sflag:s1], $0x4000  }
0x1a: {  	s13 =	smov.u32 s10;
	s14 =	smov.u32 s21;
	[sflag:s1] =	ssyncset.done @!p0 $0x0  }
0x1b: {  	s16 =	sadd.s32 $0x1, s16;
	[sflag:s1] =	ssyncadd.s32 @!p0 $0xFFFFC000;
	s15 =	smov.u32 s22  }
.LBB1_1:
0x1c: {  	p0 =	sge.u32 s16, s6  }
0x1d: {  	s31 =	sadd.s32 $0xFFFFFFFF, s16;
	s0 =	sxor.u32 @!p0 $0xFFFFFFFF, s16;
	s1 =	sand.u32 @!p0 $0x78, s12  }
0x1e: {  	s10 =	sshll.u32 @!p0 s13, $0x7;
	s21 =	sshll.u32 @!p0 s13, $0xD;
	s22 =	sshll.u32 @!p0 s12, $0x3  }
0x1f: {  	s0 =	sshll.u32 @!p0 s0, $0xE;
	s10 =	sand.u32 @!p0 $0x380, s10;
	s21 =	sand.u32 @!p0 $0x10000, s21  }
0x20: {  	s0 =	sand.u32 @!p0 $0x4000, s0;
	s1 =	sor.u32 @!p0 s10, s1;
	s10 =	sand.u32 @!p0 $0x1C00, s22  }
0x21: {  	s21 =	sadd.s32 @!p0 s21, s22;
	s1 =	sor.u32 @!p0 s10, s1;
	s10 =	sshll.u32 @!p0 s15, $0x11  }
0x22: {  	s22 =	sshll.u32 @!p0 s14, $0xE;
	s21 =	sshrl.u32 @!p0 s21, $0x3;
	s10 =	sadd.s32 @!p0 s4, s10  }
0x23: {  	s21 =	sand.u32 @!p0 $0x3C00, s21;
	s10 =	sadd.s32 @!p0 s22, s10;
	s22 =	sand.u32 @!p0 $0x7, s12  }
0x24: {  	s1 =	sshrl.u32 @!p0 s1, $0x3;
	s10 =	sadd.s32 @!p0 s21, s10;
	s21 =	sshll.u32 @!p0 s22, $0x12  }
0x25: {  	s1 =	sadd.s32 @!p0 s1, s10;
	s10 =	sor.u32 @!p0 $0x800, s21;
	s21 =	simm.s32 @!p0 $0x20000  }
0x26: {  	[tilespmem:s0], [sflag:$0x1] =	stream.strided.gather @!p0 [hbm4b:s1+s10], $0x4000, s21, s10, $0x38;
	[tilespmem:$0x10000] =	vst v63  }
0x27: {  	p0 =	sge.u32 s31, s6  }
.Ltmp2:
0x28: {  	_ = 	snop;
	(pc) =	sbr.rel @p0 .LBB1_7-.Ltmp2, $1  }
0x29: {  	_ =	sdelay $0x3  }
0x2a: {  	s0 =	sshll.u32 s11, $0x2;
	_ =	swait.ge [sflag:s5], $0x4000;
	s1 =	sshll.u32 s16, $0xE  }
0x2b: {  	p0 =	por $0x0, $0x0;
	s27 =	simm.s32 $0x0;
	s28 =	simm.s32 $0x0  }
0x2c: {  	s0 =	sand.u32 $0x10000, s0;
	[sflag:s5] =	ssyncset.done $0x0;
	s24 =	sand.u32 $0x4000, s1  }
0x2d: {  	s0 =	sshrl.u32 s0, $0x2;
	[sflag:s5] =	ssyncadd.s32 $0xFFFFC000;
	s21 =	sor.u32 $0x8000, s24  }
0x2e: {  	s22 =	sor.u32 $0x40, s0;
	s23 =	sor.u32 $0x8410, s0;
	s25 =	sadd.s32 $0x8400, s0  }
.LBB1_3:
0x2f: {  	v1 =	vld [tilespmem:s22+$0xFFFFFFD0]  }
0x30: {  	v2 =	vld [tilespmem:s22+$0x430]  }
0x31: {  	s0 =	sshll.u32 s28, $0xB;
	v4 =	vld [tilespmem:s22+$0xFFFFFFE0]  }
0x32: {  	v7 =	vld [tilespmem:s22+$0xFFFFFFF0];
	v0 =	vmov s0  }
0x33: {  	v8 =	vld [tilespmem:s22+$0x0]  }
0x34: {  	s10 =	sand.u32 $0x300, s26;
	v9 =	vld [tilespmem:s22+$0x10]  }
0x35: {  	s1 =	sand.u32 $0x80, s26;
	v10 =	vld [tilespmem:s22+$0x20];
	s0 =	sadd.s32 s10, s24  }
0x36: {  	v11 =	vld [tilespmem:s22+$0x30];
	s0 =	sadd.s32 s1, s0;
	s1 =	simm.s32 $0x1;
	[tilespmem:s23+$0x60] =	vst v2  }
0x37: {  	s10 =	sshll.u32 s27, $0x2;
	s1 =	simm.s32 @!p0 $0x0;
	[tilespmem:s23+$0xFFFFFC00] =	vst v1;
	v3 =	vld.idx.msk [tilespmem:v0+s0+$0x400 ss:$0x1], $0xffff  }
0x38: {  	v6 =	vld [tilespmem:s22+$0x3D0];
	s1 =	sshll.u32 s1, $0x9;
	[tilespmem:s23+$0xFFFFFC10] =	vst v4;
	s0 =	sand.u32 $0xFFFFFC00, s10  }
0x39: {  	v5 =	vld [tilespmem:s22+$0x3E0];
	[tilespmem:s23+$0xFFFFFC20] =	vst v7;
	s0 =	sor.u32 s1, s0  }
0x3a: {  	[tilespmem:s23+$0xFFFFFC30] =	vst v8;
	v4 =	vld [tilespmem:s22+$0x400];
	s0 =	sshrl.u32 s0, $0x2  }
0x3b: {  	[tilespmem:s23+$0xFFFFFC40] =	vst v9;
	v1 =	vld [tilespmem:s22+$0x410];
	s29 =	sadd.s32 s0, s25  }
0x3c: {  	[tilespmem:s29+$0x0] =	vst v3;
	v3 =	vld [tilespmem:s22+$0x3F0]  }
0x3d: {  	s30 =	sadd.s32 $0x80, s22;
	[tilespmem:s23+$0xFFFFFC50] =	vst v10;
	v2 =	vld [tilespmem:s22+$0x420];
	s1 =	simm.s32 $0x80  }
0x3e: {  	s31 =	smov.u32 s23;
	v7 =	vld [tilespmem:s22+$0xFFFFFFC0];
	[tilespmem:s23+$0xFFFFFC60] =	vst v11;
	s10 =	sand.u32 $0x300, s1;
	s0 =	simm.s32 $0x100  }
.LBB1_4:
0x3f: {  	p1 =	sne.s32 s0, $0x380;
	v8 =	vld [tilespmem:s30+$0xFFFFFFD0];
	s1 =	sand.u32 $0x80, s1;
	s10 =	sadd.s32 s10, s24;
	[tilespmem:s31+$0x0] =	vst v6  }
0x40: {  	s10 =	sadd.s32 s1, s10;
	v6 =	vld [tilespmem:s30+$0x430];
	[tilespmem:s31+$0x10] =	vst v5;
	s1 =	smov.u32 s0  }
0x41: {  	v5 =	vld.idx.msk [tilespmem:v0+s10+$0x400 ss:$0x1], $0xffff;
	[tilespmem:s31+$0x20] =	vst v3  }
0x42: {  	v3 =	vld [tilespmem:s30+$0xFFFFFFE0];
	[tilespmem:s31+$0x30] =	vst v4  }
0x43: {  	v4 =	vld [tilespmem:s30+$0xFFFFFFF0];
	[tilespmem:s31+$0xFFFFFBF0] =	vst v7  }
0x44: {  	v7 =	vld [tilespmem:s30+$0x0];
	[tilespmem:s31+$0x40] =	vst v1  }
0x45: {  	v1 =	vld [tilespmem:s30+$0x10];
	[tilespmem:s31+$0x50] =	vst v2;
	s31 =	sadd.s32 $0x800, s31  }
0x46: {  	s29 =	sadd.s32 $0x800, s29;
	v2 =	vld [tilespmem:s30+$0x20];
	[tilespmem:s31+$0x60] =	vst v6  }
0x47: {  	v9 =	vld [tilespmem:s30+$0x30];
	[tilespmem:s29+$0x0] =	vst v5  }
0x48: {  	[tilespmem:s31+$0xFFFFFC00] =	vst v8;
	v6 =	vld [tilespmem:s30+$0x3D0]  }
0x49: {  	[tilespmem:s31+$0xFFFFFC10] =	vst v3;
	v5 =	vld [tilespmem:s30+$0x3E0]  }
.Ltmp3:
0x4a: {  	[tilespmem:s31+$0xFFFFFC20] =	vst v4;
	v3 =	vld [tilespmem:s30+$0x3F0];
	(pc) =	sbr.rel @p1 .LBB1_4-.Ltmp3, $4  }
0x4b: {  	[tilespmem:s31+$0xFFFFFC30] =	vst v7;
	v4 =	vld [tilespmem:s30+$0x400]  }
0x4c: {  	[tilespmem:s31+$0xFFFFFC40] =	vst v1;
	v1 =	vld [tilespmem:s30+$0x410]  }
0x4d: {  	[tilespmem:s31+$0xFFFFFC50] =	vst v2;
	v2 =	vld [tilespmem:s30+$0x420]  }
0x4e: {  	s0 =	sadd.s32 $0x80, s0;
	s10 =	sand.u32 $0x300, s1;
	v7 =	vld [tilespmem:s30+$0xFFFFFFC0];
	[tilespmem:s31+$0xFFFFFC60] =	vst v9;
	s30 =	sadd.s32 $0x80, s30  }
0x4f: {  	[tilespmem:s31+$0x0] =	vst v6  }
0x50: {  	[tilespmem:s31+$0x10] =	vst v5  }
0x51: {  	v49 =	vld [tilespmem:s30+$0x430];
	[tilespmem:s31+$0x20] =	vst v3  }
0x52: {  	v50 =	vld [tilespmem:s30+$0xFFFFFFD0];
	[tilespmem:s31+$0x30] =	vst v4  }
0x53: {  	v51 =	vld [tilespmem:s30+$0xFFFFFFE0];
	[tilespmem:s31+$0x40] =	vst v1  }
0x54: {  	s0 =	sand.u32 $0x80, s1;
	s10 =	sadd.s32 s10, s24;
	v52 =	vld [tilespmem:s30+$0xFFFFFFF0];
	[tilespmem:s31+$0x50] =	vst v2  }
0x55: {  	v53 =	vld [tilespmem:s30+$0x0];
	s0 =	sadd.s32 s0, s10;
	s10 =	sadd.s32 $0x800, s31;
	[tilespmem:s31+$0xFFFFFBF0] =	vst v7  }
0x56: {  	v54 =	vld [tilespmem:s30+$0x10];
	[tilespmem:s10+$0x60] =	vst v49  }
0x57: {  	v55 =	vld [tilespmem:s30+$0x20];
	[tilespmem:s10+$0xFFFFFC00] =	vst v50  }
0x58: {  	v56 =	vld [tilespmem:s30+$0x30];
	[tilespmem:s10+$0xFFFFFC10] =	vst v51  }
0x59: {  	v57 =	vld [tilespmem:s30+$0x3D0];
	[tilespmem:s10+$0xFFFFFC20] =	vst v52  }
0x5a: {  	v58 =	vld [tilespmem:s30+$0x3E0];
	[tilespmem:s10+$0xFFFFFC30] =	vst v53  }
0x5b: {  	v59 =	vld [tilespmem:s30+$0x3F0];
	[tilespmem:s10+$0xFFFFFC40] =	vst v54  }
0x5c: {  	v60 =	vld [tilespmem:s30+$0x400];
	[tilespmem:s10+$0xFFFFFC50] =	vst v55  }
0x5d: {  	v61 =	vld [tilespmem:s30+$0xFFFFFFC0];
	[tilespmem:s10+$0xFFFFFC60] =	vst v56  }
0x5e: {  	v62 =	vld [tilespmem:s30+$0x410];
	[tilespmem:s10+$0x0] =	vst v57  }
0x5f: {  	v63 =	vld [tilespmem:s30+$0x420];
	s28 =	sadd.s32 $0x1, s28;
	[tilespmem:s10+$0x10] =	vst v58  }
0x60: {  	p1 =	sne.s32 s28, $0x8;
	v0 =	vld.idx.msk [tilespmem:v0+s0+$0x400 ss:$0x1], $0xffff;
	[tilespmem:s10+$0x20] =	vst v59  }
.Ltmp4:
0x61: {  	[tilespmem:s10+$0x30] =	vst v60;
	(pc) =	sbr.rel @p1 .LBB1_3-.Ltmp4, $4  }
0x62: {  	[tilespmem:s10+$0xFFFFFBF0] =	vst v61  }
0x63: {  	[tilespmem:s10+$0x40] =	vst v62  }
0x64: {  	s22 =	sadd.s32 $0x800, s22;
	s31 =	sadd.s32 $0x800, s29;
	[tilespmem:s10+$0x50] =	vst v63  }
0x65: {  	s27 =	sadd.s32 $0x80, s27;
	p0 =	por !p0, !p0;
	s23 =	sadd.s32 $0x80, s23;
	[tilespmem:s31+$0x0] =	vst v0  }
0x66: {  	s0 =	sshll.u32 s20, $0x7;
	s1 =	sand.u32 $0x78, s17  }
0x67: {  	s10 =	sshll.u32 s17, $0x3;
	s25 =	sshll.u32 s19, $0x11;
	s27 =	sshll.u32 s18, $0xD  }
0x68: {  	s28 =	sand.u32 $0x1C00, s17;
	s0 =	sand.u32 $0x380, s0;
	s10 =	sand.u32 $0x1C00, s10  }
.Ltmp5:
0x69: {  	s0 =	sor.u32 s0, s1;
	s1 =	sadd.s32 s7, s25;
	(pc) =	sbr.rel .LBB1_7-.Ltmp5, $4  }
0x6a: {  	s29 =	sand.u32 $0x7, s17;
	s0 =	sor.u32 s10, s0;
	s1 =	sadd.s32 s27, s1  }
0x6b: {  	s10 =	sshll.u32 s29, $0x12;
	s0 =	sshrl.u32 s0, $0x3;
	s1 =	sadd.s32 s28, s1  }
0x6c: {  	s31 =	simm.s32 $0x10000;
	s30 =	sor.u32 $0x800, s10;
	s0 =	sadd.s32 s0, s1  }
0x6d: {  	[hbm4b:s0+s30] =	stream.strided.scatter [tilespmem:s21], [sflag:$0x2], $0x4000, s31, s30, $0x38;
	[tilespmem:$0x10000] =	vst v63  }
.LBB1_8:
0x6e: {  	_ =	sfence.sel $0x180000  }
0x6f: {  	s0 =	simm.s32 $0x1;
	[bflag:$0x0] =	sbarrier.arrive $0xFFFF  }
0x70: {  	s30 =	simm.s32 $0x2;
	[sflag:s0] =	ssyncpa.u1 $0x1  }
0x71: {  	[sflag:s30] =	ssyncpa.u1 $0x1  }
0x72: {  	_ =	strace $0x9000004D  }
0x73: {  	s31 =	stileid.u32;
	[bflag:$0x2] =	sbarrier.arrive $0xFFFF  }
0x74: {  	p0 =	sne.s32 s31, $0x0;
	s0 =	rddreg [dreg:$0x1]  }
0x75: {  	s0 =	sadd.s32 @!p0 $0x100000, s0  }
0x76: {  	[sflag:s0] =	ssyncadd.tile.s32 @!p0 $0x1;
	_ =	shalt  }
.Lfunc_end1:
_tile_overlayer_lowered:
.L_overlay_start_2:
0x77: {  	(tag) =	ssettag $0x2  }
0x78: {  	s0 =	rddreg [dreg:$0x0];
	s2 =	stileid.u32  }
0x79: {  	s1 =	rddreg [dreg:$0x1];
	p0 =	sne.s32 s2, $0x0  }
0x7a: {  	s3 =	rddreg [dreg:$0x2];
	[bflag:$0x3] =	sbarrier.arrive $0xFFFF;
	s2 =	simm.s32 @!p0 $0x1C01  }
0x7b: {  	[timem:s3], [sflag:s2] =	dma.local @!p0 [hbm:s0], s1  }
0x7c: {  	s0 =	simm.s32 @!p0 $0x1  }
0x7d: {  	_ =	swait.ge @!p0 [sflag:s0], s1  }
0x7e: {  	s1 =	ssub.s32 @!p0 $0x0, s1;
	[sflag:s0] =	ssyncset.done @!p0 $0x0  }
0x7f: {  	[sflag:s0] =	ssyncadd.s32 @!p0 s1  }
0x80: {  	[bflag:$0x3] =	sbarrier.arrive $0xFFFF  }
0x81: {  	_ =	shalt  }

</sc_bundles>
